<compile_context>
chip_gen: v7x
topology: tpu7x:2x2x1
jax: 0.10.2.dev20260603
libtpu: 0.0.44.dev20260713+nightly
codegen_flags: <defaults>
</compile_context>

<pallas_src>
import functools

import jax
import jax.numpy as jnp
from jax import lax
from jax.experimental import pallas as pl
from jax.experimental.pallas import tpu as pltpu
from jax.experimental.pallas import tpu_sc as plsc

_HIGH = lax.Precision.HIGHEST
_W = 128



def _sc_mesh():
    return plsc.VectorSubcoreMesh(core_axis_name="c", subcore_axis_name="s")


_SC_PARAMS = pltpu.CompilerParams(use_tc_tiling_on_sc=False)


def _tile_windows(nw, tid):
    base, rem = nw // 32, nw % 32
    start = base * tid + jnp.minimum(tid, rem)
    count = base + (tid < rem).astype(jnp.int32)
    return start, count


def _load_tile_indices(src_hbm, dst_hbm, srcb, dstb, start, tid, wb, wr):
    pltpu.sync_copy(src_hbm.at[pl.ds(start, wb)], srcb.at[pl.ds(0, wb)])
    pltpu.sync_copy(dst_hbm.at[pl.ds(start, wb)], dstb.at[pl.ds(0, wb)])

    @pl.when(tid < wr)
    def _():
        pltpu.sync_copy(src_hbm.at[start + wb], srcb.at[wb])
        pltpu.sync_copy(dst_hbm.at[start + wb], dstb.at[wb])


def _make_deg(n_nodes, n_edges):
    nw = n_edges // _W
    wb, wr = nw // 32, nw % 32
    zc = 2000

    def body(src_hbm, dst_hbm, out_hbm, srcb, dstb, ones_v, zeros_v,
             acc_o, acc_i, so, si):
        cid = lax.axis_index("c")
        sid = lax.axis_index("s")
        tid = sid * 2 + cid

        @pl.loop(0, _W // 16)
        def _(i):
            ones_v[pl.ds(i * 16, 16)] = jnp.ones((16,), jnp.float32)

        @pl.loop(0, zc // 16)
        def _(i):
            zeros_v[pl.ds(i * 16, 16)] = jnp.zeros((16,), jnp.float32)

        nzc = n_nodes // zc

        @pl.when(sid < nzc)
        def _():
            pltpu.sync_copy(zeros_v, acc_o.at[pl.ds(sid * zc, zc)])

        @pl.when((sid >= nzc) & (sid < 2 * nzc))
        def _():
            pltpu.sync_copy(zeros_v, acc_i.at[pl.ds((sid - nzc) * zc, zc)])

        plsc.subcore_barrier()

        start, count = _tile_windows(nw, tid)
        _load_tile_indices(src_hbm, dst_hbm, srcb, dstb, start, tid, wb, wr)

        @pl.loop(0, count // 4)
        def _(m):
            for k in range(4):
                j = 4 * m + k
                pltpu.async_copy(ones_v, acc_o.at[srcb.at[j]], so, add=True)
                pltpu.async_copy(ones_v, acc_i.at[dstb.at[j]], si, add=True)
            for _k in range(4):
                pltpu.make_async_copy(ones_v, acc_o.at[srcb.at[0]],
                                      so).wait()
                pltpu.make_async_copy(ones_v, acc_i.at[dstb.at[0]],
                                      si).wait()

        @pl.loop(4 * (count // 4), count)
        def _(j):
            pltpu.sync_copy(ones_v, acc_o.at[srcb.at[j]], add=True)
            pltpu.sync_copy(ones_v, acc_i.at[dstb.at[j]], add=True)

        plsc.subcore_barrier()

        wc = 1000
        nwc = n_nodes // wc

        @pl.when(sid < nwc)
        def _():
            pltpu.sync_copy(acc_o.at[pl.ds(sid * wc, wc)],
                            out_hbm.at[2 * cid, pl.ds(sid * wc, wc)])

        @pl.when(sid >= 16 - nwc)
        def _():
            k = sid - (16 - nwc)
            pltpu.sync_copy(acc_i.at[pl.ds(k * wc, wc)],
                            out_hbm.at[2 * cid + 1, pl.ds(k * wc, wc)])

    return pl.kernel(
        body,
        out_type=jax.ShapeDtypeStruct((4, n_nodes), jnp.float32),
        mesh=_sc_mesh(),
        compiler_params=_SC_PARAMS,
        scratch_types=[
            pltpu.VMEM((wb + 1, _W), jnp.int32),
            pltpu.VMEM((wb + 1, _W), jnp.int32),
            pltpu.VMEM((_W,), jnp.float32),
            pltpu.VMEM((zc,), jnp.float32),
            pltpu.VMEM_SHARED((n_nodes,), jnp.float32),
            pltpu.VMEM_SHARED((n_nodes,), jnp.float32),
            pltpu.SemaphoreType.DMA,
            pltpu.SemaphoreType.DMA,
        ],
    )


_WS = 64


def _make_spmm(n_nodes, n_edges, d):
    nw = n_edges // _WS
    wb, wr = nw // 32, nw % 32
    rpt = n_nodes // 16
    rfull = (rpt // _WS) * _WS
    rtail = rpt - rfull

    def body(x_hbm, src_hbm, dst_hbm, out_hbm, srcb, dstb, rows0, rows1,
             rows2, acc, gs0, gs1, gs2, ss0, ss1, ss2):
        cid = lax.axis_index("c")
        sid = lax.axis_index("s")
        tid = sid * 2 + cid
        rows = (rows0, rows1, rows2)
        gsems = (gs0, gs1, gs2)
        ssems = (ss0, ss1, ss2)

        @pl.loop(0, _WS)
        def _(r):
            for c in range(d // 16):
                rows0[r, pl.ds(c * 16, 16)] = jnp.zeros((16,), jnp.float32)

        @pl.loop(0, rpt // _WS)
        def _(k):
            pltpu.sync_copy(rows0, acc.at[pl.ds(sid * rpt + k * _WS, _WS)])

        pltpu.sync_copy(rows0.at[pl.ds(0, rtail)],
                        acc.at[pl.ds(sid * rpt + rfull, rtail)])
        plsc.subcore_barrier()

        start, count = _tile_windows(nw, tid)
        _load_tile_indices(src_hbm, dst_hbm, srcb, dstb, start, tid, wb, wr)

        def gather(j, t):
            pltpu.async_copy(x_hbm.at[srcb.at[j]], rows[t], gsems[t])

        def wait_gather(t):
            pltpu.make_async_copy(x_hbm.at[srcb.at[0]], rows[t],
                                  gsems[t]).wait()

        def scatter(j, t):
            pltpu.async_copy(rows[t], acc.at[dstb.at[j]], ssems[t], add=True)

        def wait_scatter(t):
            pltpu.make_async_copy(rows[t], acc.at[dstb.at[0]],
                                  ssems[t]).wait()

        gather(0, 0)
        gather(1, 1)

        @pl.loop(0, count // 3)
        def _(m):
            for t in range(3):
                j = 3 * m + t
                wait_gather(t)
                scatter(j, t)
                prev = (t + 2) % 3

                @pl.when(j > 0)
                def _():
                    wait_scatter(prev)

                @pl.when(j + 2 < count)
                def _():
                    gather(j + 2, prev)

        @pl.when(count % 3 == 1)
        def _():
            wait_gather(0)
            scatter(count - 1, 0)
            wait_scatter(2)
            wait_scatter(0)

        @pl.when(count % 3 == 0)
        def _():
            wait_scatter(2)

        plsc.subcore_barrier()

        @pl.loop(0, rpt // _WS)
        def _(k):
            pltpu.sync_copy(acc.at[pl.ds(sid * rpt + k * _WS, _WS)],
                            out_hbm.at[cid, pl.ds(sid * rpt + k * _WS, _WS)])

        pltpu.sync_copy(acc.at[pl.ds(sid * rpt + rfull, rtail)],
                        out_hbm.at[cid, pl.ds(sid * rpt + rfull, rtail)])

    return pl.kernel(
        body,
        out_type=jax.ShapeDtypeStruct((2, n_nodes, d), jnp.float32),
        mesh=_sc_mesh(),
        compiler_params=_SC_PARAMS,
        scratch_types=[
            pltpu.VMEM((wb + 1, _WS), jnp.int32),
            pltpu.VMEM((wb + 1, _WS), jnp.int32),
            pltpu.VMEM((_WS, d), jnp.float32),
            pltpu.VMEM((_WS, d), jnp.float32),
            pltpu.VMEM((_WS, d), jnp.float32),
            pltpu.VMEM_SHARED((n_nodes, d), jnp.float32),
            pltpu.SemaphoreType.DMA,
            pltpu.SemaphoreType.DMA,
            pltpu.SemaphoreType.DMA,
            pltpu.SemaphoreType.DMA,
            pltpu.SemaphoreType.DMA,
            pltpu.SemaphoreType.DMA,
        ],
    )


def _make_emb(n_nodes, d, batch):
    pb = batch // 32

    def body(h_hbm, rt_hbm, e1_hbm, rel_hbm, ea_hbm, rb_hbm, e1b, relb,
             rowsa, rowsb, sem):
        cid = lax.axis_index("c")
        sid = lax.axis_index("s")
        tid = sid * 2 + cid
        base = tid * pb
        pltpu.sync_copy(e1_hbm.at[pl.ds(base, pb)], e1b)
        pltpu.sync_copy(rel_hbm.at[pl.ds(base, pb)], relb)
        pltpu.async_copy(h_hbm.at[e1b], rowsa, sem).wait()
        pltpu.async_copy(rt_hbm.at[relb], rowsb, sem).wait()
        pltpu.sync_copy(rowsa, ea_hbm.at[pl.ds(base, pb)])
        pltpu.sync_copy(rowsb, rb_hbm.at[pl.ds(base, pb)])

    return pl.kernel(
        body,
        out_type=(jax.ShapeDtypeStruct((batch, d), jnp.float32),
                  jax.ShapeDtypeStruct((batch, d), jnp.float32)),
        mesh=_sc_mesh(),
        compiler_params=_SC_PARAMS,
        scratch_types=[
            pltpu.VMEM((pb,), jnp.int32),
            pltpu.VMEM((pb,), jnp.int32),
            pltpu.VMEM((pb, d), jnp.float32),
            pltpu.VMEM((pb, d), jnp.float32),
            pltpu.SemaphoreType.DMA,
        ],
    )



def _x_body(h_ref, w_ref, deg_ref, o_ref):
    dg = deg_ref[...]
    c = lax.rsqrt(jnp.maximum(dg[:, 0:1] + dg[:, 2:3], 1.0))
    o_ref[...] = jnp.dot(h_ref[...], w_ref[...], precision=_HIGH,
                         preferred_element_type=jnp.float32) * c


def _run_x(h, w, deg4, rb=2000):
    n, d = h.shape
    return pl.pallas_call(
        _x_body,
        grid=(n // rb,),
        in_specs=[pl.BlockSpec((rb, d), lambda i: (i, 0)),
                  pl.BlockSpec((d, d), lambda i: (0, 0)),
                  pl.BlockSpec((rb, 4), lambda i: (i, 0))],
        out_specs=pl.BlockSpec((rb, d), lambda i: (i, 0)),
        out_shape=jax.ShapeDtypeStruct((n, d), jnp.float32),
    )(h, w, deg4)


def _combine_body(parts_ref, deg_ref, b_ref, y_ref, st_ref):
    i = pl.program_id(0)
    p = parts_ref[...]
    dg = deg_ref[...]
    c = lax.rsqrt(jnp.maximum(dg[:, 1:2] + dg[:, 3:4], 1.0))
    y = (p[0] + p[1]) * c + b_ref[...]
    y_ref[...] = y
    s0 = jnp.sum(y, axis=0, keepdims=True)
    s1 = jnp.sum(y * y, axis=0, keepdims=True)
    blk = jnp.concatenate(
        [s0, s1, jnp.zeros((6, s0.shape[1]), jnp.float32)], axis=0)

    @pl.when(i == 0)
    def _():
        st_ref[...] = jnp.zeros_like(st_ref)

    st_ref[...] += blk


def _run_combine(parts, deg4, b, rb=2000):
    _, n, d = parts.shape
    return pl.pallas_call(
        _combine_body,
        grid=(n // rb,),
        in_specs=[pl.BlockSpec((2, rb, d), lambda i: (0, i, 0)),
                  pl.BlockSpec((rb, 4), lambda i: (i, 0)),
                  pl.BlockSpec((1, d), lambda i: (0, 0))],
        out_specs=[pl.BlockSpec((rb, d), lambda i: (i, 0)),
                   pl.BlockSpec((8, d), lambda i: (0, 0))],
        out_shape=[jax.ShapeDtypeStruct((n, d), jnp.float32),
                   jax.ShapeDtypeStruct((8, d), jnp.float32)],
    )(parts, deg4, b)


def _bn_tanh(y, st, g, be, n_nodes):
    mu = st[0:1, :] / n_nodes
    var = st[1:2, :] / n_nodes - mu * mu
    return jnp.tanh(g * (y - mu) * lax.rsqrt(var + 1e-5) + be)


def _bn_next_body(y_ref, st_ref, g_ref, be_ref, w_ref, deg_ref, o_ref, *,
                  n_nodes):
    h = _bn_tanh(y_ref[...], st_ref[...], g_ref[...], be_ref[...], n_nodes)
    dg = deg_ref[...]
    c = lax.rsqrt(jnp.maximum(dg[:, 0:1] + dg[:, 2:3], 1.0))
    o_ref[...] = jnp.dot(h, w_ref[...], precision=_HIGH,
                         preferred_element_type=jnp.float32) * c


def _run_bn_next(y, st, g, be, w, deg4, rb=2000):
    n, d = y.shape
    return pl.pallas_call(
        functools.partial(_bn_next_body, n_nodes=float(n)),
        grid=(n // rb,),
        in_specs=[pl.BlockSpec((rb, d), lambda i: (i, 0)),
                  pl.BlockSpec((8, d), lambda i: (0, 0)),
                  pl.BlockSpec((1, d), lambda i: (0, 0)),
                  pl.BlockSpec((1, d), lambda i: (0, 0)),
                  pl.BlockSpec((d, d), lambda i: (0, 0)),
                  pl.BlockSpec((rb, 4), lambda i: (i, 0))],
        out_specs=pl.BlockSpec((rb, d), lambda i: (i, 0)),
        out_shape=jax.ShapeDtypeStruct((n, d), jnp.float32),
    )(y, st, g, be, w, deg4)


def _bn_final_body(y_ref, st_ref, g_ref, be_ref, o_ref, *, n_nodes):
    o_ref[...] = _bn_tanh(y_ref[...], st_ref[...], g_ref[...], be_ref[...],
                          n_nodes)


def _run_bn_final(y, st, g, be, rb=2000):
    n, d = y.shape
    return pl.pallas_call(
        functools.partial(_bn_final_body, n_nodes=float(n)),
        grid=(n // rb,),
        in_specs=[pl.BlockSpec((rb, d), lambda i: (i, 0)),
                  pl.BlockSpec((8, d), lambda i: (0, 0)),
                  pl.BlockSpec((1, d), lambda i: (0, 0)),
                  pl.BlockSpec((1, d), lambda i: (0, 0))],
        out_specs=pl.BlockSpec((rb, d), lambda i: (i, 0)),
        out_shape=jax.ShapeDtypeStruct((n, d), jnp.float32),
    )(y, st, g, be)


def _score_body(ea_ref, rb_ref, h_ref, o_ref):
    q = ea_ref[...] * rb_ref[...]
    logits = lax.dot_general(h_ref[...], q, (((1,), (1,)), ((), ())),
                             precision=_HIGH,
                             preferred_element_type=jnp.float32)
    o_ref[...] = jax.nn.sigmoid(logits)


def _run_score(ea, rbv, h, cb=1000):
    bq, d = ea.shape
    n = h.shape[0]
    return pl.pallas_call(
        _score_body,
        grid=(n // cb,),
        in_specs=[pl.BlockSpec((bq, d), lambda i: (0, 0)),
                  pl.BlockSpec((bq, d), lambda i: (0, 0)),
                  pl.BlockSpec((cb, d), lambda i: (i, 0))],
        out_specs=pl.BlockSpec((cb, bq), lambda i: (i, 0)),
        out_shape=jax.ShapeDtypeStruct((n, bq), jnp.float32),
    )(ea, rbv, h)



def kernel(node_feat, edge_index, e1, rel, W0, b0, W1, b1, g0, be0, g1, be1,
           rel_table):
    n, d = node_feat.shape
    n_edges = edge_index.shape[1]
    batch = e1.shape[0]
    src32 = edge_index[0].astype(jnp.int32)
    dst32 = edge_index[1].astype(jnp.int32)
    src2d = src32.reshape(n_edges // _W, _W)
    dst2d = dst32.reshape(n_edges // _W, _W)
    srcs = src32.reshape(n_edges // _WS, _WS)
    dsts = dst32.reshape(n_edges // _WS, _WS)
    e132 = e1.astype(jnp.int32)
    rel32 = rel.astype(jnp.int32)

    deg4 = _make_deg(n, n_edges)(src2d, dst2d).T
    spmm = _make_spmm(n, n_edges, d)

    x1 = _run_x(node_feat, W0, deg4)
    parts1 = spmm(x1, srcs, dsts)
    y1, st1 = _run_combine(parts1, deg4, b0.reshape(1, d))
    x2 = _run_bn_next(y1, st1, g0.reshape(1, d), be0.reshape(1, d), W1, deg4)
    parts2 = spmm(x2, srcs, dsts)
    y2, st2 = _run_combine(parts2, deg4, b1.reshape(1, d))
    h2 = _run_bn_final(y2, st2, g1.reshape(1, d), be1.reshape(1, d))
    ea, rbv = _make_emb(n, d, batch)(h2, rel_table, e132, rel32)
    return _run_score(ea, rbv, h2).T

# --- scband reference (transcript-rebuilt; emitter-appended) ---
"""Pipeline reference for scband-graph2-dist-mult-31404800868851 (READ-ONLY COPY).

The authoritative reference and input builder live on the scoring server;
editing this copy changes nothing except your own understanding.
"""

import jax, jax.numpy as jnp
import numpy as np

N, E, D, R, B = 10000, 320000, 128, 237, 1024

def setup_inputs(seed: int = 0) -> dict:
    key = jax.random.key(seed)
    ks = jax.random.split(key, 16)
    node_feat = jax.random.normal(ks[0], (N, D), dtype=jnp.float32)
    edge_index = jax.random.randint(ks[1], (2, E), 0, N, dtype=jnp.int64)
    e1 = jax.random.randint(ks[2], (B,), 0, N, dtype=jnp.int64)
    rel = jax.random.randint(ks[3], (B,), 0, R, dtype=jnp.int64)
    s = 1.0 / np.sqrt(D)
    W0 = jax.random.normal(ks[4], (D, D), dtype=jnp.float32) * s
    b0 = jnp.zeros((D,), dtype=jnp.float32)
    W1 = jax.random.normal(ks[5], (D, D), dtype=jnp.float32) * s
    b1 = jnp.zeros((D,), dtype=jnp.float32)
    g0 = jnp.ones((D,), dtype=jnp.float32)
    be0 = jnp.zeros((D,), dtype=jnp.float32)
    g1 = jnp.ones((D,), dtype=jnp.float32)
    be1 = jnp.zeros((D,), dtype=jnp.float32)
    rel_table = jax.random.normal(ks[6], (R, D), dtype=jnp.float32) * s
    return {"node_feat": node_feat, "edge_index": edge_index, "e1": e1, "rel": rel,
            "W0": W0, "b0": b0, "W1": W1, "b1": b1,
            "g0": g0, "be0": be0, "g1": g1, "be1": be1, "rel_table": rel_table}

def _gcn_layer(h, src, dst, W, b, n_nodes):
    hW = h @ W
    deg_out = jnp.zeros((n_nodes,), jnp.float32).at[src].add(1.0)
    deg_in = jnp.zeros((n_nodes,), jnp.float32).at[dst].add(1.0)
    coef = jax.lax.rsqrt(jnp.maximum(deg_out, 1.0))[src] * jax.lax.rsqrt(jnp.maximum(deg_in, 1.0))[dst]
    msg = hW[src] * coef[:, None]
    agg = jnp.zeros_like(hW).at[dst].add(msg)
    return agg + b

def _bn(h, g, b, eps=1e-5):
    mu = h.mean(axis=0)
    var = h.var(axis=0)
    return g * (h - mu) * jax.lax.rsqrt(var + eps) + b

def reference(node_feat, edge_index, e1, rel, W0, b0, W1, b1, g0, be0, g1, be1, rel_table):
    n_nodes = node_feat.shape[0]
    src, dst = edge_index[0], edge_index[1]
    h = node_feat
    h = jnp.tanh(_bn(_gcn_layer(h, src, dst, W0, b0, n_nodes), g0, be0))
    h = jnp.tanh(_bn(_gcn_layer(h, src, dst, W1, b1, n_nodes), g1, be1))
    e1_emb = h[e1]
    r_emb = rel_table[rel]
    logits = (e1_emb * r_emb) @ h.T
    pred = jax.nn.sigmoid(logits)
    return pred

if __name__ == "__main__":
    import jax
    _d = setup_inputs()
    print(jax.jit(kernel)(*tuple(_d.values())))

</pallas_src>

<mosaic_0001>
#map = affine_map<(d0, d1) -> (0, 0)>
module attributes {stable_mosaic.version = 14 : i64} {
  func.func @body(%arg0: i32, %arg1: i32, %arg2: memref<2500x128xi32, #tpu.memory_space<hbm>>, %arg3: memref<2500x128xi32, #tpu.memory_space<hbm>>, %arg4: memref<4x10000xf32, #tpu.memory_space<hbm>>, %arg5: memref<79x128xi32, #tpu.memory_space<vmem>>, %arg6: memref<79x128xi32, #tpu.memory_space<vmem>>, %arg7: memref<128xf32, #tpu.memory_space<vmem>>, %arg8: memref<2000xf32, #tpu.memory_space<vmem>>, %arg9: memref<10000xf32, #tpu.memory_space<vmem_shared>>, %arg10: memref<10000xf32, #tpu.memory_space<vmem_shared>>, %arg11: memref<!tpu.dma_semaphore, #tpu.memory_space<semaphore_mem>>, %arg12: memref<!tpu.dma_semaphore, #tpu.memory_space<semaphore_mem>>) attributes {dimension_semantics = [#tpu.dimension_semantics<core_parallel>, #tpu.dimension_semantics<subcore_parallel>], iteration_bounds = array<i64: 2, 16>, scalar_prefetch = 0 : i64, scratch_operands = 8 : i64, tpu.core_type = #tpu.core_type<sc_vector_subcore>, window_params = [{transform_indices = #map}, {transform_indices = #map}, {transform_indices = #map}]} {
    %mul3A = arith.constant 2 : i32
    %mul3A_0 = arith.muli %arg1, %mul3A : i32
    %add3A = arith.addi %mul3A_0, %arg0 : i32
    %scan3A = arith.constant 0 : i32
    %scan3A_1 = arith.constant 8 : i32
    %scan3A_2 = arith.addi %scan3A, %scan3A_1 : i32
    %scan3A_3 = arith.constant 1 : i32
    scf.for %scan3A_121 = %scan3A to %scan3A_2 step %scan3A_3  : i32 {
      %mul3A_122 = arith.constant 1 : i32
      %mul3A_123 = arith.muli %scan3A_121, %mul3A_122 : i32
      %add3A_124 = arith.constant 0 : i32
      %add3A_125 = arith.addi %add3A_124, %mul3A_123 : i32
      %broadcast_in_dim3A = arith.constant 1.000000e+00 : f32
      %broadcast_in_dim3A_126 = vector.broadcast %broadcast_in_dim3A : f32 to vector<16xf32>
      %mul3A_127 = arith.constant 16 : i32
      %mul3A_128 = arith.muli %add3A_125, %mul3A_127 : i32
      %swap3A = arith.index_cast %mul3A_128 : i32 to index
      %swap3A_129 = tpu.vector_load %arg7[%swap3A] {strides = array<i32>} : memref<128xf32, #tpu.memory_space<vmem>>, vector<16xf32>,
      %swap3A_130 = vector.shape_cast %swap3A_129 : vector<16xf32> to vector<16xf32>
      %swap3A_131 = vector.shape_cast %broadcast_in_dim3A_126 : vector<16xf32> to vector<16xf32>
      tpu.vector_store %arg7[%swap3A], %swap3A_131 {strides = array<i32>} : memref<128xf32, #tpu.memory_space<vmem>>, vector<16xf32>,
    }
    %scan3A_4 = arith.constant 8 : i32
    %scan3A_5 = arith.constant 0 : i32
    %scan3A_6 = arith.constant 125 : i32
    %scan3A_7 = arith.addi %scan3A_5, %scan3A_6 : i32
    %scan3A_8 = arith.constant 1 : i32
    scf.for %scan3A_121 = %scan3A_5 to %scan3A_7 step %scan3A_8  : i32 {
      %mul3A_122 = arith.constant 1 : i32
      %mul3A_123 = arith.muli %scan3A_121, %mul3A_122 : i32
      %add3A_124 = arith.constant 0 : i32
      %add3A_125 = arith.addi %add3A_124, %mul3A_123 : i32
      %broadcast_in_dim3A = arith.constant 0.000000e+00 : f32
      %broadcast_in_dim3A_126 = vector.broadcast %broadcast_in_dim3A : f32 to vector<16xf32>
      %mul3A_127 = arith.constant 16 : i32
      %mul3A_128 = arith.muli %add3A_125, %mul3A_127 : i32
      %swap3A = arith.index_cast %mul3A_128 : i32 to index
      %swap3A_129 = tpu.vector_load %arg8[%swap3A] {strides = array<i32>} : memref<2000xf32, #tpu.memory_space<vmem>>, vector<16xf32>,
      %swap3A_130 = vector.shape_cast %swap3A_129 : vector<16xf32> to vector<16xf32>
      %swap3A_131 = vector.shape_cast %broadcast_in_dim3A_126 : vector<16xf32> to vector<16xf32>
      tpu.vector_store %arg8[%swap3A], %swap3A_131 {strides = array<i32>} : memref<2000xf32, #tpu.memory_space<vmem>>, vector<16xf32>,
    }
    %scan3A_9 = arith.constant 125 : i32
    %lt3A = arith.constant 5 : i32
    %lt3A_10 = arith.cmpi slt, %arg1, %lt3A : i32
    %convert_element_type3A = arith.extui %lt3A_10 : i1 to i32
    %cond3A = arith.constant 0 : i32
    %cond3A_11 = arith.cmpi ne, %convert_element_type3A, %cond3A : i32
    scf.if %cond3A_11 {
      %mul3A_121 = arith.constant 2000 : i32
      %mul3A_122 = arith.muli %arg1, %mul3A_121 : i32
      "tpu.region"() ({
        %run_scoped3A = tpu.sem_alloc : memref<!tpu.dma_semaphore, #tpu.memory_space<semaphore_mem>>
        %dma_start3A = tpu.memref_slice %arg9[%mul3A_122] : memref<10000xf32, #tpu.memory_space<vmem_shared>> -> memref<2000xf32, #tpu.memory_space<vmem_shared>>
        %dma_start3A_123 = tpu.memref_slice %arg9[%mul3A_122] : memref<10000xf32, #tpu.memory_space<vmem_shared>> -> memref<2000xf32, #tpu.memory_space<vmem_shared>>
        tpu.enqueue_dma source(%arg8 : memref<2000xf32, #tpu.memory_space<vmem>>) target(%dma_start3A_123 : memref<2000xf32, #tpu.memory_space<vmem_shared>>) target_semaphore(%run_scoped3A : memref<!tpu.dma_semaphore, #tpu.memory_space<semaphore_mem>>)
        %dma_wait3A = tpu.memref_slice %arg9[%mul3A_122] : memref<10000xf32, #tpu.memory_space<vmem_shared>> -> memref<2000xf32, #tpu.memory_space<vmem_shared>>
        %dma_wait3A_124 = tpu.memref_slice %arg9[%mul3A_122] : memref<10000xf32, #tpu.memory_space<vmem_shared>> -> memref<2000xf32, #tpu.memory_space<vmem_shared>>
        tpu.wait_dma2 semaphore(%run_scoped3A : memref<!tpu.dma_semaphore, #tpu.memory_space<semaphore_mem>>) src(%arg8 : memref<2000xf32, #tpu.memory_space<vmem>>) dst(%dma_wait3A_124 : memref<2000xf32, #tpu.memory_space<vmem_shared>>)
        tpu.yield
      }) : () -> ()
    } else {
    }
    %ge3A = arith.constant 5 : i32
    %ge3A_12 = arith.cmpi sge, %arg1, %ge3A : i32
    %lt3A_13 = arith.constant 10 : i32
    %lt3A_14 = arith.cmpi slt, %arg1, %lt3A_13 : i32
    %and3A = arith.andi %ge3A_12, %lt3A_14 : i1
    %convert_element_type3A_15 = arith.extui %and3A : i1 to i32
    %cond3A_16 = arith.constant 0 : i32
    %cond3A_17 = arith.cmpi ne, %convert_element_type3A_15, %cond3A_16 : i32
    scf.if %cond3A_17 {
      %sub3A_121 = arith.constant 5 : i32
      %sub3A_122 = arith.subi %arg1, %sub3A_121 : i32
      %mul3A_123 = arith.constant 2000 : i32
      %mul3A_124 = arith.muli %sub3A_122, %mul3A_123 : i32
      "tpu.region"() ({
        %run_scoped3A = tpu.sem_alloc : memref<!tpu.dma_semaphore, #tpu.memory_space<semaphore_mem>>
        %dma_start3A = tpu.memref_slice %arg10[%mul3A_124] : memref<10000xf32, #tpu.memory_space<vmem_shared>> -> memref<2000xf32, #tpu.memory_space<vmem_shared>>
        %dma_start3A_125 = tpu.memref_slice %arg10[%mul3A_124] : memref<10000xf32, #tpu.memory_space<vmem_shared>> -> memref<2000xf32, #tpu.memory_space<vmem_shared>>
        tpu.enqueue_dma source(%arg8 : memref<2000xf32, #tpu.memory_space<vmem>>) target(%dma_start3A_125 : memref<2000xf32, #tpu.memory_space<vmem_shared>>) target_semaphore(%run_scoped3A : memref<!tpu.dma_semaphore, #tpu.memory_space<semaphore_mem>>)
        %dma_wait3A = tpu.memref_slice %arg10[%mul3A_124] : memref<10000xf32, #tpu.memory_space<vmem_shared>> -> memref<2000xf32, #tpu.memory_space<vmem_shared>>
        %dma_wait3A_126 = tpu.memref_slice %arg10[%mul3A_124] : memref<10000xf32, #tpu.memory_space<vmem_shared>> -> memref<2000xf32, #tpu.memory_space<vmem_shared>>
        tpu.wait_dma2 semaphore(%run_scoped3A : memref<!tpu.dma_semaphore, #tpu.memory_space<semaphore_mem>>) src(%arg8 : memref<2000xf32, #tpu.memory_space<vmem>>) dst(%dma_wait3A_126 : memref<2000xf32, #tpu.memory_space<vmem_shared>>)
        tpu.yield
      }) : () -> ()
    } else {
    }
    %barrier3A = arith.constant 0 : index
    tpu.barrier barrier_id(%barrier3A)
    %mul3A_18 = arith.constant 78 : i32
    %mul3A_19 = arith.muli %mul3A_18, %add3A : i32
    %min3A = arith.constant 4 : i32
    %min3A_20 = arith.minsi %add3A, %min3A : i32
    %add3A_21 = arith.addi %mul3A_19, %min3A_20 : i32
    %lt3A_22 = arith.constant 4 : i32
    %lt3A_23 = arith.cmpi slt, %add3A, %lt3A_22 : i32
    %convert_element_type3A_24 = arith.extui %lt3A_23 : i1 to i32
    %add3A_25 = arith.constant 78 : i32
    %add3A_26 = arith.addi %add3A_25, %convert_element_type3A_24 : i32
    "tpu.region"() ({
      %run_scoped3A = tpu.sem_alloc : memref<!tpu.dma_semaphore, #tpu.memory_space<semaphore_mem>>
      %dma_start3A = arith.constant 0 : i32
      %dma_start3A_121 = arith.constant 0 : i32
      %dma_start3A_122 = tpu.memref_slice %arg5[%dma_start3A, %dma_start3A_121] : memref<79x128xi32, #tpu.memory_space<vmem>> -> memref<78x128xi32, #tpu.memory_space<vmem>>
      %dma_start3A_123 = arith.constant 0 : i32
      %dma_start3A_124 = tpu.memref_slice %arg2[%add3A_21, %dma_start3A_123] : memref<2500x128xi32, #tpu.memory_space<hbm>> -> memref<78x128xi32, #tpu.memory_space<hbm>>
      %dma_start3A_125 = arith.constant 0 : i32
      %dma_start3A_126 = arith.constant 0 : i32
      %dma_start3A_127 = tpu.memref_slice %arg5[%dma_start3A_125, %dma_start3A_126] : memref<79x128xi32, #tpu.memory_space<vmem>> -> memref<78x128xi32, #tpu.memory_space<vmem>>
      %dma_start3A_128 = arith.constant 0 : i32
      %dma_start3A_129 = tpu.memref_slice %arg2[%add3A_21, %dma_start3A_128] : memref<2500x128xi32, #tpu.memory_space<hbm>> -> memref<78x128xi32, #tpu.memory_space<hbm>>
      tpu.enqueue_dma source(%dma_start3A_129 : memref<78x128xi32, #tpu.memory_space<hbm>>) target(%dma_start3A_127 : memref<78x128xi32, #tpu.memory_space<vmem>>) target_semaphore(%run_scoped3A : memref<!tpu.dma_semaphore, #tpu.memory_space<semaphore_mem>>)
      %dma_wait3A = arith.constant 0 : i32
      %dma_wait3A_130 = arith.constant 0 : i32
      %dma_wait3A_131 = tpu.memref_slice %arg5[%dma_wait3A, %dma_wait3A_130] : memref<79x128xi32, #tpu.memory_space<vmem>> -> memref<78x128xi32, #tpu.memory_space<vmem>>
      %dma_wait3A_132 = arith.constant 0 : i32
      %dma_wait3A_133 = tpu.memref_slice %arg2[%add3A_21, %dma_wait3A_132] : memref<2500x128xi32, #tpu.memory_space<hbm>> -> memref<78x128xi32, #tpu.memory_space<hbm>>
      %dma_wait3A_134 = arith.constant 0 : i32
      %dma_wait3A_135 = arith.constant 0 : i32
      %dma_wait3A_136 = tpu.memref_slice %arg5[%dma_wait3A_134, %dma_wait3A_135] : memref<79x128xi32, #tpu.memory_space<vmem>> -> memref<78x128xi32, #tpu.memory_space<vmem>>
      %dma_wait3A_137 = arith.constant 0 : i32
      %dma_wait3A_138 = tpu.memref_slice %arg2[%add3A_21, %dma_wait3A_137] : memref<2500x128xi32, #tpu.memory_space<hbm>> -> memref<78x128xi32, #tpu.memory_space<hbm>>
      tpu.wait_dma2 semaphore(%run_scoped3A : memref<!tpu.dma_semaphore, #tpu.memory_space<semaphore_mem>>) src(%dma_wait3A_138 : memref<78x128xi32, #tpu.memory_space<hbm>>) dst(%dma_wait3A_136 : memref<78x128xi32, #tpu.memory_space<vmem>>)
      tpu.yield
    }) : () -> ()
    "tpu.region"() ({
      %run_scoped3A = tpu.sem_alloc : memref<!tpu.dma_semaphore, #tpu.memory_space<semaphore_mem>>
      %dma_start3A = arith.constant 0 : i32
      %dma_start3A_121 = arith.constant 0 : i32
      %dma_start3A_122 = tpu.memref_slice %arg6[%dma_start3A, %dma_start3A_121] : memref<79x128xi32, #tpu.memory_space<vmem>> -> memref<78x128xi32, #tpu.memory_space<vmem>>
      %dma_start3A_123 = arith.constant 0 : i32
      %dma_start3A_124 = tpu.memref_slice %arg3[%add3A_21, %dma_start3A_123] : memref<2500x128xi32, #tpu.memory_space<hbm>> -> memref<78x128xi32, #tpu.memory_space<hbm>>
      %dma_start3A_125 = arith.constant 0 : i32
      %dma_start3A_126 = arith.constant 0 : i32
      %dma_start3A_127 = tpu.memref_slice %arg6[%dma_start3A_125, %dma_start3A_126] : memref<79x128xi32, #tpu.memory_space<vmem>> -> memref<78x128xi32, #tpu.memory_space<vmem>>
      %dma_start3A_128 = arith.constant 0 : i32
      %dma_start3A_129 = tpu.memref_slice %arg3[%add3A_21, %dma_start3A_128] : memref<2500x128xi32, #tpu.memory_space<hbm>> -> memref<78x128xi32, #tpu.memory_space<hbm>>
      tpu.enqueue_dma source(%dma_start3A_129 : memref<78x128xi32, #tpu.memory_space<hbm>>) target(%dma_start3A_127 : memref<78x128xi32, #tpu.memory_space<vmem>>) target_semaphore(%run_scoped3A : memref<!tpu.dma_semaphore, #tpu.memory_space<semaphore_mem>>)
      %dma_wait3A = arith.constant 0 : i32
      %dma_wait3A_130 = arith.constant 0 : i32
      %dma_wait3A_131 = tpu.memref_slice %arg6[%dma_wait3A, %dma_wait3A_130] : memref<79x128xi32, #tpu.memory_space<vmem>> -> memref<78x128xi32, #tpu.memory_space<vmem>>
      %dma_wait3A_132 = arith.constant 0 : i32
      %dma_wait3A_133 = tpu.memref_slice %arg3[%add3A_21, %dma_wait3A_132] : memref<2500x128xi32, #tpu.memory_space<hbm>> -> memref<78x128xi32, #tpu.memory_space<hbm>>
      %dma_wait3A_134 = arith.constant 0 : i32
      %dma_wait3A_135 = arith.constant 0 : i32
      %dma_wait3A_136 = tpu.memref_slice %arg6[%dma_wait3A_134, %dma_wait3A_135] : memref<79x128xi32, #tpu.memory_space<vmem>> -> memref<78x128xi32, #tpu.memory_space<vmem>>
      %dma_wait3A_137 = arith.constant 0 : i32
      %dma_wait3A_138 = tpu.memref_slice %arg3[%add3A_21, %dma_wait3A_137] : memref<2500x128xi32, #tpu.memory_space<hbm>> -> memref<78x128xi32, #tpu.memory_space<hbm>>
      tpu.wait_dma2 semaphore(%run_scoped3A : memref<!tpu.dma_semaphore, #tpu.memory_space<semaphore_mem>>) src(%dma_wait3A_138 : memref<78x128xi32, #tpu.memory_space<hbm>>) dst(%dma_wait3A_136 : memref<78x128xi32, #tpu.memory_space<vmem>>)
      tpu.yield
    }) : () -> ()
    %lt3A_27 = arith.constant 4 : i32
    %lt3A_28 = arith.cmpi slt, %add3A, %lt3A_27 : i32
    %convert_element_type3A_29 = arith.extui %lt3A_28 : i1 to i32
    %cond3A_30 = arith.constant 0 : i32
    %cond3A_31 = arith.cmpi ne, %convert_element_type3A_29, %cond3A_30 : i32
    scf.if %cond3A_31 {
      %add3A_121 = arith.constant 78 : i32
      %add3A_122 = arith.addi %add3A_21, %add3A_121 : i32
      %run_scoped3A = arith.constant 78 : i32
      "tpu.region"() ({
        %run_scoped3A_126 = tpu.sem_alloc : memref<!tpu.dma_semaphore, #tpu.memory_space<semaphore_mem>>
        %dma_start3A = arith.constant 0 : i32
        %dma_start3A_127 = tpu.memref_slice %arg5[%run_scoped3A, %dma_start3A] : memref<79x128xi32, #tpu.memory_space<vmem>> -> memref<1x128xi32, #tpu.memory_space<vmem>>
        %dma_start3A_128 = tpu.memref_squeeze %dma_start3A_127 : memref<1x128xi32, #tpu.memory_space<vmem>> -> memref<128xi32, #tpu.memory_space<vmem>>
        %dma_start3A_129 = arith.constant 0 : i32
        %dma_start3A_130 = tpu.memref_slice %arg2[%add3A_122, %dma_start3A_129] : memref<2500x128xi32, #tpu.memory_space<hbm>> -> memref<1x128xi32, #tpu.memory_space<hbm>>
        %dma_start3A_131 = tpu.memref_squeeze %dma_start3A_130 : memref<1x128xi32, #tpu.memory_space<hbm>> -> memref<128xi32, #tpu.memory_space<hbm>>
        %dma_start3A_132 = arith.constant 0 : i32
        %dma_start3A_133 = tpu.memref_slice %arg5[%run_scoped3A, %dma_start3A_132] : memref<79x128xi32, #tpu.memory_space<vmem>> -> memref<1x128xi32, #tpu.memory_space<vmem>>
        %dma_start3A_134 = tpu.memref_squeeze %dma_start3A_133 : memref<1x128xi32, #tpu.memory_space<vmem>> -> memref<128xi32, #tpu.memory_space<vmem>>
        %dma_start3A_135 = arith.constant 0 : i32
        %dma_start3A_136 = tpu.memref_slice %arg2[%add3A_122, %dma_start3A_135] : memref<2500x128xi32, #tpu.memory_space<hbm>> -> memref<1x128xi32, #tpu.memory_space<hbm>>
        %dma_start3A_137 = tpu.memref_squeeze %dma_start3A_136 : memref<1x128xi32, #tpu.memory_space<hbm>> -> memref<128xi32, #tpu.memory_space<hbm>>
        tpu.enqueue_dma source(%dma_start3A_137 : memref<128xi32, #tpu.memory_space<hbm>>) target(%dma_start3A_134 : memref<128xi32, #tpu.memory_space<vmem>>) target_semaphore(%run_scoped3A_126 : memref<!tpu.dma_semaphore, #tpu.memory_space<semaphore_mem>>)
        %dma_wait3A = arith.constant 0 : i32
        %dma_wait3A_138 = tpu.memref_slice %arg5[%run_scoped3A, %dma_wait3A] : memref<79x128xi32, #tpu.memory_space<vmem>> -> memref<1x128xi32, #tpu.memory_space<vmem>>
        %dma_wait3A_139 = tpu.memref_squeeze %dma_wait3A_138 : memref<1x128xi32, #tpu.memory_space<vmem>> -> memref<128xi32, #tpu.memory_space<vmem>>
        %dma_wait3A_140 = arith.constant 0 : i32
        %dma_wait3A_141 = tpu.memref_slice %arg2[%add3A_122, %dma_wait3A_140] : memref<2500x128xi32, #tpu.memory_space<hbm>> -> memref<1x128xi32, #tpu.memory_space<hbm>>
        %dma_wait3A_142 = tpu.memref_squeeze %dma_wait3A_141 : memref<1x128xi32, #tpu.memory_space<hbm>> -> memref<128xi32, #tpu.memory_space<hbm>>
        %dma_wait3A_143 = arith.constant 0 : i32
        %dma_wait3A_144 = tpu.memref_slice %arg5[%run_scoped3A, %dma_wait3A_143] : memref<79x128xi32, #tpu.memory_space<vmem>> -> memref<1x128xi32, #tpu.memory_space<vmem>>
        %dma_wait3A_145 = tpu.memref_squeeze %dma_wait3A_144 : memref<1x128xi32, #tpu.memory_space<vmem>> -> memref<128xi32, #tpu.memory_space<vmem>>
        %dma_wait3A_146 = arith.constant 0 : i32
        %dma_wait3A_147 = tpu.memref_slice %arg2[%add3A_122, %dma_wait3A_146] : memref<2500x128xi32, #tpu.memory_space<hbm>> -> memref<1x128xi32, #tpu.memory_space<hbm>>
        %dma_wait3A_148 = tpu.memref_squeeze %dma_wait3A_147 : memref<1x128xi32, #tpu.memory_space<hbm>> -> memref<128xi32, #tpu.memory_space<hbm>>
        tpu.wait_dma2 semaphore(%run_scoped3A_126 : memref<!tpu.dma_semaphore, #tpu.memory_space<semaphore_mem>>) src(%dma_wait3A_148 : memref<128xi32, #tpu.memory_space<hbm>>) dst(%dma_wait3A_145 : memref<128xi32, #tpu.memory_space<vmem>>)
        tpu.yield
      }) : () -> ()
      %add3A_123 = arith.constant 78 : i32
      %add3A_124 = arith.addi %add3A_21, %add3A_123 : i32
      %run_scoped3A_125 = arith.constant 78 : i32
      "tpu.region"() ({
        %run_scoped3A_126 = tpu.sem_alloc : memref<!tpu.dma_semaphore, #tpu.memory_space<semaphore_mem>>
        %dma_start3A = arith.constant 0 : i32
        %dma_start3A_127 = tpu.memref_slice %arg6[%run_scoped3A_125, %dma_start3A] : memref<79x128xi32, #tpu.memory_space<vmem>> -> memref<1x128xi32, #tpu.memory_space<vmem>>
        %dma_start3A_128 = tpu.memref_squeeze %dma_start3A_127 : memref<1x128xi32, #tpu.memory_space<vmem>> -> memref<128xi32, #tpu.memory_space<vmem>>
        %dma_start3A_129 = arith.constant 0 : i32
        %dma_start3A_130 = tpu.memref_slice %arg3[%add3A_124, %dma_start3A_129] : memref<2500x128xi32, #tpu.memory_space<hbm>> -> memref<1x128xi32, #tpu.memory_space<hbm>>
        %dma_start3A_131 = tpu.memref_squeeze %dma_start3A_130 : memref<1x128xi32, #tpu.memory_space<hbm>> -> memref<128xi32, #tpu.memory_space<hbm>>
        %dma_start3A_132 = arith.constant 0 : i32
        %dma_start3A_133 = tpu.memref_slice %arg6[%run_scoped3A_125, %dma_start3A_132] : memref<79x128xi32, #tpu.memory_space<vmem>> -> memref<1x128xi32, #tpu.memory_space<vmem>>
        %dma_start3A_134 = tpu.memref_squeeze %dma_start3A_133 : memref<1x128xi32, #tpu.memory_space<vmem>> -> memref<128xi32, #tpu.memory_space<vmem>>
        %dma_start3A_135 = arith.constant 0 : i32
        %dma_start3A_136 = tpu.memref_slice %arg3[%add3A_124, %dma_start3A_135] : memref<2500x128xi32, #tpu.memory_space<hbm>> -> memref<1x128xi32, #tpu.memory_space<hbm>>
        %dma_start3A_137 = tpu.memref_squeeze %dma_start3A_136 : memref<1x128xi32, #tpu.memory_space<hbm>> -> memref<128xi32, #tpu.memory_space<hbm>>
        tpu.enqueue_dma source(%dma_start3A_137 : memref<128xi32, #tpu.memory_space<hbm>>) target(%dma_start3A_134 : memref<128xi32, #tpu.memory_space<vmem>>) target_semaphore(%run_scoped3A_126 : memref<!tpu.dma_semaphore, #tpu.memory_space<semaphore_mem>>)
        %dma_wait3A = arith.constant 0 : i32
        %dma_wait3A_138 = tpu.memref_slice %arg6[%run_scoped3A_125, %dma_wait3A] : memref<79x128xi32, #tpu.memory_space<vmem>> -> memref<1x128xi32, #tpu.memory_space<vmem>>
        %dma_wait3A_139 = tpu.memref_squeeze %dma_wait3A_138 : memref<1x128xi32, #tpu.memory_space<vmem>> -> memref<128xi32, #tpu.memory_space<vmem>>
        %dma_wait3A_140 = arith.constant 0 : i32
        %dma_wait3A_141 = tpu.memref_slice %arg3[%add3A_124, %dma_wait3A_140] : memref<2500x128xi32, #tpu.memory_space<hbm>> -> memref<1x128xi32, #tpu.memory_space<hbm>>
        %dma_wait3A_142 = tpu.memref_squeeze %dma_wait3A_141 : memref<1x128xi32, #tpu.memory_space<hbm>> -> memref<128xi32, #tpu.memory_space<hbm>>
        %dma_wait3A_143 = arith.constant 0 : i32
        %dma_wait3A_144 = tpu.memref_slice %arg6[%run_scoped3A_125, %dma_wait3A_143] : memref<79x128xi32, #tpu.memory_space<vmem>> -> memref<1x128xi32, #tpu.memory_space<vmem>>
        %dma_wait3A_145 = tpu.memref_squeeze %dma_wait3A_144 : memref<1x128xi32, #tpu.memory_space<vmem>> -> memref<128xi32, #tpu.memory_space<vmem>>
        %dma_wait3A_146 = arith.constant 0 : i32
        %dma_wait3A_147 = tpu.memref_slice %arg3[%add3A_124, %dma_wait3A_146] : memref<2500x128xi32, #tpu.memory_space<hbm>> -> memref<1x128xi32, #tpu.memory_space<hbm>>
        %dma_wait3A_148 = tpu.memref_squeeze %dma_wait3A_147 : memref<1x128xi32, #tpu.memory_space<hbm>> -> memref<128xi32, #tpu.memory_space<hbm>>
        tpu.wait_dma2 semaphore(%run_scoped3A_126 : memref<!tpu.dma_semaphore, #tpu.memory_space<semaphore_mem>>) src(%dma_wait3A_148 : memref<128xi32, #tpu.memory_space<hbm>>) dst(%dma_wait3A_145 : memref<128xi32, #tpu.memory_space<vmem>>)
        tpu.yield
      }) : () -> ()
    } else {
    }
    %jit3A = arith.constant 4 : i32
    %div3A = arith.divsi %add3A_26, %jit3A : i32
    %sign3A = arith.constant 0 : i32
    %sign3A_32 = arith.cmpi sgt, %add3A_26, %sign3A : i32
    %sign3A_33 = arith.extui %sign3A_32 : i1 to i32
    %sign3A_34 = arith.constant 0 : i32
    %sign3A_35 = arith.cmpi slt, %add3A_26, %sign3A_34 : i32
    %sign3A_36 = arith.extui %sign3A_35 : i1 to i32
    %sign3A_37 = arith.subi %sign3A_33, %sign3A_36 : i32
    %sign3A_38 = arith.constant 0 : i32
    %sign3A_39 = arith.cmpi sgt, %jit3A, %sign3A_38 : i32
    %sign3A_40 = arith.extui %sign3A_39 : i1 to i32
    %sign3A_41 = arith.constant 0 : i32
    %sign3A_42 = arith.cmpi slt, %jit3A, %sign3A_41 : i32
    %sign3A_43 = arith.extui %sign3A_42 : i1 to i32
    %sign3A_44 = arith.subi %sign3A_40, %sign3A_43 : i32
    %ne3A = arith.cmpi ne, %sign3A_37, %sign3A_44 : i32
    %rem3A = arith.remsi %add3A_26, %jit3A : i32
    %ne3A_45 = arith.constant 0 : i32
    %ne3A_46 = arith.cmpi ne, %rem3A, %ne3A_45 : i32
    %and3A_47 = arith.andi %ne3A, %ne3A_46 : i1
    %sub3A = arith.constant 1 : i32
    %sub3A_48 = arith.subi %div3A, %sub3A : i32
    %select_n3A = arith.select %and3A_47, %sub3A_48, %div3A : i32
    %sub3A_49 = arith.constant 0 : i32
    %sub3A_50 = arith.subi %select_n3A, %sub3A_49 : i32
    %sub3A_51 = arith.constant 1 : i32
    %sub3A_52 = arith.constant 1 : i32
    %sub3A_53 = arith.subi %sub3A_51, %sub3A_52 : i32
    %add3A_54 = arith.addi %sub3A_50, %sub3A_53 : i32
    %div3A_55 = arith.constant 1 : i32
    %div3A_56 = arith.divsi %add3A_54, %div3A_55 : i32
    %while3A = arith.constant 1 : i32
    %while3A_57 = arith.constant 0 : i32
    %while3A_58 = arith.constant 0 : i32
    %while3A_59 = arith.subi %div3A_56, %while3A_58 : i32
    %while3A_60 = arith.addi %while3A_58, %while3A_59 : i32
    %while3A_61 = arith.constant 1 : i32
    %while3A_62 = arith.divsi %while3A_59, %while3A_61 : i32
    %while3A_63 = arith.muli %while3A_62, %while3A_61 : i32
    %while3A_64 = arith.addi %while3A_58, %while3A_63 : i32
    %while3A_65 = arith.constant 1 : i32
    scf.for %while3A_121 = %while3A_58 to %while3A_64 step %while3A_65  : i32 {
      %mul3A_122 = arith.muli %while3A_121, %while3A : i32
      %add3A_123 = arith.addi %while3A_57, %mul3A_122 : i32
      %mul3A_124 = arith.constant 4 : i32
      %mul3A_125 = arith.muli %mul3A_124, %add3A_123 : i32
      %add3A_126 = arith.constant 0 : i32
      %add3A_127 = arith.addi %mul3A_125, %add3A_126 : i32
      %dma_start3A = arith.constant 0 : i32
      %dma_start3A_128 = tpu.memref_slice %arg5[%add3A_127, %dma_start3A] : memref<79x128xi32, #tpu.memory_space<vmem>> -> memref<1x128xi32, #tpu.memory_space<vmem>>
      %dma_start3A_129 = tpu.memref_squeeze %dma_start3A_128 : memref<1x128xi32, #tpu.memory_space<vmem>> -> memref<128xi32, #tpu.memory_space<vmem>>
      %dma_start3A_130 = arith.constant 0 : i32
      %dma_start3A_131 = tpu.memref_slice %arg9[%dma_start3A_130] : memref<10000xf32, #tpu.memory_space<vmem_shared>> -> memref<10000xf32, #tpu.memory_space<vmem_shared>>
      tpu.enqueue_indirect_dma source(%arg7 : memref<128xf32, #tpu.memory_space<vmem>>) target(%dma_start3A_131 : memref<10000xf32, #tpu.memory_space<vmem_shared>>) offsets(%dma_start3A_129 : memref<128xi32, #tpu.memory_space<vmem>>) semaphore(%arg11 : memref<!tpu.dma_semaphore, #tpu.memory_space<semaphore_mem>>) {add = true}
      %dma_start3A_132 = arith.constant 0 : i32
      %dma_start3A_133 = tpu.memref_slice %arg6[%add3A_127, %dma_start3A_132] : memref<79x128xi32, #tpu.memory_space<vmem>> -> memref<1x128xi32, #tpu.memory_space<vmem>>
      %dma_start3A_134 = tpu.memref_squeeze %dma_start3A_133 : memref<1x128xi32, #tpu.memory_space<vmem>> -> memref<128xi32, #tpu.memory_space<vmem>>
      %dma_start3A_135 = arith.constant 0 : i32
      %dma_start3A_136 = tpu.memref_slice %arg10[%dma_start3A_135] : memref<10000xf32, #tpu.memory_space<vmem_shared>> -> memref<10000xf32, #tpu.memory_space<vmem_shared>>
      tpu.enqueue_indirect_dma source(%arg7 : memref<128xf32, #tpu.memory_space<vmem>>) target(%dma_start3A_136 : memref<10000xf32, #tpu.memory_space<vmem_shared>>) offsets(%dma_start3A_134 : memref<128xi32, #tpu.memory_space<vmem>>) semaphore(%arg12 : memref<!tpu.dma_semaphore, #tpu.memory_space<semaphore_mem>>) {add = true}
      %mul3A_137 = arith.constant 4 : i32
      %mul3A_138 = arith.muli %mul3A_137, %add3A_123 : i32
      %add3A_139 = arith.constant 1 : i32
      %add3A_140 = arith.addi %mul3A_138, %add3A_139 : i32
      %dma_start3A_141 = arith.constant 0 : i32
      %dma_start3A_142 = tpu.memref_slice %arg5[%add3A_140, %dma_start3A_141] : memref<79x128xi32, #tpu.memory_space<vmem>> -> memref<1x128xi32, #tpu.memory_space<vmem>>
      %dma_start3A_143 = tpu.memref_squeeze %dma_start3A_142 : memref<1x128xi32, #tpu.memory_space<vmem>> -> memref<128xi32, #tpu.memory_space<vmem>>
      %dma_start3A_144 = arith.constant 0 : i32
      %dma_start3A_145 = tpu.memref_slice %arg9[%dma_start3A_144] : memref<10000xf32, #tpu.memory_space<vmem_shared>> -> memref<10000xf32, #tpu.memory_space<vmem_shared>>
      tpu.enqueue_indirect_dma source(%arg7 : memref<128xf32, #tpu.memory_space<vmem>>) target(%dma_start3A_145 : memref<10000xf32, #tpu.memory_space<vmem_shared>>) offsets(%dma_start3A_143 : memref<128xi32, #tpu.memory_space<vmem>>) semaphore(%arg11 : memref<!tpu.dma_semaphore, #tpu.memory_space<semaphore_mem>>) {add = true}
      %dma_start3A_146 = arith.constant 0 : i32
      %dma_start3A_147 = tpu.memref_slice %arg6[%add3A_140, %dma_start3A_146] : memref<79x128xi32, #tpu.memory_space<vmem>> -> memref<1x128xi32, #tpu.memory_space<vmem>>
      %dma_start3A_148 = tpu.memref_squeeze %dma_start3A_147 : memref<1x128xi32, #tpu.memory_space<vmem>> -> memref<128xi32, #tpu.memory_space<vmem>>
      %dma_start3A_149 = arith.constant 0 : i32
      %dma_start3A_150 = tpu.memref_slice %arg10[%dma_start3A_149] : memref<10000xf32, #tpu.memory_space<vmem_shared>> -> memref<10000xf32, #tpu.memory_space<vmem_shared>>
      tpu.enqueue_indirect_dma source(%arg7 : memref<128xf32, #tpu.memory_space<vmem>>) target(%dma_start3A_150 : memref<10000xf32, #tpu.memory_space<vmem_shared>>) offsets(%dma_start3A_148 : memref<128xi32, #tpu.memory_space<vmem>>) semaphore(%arg12 : memref<!tpu.dma_semaphore, #tpu.memory_space<semaphore_mem>>) {add = true}
      %mul3A_151 = arith.constant 4 : i32
      %mul3A_152 = arith.muli %mul3A_151, %add3A_123 : i32
      %add3A_153 = arith.constant 2 : i32
      %add3A_154 = arith.addi %mul3A_152, %add3A_153 : i32
      %dma_start3A_155 = arith.constant 0 : i32
      %dma_start3A_156 = tpu.memref_slice %arg5[%add3A_154, %dma_start3A_155] : memref<79x128xi32, #tpu.memory_space<vmem>> -> memref<1x128xi32, #tpu.memory_space<vmem>>
      %dma_start3A_157 = tpu.memref_squeeze %dma_start3A_156 : memref<1x128xi32, #tpu.memory_space<vmem>> -> memref<128xi32, #tpu.memory_space<vmem>>
      %dma_start3A_158 = arith.constant 0 : i32
      %dma_start3A_159 = tpu.memref_slice %arg9[%dma_start3A_158] : memref<10000xf32, #tpu.memory_space<vmem_shared>> -> memref<10000xf32, #tpu.memory_space<vmem_shared>>
      tpu.enqueue_indirect_dma source(%arg7 : memref<128xf32, #tpu.memory_space<vmem>>) target(%dma_start3A_159 : memref<10000xf32, #tpu.memory_space<vmem_shared>>) offsets(%dma_start3A_157 : memref<128xi32, #tpu.memory_space<vmem>>) semaphore(%arg11 : memref<!tpu.dma_semaphore, #tpu.memory_space<semaphore_mem>>) {add = true}
      %dma_start3A_160 = arith.constant 0 : i32
      %dma_start3A_161 = tpu.memref_slice %arg6[%add3A_154, %dma_start3A_160] : memref<79x128xi32, #tpu.memory_space<vmem>> -> memref<1x128xi32, #tpu.memory_space<vmem>>
      %dma_start3A_162 = tpu.memref_squeeze %dma_start3A_161 : memref<1x128xi32, #tpu.memory_space<vmem>> -> memref<128xi32, #tpu.memory_space<vmem>>
      %dma_start3A_163 = arith.constant 0 : i32
      %dma_start3A_164 = tpu.memref_slice %arg10[%dma_start3A_163] : memref<10000xf32, #tpu.memory_space<vmem_shared>> -> memref<10000xf32, #tpu.memory_space<vmem_shared>>
      tpu.enqueue_indirect_dma source(%arg7 : memref<128xf32, #tpu.memory_space<vmem>>) target(%dma_start3A_164 : memref<10000xf32, #tpu.memory_space<vmem_shared>>) offsets(%dma_start3A_162 : memref<128xi32, #tpu.memory_space<vmem>>) semaphore(%arg12 : memref<!tpu.dma_semaphore, #tpu.memory_space<semaphore_mem>>) {add = true}
      %mul3A_165 = arith.constant 4 : i32
      %mul3A_166 = arith.muli %mul3A_165, %add3A_123 : i32
      %add3A_167 = arith.constant 3 : i32
      %add3A_168 = arith.addi %mul3A_166, %add3A_167 : i32
      %dma_start3A_169 = arith.constant 0 : i32
      %dma_start3A_170 = tpu.memref_slice %arg5[%add3A_168, %dma_start3A_169] : memref<79x128xi32, #tpu.memory_space<vmem>> -> memref<1x128xi32, #tpu.memory_space<vmem>>
      %dma_start3A_171 = tpu.memref_squeeze %dma_start3A_170 : memref<1x128xi32, #tpu.memory_space<vmem>> -> memref<128xi32, #tpu.memory_space<vmem>>
      %dma_start3A_172 = arith.constant 0 : i32
      %dma_start3A_173 = tpu.memref_slice %arg9[%dma_start3A_172] : memref<10000xf32, #tpu.memory_space<vmem_shared>> -> memref<10000xf32, #tpu.memory_space<vmem_shared>>
      tpu.enqueue_indirect_dma source(%arg7 : memref<128xf32, #tpu.memory_space<vmem>>) target(%dma_start3A_173 : memref<10000xf32, #tpu.memory_space<vmem_shared>>) offsets(%dma_start3A_171 : memref<128xi32, #tpu.memory_space<vmem>>) semaphore(%arg11 : memref<!tpu.dma_semaphore, #tpu.memory_space<semaphore_mem>>) {add = true}
      %dma_start3A_174 = arith.constant 0 : i32
      %dma_start3A_175 = tpu.memref_slice %arg6[%add3A_168, %dma_start3A_174] : memref<79x128xi32, #tpu.memory_space<vmem>> -> memref<1x128xi32, #tpu.memory_space<vmem>>
      %dma_start3A_176 = tpu.memref_squeeze %dma_start3A_175 : memref<1x128xi32, #tpu.memory_space<vmem>> -> memref<128xi32, #tpu.memory_space<vmem>>
      %dma_start3A_177 = arith.constant 0 : i32
      %dma_start3A_178 = tpu.memref_slice %arg10[%dma_start3A_177] : memref<10000xf32, #tpu.memory_space<vmem_shared>> -> memref<10000xf32, #tpu.memory_space<vmem_shared>>
      tpu.enqueue_indirect_dma source(%arg7 : memref<128xf32, #tpu.memory_space<vmem>>) target(%dma_start3A_178 : memref<10000xf32, #tpu.memory_space<vmem_shared>>) offsets(%dma_start3A_176 : memref<128xi32, #tpu.memory_space<vmem>>) semaphore(%arg12 : memref<!tpu.dma_semaphore, #tpu.memory_space<semaphore_mem>>) {add = true}
      %dma_wait3A = arith.constant 0 : i32
      %dma_wait3A_179 = arith.constant 0 : i32
      %dma_wait3A_180 = tpu.memref_slice %arg5[%dma_wait3A, %dma_wait3A_179] : memref<79x128xi32, #tpu.memory_space<vmem>> -> memref<1x128xi32, #tpu.memory_space<vmem>>
      %dma_wait3A_181 = tpu.memref_squeeze %dma_wait3A_180 : memref<1x128xi32, #tpu.memory_space<vmem>> -> memref<128xi32, #tpu.memory_space<vmem>>
      %dma_wait3A_182 = arith.constant 0 : i32
      %dma_wait3A_183 = tpu.memref_slice %arg9[%dma_wait3A_182] : memref<10000xf32, #tpu.memory_space<vmem_shared>> -> memref<10000xf32, #tpu.memory_space<vmem_shared>>
      tpu.wait_indirect_dma semaphore(%arg11 : memref<!tpu.dma_semaphore, #tpu.memory_space<semaphore_mem>>) src(%arg7 : memref<128xf32, #tpu.memory_space<vmem>>) dst(%dma_wait3A_183 : memref<10000xf32, #tpu.memory_space<vmem_shared>>)
      %dma_wait3A_184 = arith.constant 0 : i32
      %dma_wait3A_185 = arith.constant 0 : i32
      %dma_wait3A_186 = tpu.memref_slice %arg6[%dma_wait3A_184, %dma_wait3A_185] : memref<79x128xi32, #tpu.memory_space<vmem>> -> memref<1x128xi32, #tpu.memory_space<vmem>>
      %dma_wait3A_187 = tpu.memref_squeeze %dma_wait3A_186 : memref<1x128xi32, #tpu.memory_space<vmem>> -> memref<128xi32, #tpu.memory_space<vmem>>
      %dma_wait3A_188 = arith.constant 0 : i32
      %dma_wait3A_189 = tpu.memref_slice %arg10[%dma_wait3A_188] : memref<10000xf32, #tpu.memory_space<vmem_shared>> -> memref<10000xf32, #tpu.memory_space<vmem_shared>>
      tpu.wait_indirect_dma semaphore(%arg12 : memref<!tpu.dma_semaphore, #tpu.memory_space<semaphore_mem>>) src(%arg7 : memref<128xf32, #tpu.memory_space<vmem>>) dst(%dma_wait3A_189 : memref<10000xf32, #tpu.memory_space<vmem_shared>>)
      %dma_wait3A_190 = arith.constant 0 : i32
      %dma_wait3A_191 = arith.constant 0 : i32
      %dma_wait3A_192 = tpu.memref_slice %arg5[%dma_wait3A_190, %dma_wait3A_191] : memref<79x128xi32, #tpu.memory_space<vmem>> -> memref<1x128xi32, #tpu.memory_space<vmem>>
      %dma_wait3A_193 = tpu.memref_squeeze %dma_wait3A_192 : memref<1x128xi32, #tpu.memory_space<vmem>> -> memref<128xi32, #tpu.memory_space<vmem>>
      %dma_wait3A_194 = arith.constant 0 : i32
      %dma_wait3A_195 = tpu.memref_slice %arg9[%dma_wait3A_194] : memref<10000xf32, #tpu.memory_space<vmem_shared>> -> memref<10000xf32, #tpu.memory_space<vmem_shared>>
      tpu.wait_indirect_dma semaphore(%arg11 : memref<!tpu.dma_semaphore, #tpu.memory_space<semaphore_mem>>) src(%arg7 : memref<128xf32, #tpu.memory_space<vmem>>) dst(%dma_wait3A_195 : memref<10000xf32, #tpu.memory_space<vmem_shared>>)
      %dma_wait3A_196 = arith.constant 0 : i32
      %dma_wait3A_197 = arith.constant 0 : i32
      %dma_wait3A_198 = tpu.memref_slice %arg6[%dma_wait3A_196, %dma_wait3A_197] : memref<79x128xi32, #tpu.memory_space<vmem>> -> memref<1x128xi32, #tpu.memory_space<vmem>>
      %dma_wait3A_199 = tpu.memref_squeeze %dma_wait3A_198 : memref<1x128xi32, #tpu.memory_space<vmem>> -> memref<128xi32, #tpu.memory_space<vmem>>
      %dma_wait3A_200 = arith.constant 0 : i32
      %dma_wait3A_201 = tpu.memref_slice %arg10[%dma_wait3A_200] : memref<10000xf32, #tpu.memory_space<vmem_shared>> -> memref<10000xf32, #tpu.memory_space<vmem_shared>>
      tpu.wait_indirect_dma semaphore(%arg12 : memref<!tpu.dma_semaphore, #tpu.memory_space<semaphore_mem>>) src(%arg7 : memref<128xf32, #tpu.memory_space<vmem>>) dst(%dma_wait3A_201 : memref<10000xf32, #tpu.memory_space<vmem_shared>>)
      %dma_wait3A_202 = arith.constant 0 : i32
      %dma_wait3A_203 = arith.constant 0 : i32
      %dma_wait3A_204 = tpu.memref_slice %arg5[%dma_wait3A_202, %dma_wait3A_203] : memref<79x128xi32, #tpu.memory_space<vmem>> -> memref<1x128xi32, #tpu.memory_space<vmem>>
      %dma_wait3A_205 = tpu.memref_squeeze %dma_wait3A_204 : memref<1x128xi32, #tpu.memory_space<vmem>> -> memref<128xi32, #tpu.memory_space<vmem>>
      %dma_wait3A_206 = arith.constant 0 : i32
      %dma_wait3A_207 = tpu.memref_slice %arg9[%dma_wait3A_206] : memref<10000xf32, #tpu.memory_space<vmem_shared>> -> memref<10000xf32, #tpu.memory_space<vmem_shared>>
      tpu.wait_indirect_dma semaphore(%arg11 : memref<!tpu.dma_semaphore, #tpu.memory_space<semaphore_mem>>) src(%arg7 : memref<128xf32, #tpu.memory_space<vmem>>) dst(%dma_wait3A_207 : memref<10000xf32, #tpu.memory_space<vmem_shared>>)
      %dma_wait3A_208 = arith.constant 0 : i32
      %dma_wait3A_209 = arith.constant 0 : i32
      %dma_wait3A_210 = tpu.memref_slice %arg6[%dma_wait3A_208, %dma_wait3A_209] : memref<79x128xi32, #tpu.memory_space<vmem>> -> memref<1x128xi32, #tpu.memory_space<vmem>>
      %dma_wait3A_211 = tpu.memref_squeeze %dma_wait3A_210 : memref<1x128xi32, #tpu.memory_space<vmem>> -> memref<128xi32, #tpu.memory_space<vmem>>
      %dma_wait3A_212 = arith.constant 0 : i32
      %dma_wait3A_213 = tpu.memref_slice %arg10[%dma_wait3A_212] : memref<10000xf32, #tpu.memory_space<vmem_shared>> -> memref<10000xf32, #tpu.memory_space<vmem_shared>>
      tpu.wait_indirect_dma semaphore(%arg12 : memref<!tpu.dma_semaphore, #tpu.memory_space<semaphore_mem>>) src(%arg7 : memref<128xf32, #tpu.memory_space<vmem>>) dst(%dma_wait3A_213 : memref<10000xf32, #tpu.memory_space<vmem_shared>>)
      %dma_wait3A_214 = arith.constant 0 : i32
      %dma_wait3A_215 = arith.constant 0 : i32
      %dma_wait3A_216 = tpu.memref_slice %arg5[%dma_wait3A_214, %dma_wait3A_215] : memref<79x128xi32, #tpu.memory_space<vmem>> -> memref<1x128xi32, #tpu.memory_space<vmem>>
      %dma_wait3A_217 = tpu.memref_squeeze %dma_wait3A_216 : memref<1x128xi32, #tpu.memory_space<vmem>> -> memref<128xi32, #tpu.memory_space<vmem>>
      %dma_wait3A_218 = arith.constant 0 : i32
      %dma_wait3A_219 = tpu.memref_slice %arg9[%dma_wait3A_218] : memref<10000xf32, #tpu.memory_space<vmem_shared>> -> memref<10000xf32, #tpu.memory_space<vmem_shared>>
      tpu.wait_indirect_dma semaphore(%arg11 : memref<!tpu.dma_semaphore, #tpu.memory_space<semaphore_mem>>) src(%arg7 : memref<128xf32, #tpu.memory_space<vmem>>) dst(%dma_wait3A_219 : memref<10000xf32, #tpu.memory_space<vmem_shared>>)
      %dma_wait3A_220 = arith.constant 0 : i32
      %dma_wait3A_221 = arith.constant 0 : i32
      %dma_wait3A_222 = tpu.memref_slice %arg6[%dma_wait3A_220, %dma_wait3A_221] : memref<79x128xi32, #tpu.memory_space<vmem>> -> memref<1x128xi32, #tpu.memory_space<vmem>>
      %dma_wait3A_223 = tpu.memref_squeeze %dma_wait3A_222 : memref<1x128xi32, #tpu.memory_space<vmem>> -> memref<128xi32, #tpu.memory_space<vmem>>
      %dma_wait3A_224 = arith.constant 0 : i32
      %dma_wait3A_225 = tpu.memref_slice %arg10[%dma_wait3A_224] : memref<10000xf32, #tpu.memory_space<vmem_shared>> -> memref<10000xf32, #tpu.memory_space<vmem_shared>>
      tpu.wait_indirect_dma semaphore(%arg12 : memref<!tpu.dma_semaphore, #tpu.memory_space<semaphore_mem>>) src(%arg7 : memref<128xf32, #tpu.memory_space<vmem>>) dst(%dma_wait3A_225 : memref<10000xf32, #tpu.memory_space<vmem_shared>>)
    }
    %while3A_66 = arith.constant 1 : i32
    scf.for %while3A_121 = %while3A_64 to %while3A_60 step %while3A_66  : i32 {
      %mul3A_122 = arith.muli %while3A_121, %while3A : i32
      %add3A_123 = arith.addi %while3A_57, %mul3A_122 : i32
      %mul3A_124 = arith.constant 4 : i32
      %mul3A_125 = arith.muli %mul3A_124, %add3A_123 : i32
      %add3A_126 = arith.constant 0 : i32
      %add3A_127 = arith.addi %mul3A_125, %add3A_126 : i32
      %dma_start3A = arith.constant 0 : i32
      %dma_start3A_128 = tpu.memref_slice %arg5[%add3A_127, %dma_start3A] : memref<79x128xi32, #tpu.memory_space<vmem>> -> memref<1x128xi32, #tpu.memory_space<vmem>>
      %dma_start3A_129 = tpu.memref_squeeze %dma_start3A_128 : memref<1x128xi32, #tpu.memory_space<vmem>> -> memref<128xi32, #tpu.memory_space<vmem>>
      %dma_start3A_130 = arith.constant 0 : i32
      %dma_start3A_131 = tpu.memref_slice %arg9[%dma_start3A_130] : memref<10000xf32, #tpu.memory_space<vmem_shared>> -> memref<10000xf32, #tpu.memory_space<vmem_shared>>
      tpu.enqueue_indirect_dma source(%arg7 : memref<128xf32, #tpu.memory_space<vmem>>) target(%dma_start3A_131 : memref<10000xf32, #tpu.memory_space<vmem_shared>>) offsets(%dma_start3A_129 : memref<128xi32, #tpu.memory_space<vmem>>) semaphore(%arg11 : memref<!tpu.dma_semaphore, #tpu.memory_space<semaphore_mem>>) {add = true}
      %dma_start3A_132 = arith.constant 0 : i32
      %dma_start3A_133 = tpu.memref_slice %arg6[%add3A_127, %dma_start3A_132] : memref<79x128xi32, #tpu.memory_space<vmem>> -> memref<1x128xi32, #tpu.memory_space<vmem>>
      %dma_start3A_134 = tpu.memref_squeeze %dma_start3A_133 : memref<1x128xi32, #tpu.memory_space<vmem>> -> memref<128xi32, #tpu.memory_space<vmem>>
      %dma_start3A_135 = arith.constant 0 : i32
      %dma_start3A_136 = tpu.memref_slice %arg10[%dma_start3A_135] : memref<10000xf32, #tpu.memory_space<vmem_shared>> -> memref<10000xf32, #tpu.memory_space<vmem_shared>>
      tpu.enqueue_indirect_dma source(%arg7 : memref<128xf32, #tpu.memory_space<vmem>>) target(%dma_start3A_136 : memref<10000xf32, #tpu.memory_space<vmem_shared>>) offsets(%dma_start3A_134 : memref<128xi32, #tpu.memory_space<vmem>>) semaphore(%arg12 : memref<!tpu.dma_semaphore, #tpu.memory_space<semaphore_mem>>) {add = true}
      %mul3A_137 = arith.constant 4 : i32
      %mul3A_138 = arith.muli %mul3A_137, %add3A_123 : i32
      %add3A_139 = arith.constant 1 : i32
      %add3A_140 = arith.addi %mul3A_138, %add3A_139 : i32
      %dma_start3A_141 = arith.constant 0 : i32
      %dma_start3A_142 = tpu.memref_slice %arg5[%add3A_140, %dma_start3A_141] : memref<79x128xi32, #tpu.memory_space<vmem>> -> memref<1x128xi32, #tpu.memory_space<vmem>>
      %dma_start3A_143 = tpu.memref_squeeze %dma_start3A_142 : memref<1x128xi32, #tpu.memory_space<vmem>> -> memref<128xi32, #tpu.memory_space<vmem>>
      %dma_start3A_144 = arith.constant 0 : i32
      %dma_start3A_145 = tpu.memref_slice %arg9[%dma_start3A_144] : memref<10000xf32, #tpu.memory_space<vmem_shared>> -> memref<10000xf32, #tpu.memory_space<vmem_shared>>
      tpu.enqueue_indirect_dma source(%arg7 : memref<128xf32, #tpu.memory_space<vmem>>) target(%dma_start3A_145 : memref<10000xf32, #tpu.memory_space<vmem_shared>>) offsets(%dma_start3A_143 : memref<128xi32, #tpu.memory_space<vmem>>) semaphore(%arg11 : memref<!tpu.dma_semaphore, #tpu.memory_space<semaphore_mem>>) {add = true}
      %dma_start3A_146 = arith.constant 0 : i32
      %dma_start3A_147 = tpu.memref_slice %arg6[%add3A_140, %dma_start3A_146] : memref<79x128xi32, #tpu.memory_space<vmem>> -> memref<1x128xi32, #tpu.memory_space<vmem>>
      %dma_start3A_148 = tpu.memref_squeeze %dma_start3A_147 : memref<1x128xi32, #tpu.memory_space<vmem>> -> memref<128xi32, #tpu.memory_space<vmem>>
      %dma_start3A_149 = arith.constant 0 : i32
      %dma_start3A_150 = tpu.memref_slice %arg10[%dma_start3A_149] : memref<10000xf32, #tpu.memory_space<vmem_shared>> -> memref<10000xf32, #tpu.memory_space<vmem_shared>>
      tpu.enqueue_indirect_dma source(%arg7 : memref<128xf32, #tpu.memory_space<vmem>>) target(%dma_start3A_150 : memref<10000xf32, #tpu.memory_space<vmem_shared>>) offsets(%dma_start3A_148 : memref<128xi32, #tpu.memory_space<vmem>>) semaphore(%arg12 : memref<!tpu.dma_semaphore, #tpu.memory_space<semaphore_mem>>) {add = true}
      %mul3A_151 = arith.constant 4 : i32
      %mul3A_152 = arith.muli %mul3A_151, %add3A_123 : i32
      %add3A_153 = arith.constant 2 : i32
      %add3A_154 = arith.addi %mul3A_152, %add3A_153 : i32
      %dma_start3A_155 = arith.constant 0 : i32
      %dma_start3A_156 = tpu.memref_slice %arg5[%add3A_154, %dma_start3A_155] : memref<79x128xi32, #tpu.memory_space<vmem>> -> memref<1x128xi32, #tpu.memory_space<vmem>>
      %dma_start3A_157 = tpu.memref_squeeze %dma_start3A_156 : memref<1x128xi32, #tpu.memory_space<vmem>> -> memref<128xi32, #tpu.memory_space<vmem>>
      %dma_start3A_158 = arith.constant 0 : i32
      %dma_start3A_159 = tpu.memref_slice %arg9[%dma_start3A_158] : memref<10000xf32, #tpu.memory_space<vmem_shared>> -> memref<10000xf32, #tpu.memory_space<vmem_shared>>
      tpu.enqueue_indirect_dma source(%arg7 : memref<128xf32, #tpu.memory_space<vmem>>) target(%dma_start3A_159 : memref<10000xf32, #tpu.memory_space<vmem_shared>>) offsets(%dma_start3A_157 : memref<128xi32, #tpu.memory_space<vmem>>) semaphore(%arg11 : memref<!tpu.dma_semaphore, #tpu.memory_space<semaphore_mem>>) {add = true}
      %dma_start3A_160 = arith.constant 0 : i32
      %dma_start3A_161 = tpu.memref_slice %arg6[%add3A_154, %dma_start3A_160] : memref<79x128xi32, #tpu.memory_space<vmem>> -> memref<1x128xi32, #tpu.memory_space<vmem>>
      %dma_start3A_162 = tpu.memref_squeeze %dma_start3A_161 : memref<1x128xi32, #tpu.memory_space<vmem>> -> memref<128xi32, #tpu.memory_space<vmem>>
      %dma_start3A_163 = arith.constant 0 : i32
      %dma_start3A_164 = tpu.memref_slice %arg10[%dma_start3A_163] : memref<10000xf32, #tpu.memory_space<vmem_shared>> -> memref<10000xf32, #tpu.memory_space<vmem_shared>>
      tpu.enqueue_indirect_dma source(%arg7 : memref<128xf32, #tpu.memory_space<vmem>>) target(%dma_start3A_164 : memref<10000xf32, #tpu.memory_space<vmem_shared>>) offsets(%dma_start3A_162 : memref<128xi32, #tpu.memory_space<vmem>>) semaphore(%arg12 : memref<!tpu.dma_semaphore, #tpu.memory_space<semaphore_mem>>) {add = true}
      %mul3A_165 = arith.constant 4 : i32
      %mul3A_166 = arith.muli %mul3A_165, %add3A_123 : i32
      %add3A_167 = arith.constant 3 : i32
      %add3A_168 = arith.addi %mul3A_166, %add3A_167 : i32
      %dma_start3A_169 = arith.constant 0 : i32
      %dma_start3A_170 = tpu.memref_slice %arg5[%add3A_168, %dma_start3A_169] : memref<79x128xi32, #tpu.memory_space<vmem>> -> memref<1x128xi32, #tpu.memory_space<vmem>>
      %dma_start3A_171 = tpu.memref_squeeze %dma_start3A_170 : memref<1x128xi32, #tpu.memory_space<vmem>> -> memref<128xi32, #tpu.memory_space<vmem>>
      %dma_start3A_172 = arith.constant 0 : i32
      %dma_start3A_173 = tpu.memref_slice %arg9[%dma_start3A_172] : memref<10000xf32, #tpu.memory_space<vmem_shared>> -> memref<10000xf32, #tpu.memory_space<vmem_shared>>
      tpu.enqueue_indirect_dma source(%arg7 : memref<128xf32, #tpu.memory_space<vmem>>) target(%dma_start3A_173 : memref<10000xf32, #tpu.memory_space<vmem_shared>>) offsets(%dma_start3A_171 : memref<128xi32, #tpu.memory_space<vmem>>) semaphore(%arg11 : memref<!tpu.dma_semaphore, #tpu.memory_space<semaphore_mem>>) {add = true}
      %dma_start3A_174 = arith.constant 0 : i32
      %dma_start3A_175 = tpu.memref_slice %arg6[%add3A_168, %dma_start3A_174] : memref<79x128xi32, #tpu.memory_space<vmem>> -> memref<1x128xi32, #tpu.memory_space<vmem>>
      %dma_start3A_176 = tpu.memref_squeeze %dma_start3A_175 : memref<1x128xi32, #tpu.memory_space<vmem>> -> memref<128xi32, #tpu.memory_space<vmem>>
      %dma_start3A_177 = arith.constant 0 : i32
      %dma_start3A_178 = tpu.memref_slice %arg10[%dma_start3A_177] : memref<10000xf32, #tpu.memory_space<vmem_shared>> -> memref<10000xf32, #tpu.memory_space<vmem_shared>>
      tpu.enqueue_indirect_dma source(%arg7 : memref<128xf32, #tpu.memory_space<vmem>>) target(%dma_start3A_178 : memref<10000xf32, #tpu.memory_space<vmem_shared>>) offsets(%dma_start3A_176 : memref<128xi32, #tpu.memory_space<vmem>>) semaphore(%arg12 : memref<!tpu.dma_semaphore, #tpu.memory_space<semaphore_mem>>) {add = true}
      %dma_wait3A = arith.constant 0 : i32
      %dma_wait3A_179 = arith.constant 0 : i32
      %dma_wait3A_180 = tpu.memref_slice %arg5[%dma_wait3A, %dma_wait3A_179] : memref<79x128xi32, #tpu.memory_space<vmem>> -> memref<1x128xi32, #tpu.memory_space<vmem>>
      %dma_wait3A_181 = tpu.memref_squeeze %dma_wait3A_180 : memref<1x128xi32, #tpu.memory_space<vmem>> -> memref<128xi32, #tpu.memory_space<vmem>>
      %dma_wait3A_182 = arith.constant 0 : i32
      %dma_wait3A_183 = tpu.memref_slice %arg9[%dma_wait3A_182] : memref<10000xf32, #tpu.memory_space<vmem_shared>> -> memref<10000xf32, #tpu.memory_space<vmem_shared>>
      tpu.wait_indirect_dma semaphore(%arg11 : memref<!tpu.dma_semaphore, #tpu.memory_space<semaphore_mem>>) src(%arg7 : memref<128xf32, #tpu.memory_space<vmem>>) dst(%dma_wait3A_183 : memref<10000xf32, #tpu.memory_space<vmem_shared>>)
      %dma_wait3A_184 = arith.constant 0 : i32
      %dma_wait3A_185 = arith.constant 0 : i32
      %dma_wait3A_186 = tpu.memref_slice %arg6[%dma_wait3A_184, %dma_wait3A_185] : memref<79x128xi32, #tpu.memory_space<vmem>> -> memref<1x128xi32, #tpu.memory_space<vmem>>
      %dma_wait3A_187 = tpu.memref_squeeze %dma_wait3A_186 : memref<1x128xi32, #tpu.memory_space<vmem>> -> memref<128xi32, #tpu.memory_space<vmem>>
      %dma_wait3A_188 = arith.constant 0 : i32
      %dma_wait3A_189 = tpu.memref_slice %arg10[%dma_wait3A_188] : memref<10000xf32, #tpu.memory_space<vmem_shared>> -> memref<10000xf32, #tpu.memory_space<vmem_shared>>
      tpu.wait_indirect_dma semaphore(%arg12 : memref<!tpu.dma_semaphore, #tpu.memory_space<semaphore_mem>>) src(%arg7 : memref<128xf32, #tpu.memory_space<vmem>>) dst(%dma_wait3A_189 : memref<10000xf32, #tpu.memory_space<vmem_shared>>)
      %dma_wait3A_190 = arith.constant 0 : i32
      %dma_wait3A_191 = arith.constant 0 : i32
      %dma_wait3A_192 = tpu.memref_slice %arg5[%dma_wait3A_190, %dma_wait3A_191] : memref<79x128xi32, #tpu.memory_space<vmem>> -> memref<1x128xi32, #tpu.memory_space<vmem>>
      %dma_wait3A_193 = tpu.memref_squeeze %dma_wait3A_192 : memref<1x128xi32, #tpu.memory_space<vmem>> -> memref<128xi32, #tpu.memory_space<vmem>>
      %dma_wait3A_194 = arith.constant 0 : i32
      %dma_wait3A_195 = tpu.memref_slice %arg9[%dma_wait3A_194] : memref<10000xf32, #tpu.memory_space<vmem_shared>> -> memref<10000xf32, #tpu.memory_space<vmem_shared>>
      tpu.wait_indirect_dma semaphore(%arg11 : memref<!tpu.dma_semaphore, #tpu.memory_space<semaphore_mem>>) src(%arg7 : memref<128xf32, #tpu.memory_space<vmem>>) dst(%dma_wait3A_195 : memref<10000xf32, #tpu.memory_space<vmem_shared>>)
      %dma_wait3A_196 = arith.constant 0 : i32
      %dma_wait3A_197 = arith.constant 0 : i32
      %dma_wait3A_198 = tpu.memref_slice %arg6[%dma_wait3A_196, %dma_wait3A_197] : memref<79x128xi32, #tpu.memory_space<vmem>> -> memref<1x128xi32, #tpu.memory_space<vmem>>
      %dma_wait3A_199 = tpu.memref_squeeze %dma_wait3A_198 : memref<1x128xi32, #tpu.memory_space<vmem>> -> memref<128xi32, #tpu.memory_space<vmem>>
      %dma_wait3A_200 = arith.constant 0 : i32
      %dma_wait3A_201 = tpu.memref_slice %arg10[%dma_wait3A_200] : memref<10000xf32, #tpu.memory_space<vmem_shared>> -> memref<10000xf32, #tpu.memory_space<vmem_shared>>
      tpu.wait_indirect_dma semaphore(%arg12 : memref<!tpu.dma_semaphore, #tpu.memory_space<semaphore_mem>>) src(%arg7 : memref<128xf32, #tpu.memory_space<vmem>>) dst(%dma_wait3A_201 : memref<10000xf32, #tpu.memory_space<vmem_shared>>)
      %dma_wait3A_202 = arith.constant 0 : i32
      %dma_wait3A_203 = arith.constant 0 : i32
      %dma_wait3A_204 = tpu.memref_slice %arg5[%dma_wait3A_202, %dma_wait3A_203] : memref<79x128xi32, #tpu.memory_space<vmem>> -> memref<1x128xi32, #tpu.memory_space<vmem>>
      %dma_wait3A_205 = tpu.memref_squeeze %dma_wait3A_204 : memref<1x128xi32, #tpu.memory_space<vmem>> -> memref<128xi32, #tpu.memory_space<vmem>>
      %dma_wait3A_206 = arith.constant 0 : i32
      %dma_wait3A_207 = tpu.memref_slice %arg9[%dma_wait3A_206] : memref<10000xf32, #tpu.memory_space<vmem_shared>> -> memref<10000xf32, #tpu.memory_space<vmem_shared>>
      tpu.wait_indirect_dma semaphore(%arg11 : memref<!tpu.dma_semaphore, #tpu.memory_space<semaphore_mem>>) src(%arg7 : memref<128xf32, #tpu.memory_space<vmem>>) dst(%dma_wait3A_207 : memref<10000xf32, #tpu.memory_space<vmem_shared>>)
      %dma_wait3A_208 = arith.constant 0 : i32
      %dma_wait3A_209 = arith.constant 0 : i32
      %dma_wait3A_210 = tpu.memref_slice %arg6[%dma_wait3A_208, %dma_wait3A_209] : memref<79x128xi32, #tpu.memory_space<vmem>> -> memref<1x128xi32, #tpu.memory_space<vmem>>
      %dma_wait3A_211 = tpu.memref_squeeze %dma_wait3A_210 : memref<1x128xi32, #tpu.memory_space<vmem>> -> memref<128xi32, #tpu.memory_space<vmem>>
      %dma_wait3A_212 = arith.constant 0 : i32
      %dma_wait3A_213 = tpu.memref_slice %arg10[%dma_wait3A_212] : memref<10000xf32, #tpu.memory_space<vmem_shared>> -> memref<10000xf32, #tpu.memory_space<vmem_shared>>
      tpu.wait_indirect_dma semaphore(%arg12 : memref<!tpu.dma_semaphore, #tpu.memory_space<semaphore_mem>>) src(%arg7 : memref<128xf32, #tpu.memory_space<vmem>>) dst(%dma_wait3A_213 : memref<10000xf32, #tpu.memory_space<vmem_shared>>)
      %dma_wait3A_214 = arith.constant 0 : i32
      %dma_wait3A_215 = arith.constant 0 : i32
      %dma_wait3A_216 = tpu.memref_slice %arg5[%dma_wait3A_214, %dma_wait3A_215] : memref<79x128xi32, #tpu.memory_space<vmem>> -> memref<1x128xi32, #tpu.memory_space<vmem>>
      %dma_wait3A_217 = tpu.memref_squeeze %dma_wait3A_216 : memref<1x128xi32, #tpu.memory_space<vmem>> -> memref<128xi32, #tpu.memory_space<vmem>>
      %dma_wait3A_218 = arith.constant 0 : i32
      %dma_wait3A_219 = tpu.memref_slice %arg9[%dma_wait3A_218] : memref<10000xf32, #tpu.memory_space<vmem_shared>> -> memref<10000xf32, #tpu.memory_space<vmem_shared>>
      tpu.wait_indirect_dma semaphore(%arg11 : memref<!tpu.dma_semaphore, #tpu.memory_space<semaphore_mem>>) src(%arg7 : memref<128xf32, #tpu.memory_space<vmem>>) dst(%dma_wait3A_219 : memref<10000xf32, #tpu.memory_space<vmem_shared>>)
      %dma_wait3A_220 = arith.constant 0 : i32
      %dma_wait3A_221 = arith.constant 0 : i32
      %dma_wait3A_222 = tpu.memref_slice %arg6[%dma_wait3A_220, %dma_wait3A_221] : memref<79x128xi32, #tpu.memory_space<vmem>> -> memref<1x128xi32, #tpu.memory_space<vmem>>
      %dma_wait3A_223 = tpu.memref_squeeze %dma_wait3A_222 : memref<1x128xi32, #tpu.memory_space<vmem>> -> memref<128xi32, #tpu.memory_space<vmem>>
      %dma_wait3A_224 = arith.constant 0 : i32
      %dma_wait3A_225 = tpu.memref_slice %arg10[%dma_wait3A_224] : memref<10000xf32, #tpu.memory_space<vmem_shared>> -> memref<10000xf32, #tpu.memory_space<vmem_shared>>
      tpu.wait_indirect_dma semaphore(%arg12 : memref<!tpu.dma_semaphore, #tpu.memory_space<semaphore_mem>>) src(%arg7 : memref<128xf32, #tpu.memory_space<vmem>>) dst(%dma_wait3A_225 : memref<10000xf32, #tpu.memory_space<vmem_shared>>)
    }
    %jit3A_67 = arith.constant 4 : i32
    %div3A_68 = arith.divsi %add3A_26, %jit3A_67 : i32
    %sign3A_69 = arith.constant 0 : i32
    %sign3A_70 = arith.cmpi sgt, %add3A_26, %sign3A_69 : i32
    %sign3A_71 = arith.extui %sign3A_70 : i1 to i32
    %sign3A_72 = arith.constant 0 : i32
    %sign3A_73 = arith.cmpi slt, %add3A_26, %sign3A_72 : i32
    %sign3A_74 = arith.extui %sign3A_73 : i1 to i32
    %sign3A_75 = arith.subi %sign3A_71, %sign3A_74 : i32
    %sign3A_76 = arith.constant 0 : i32
    %sign3A_77 = arith.cmpi sgt, %jit3A_67, %sign3A_76 : i32
    %sign3A_78 = arith.extui %sign3A_77 : i1 to i32
    %sign3A_79 = arith.constant 0 : i32
    %sign3A_80 = arith.cmpi slt, %jit3A_67, %sign3A_79 : i32
    %sign3A_81 = arith.extui %sign3A_80 : i1 to i32
    %sign3A_82 = arith.subi %sign3A_78, %sign3A_81 : i32
    %ne3A_83 = arith.cmpi ne, %sign3A_75, %sign3A_82 : i32
    %rem3A_84 = arith.remsi %add3A_26, %jit3A_67 : i32
    %ne3A_85 = arith.constant 0 : i32
    %ne3A_86 = arith.cmpi ne, %rem3A_84, %ne3A_85 : i32
    %and3A_87 = arith.andi %ne3A_83, %ne3A_86 : i1
    %sub3A_88 = arith.constant 1 : i32
    %sub3A_89 = arith.subi %div3A_68, %sub3A_88 : i32
    %select_n3A_90 = arith.select %and3A_87, %sub3A_89, %div3A_68 : i32
    %mul3A_91 = arith.constant 4 : i32
    %mul3A_92 = arith.muli %mul3A_91, %select_n3A_90 : i32
    %sub3A_93 = arith.subi %add3A_26, %mul3A_92 : i32
    %sub3A_94 = arith.constant 1 : i32
    %sub3A_95 = arith.constant 1 : i32
    %sub3A_96 = arith.subi %sub3A_94, %sub3A_95 : i32
    %add3A_97 = arith.addi %sub3A_93, %sub3A_96 : i32
    %div3A_98 = arith.constant 1 : i32
    %div3A_99 = arith.divsi %add3A_97, %div3A_98 : i32
    %while3A_100 = arith.constant 1 : i32
    %while3A_101 = arith.constant 0 : i32
    %while3A_102 = arith.subi %div3A_99, %while3A_101 : i32
    %while3A_103 = arith.addi %while3A_101, %while3A_102 : i32
    %while3A_104 = arith.constant 1 : i32
    %while3A_105 = arith.divsi %while3A_102, %while3A_104 : i32
    %while3A_106 = arith.muli %while3A_105, %while3A_104 : i32
    %while3A_107 = arith.addi %while3A_101, %while3A_106 : i32
    %while3A_108 = arith.constant 1 : i32
    scf.for %while3A_121 = %while3A_101 to %while3A_107 step %while3A_108  : i32 {
      %mul3A_122 = arith.muli %while3A_121, %while3A_100 : i32
      %add3A_123 = arith.addi %mul3A_92, %mul3A_122 : i32
      "tpu.region"() ({
        %run_scoped3A = tpu.sem_alloc : memref<!tpu.dma_semaphore, #tpu.memory_space<semaphore_mem>>
        %dma_start3A = arith.constant 0 : i32
        %dma_start3A_124 = tpu.memref_slice %arg5[%add3A_123, %dma_start3A] : memref<79x128xi32, #tpu.memory_space<vmem>> -> memref<1x128xi32, #tpu.memory_space<vmem>>
        %dma_start3A_125 = tpu.memref_squeeze %dma_start3A_124 : memref<1x128xi32, #tpu.memory_space<vmem>> -> memref<128xi32, #tpu.memory_space<vmem>>
        %dma_start3A_126 = arith.constant 0 : i32
        %dma_start3A_127 = tpu.memref_slice %arg9[%dma_start3A_126] : memref<10000xf32, #tpu.memory_space<vmem_shared>> -> memref<10000xf32, #tpu.memory_space<vmem_shared>>
        tpu.enqueue_indirect_dma source(%arg7 : memref<128xf32, #tpu.memory_space<vmem>>) target(%dma_start3A_127 : memref<10000xf32, #tpu.memory_space<vmem_shared>>) offsets(%dma_start3A_125 : memref<128xi32, #tpu.memory_space<vmem>>) semaphore(%run_scoped3A : memref<!tpu.dma_semaphore, #tpu.memory_space<semaphore_mem>>) {add = true}
        %dma_wait3A = arith.constant 0 : i32
        %dma_wait3A_128 = tpu.memref_slice %arg5[%add3A_123, %dma_wait3A] : memref<79x128xi32, #tpu.memory_space<vmem>> -> memref<1x128xi32, #tpu.memory_space<vmem>>
        %dma_wait3A_129 = tpu.memref_squeeze %dma_wait3A_128 : memref<1x128xi32, #tpu.memory_space<vmem>> -> memref<128xi32, #tpu.memory_space<vmem>>
        %dma_wait3A_130 = arith.constant 0 : i32
        %dma_wait3A_131 = tpu.memref_slice %arg9[%dma_wait3A_130] : memref<10000xf32, #tpu.memory_space<vmem_shared>> -> memref<10000xf32, #tpu.memory_space<vmem_shared>>
        tpu.wait_indirect_dma semaphore(%run_scoped3A : memref<!tpu.dma_semaphore, #tpu.memory_space<semaphore_mem>>) src(%arg7 : memref<128xf32, #tpu.memory_space<vmem>>) dst(%dma_wait3A_131 : memref<10000xf32, #tpu.memory_space<vmem_shared>>)
        tpu.yield
      }) : () -> ()
      "tpu.region"() ({
        %run_scoped3A = tpu.sem_alloc : memref<!tpu.dma_semaphore, #tpu.memory_space<semaphore_mem>>
        %dma_start3A = arith.constant 0 : i32
        %dma_start3A_124 = tpu.memref_slice %arg6[%add3A_123, %dma_start3A] : memref<79x128xi32, #tpu.memory_space<vmem>> -> memref<1x128xi32, #tpu.memory_space<vmem>>
        %dma_start3A_125 = tpu.memref_squeeze %dma_start3A_124 : memref<1x128xi32, #tpu.memory_space<vmem>> -> memref<128xi32, #tpu.memory_space<vmem>>
        %dma_start3A_126 = arith.constant 0 : i32
        %dma_start3A_127 = tpu.memref_slice %arg10[%dma_start3A_126] : memref<10000xf32, #tpu.memory_space<vmem_shared>> -> memref<10000xf32, #tpu.memory_space<vmem_shared>>
        tpu.enqueue_indirect_dma source(%arg7 : memref<128xf32, #tpu.memory_space<vmem>>) target(%dma_start3A_127 : memref<10000xf32, #tpu.memory_space<vmem_shared>>) offsets(%dma_start3A_125 : memref<128xi32, #tpu.memory_space<vmem>>) semaphore(%run_scoped3A : memref<!tpu.dma_semaphore, #tpu.memory_space<semaphore_mem>>) {add = true}
        %dma_wait3A = arith.constant 0 : i32
        %dma_wait3A_128 = tpu.memref_slice %arg6[%add3A_123, %dma_wait3A] : memref<79x128xi32, #tpu.memory_space<vmem>> -> memref<1x128xi32, #tpu.memory_space<vmem>>
        %dma_wait3A_129 = tpu.memref_squeeze %dma_wait3A_128 : memref<1x128xi32, #tpu.memory_space<vmem>> -> memref<128xi32, #tpu.memory_space<vmem>>
        %dma_wait3A_130 = arith.constant 0 : i32
        %dma_wait3A_131 = tpu.memref_slice %arg10[%dma_wait3A_130] : memref<10000xf32, #tpu.memory_space<vmem_shared>> -> memref<10000xf32, #tpu.memory_space<vmem_shared>>
        tpu.wait_indirect_dma semaphore(%run_scoped3A : memref<!tpu.dma_semaphore, #tpu.memory_space<semaphore_mem>>) src(%arg7 : memref<128xf32, #tpu.memory_space<vmem>>) dst(%dma_wait3A_131 : memref<10000xf32, #tpu.memory_space<vmem_shared>>)
        tpu.yield
      }) : () -> ()
    }
    %while3A_109 = arith.constant 1 : i32
    scf.for %while3A_121 = %while3A_107 to %while3A_103 step %while3A_109  : i32 {
      %mul3A_122 = arith.muli %while3A_121, %while3A_100 : i32
      %add3A_123 = arith.addi %mul3A_92, %mul3A_122 : i32
      "tpu.region"() ({
        %run_scoped3A = tpu.sem_alloc : memref<!tpu.dma_semaphore, #tpu.memory_space<semaphore_mem>>
        %dma_start3A = arith.constant 0 : i32
        %dma_start3A_124 = tpu.memref_slice %arg5[%add3A_123, %dma_start3A] : memref<79x128xi32, #tpu.memory_space<vmem>> -> memref<1x128xi32, #tpu.memory_space<vmem>>
        %dma_start3A_125 = tpu.memref_squeeze %dma_start3A_124 : memref<1x128xi32, #tpu.memory_space<vmem>> -> memref<128xi32, #tpu.memory_space<vmem>>
        %dma_start3A_126 = arith.constant 0 : i32
        %dma_start3A_127 = tpu.memref_slice %arg9[%dma_start3A_126] : memref<10000xf32, #tpu.memory_space<vmem_shared>> -> memref<10000xf32, #tpu.memory_space<vmem_shared>>
        tpu.enqueue_indirect_dma source(%arg7 : memref<128xf32, #tpu.memory_space<vmem>>) target(%dma_start3A_127 : memref<10000xf32, #tpu.memory_space<vmem_shared>>) offsets(%dma_start3A_125 : memref<128xi32, #tpu.memory_space<vmem>>) semaphore(%run_scoped3A : memref<!tpu.dma_semaphore, #tpu.memory_space<semaphore_mem>>) {add = true}
        %dma_wait3A = arith.constant 0 : i32
        %dma_wait3A_128 = tpu.memref_slice %arg5[%add3A_123, %dma_wait3A] : memref<79x128xi32, #tpu.memory_space<vmem>> -> memref<1x128xi32, #tpu.memory_space<vmem>>
        %dma_wait3A_129 = tpu.memref_squeeze %dma_wait3A_128 : memref<1x128xi32, #tpu.memory_space<vmem>> -> memref<128xi32, #tpu.memory_space<vmem>>
        %dma_wait3A_130 = arith.constant 0 : i32
        %dma_wait3A_131 = tpu.memref_slice %arg9[%dma_wait3A_130] : memref<10000xf32, #tpu.memory_space<vmem_shared>> -> memref<10000xf32, #tpu.memory_space<vmem_shared>>
        tpu.wait_indirect_dma semaphore(%run_scoped3A : memref<!tpu.dma_semaphore, #tpu.memory_space<semaphore_mem>>) src(%arg7 : memref<128xf32, #tpu.memory_space<vmem>>) dst(%dma_wait3A_131 : memref<10000xf32, #tpu.memory_space<vmem_shared>>)
        tpu.yield
      }) : () -> ()
      "tpu.region"() ({
        %run_scoped3A = tpu.sem_alloc : memref<!tpu.dma_semaphore, #tpu.memory_space<semaphore_mem>>
        %dma_start3A = arith.constant 0 : i32
        %dma_start3A_124 = tpu.memref_slice %arg6[%add3A_123, %dma_start3A] : memref<79x128xi32, #tpu.memory_space<vmem>> -> memref<1x128xi32, #tpu.memory_space<vmem>>
        %dma_start3A_125 = tpu.memref_squeeze %dma_start3A_124 : memref<1x128xi32, #tpu.memory_space<vmem>> -> memref<128xi32, #tpu.memory_space<vmem>>
        %dma_start3A_126 = arith.constant 0 : i32
        %dma_start3A_127 = tpu.memref_slice %arg10[%dma_start3A_126] : memref<10000xf32, #tpu.memory_space<vmem_shared>> -> memref<10000xf32, #tpu.memory_space<vmem_shared>>
        tpu.enqueue_indirect_dma source(%arg7 : memref<128xf32, #tpu.memory_space<vmem>>) target(%dma_start3A_127 : memref<10000xf32, #tpu.memory_space<vmem_shared>>) offsets(%dma_start3A_125 : memref<128xi32, #tpu.memory_space<vmem>>) semaphore(%run_scoped3A : memref<!tpu.dma_semaphore, #tpu.memory_space<semaphore_mem>>) {add = true}
        %dma_wait3A = arith.constant 0 : i32
        %dma_wait3A_128 = tpu.memref_slice %arg6[%add3A_123, %dma_wait3A] : memref<79x128xi32, #tpu.memory_space<vmem>> -> memref<1x128xi32, #tpu.memory_space<vmem>>
        %dma_wait3A_129 = tpu.memref_squeeze %dma_wait3A_128 : memref<1x128xi32, #tpu.memory_space<vmem>> -> memref<128xi32, #tpu.memory_space<vmem>>
        %dma_wait3A_130 = arith.constant 0 : i32
        %dma_wait3A_131 = tpu.memref_slice %arg10[%dma_wait3A_130] : memref<10000xf32, #tpu.memory_space<vmem_shared>> -> memref<10000xf32, #tpu.memory_space<vmem_shared>>
        tpu.wait_indirect_dma semaphore(%run_scoped3A : memref<!tpu.dma_semaphore, #tpu.memory_space<semaphore_mem>>) src(%arg7 : memref<128xf32, #tpu.memory_space<vmem>>) dst(%dma_wait3A_131 : memref<10000xf32, #tpu.memory_space<vmem_shared>>)
        tpu.yield
      }) : () -> ()
    }
    %barrier3A_110 = arith.constant 0 : index
    tpu.barrier barrier_id(%barrier3A_110)
    %lt3A_111 = arith.constant 10 : i32
    %lt3A_112 = arith.cmpi slt, %arg1, %lt3A_111 : i32
    %convert_element_type3A_113 = arith.extui %lt3A_112 : i1 to i32
    %cond3A_114 = arith.constant 0 : i32
    %cond3A_115 = arith.cmpi ne, %convert_element_type3A_113, %cond3A_114 : i32
    scf.if %cond3A_115 {
      %mul3A_121 = arith.constant 1000 : i32
      %mul3A_122 = arith.muli %arg1, %mul3A_121 : i32
      %mul3A_123 = arith.constant 2 : i32
      %mul3A_124 = arith.muli %mul3A_123, %arg0 : i32
      %mul3A_125 = arith.constant 1000 : i32
      %mul3A_126 = arith.muli %arg1, %mul3A_125 : i32
      "tpu.region"() ({
        %run_scoped3A = tpu.sem_alloc : memref<!tpu.dma_semaphore, #tpu.memory_space<semaphore_mem>>
        %dma_start3A = tpu.memref_slice %arg4[%mul3A_124, %mul3A_126] : memref<4x10000xf32, #tpu.memory_space<hbm>> -> memref<1x1000xf32, #tpu.memory_space<hbm>>
        %dma_start3A_127 = tpu.memref_squeeze %dma_start3A : memref<1x1000xf32, #tpu.memory_space<hbm>> -> memref<1000xf32, #tpu.memory_space<hbm>>
        %dma_start3A_128 = tpu.memref_slice %arg9[%mul3A_122] : memref<10000xf32, #tpu.memory_space<vmem_shared>> -> memref<1000xf32, #tpu.memory_space<vmem_shared>>
        tpu.enqueue_dma source(%dma_start3A_128 : memref<1000xf32, #tpu.memory_space<vmem_shared>>) target(%dma_start3A_127 : memref<1000xf32, #tpu.memory_space<hbm>>) target_semaphore(%run_scoped3A : memref<!tpu.dma_semaphore, #tpu.memory_space<semaphore_mem>>)
        %dma_wait3A = tpu.memref_slice %arg4[%mul3A_124, %mul3A_126] : memref<4x10000xf32, #tpu.memory_space<hbm>> -> memref<1x1000xf32, #tpu.memory_space<hbm>>
        %dma_wait3A_129 = tpu.memref_squeeze %dma_wait3A : memref<1x1000xf32, #tpu.memory_space<hbm>> -> memref<1000xf32, #tpu.memory_space<hbm>>
        %dma_wait3A_130 = tpu.memref_slice %arg9[%mul3A_122] : memref<10000xf32, #tpu.memory_space<vmem_shared>> -> memref<1000xf32, #tpu.memory_space<vmem_shared>>
        tpu.wait_dma2 semaphore(%run_scoped3A : memref<!tpu.dma_semaphore, #tpu.memory_space<semaphore_mem>>) src(%dma_wait3A_130 : memref<1000xf32, #tpu.memory_space<vmem_shared>>) dst(%dma_wait3A_129 : memref<1000xf32, #tpu.memory_space<hbm>>)
        tpu.yield
      }) : () -> ()
    } else {
    }
    %ge3A_116 = arith.constant 6 : i32
    %ge3A_117 = arith.cmpi sge, %arg1, %ge3A_116 : i32
    %convert_element_type3A_118 = arith.extui %ge3A_117 : i1 to i32
    %cond3A_119 = arith.constant 0 : i32
    %cond3A_120 = arith.cmpi ne, %convert_element_type3A_118, %cond3A_119 : i32
    scf.if %cond3A_120 {
      %sub3A_121 = arith.constant 6 : i32
      %sub3A_122 = arith.subi %arg1, %sub3A_121 : i32
      %mul3A_123 = arith.constant 1000 : i32
      %mul3A_124 = arith.muli %sub3A_122, %mul3A_123 : i32
      %mul3A_125 = arith.constant 2 : i32
      %mul3A_126 = arith.muli %mul3A_125, %arg0 : i32
      %add3A_127 = arith.constant 1 : i32
      %add3A_128 = arith.addi %mul3A_126, %add3A_127 : i32
      %mul3A_129 = arith.constant 1000 : i32
      %mul3A_130 = arith.muli %sub3A_122, %mul3A_129 : i32
      "tpu.region"() ({
        %run_scoped3A = tpu.sem_alloc : memref<!tpu.dma_semaphore, #tpu.memory_space<semaphore_mem>>
        %dma_start3A = tpu.memref_slice %arg4[%add3A_128, %mul3A_130] : memref<4x10000xf32, #tpu.memory_space<hbm>> -> memref<1x1000xf32, #tpu.memory_space<hbm>>
        %dma_start3A_131 = tpu.memref_squeeze %dma_start3A : memref<1x1000xf32, #tpu.memory_space<hbm>> -> memref<1000xf32, #tpu.memory_space<hbm>>
        %dma_start3A_132 = tpu.memref_slice %arg10[%mul3A_124] : memref<10000xf32, #tpu.memory_space<vmem_shared>> -> memref<1000xf32, #tpu.memory_space<vmem_shared>>
        tpu.enqueue_dma source(%dma_start3A_132 : memref<1000xf32, #tpu.memory_space<vmem_shared>>) target(%dma_start3A_131 : memref<1000xf32, #tpu.memory_space<hbm>>) target_semaphore(%run_scoped3A : memref<!tpu.dma_semaphore, #tpu.memory_space<semaphore_mem>>)
        %dma_wait3A = tpu.memref_slice %arg4[%add3A_128, %mul3A_130] : memref<4x10000xf32, #tpu.memory_space<hbm>> -> memref<1x1000xf32, #tpu.memory_space<hbm>>
        %dma_wait3A_133 = tpu.memref_squeeze %dma_wait3A : memref<1x1000xf32, #tpu.memory_space<hbm>> -> memref<1000xf32, #tpu.memory_space<hbm>>
        %dma_wait3A_134 = tpu.memref_slice %arg10[%mul3A_124] : memref<10000xf32, #tpu.memory_space<vmem_shared>> -> memref<1000xf32, #tpu.memory_space<vmem_shared>>
        tpu.wait_dma2 semaphore(%run_scoped3A : memref<!tpu.dma_semaphore, #tpu.memory_space<semaphore_mem>>) src(%dma_wait3A_134 : memref<1000xf32, #tpu.memory_space<vmem_shared>>) dst(%dma_wait3A_133 : memref<1000xf32, #tpu.memory_space<hbm>>)
        tpu.yield
      }) : () -> ()
    } else {
    }
    return
  }
}

#map = affine_map<(d0, d1) -> (0, 0)>
#map1 = affine_map<(d0, d1) -> (0, 0, 0)>
module attributes {stable_mosaic.version = 14 : i64} {
  func.func @body(%arg0: i32, %arg1: i32, %arg2: memref<10000x128xf32, #tpu.memory_space<hbm>>, %arg3: memref<5000x64xi32, #tpu.memory_space<hbm>>, %arg4: memref<5000x64xi32, #tpu.memory_space<hbm>>, %arg5: memref<2x10000x128xf32, #tpu.memory_space<hbm>>, %arg6: memref<157x64xi32, #tpu.memory_space<vmem>>, %arg7: memref<157x64xi32, #tpu.memory_space<vmem>>, %arg8: memref<64x128xf32, #tpu.memory_space<vmem>>, %arg9: memref<64x128xf32, #tpu.memory_space<vmem>>, %arg10: memref<64x128xf32, #tpu.memory_space<vmem>>, %arg11: memref<10000x128xf32, #tpu.memory_space<vmem_shared>>, %arg12: memref<!tpu.dma_semaphore, #tpu.memory_space<semaphore_mem>>, %arg13: memref<!tpu.dma_semaphore, #tpu.memory_space<semaphore_mem>>, %arg14: memref<!tpu.dma_semaphore, #tpu.memory_space<semaphore_mem>>, %arg15: memref<!tpu.dma_semaphore, #tpu.memory_space<semaphore_mem>>, %arg16: memref<!tpu.dma_semaphore, #tpu.memory_space<semaphore_mem>>, %arg17: memref<!tpu.dma_semaphore, #tpu.memory_space<semaphore_mem>>) attributes {dimension_semantics = [#tpu.dimension_semantics<core_parallel>, #tpu.dimension_semantics<subcore_parallel>], iteration_bounds = array<i64: 2, 16>, scalar_prefetch = 0 : i64, scratch_operands = 12 : i64, tpu.core_type = #tpu.core_type<sc_vector_subcore>, window_params = [{transform_indices = #map}, {transform_indices = #map}, {transform_indices = #map}, {transform_indices = #map1}]} {
    %mul3A = arith.constant 2 : i32
    %mul3A_0 = arith.muli %arg1, %mul3A : i32
    %add3A = arith.addi %mul3A_0, %arg0 : i32
    %scan3A = arith.constant 0 : i32
    %scan3A_1 = arith.constant 64 : i32
    %scan3A_2 = arith.addi %scan3A, %scan3A_1 : i32
    %scan3A_3 = arith.constant 1 : i32
    scf.for %scan3A_127 = %scan3A to %scan3A_2 step %scan3A_3  : i32 {
      %mul3A_128 = arith.constant 1 : i32
      %mul3A_129 = arith.muli %scan3A_127, %mul3A_128 : i32
      %add3A_130 = arith.constant 0 : i32
      %add3A_131 = arith.addi %add3A_130, %mul3A_129 : i32
      %broadcast_in_dim3A = arith.constant 0.000000e+00 : f32
      %broadcast_in_dim3A_132 = vector.broadcast %broadcast_in_dim3A : f32 to vector<16xf32>
      %swap3A = arith.index_cast %add3A_131 : i32 to index
      %swap3A_133 = arith.constant 0 : index
      %swap3A_134 = tpu.vector_load %arg8[%swap3A, %swap3A_133] {strides = array<i32>} : memref<64x128xf32, #tpu.memory_space<vmem>>, vector<1x16xf32>,
      %swap3A_135 = vector.shape_cast %swap3A_134 : vector<1x16xf32> to vector<16xf32>
      %swap3A_136 = vector.shape_cast %broadcast_in_dim3A_132 : vector<16xf32> to vector<1x16xf32>
      tpu.vector_store %arg8[%swap3A, %swap3A_133], %swap3A_136 {strides = array<i32>} : memref<64x128xf32, #tpu.memory_space<vmem>>, vector<1x16xf32>,
      %broadcast_in_dim3A_137 = arith.constant 0.000000e+00 : f32
      %broadcast_in_dim3A_138 = vector.broadcast %broadcast_in_dim3A_137 : f32 to vector<16xf32>
      %swap3A_139 = arith.index_cast %add3A_131 : i32 to index
      %swap3A_140 = arith.constant 16 : index
      %swap3A_141 = tpu.vector_load %arg8[%swap3A_139, %swap3A_140] {strides = array<i32>} : memref<64x128xf32, #tpu.memory_space<vmem>>, vector<1x16xf32>,
      %swap3A_142 = vector.shape_cast %swap3A_141 : vector<1x16xf32> to vector<16xf32>
      %swap3A_143 = vector.shape_cast %broadcast_in_dim3A_138 : vector<16xf32> to vector<1x16xf32>
      tpu.vector_store %arg8[%swap3A_139, %swap3A_140], %swap3A_143 {strides = array<i32>} : memref<64x128xf32, #tpu.memory_space<vmem>>, vector<1x16xf32>,
      %broadcast_in_dim3A_144 = arith.constant 0.000000e+00 : f32
      %broadcast_in_dim3A_145 = vector.broadcast %broadcast_in_dim3A_144 : f32 to vector<16xf32>
      %swap3A_146 = arith.index_cast %add3A_131 : i32 to index
      %swap3A_147 = arith.constant 32 : index
      %swap3A_148 = tpu.vector_load %arg8[%swap3A_146, %swap3A_147] {strides = array<i32>} : memref<64x128xf32, #tpu.memory_space<vmem>>, vector<1x16xf32>,
      %swap3A_149 = vector.shape_cast %swap3A_148 : vector<1x16xf32> to vector<16xf32>
      %swap3A_150 = vector.shape_cast %broadcast_in_dim3A_145 : vector<16xf32> to vector<1x16xf32>
      tpu.vector_store %arg8[%swap3A_146, %swap3A_147], %swap3A_150 {strides = array<i32>} : memref<64x128xf32, #tpu.memory_space<vmem>>, vector<1x16xf32>,
      %broadcast_in_dim3A_151 = arith.constant 0.000000e+00 : f32
      %broadcast_in_dim3A_152 = vector.broadcast %broadcast_in_dim3A_151 : f32 to vector<16xf32>
      %swap3A_153 = arith.index_cast %add3A_131 : i32 to index
      %swap3A_154 = arith.constant 48 : index
      %swap3A_155 = tpu.vector_load %arg8[%swap3A_153, %swap3A_154] {strides = array<i32>} : memref<64x128xf32, #tpu.memory_space<vmem>>, vector<1x16xf32>,
      %swap3A_156 = vector.shape_cast %swap3A_155 : vector<1x16xf32> to vector<16xf32>
      %swap3A_157 = vector.shape_cast %broadcast_in_dim3A_152 : vector<16xf32> to vector<1x16xf32>
      tpu.vector_store %arg8[%swap3A_153, %swap3A_154], %swap3A_157 {strides = array<i32>} : memref<64x128xf32, #tpu.memory_space<vmem>>, vector<1x16xf32>,
      %broadcast_in_dim3A_158 = arith.constant 0.000000e+00 : f32
      %broadcast_in_dim3A_159 = vector.broadcast %broadcast_in_dim3A_158 : f32 to vector<16xf32>
      %swap3A_160 = arith.index_cast %add3A_131 : i32 to index
      %swap3A_161 = arith.constant 64 : index
      %swap3A_162 = tpu.vector_load %arg8[%swap3A_160, %swap3A_161] {strides = array<i32>} : memref<64x128xf32, #tpu.memory_space<vmem>>, vector<1x16xf32>,
      %swap3A_163 = vector.shape_cast %swap3A_162 : vector<1x16xf32> to vector<16xf32>
      %swap3A_164 = vector.shape_cast %broadcast_in_dim3A_159 : vector<16xf32> to vector<1x16xf32>
      tpu.vector_store %arg8[%swap3A_160, %swap3A_161], %swap3A_164 {strides = array<i32>} : memref<64x128xf32, #tpu.memory_space<vmem>>, vector<1x16xf32>,
      %broadcast_in_dim3A_165 = arith.constant 0.000000e+00 : f32
      %broadcast_in_dim3A_166 = vector.broadcast %broadcast_in_dim3A_165 : f32 to vector<16xf32>
      %swap3A_167 = arith.index_cast %add3A_131 : i32 to index
      %swap3A_168 = arith.constant 80 : index
      %swap3A_169 = tpu.vector_load %arg8[%swap3A_167, %swap3A_168] {strides = array<i32>} : memref<64x128xf32, #tpu.memory_space<vmem>>, vector<1x16xf32>,
      %swap3A_170 = vector.shape_cast %swap3A_169 : vector<1x16xf32> to vector<16xf32>
      %swap3A_171 = vector.shape_cast %broadcast_in_dim3A_166 : vector<16xf32> to vector<1x16xf32>
      tpu.vector_store %arg8[%swap3A_167, %swap3A_168], %swap3A_171 {strides = array<i32>} : memref<64x128xf32, #tpu.memory_space<vmem>>, vector<1x16xf32>,
      %broadcast_in_dim3A_172 = arith.constant 0.000000e+00 : f32
      %broadcast_in_dim3A_173 = vector.broadcast %broadcast_in_dim3A_172 : f32 to vector<16xf32>
      %swap3A_174 = arith.index_cast %add3A_131 : i32 to index
      %swap3A_175 = arith.constant 96 : index
      %swap3A_176 = tpu.vector_load %arg8[%swap3A_174, %swap3A_175] {strides = array<i32>} : memref<64x128xf32, #tpu.memory_space<vmem>>, vector<1x16xf32>,
      %swap3A_177 = vector.shape_cast %swap3A_176 : vector<1x16xf32> to vector<16xf32>
      %swap3A_178 = vector.shape_cast %broadcast_in_dim3A_173 : vector<16xf32> to vector<1x16xf32>
      tpu.vector_store %arg8[%swap3A_174, %swap3A_175], %swap3A_178 {strides = array<i32>} : memref<64x128xf32, #tpu.memory_space<vmem>>, vector<1x16xf32>,
      %broadcast_in_dim3A_179 = arith.constant 0.000000e+00 : f32
      %broadcast_in_dim3A_180 = vector.broadcast %broadcast_in_dim3A_179 : f32 to vector<16xf32>
      %swap3A_181 = arith.index_cast %add3A_131 : i32 to index
      %swap3A_182 = arith.constant 112 : index
      %swap3A_183 = tpu.vector_load %arg8[%swap3A_181, %swap3A_182] {strides = array<i32>} : memref<64x128xf32, #tpu.memory_space<vmem>>, vector<1x16xf32>,
      %swap3A_184 = vector.shape_cast %swap3A_183 : vector<1x16xf32> to vector<16xf32>
      %swap3A_185 = vector.shape_cast %broadcast_in_dim3A_180 : vector<16xf32> to vector<1x16xf32>
      tpu.vector_store %arg8[%swap3A_181, %swap3A_182], %swap3A_185 {strides = array<i32>} : memref<64x128xf32, #tpu.memory_space<vmem>>, vector<1x16xf32>,
    }
    %scan3A_4 = arith.constant 64 : i32
    %scan3A_5 = arith.constant 0 : i32
    %scan3A_6 = arith.constant 9 : i32
    %scan3A_7 = arith.addi %scan3A_5, %scan3A_6 : i32
    %scan3A_8 = arith.constant 1 : i32
    scf.for %scan3A_127 = %scan3A_5 to %scan3A_7 step %scan3A_8  : i32 {
      %mul3A_128 = arith.constant 1 : i32
      %mul3A_129 = arith.muli %scan3A_127, %mul3A_128 : i32
      %add3A_130 = arith.constant 0 : i32
      %add3A_131 = arith.addi %add3A_130, %mul3A_129 : i32
      %mul3A_132 = arith.constant 625 : i32
      %mul3A_133 = arith.muli %arg1, %mul3A_132 : i32
      %mul3A_134 = arith.constant 64 : i32
      %mul3A_135 = arith.muli %add3A_131, %mul3A_134 : i32
      %add3A_136 = arith.addi %mul3A_133, %mul3A_135 : i32
      "tpu.region"() ({
        %run_scoped3A = tpu.sem_alloc : memref<!tpu.dma_semaphore, #tpu.memory_space<semaphore_mem>>
        %dma_start3A_137 = arith.constant 0 : i32
        %dma_start3A_138 = tpu.memref_slice %arg11[%add3A_136, %dma_start3A_137] : memref<10000x128xf32, #tpu.memory_space<vmem_shared>> -> memref<64x128xf32, #tpu.memory_space<vmem_shared>>
        %dma_start3A_139 = arith.constant 0 : i32
        %dma_start3A_140 = tpu.memref_slice %arg11[%add3A_136, %dma_start3A_139] : memref<10000x128xf32, #tpu.memory_space<vmem_shared>> -> memref<64x128xf32, #tpu.memory_space<vmem_shared>>
        tpu.enqueue_dma source(%arg8 : memref<64x128xf32, #tpu.memory_space<vmem>>) target(%dma_start3A_140 : memref<64x128xf32, #tpu.memory_space<vmem_shared>>) target_semaphore(%run_scoped3A : memref<!tpu.dma_semaphore, #tpu.memory_space<semaphore_mem>>)
        %dma_wait3A = arith.constant 0 : i32
        %dma_wait3A_141 = tpu.memref_slice %arg11[%add3A_136, %dma_wait3A] : memref<10000x128xf32, #tpu.memory_space<vmem_shared>> -> memref<64x128xf32, #tpu.memory_space<vmem_shared>>
        %dma_wait3A_142 = arith.constant 0 : i32
        %dma_wait3A_143 = tpu.memref_slice %arg11[%add3A_136, %dma_wait3A_142] : memref<10000x128xf32, #tpu.memory_space<vmem_shared>> -> memref<64x128xf32, #tpu.memory_space<vmem_shared>>
        tpu.wait_dma2 semaphore(%run_scoped3A : memref<!tpu.dma_semaphore, #tpu.memory_space<semaphore_mem>>) src(%arg8 : memref<64x128xf32, #tpu.memory_space<vmem>>) dst(%dma_wait3A_143 : memref<64x128xf32, #tpu.memory_space<vmem_shared>>)
        tpu.yield
      }) : () -> ()
    }
    %scan3A_9 = arith.constant 9 : i32
    %mul3A_10 = arith.constant 625 : i32
    %mul3A_11 = arith.muli %arg1, %mul3A_10 : i32
    %add3A_12 = arith.constant 576 : i32
    %add3A_13 = arith.addi %mul3A_11, %add3A_12 : i32
    "tpu.region"() ({
      %run_scoped3A = tpu.sem_alloc : memref<!tpu.dma_semaphore, #tpu.memory_space<semaphore_mem>>
      %dma_start3A_127 = arith.constant 0 : i32
      %dma_start3A_128 = arith.constant 0 : i32
      %dma_start3A_129 = tpu.memref_slice %arg8[%dma_start3A_127, %dma_start3A_128] : memref<64x128xf32, #tpu.memory_space<vmem>> -> memref<49x128xf32, #tpu.memory_space<vmem>>
      %dma_start3A_130 = arith.constant 0 : i32
      %dma_start3A_131 = tpu.memref_slice %arg11[%add3A_13, %dma_start3A_130] : memref<10000x128xf32, #tpu.memory_space<vmem_shared>> -> memref<49x128xf32, #tpu.memory_space<vmem_shared>>
      %dma_start3A_132 = arith.constant 0 : i32
      %dma_start3A_133 = tpu.memref_slice %arg11[%add3A_13, %dma_start3A_132] : memref<10000x128xf32, #tpu.memory_space<vmem_shared>> -> memref<49x128xf32, #tpu.memory_space<vmem_shared>>
      %dma_start3A_134 = arith.constant 0 : i32
      %dma_start3A_135 = arith.constant 0 : i32
      %dma_start3A_136 = tpu.memref_slice %arg8[%dma_start3A_134, %dma_start3A_135] : memref<64x128xf32, #tpu.memory_space<vmem>> -> memref<49x128xf32, #tpu.memory_space<vmem>>
      tpu.enqueue_dma source(%dma_start3A_136 : memref<49x128xf32, #tpu.memory_space<vmem>>) target(%dma_start3A_133 : memref<49x128xf32, #tpu.memory_space<vmem_shared>>) target_semaphore(%run_scoped3A : memref<!tpu.dma_semaphore, #tpu.memory_space<semaphore_mem>>)
      %dma_wait3A = arith.constant 0 : i32
      %dma_wait3A_137 = arith.constant 0 : i32
      %dma_wait3A_138 = tpu.memref_slice %arg8[%dma_wait3A, %dma_wait3A_137] : memref<64x128xf32, #tpu.memory_space<vmem>> -> memref<49x128xf32, #tpu.memory_space<vmem>>
      %dma_wait3A_139 = arith.constant 0 : i32
      %dma_wait3A_140 = tpu.memref_slice %arg11[%add3A_13, %dma_wait3A_139] : memref<10000x128xf32, #tpu.memory_space<vmem_shared>> -> memref<49x128xf32, #tpu.memory_space<vmem_shared>>
      %dma_wait3A_141 = arith.constant 0 : i32
      %dma_wait3A_142 = tpu.memref_slice %arg11[%add3A_13, %dma_wait3A_141] : memref<10000x128xf32, #tpu.memory_space<vmem_shared>> -> memref<49x128xf32, #tpu.memory_space<vmem_shared>>
      %dma_wait3A_143 = arith.constant 0 : i32
      %dma_wait3A_144 = arith.constant 0 : i32
      %dma_wait3A_145 = tpu.memref_slice %arg8[%dma_wait3A_143, %dma_wait3A_144] : memref<64x128xf32, #tpu.memory_space<vmem>> -> memref<49x128xf32, #tpu.memory_space<vmem>>
      tpu.wait_dma2 semaphore(%run_scoped3A : memref<!tpu.dma_semaphore, #tpu.memory_space<semaphore_mem>>) src(%dma_wait3A_145 : memref<49x128xf32, #tpu.memory_space<vmem>>) dst(%dma_wait3A_142 : memref<49x128xf32, #tpu.memory_space<vmem_shared>>)
      tpu.yield
    }) : () -> ()
    %barrier3A = arith.constant 0 : index
    tpu.barrier barrier_id(%barrier3A)
    %mul3A_14 = arith.constant 156 : i32
    %mul3A_15 = arith.muli %mul3A_14, %add3A : i32
    %min3A = arith.constant 8 : i32
    %min3A_16 = arith.minsi %add3A, %min3A : i32
    %add3A_17 = arith.addi %mul3A_15, %min3A_16 : i32
    %lt3A = arith.constant 8 : i32
    %lt3A_18 = arith.cmpi slt, %add3A, %lt3A : i32
    %convert_element_type3A = arith.extui %lt3A_18 : i1 to i32
    %add3A_19 = arith.constant 156 : i32
    %add3A_20 = arith.addi %add3A_19, %convert_element_type3A : i32
    "tpu.region"() ({
      %run_scoped3A = tpu.sem_alloc : memref<!tpu.dma_semaphore, #tpu.memory_space<semaphore_mem>>
      %dma_start3A_127 = arith.constant 0 : i32
      %dma_start3A_128 = arith.constant 0 : i32
      %dma_start3A_129 = tpu.memref_slice %arg6[%dma_start3A_127, %dma_start3A_128] : memref<157x64xi32, #tpu.memory_space<vmem>> -> memref<156x64xi32, #tpu.memory_space<vmem>>
      %dma_start3A_130 = arith.constant 0 : i32
      %dma_start3A_131 = tpu.memref_slice %arg3[%add3A_17, %dma_start3A_130] : memref<5000x64xi32, #tpu.memory_space<hbm>> -> memref<156x64xi32, #tpu.memory_space<hbm>>
      %dma_start3A_132 = arith.constant 0 : i32
      %dma_start3A_133 = arith.constant 0 : i32
      %dma_start3A_134 = tpu.memref_slice %arg6[%dma_start3A_132, %dma_start3A_133] : memref<157x64xi32, #tpu.memory_space<vmem>> -> memref<156x64xi32, #tpu.memory_space<vmem>>
      %dma_start3A_135 = arith.constant 0 : i32
      %dma_start3A_136 = tpu.memref_slice %arg3[%add3A_17, %dma_start3A_135] : memref<5000x64xi32, #tpu.memory_space<hbm>> -> memref<156x64xi32, #tpu.memory_space<hbm>>
      tpu.enqueue_dma source(%dma_start3A_136 : memref<156x64xi32, #tpu.memory_space<hbm>>) target(%dma_start3A_134 : memref<156x64xi32, #tpu.memory_space<vmem>>) target_semaphore(%run_scoped3A : memref<!tpu.dma_semaphore, #tpu.memory_space<semaphore_mem>>)
      %dma_wait3A = arith.constant 0 : i32
      %dma_wait3A_137 = arith.constant 0 : i32
      %dma_wait3A_138 = tpu.memref_slice %arg6[%dma_wait3A, %dma_wait3A_137] : memref<157x64xi32, #tpu.memory_space<vmem>> -> memref<156x64xi32, #tpu.memory_space<vmem>>
      %dma_wait3A_139 = arith.constant 0 : i32
      %dma_wait3A_140 = tpu.memref_slice %arg3[%add3A_17, %dma_wait3A_139] : memref<5000x64xi32, #tpu.memory_space<hbm>> -> memref<156x64xi32, #tpu.memory_space<hbm>>
      %dma_wait3A_141 = arith.constant 0 : i32
      %dma_wait3A_142 = arith.constant 0 : i32
      %dma_wait3A_143 = tpu.memref_slice %arg6[%dma_wait3A_141, %dma_wait3A_142] : memref<157x64xi32, #tpu.memory_space<vmem>> -> memref<156x64xi32, #tpu.memory_space<vmem>>
      %dma_wait3A_144 = arith.constant 0 : i32
      %dma_wait3A_145 = tpu.memref_slice %arg3[%add3A_17, %dma_wait3A_144] : memref<5000x64xi32, #tpu.memory_space<hbm>> -> memref<156x64xi32, #tpu.memory_space<hbm>>
      tpu.wait_dma2 semaphore(%run_scoped3A : memref<!tpu.dma_semaphore, #tpu.memory_space<semaphore_mem>>) src(%dma_wait3A_145 : memref<156x64xi32, #tpu.memory_space<hbm>>) dst(%dma_wait3A_143 : memref<156x64xi32, #tpu.memory_space<vmem>>)
      tpu.yield
    }) : () -> ()
    "tpu.region"() ({
      %run_scoped3A = tpu.sem_alloc : memref<!tpu.dma_semaphore, #tpu.memory_space<semaphore_mem>>
      %dma_start3A_127 = arith.constant 0 : i32
      %dma_start3A_128 = arith.constant 0 : i32
      %dma_start3A_129 = tpu.memref_slice %arg7[%dma_start3A_127, %dma_start3A_128] : memref<157x64xi32, #tpu.memory_space<vmem>> -> memref<156x64xi32, #tpu.memory_space<vmem>>
      %dma_start3A_130 = arith.constant 0 : i32
      %dma_start3A_131 = tpu.memref_slice %arg4[%add3A_17, %dma_start3A_130] : memref<5000x64xi32, #tpu.memory_space<hbm>> -> memref<156x64xi32, #tpu.memory_space<hbm>>
      %dma_start3A_132 = arith.constant 0 : i32
      %dma_start3A_133 = arith.constant 0 : i32
      %dma_start3A_134 = tpu.memref_slice %arg7[%dma_start3A_132, %dma_start3A_133] : memref<157x64xi32, #tpu.memory_space<vmem>> -> memref<156x64xi32, #tpu.memory_space<vmem>>
      %dma_start3A_135 = arith.constant 0 : i32
      %dma_start3A_136 = tpu.memref_slice %arg4[%add3A_17, %dma_start3A_135] : memref<5000x64xi32, #tpu.memory_space<hbm>> -> memref<156x64xi32, #tpu.memory_space<hbm>>
      tpu.enqueue_dma source(%dma_start3A_136 : memref<156x64xi32, #tpu.memory_space<hbm>>) target(%dma_start3A_134 : memref<156x64xi32, #tpu.memory_space<vmem>>) target_semaphore(%run_scoped3A : memref<!tpu.dma_semaphore, #tpu.memory_space<semaphore_mem>>)
      %dma_wait3A = arith.constant 0 : i32
      %dma_wait3A_137 = arith.constant 0 : i32
      %dma_wait3A_138 = tpu.memref_slice %arg7[%dma_wait3A, %dma_wait3A_137] : memref<157x64xi32, #tpu.memory_space<vmem>> -> memref<156x64xi32, #tpu.memory_space<vmem>>
      %dma_wait3A_139 = arith.constant 0 : i32
      %dma_wait3A_140 = tpu.memref_slice %arg4[%add3A_17, %dma_wait3A_139] : memref<5000x64xi32, #tpu.memory_space<hbm>> -> memref<156x64xi32, #tpu.memory_space<hbm>>
      %dma_wait3A_141 = arith.constant 0 : i32
      %dma_wait3A_142 = arith.constant 0 : i32
      %dma_wait3A_143 = tpu.memref_slice %arg7[%dma_wait3A_141, %dma_wait3A_142] : memref<157x64xi32, #tpu.memory_space<vmem>> -> memref<156x64xi32, #tpu.memory_space<vmem>>
      %dma_wait3A_144 = arith.constant 0 : i32
      %dma_wait3A_145 = tpu.memref_slice %arg4[%add3A_17, %dma_wait3A_144] : memref<5000x64xi32, #tpu.memory_space<hbm>> -> memref<156x64xi32, #tpu.memory_space<hbm>>
      tpu.wait_dma2 semaphore(%run_scoped3A : memref<!tpu.dma_semaphore, #tpu.memory_space<semaphore_mem>>) src(%dma_wait3A_145 : memref<156x64xi32, #tpu.memory_space<hbm>>) dst(%dma_wait3A_143 : memref<156x64xi32, #tpu.memory_space<vmem>>)
      tpu.yield
    }) : () -> ()
    %lt3A_21 = arith.constant 8 : i32
    %lt3A_22 = arith.cmpi slt, %add3A, %lt3A_21 : i32
    %convert_element_type3A_23 = arith.extui %lt3A_22 : i1 to i32
    %cond3A = arith.constant 0 : i32
    %cond3A_24 = arith.cmpi ne, %convert_element_type3A_23, %cond3A : i32
    scf.if %cond3A_24 {
      %add3A_127 = arith.constant 156 : i32
      %add3A_128 = arith.addi %add3A_17, %add3A_127 : i32
      %run_scoped3A = arith.constant 156 : i32
      "tpu.region"() ({
        %run_scoped3A_132 = tpu.sem_alloc : memref<!tpu.dma_semaphore, #tpu.memory_space<semaphore_mem>>
        %dma_start3A_133 = arith.constant 0 : i32
        %dma_start3A_134 = tpu.memref_slice %arg6[%run_scoped3A, %dma_start3A_133] : memref<157x64xi32, #tpu.memory_space<vmem>> -> memref<1x64xi32, #tpu.memory_space<vmem>>
        %dma_start3A_135 = tpu.memref_squeeze %dma_start3A_134 : memref<1x64xi32, #tpu.memory_space<vmem>> -> memref<64xi32, #tpu.memory_space<vmem>>
        %dma_start3A_136 = arith.constant 0 : i32
        %dma_start3A_137 = tpu.memref_slice %arg3[%add3A_128, %dma_start3A_136] : memref<5000x64xi32, #tpu.memory_space<hbm>> -> memref<1x64xi32, #tpu.memory_space<hbm>>
        %dma_start3A_138 = tpu.memref_squeeze %dma_start3A_137 : memref<1x64xi32, #tpu.memory_space<hbm>> -> memref<64xi32, #tpu.memory_space<hbm>>
        %dma_start3A_139 = arith.constant 0 : i32
        %dma_start3A_140 = tpu.memref_slice %arg6[%run_scoped3A, %dma_start3A_139] : memref<157x64xi32, #tpu.memory_space<vmem>> -> memref<1x64xi32, #tpu.memory_space<vmem>>
        %dma_start3A_141 = tpu.memref_squeeze %dma_start3A_140 : memref<1x64xi32, #tpu.memory_space<vmem>> -> memref<64xi32, #tpu.memory_space<vmem>>
        %dma_start3A_142 = arith.constant 0 : i32
        %dma_start3A_143 = tpu.memref_slice %arg3[%add3A_128, %dma_start3A_142] : memref<5000x64xi32, #tpu.memory_space<hbm>> -> memref<1x64xi32, #tpu.memory_space<hbm>>
        %dma_start3A_144 = tpu.memref_squeeze %dma_start3A_143 : memref<1x64xi32, #tpu.memory_space<hbm>> -> memref<64xi32, #tpu.memory_space<hbm>>
        tpu.enqueue_dma source(%dma_start3A_144 : memref<64xi32, #tpu.memory_space<hbm>>) target(%dma_start3A_141 : memref<64xi32, #tpu.memory_space<vmem>>) target_semaphore(%run_scoped3A_132 : memref<!tpu.dma_semaphore, #tpu.memory_space<semaphore_mem>>)
        %dma_wait3A = arith.constant 0 : i32
        %dma_wait3A_145 = tpu.memref_slice %arg6[%run_scoped3A, %dma_wait3A] : memref<157x64xi32, #tpu.memory_space<vmem>> -> memref<1x64xi32, #tpu.memory_space<vmem>>
        %dma_wait3A_146 = tpu.memref_squeeze %dma_wait3A_145 : memref<1x64xi32, #tpu.memory_space<vmem>> -> memref<64xi32, #tpu.memory_space<vmem>>
        %dma_wait3A_147 = arith.constant 0 : i32
        %dma_wait3A_148 = tpu.memref_slice %arg3[%add3A_128, %dma_wait3A_147] : memref<5000x64xi32, #tpu.memory_space<hbm>> -> memref<1x64xi32, #tpu.memory_space<hbm>>
        %dma_wait3A_149 = tpu.memref_squeeze %dma_wait3A_148 : memref<1x64xi32, #tpu.memory_space<hbm>> -> memref<64xi32, #tpu.memory_space<hbm>>
        %dma_wait3A_150 = arith.constant 0 : i32
        %dma_wait3A_151 = tpu.memref_slice %arg6[%run_scoped3A, %dma_wait3A_150] : memref<157x64xi32, #tpu.memory_space<vmem>> -> memref<1x64xi32, #tpu.memory_space<vmem>>
        %dma_wait3A_152 = tpu.memref_squeeze %dma_wait3A_151 : memref<1x64xi32, #tpu.memory_space<vmem>> -> memref<64xi32, #tpu.memory_space<vmem>>
        %dma_wait3A_153 = arith.constant 0 : i32
        %dma_wait3A_154 = tpu.memref_slice %arg3[%add3A_128, %dma_wait3A_153] : memref<5000x64xi32, #tpu.memory_space<hbm>> -> memref<1x64xi32, #tpu.memory_space<hbm>>
        %dma_wait3A_155 = tpu.memref_squeeze %dma_wait3A_154 : memref<1x64xi32, #tpu.memory_space<hbm>> -> memref<64xi32, #tpu.memory_space<hbm>>
        tpu.wait_dma2 semaphore(%run_scoped3A_132 : memref<!tpu.dma_semaphore, #tpu.memory_space<semaphore_mem>>) src(%dma_wait3A_155 : memref<64xi32, #tpu.memory_space<hbm>>) dst(%dma_wait3A_152 : memref<64xi32, #tpu.memory_space<vmem>>)
        tpu.yield
      }) : () -> ()
      %add3A_129 = arith.constant 156 : i32
      %add3A_130 = arith.addi %add3A_17, %add3A_129 : i32
      %run_scoped3A_131 = arith.constant 156 : i32
      "tpu.region"() ({
        %run_scoped3A_132 = tpu.sem_alloc : memref<!tpu.dma_semaphore, #tpu.memory_space<semaphore_mem>>
        %dma_start3A_133 = arith.constant 0 : i32
        %dma_start3A_134 = tpu.memref_slice %arg7[%run_scoped3A_131, %dma_start3A_133] : memref<157x64xi32, #tpu.memory_space<vmem>> -> memref<1x64xi32, #tpu.memory_space<vmem>>
        %dma_start3A_135 = tpu.memref_squeeze %dma_start3A_134 : memref<1x64xi32, #tpu.memory_space<vmem>> -> memref<64xi32, #tpu.memory_space<vmem>>
        %dma_start3A_136 = arith.constant 0 : i32
        %dma_start3A_137 = tpu.memref_slice %arg4[%add3A_130, %dma_start3A_136] : memref<5000x64xi32, #tpu.memory_space<hbm>> -> memref<1x64xi32, #tpu.memory_space<hbm>>
        %dma_start3A_138 = tpu.memref_squeeze %dma_start3A_137 : memref<1x64xi32, #tpu.memory_space<hbm>> -> memref<64xi32, #tpu.memory_space<hbm>>
        %dma_start3A_139 = arith.constant 0 : i32
        %dma_start3A_140 = tpu.memref_slice %arg7[%run_scoped3A_131, %dma_start3A_139] : memref<157x64xi32, #tpu.memory_space<vmem>> -> memref<1x64xi32, #tpu.memory_space<vmem>>
        %dma_start3A_141 = tpu.memref_squeeze %dma_start3A_140 : memref<1x64xi32, #tpu.memory_space<vmem>> -> memref<64xi32, #tpu.memory_space<vmem>>
        %dma_start3A_142 = arith.constant 0 : i32
        %dma_start3A_143 = tpu.memref_slice %arg4[%add3A_130, %dma_start3A_142] : memref<5000x64xi32, #tpu.memory_space<hbm>> -> memref<1x64xi32, #tpu.memory_space<hbm>>
        %dma_start3A_144 = tpu.memref_squeeze %dma_start3A_143 : memref<1x64xi32, #tpu.memory_space<hbm>> -> memref<64xi32, #tpu.memory_space<hbm>>
        tpu.enqueue_dma source(%dma_start3A_144 : memref<64xi32, #tpu.memory_space<hbm>>) target(%dma_start3A_141 : memref<64xi32, #tpu.memory_space<vmem>>) target_semaphore(%run_scoped3A_132 : memref<!tpu.dma_semaphore, #tpu.memory_space<semaphore_mem>>)
        %dma_wait3A = arith.constant 0 : i32
        %dma_wait3A_145 = tpu.memref_slice %arg7[%run_scoped3A_131, %dma_wait3A] : memref<157x64xi32, #tpu.memory_space<vmem>> -> memref<1x64xi32, #tpu.memory_space<vmem>>
        %dma_wait3A_146 = tpu.memref_squeeze %dma_wait3A_145 : memref<1x64xi32, #tpu.memory_space<vmem>> -> memref<64xi32, #tpu.memory_space<vmem>>
        %dma_wait3A_147 = arith.constant 0 : i32
        %dma_wait3A_148 = tpu.memref_slice %arg4[%add3A_130, %dma_wait3A_147] : memref<5000x64xi32, #tpu.memory_space<hbm>> -> memref<1x64xi32, #tpu.memory_space<hbm>>
        %dma_wait3A_149 = tpu.memref_squeeze %dma_wait3A_148 : memref<1x64xi32, #tpu.memory_space<hbm>> -> memref<64xi32, #tpu.memory_space<hbm>>
        %dma_wait3A_150 = arith.constant 0 : i32
        %dma_wait3A_151 = tpu.memref_slice %arg7[%run_scoped3A_131, %dma_wait3A_150] : memref<157x64xi32, #tpu.memory_space<vmem>> -> memref<1x64xi32, #tpu.memory_space<vmem>>
        %dma_wait3A_152 = tpu.memref_squeeze %dma_wait3A_151 : memref<1x64xi32, #tpu.memory_space<vmem>> -> memref<64xi32, #tpu.memory_space<vmem>>
        %dma_wait3A_153 = arith.constant 0 : i32
        %dma_wait3A_154 = tpu.memref_slice %arg4[%add3A_130, %dma_wait3A_153] : memref<5000x64xi32, #tpu.memory_space<hbm>> -> memref<1x64xi32, #tpu.memory_space<hbm>>
        %dma_wait3A_155 = tpu.memref_squeeze %dma_wait3A_154 : memref<1x64xi32, #tpu.memory_space<hbm>> -> memref<64xi32, #tpu.memory_space<hbm>>
        tpu.wait_dma2 semaphore(%run_scoped3A_132 : memref<!tpu.dma_semaphore, #tpu.memory_space<semaphore_mem>>) src(%dma_wait3A_155 : memref<64xi32, #tpu.memory_space<hbm>>) dst(%dma_wait3A_152 : memref<64xi32, #tpu.memory_space<vmem>>)
        tpu.yield
      }) : () -> ()
    } else {
    }
    %dma_start3A = arith.constant 0 : i32
    %dma_start3A_25 = arith.constant 0 : i32
    %dma_start3A_26 = tpu.memref_slice %arg6[%dma_start3A, %dma_start3A_25] : memref<157x64xi32, #tpu.memory_space<vmem>> -> memref<1x64xi32, #tpu.memory_space<vmem>>
    %dma_start3A_27 = tpu.memref_squeeze %dma_start3A_26 : memref<1x64xi32, #tpu.memory_space<vmem>> -> memref<64xi32, #tpu.memory_space<vmem>>
    %dma_start3A_28 = arith.constant 0 : i32
    %dma_start3A_29 = arith.constant 0 : i32
    %dma_start3A_30 = tpu.memref_slice %arg2[%dma_start3A_28, %dma_start3A_29] : memref<10000x128xf32, #tpu.memory_space<hbm>> -> memref<10000x128xf32, #tpu.memory_space<hbm>>
    tpu.enqueue_indirect_dma source(%dma_start3A_30 : memref<10000x128xf32, #tpu.memory_space<hbm>>) target(%arg8 : memref<64x128xf32, #tpu.memory_space<vmem>>) offsets(%dma_start3A_27 : memref<64xi32, #tpu.memory_space<vmem>>) semaphore(%arg12 : memref<!tpu.dma_semaphore, #tpu.memory_space<semaphore_mem>>)
    %dma_start3A_31 = arith.constant 1 : i32
    %dma_start3A_32 = arith.constant 0 : i32
    %dma_start3A_33 = tpu.memref_slice %arg6[%dma_start3A_31, %dma_start3A_32] : memref<157x64xi32, #tpu.memory_space<vmem>> -> memref<1x64xi32, #tpu.memory_space<vmem>>
    %dma_start3A_34 = tpu.memref_squeeze %dma_start3A_33 : memref<1x64xi32, #tpu.memory_space<vmem>> -> memref<64xi32, #tpu.memory_space<vmem>>
    %dma_start3A_35 = arith.constant 0 : i32
    %dma_start3A_36 = arith.constant 0 : i32
    %dma_start3A_37 = tpu.memref_slice %arg2[%dma_start3A_35, %dma_start3A_36] : memref<10000x128xf32, #tpu.memory_space<hbm>> -> memref<10000x128xf32, #tpu.memory_space<hbm>>
    tpu.enqueue_indirect_dma source(%dma_start3A_37 : memref<10000x128xf32, #tpu.memory_space<hbm>>) target(%arg9 : memref<64x128xf32, #tpu.memory_space<vmem>>) offsets(%dma_start3A_34 : memref<64xi32, #tpu.memory_space<vmem>>) semaphore(%arg13 : memref<!tpu.dma_semaphore, #tpu.memory_space<semaphore_mem>>)
    %jit3A = arith.constant 3 : i32
    %div3A = arith.divsi %add3A_20, %jit3A : i32
    %sign3A = arith.constant 0 : i32
    %sign3A_38 = arith.cmpi sgt, %add3A_20, %sign3A : i32
    %sign3A_39 = arith.extui %sign3A_38 : i1 to i32
    %sign3A_40 = arith.constant 0 : i32
    %sign3A_41 = arith.cmpi slt, %add3A_20, %sign3A_40 : i32
    %sign3A_42 = arith.extui %sign3A_41 : i1 to i32
    %sign3A_43 = arith.subi %sign3A_39, %sign3A_42 : i32
    %sign3A_44 = arith.constant 0 : i32
    %sign3A_45 = arith.cmpi sgt, %jit3A, %sign3A_44 : i32
    %sign3A_46 = arith.extui %sign3A_45 : i1 to i32
    %sign3A_47 = arith.constant 0 : i32
    %sign3A_48 = arith.cmpi slt, %jit3A, %sign3A_47 : i32
    %sign3A_49 = arith.extui %sign3A_48 : i1 to i32
    %sign3A_50 = arith.subi %sign3A_46, %sign3A_49 : i32
    %ne3A = arith.cmpi ne, %sign3A_43, %sign3A_50 : i32
    %rem3A = arith.remsi %add3A_20, %jit3A : i32
    %ne3A_51 = arith.constant 0 : i32
    %ne3A_52 = arith.cmpi ne, %rem3A, %ne3A_51 : i32
    %and3A = arith.andi %ne3A, %ne3A_52 : i1
    %sub3A = arith.constant 1 : i32
    %sub3A_53 = arith.subi %div3A, %sub3A : i32
    %select_n3A = arith.select %and3A, %sub3A_53, %div3A : i32
    %sub3A_54 = arith.constant 0 : i32
    %sub3A_55 = arith.subi %select_n3A, %sub3A_54 : i32
    %sub3A_56 = arith.constant 1 : i32
    %sub3A_57 = arith.constant 1 : i32
    %sub3A_58 = arith.subi %sub3A_56, %sub3A_57 : i32
    %add3A_59 = arith.addi %sub3A_55, %sub3A_58 : i32
    %div3A_60 = arith.constant 1 : i32
    %div3A_61 = arith.divsi %add3A_59, %div3A_60 : i32
    %while3A = arith.constant 1 : i32
    %while3A_62 = arith.constant 0 : i32
    %while3A_63 = arith.constant 0 : i32
    %while3A_64 = arith.subi %div3A_61, %while3A_63 : i32
    %while3A_65 = arith.addi %while3A_63, %while3A_64 : i32
    %while3A_66 = arith.constant 1 : i32
    %while3A_67 = arith.divsi %while3A_64, %while3A_66 : i32
    %while3A_68 = arith.muli %while3A_67, %while3A_66 : i32
    %while3A_69 = arith.addi %while3A_63, %while3A_68 : i32
    %while3A_70 = arith.constant 1 : i32
    scf.for %while3A_127 = %while3A_63 to %while3A_69 step %while3A_70  : i32 {
      %mul3A_128 = arith.muli %while3A_127, %while3A : i32
      %add3A_129 = arith.addi %while3A_62, %mul3A_128 : i32
      %mul3A_130 = arith.constant 3 : i32
      %mul3A_131 = arith.muli %mul3A_130, %add3A_129 : i32
      %add3A_132 = arith.constant 0 : i32
      %add3A_133 = arith.addi %mul3A_131, %add3A_132 : i32
      %dma_wait3A = arith.constant 0 : i32
      %dma_wait3A_134 = arith.constant 0 : i32
      %dma_wait3A_135 = tpu.memref_slice %arg6[%dma_wait3A, %dma_wait3A_134] : memref<157x64xi32, #tpu.memory_space<vmem>> -> memref<1x64xi32, #tpu.memory_space<vmem>>
      %dma_wait3A_136 = tpu.memref_squeeze %dma_wait3A_135 : memref<1x64xi32, #tpu.memory_space<vmem>> -> memref<64xi32, #tpu.memory_space<vmem>>
      %dma_wait3A_137 = arith.constant 0 : i32
      %dma_wait3A_138 = arith.constant 0 : i32
      %dma_wait3A_139 = tpu.memref_slice %arg2[%dma_wait3A_137, %dma_wait3A_138] : memref<10000x128xf32, #tpu.memory_space<hbm>> -> memref<10000x128xf32, #tpu.memory_space<hbm>>
      tpu.wait_indirect_dma semaphore(%arg12 : memref<!tpu.dma_semaphore, #tpu.memory_space<semaphore_mem>>) src(%dma_wait3A_139 : memref<10000x128xf32, #tpu.memory_space<hbm>>) dst(%arg8 : memref<64x128xf32, #tpu.memory_space<vmem>>)
      %dma_start3A_140 = arith.constant 0 : i32
      %dma_start3A_141 = tpu.memref_slice %arg7[%add3A_133, %dma_start3A_140] : memref<157x64xi32, #tpu.memory_space<vmem>> -> memref<1x64xi32, #tpu.memory_space<vmem>>
      %dma_start3A_142 = tpu.memref_squeeze %dma_start3A_141 : memref<1x64xi32, #tpu.memory_space<vmem>> -> memref<64xi32, #tpu.memory_space<vmem>>
      %dma_start3A_143 = arith.constant 0 : i32
      %dma_start3A_144 = arith.constant 0 : i32
      %dma_start3A_145 = tpu.memref_slice %arg11[%dma_start3A_143, %dma_start3A_144] : memref<10000x128xf32, #tpu.memory_space<vmem_shared>> -> memref<10000x128xf32, #tpu.memory_space<vmem_shared>>
      tpu.enqueue_indirect_dma source(%arg8 : memref<64x128xf32, #tpu.memory_space<vmem>>) target(%dma_start3A_145 : memref<10000x128xf32, #tpu.memory_space<vmem_shared>>) offsets(%dma_start3A_142 : memref<64xi32, #tpu.memory_space<vmem>>) semaphore(%arg15 : memref<!tpu.dma_semaphore, #tpu.memory_space<semaphore_mem>>) {add = true}
      %gt3A = arith.constant 0 : i32
      %gt3A_146 = arith.cmpi sgt, %add3A_133, %gt3A : i32
      %convert_element_type3A_147 = arith.extui %gt3A_146 : i1 to i32
      %cond3A_148 = arith.constant 0 : i32
      %cond3A_149 = arith.cmpi ne, %convert_element_type3A_147, %cond3A_148 : i32
      scf.if %cond3A_149 {
        %dma_wait3A_212 = arith.constant 0 : i32
        %dma_wait3A_213 = arith.constant 0 : i32
        %dma_wait3A_214 = tpu.memref_slice %arg7[%dma_wait3A_212, %dma_wait3A_213] : memref<157x64xi32, #tpu.memory_space<vmem>> -> memref<1x64xi32, #tpu.memory_space<vmem>>
        %dma_wait3A_215 = tpu.memref_squeeze %dma_wait3A_214 : memref<1x64xi32, #tpu.memory_space<vmem>> -> memref<64xi32, #tpu.memory_space<vmem>>
        %dma_wait3A_216 = arith.constant 0 : i32
        %dma_wait3A_217 = arith.constant 0 : i32
        %dma_wait3A_218 = tpu.memref_slice %arg11[%dma_wait3A_216, %dma_wait3A_217] : memref<10000x128xf32, #tpu.memory_space<vmem_shared>> -> memref<10000x128xf32, #tpu.memory_space<vmem_shared>>
        tpu.wait_indirect_dma semaphore(%arg17 : memref<!tpu.dma_semaphore, #tpu.memory_space<semaphore_mem>>) src(%arg10 : memref<64x128xf32, #tpu.memory_space<vmem>>) dst(%dma_wait3A_218 : memref<10000x128xf32, #tpu.memory_space<vmem_shared>>)
      } else {
      }
      %add3A_150 = arith.constant 2 : i32
      %add3A_151 = arith.addi %add3A_133, %add3A_150 : i32
      %lt3A_152 = arith.cmpi slt, %add3A_151, %add3A_20 : i32
      %convert_element_type3A_153 = arith.extui %lt3A_152 : i1 to i32
      %cond3A_154 = arith.constant 0 : i32
      %cond3A_155 = arith.cmpi ne, %convert_element_type3A_153, %cond3A_154 : i32
      scf.if %cond3A_155 {
        %add3A_212 = arith.constant 2 : i32
        %add3A_213 = arith.addi %add3A_133, %add3A_212 : i32
        %dma_start3A_214 = arith.constant 0 : i32
        %dma_start3A_215 = tpu.memref_slice %arg6[%add3A_213, %dma_start3A_214] : memref<157x64xi32, #tpu.memory_space<vmem>> -> memref<1x64xi32, #tpu.memory_space<vmem>>
        %dma_start3A_216 = tpu.memref_squeeze %dma_start3A_215 : memref<1x64xi32, #tpu.memory_space<vmem>> -> memref<64xi32, #tpu.memory_space<vmem>>
        %dma_start3A_217 = arith.constant 0 : i32
        %dma_start3A_218 = arith.constant 0 : i32
        %dma_start3A_219 = tpu.memref_slice %arg2[%dma_start3A_217, %dma_start3A_218] : memref<10000x128xf32, #tpu.memory_space<hbm>> -> memref<10000x128xf32, #tpu.memory_space<hbm>>
        tpu.enqueue_indirect_dma source(%dma_start3A_219 : memref<10000x128xf32, #tpu.memory_space<hbm>>) target(%arg10 : memref<64x128xf32, #tpu.memory_space<vmem>>) offsets(%dma_start3A_216 : memref<64xi32, #tpu.memory_space<vmem>>) semaphore(%arg14 : memref<!tpu.dma_semaphore, #tpu.memory_space<semaphore_mem>>)
      } else {
      }
      %mul3A_156 = arith.constant 3 : i32
      %mul3A_157 = arith.muli %mul3A_156, %add3A_129 : i32
      %add3A_158 = arith.constant 1 : i32
      %add3A_159 = arith.addi %mul3A_157, %add3A_158 : i32
      %dma_wait3A_160 = arith.constant 0 : i32
      %dma_wait3A_161 = arith.constant 0 : i32
      %dma_wait3A_162 = tpu.memref_slice %arg6[%dma_wait3A_160, %dma_wait3A_161] : memref<157x64xi32, #tpu.memory_space<vmem>> -> memref<1x64xi32, #tpu.memory_space<vmem>>
      %dma_wait3A_163 = tpu.memref_squeeze %dma_wait3A_162 : memref<1x64xi32, #tpu.memory_space<vmem>> -> memref<64xi32, #tpu.memory_space<vmem>>
      %dma_wait3A_164 = arith.constant 0 : i32
      %dma_wait3A_165 = arith.constant 0 : i32
      %dma_wait3A_166 = tpu.memref_slice %arg2[%dma_wait3A_164, %dma_wait3A_165] : memref<10000x128xf32, #tpu.memory_space<hbm>> -> memref<10000x128xf32, #tpu.memory_space<hbm>>
      tpu.wait_indirect_dma semaphore(%arg13 : memref<!tpu.dma_semaphore, #tpu.memory_space<semaphore_mem>>) src(%dma_wait3A_166 : memref<10000x128xf32, #tpu.memory_space<hbm>>) dst(%arg9 : memref<64x128xf32, #tpu.memory_space<vmem>>)
      %dma_start3A_167 = arith.constant 0 : i32
      %dma_start3A_168 = tpu.memref_slice %arg7[%add3A_159, %dma_start3A_167] : memref<157x64xi32, #tpu.memory_space<vmem>> -> memref<1x64xi32, #tpu.memory_space<vmem>>
      %dma_start3A_169 = tpu.memref_squeeze %dma_start3A_168 : memref<1x64xi32, #tpu.memory_space<vmem>> -> memref<64xi32, #tpu.memory_space<vmem>>
      %dma_start3A_170 = arith.constant 0 : i32
      %dma_start3A_171 = arith.constant 0 : i32
      %dma_start3A_172 = tpu.memref_slice %arg11[%dma_start3A_170, %dma_start3A_171] : memref<10000x128xf32, #tpu.memory_space<vmem_shared>> -> memref<10000x128xf32, #tpu.memory_space<vmem_shared>>
      tpu.enqueue_indirect_dma source(%arg9 : memref<64x128xf32, #tpu.memory_space<vmem>>) target(%dma_start3A_172 : memref<10000x128xf32, #tpu.memory_space<vmem_shared>>) offsets(%dma_start3A_169 : memref<64xi32, #tpu.memory_space<vmem>>) semaphore(%arg16 : memref<!tpu.dma_semaphore, #tpu.memory_space<semaphore_mem>>) {add = true}
      %gt3A_173 = arith.constant 0 : i32
      %gt3A_174 = arith.cmpi sgt, %add3A_159, %gt3A_173 : i32
      %convert_element_type3A_175 = arith.extui %gt3A_174 : i1 to i32
      %cond3A_176 = arith.constant 0 : i32
      %cond3A_177 = arith.cmpi ne, %convert_element_type3A_175, %cond3A_176 : i32
      scf.if %cond3A_177 {
        %dma_wait3A_212 = arith.constant 0 : i32
        %dma_wait3A_213 = arith.constant 0 : i32
        %dma_wait3A_214 = tpu.memref_slice %arg7[%dma_wait3A_212, %dma_wait3A_213] : memref<157x64xi32, #tpu.memory_space<vmem>> -> memref<1x64xi32, #tpu.memory_space<vmem>>
        %dma_wait3A_215 = tpu.memref_squeeze %dma_wait3A_214 : memref<1x64xi32, #tpu.memory_space<vmem>> -> memref<64xi32, #tpu.memory_space<vmem>>
        %dma_wait3A_216 = arith.constant 0 : i32
        %dma_wait3A_217 = arith.constant 0 : i32
        %dma_wait3A_218 = tpu.memref_slice %arg11[%dma_wait3A_216, %dma_wait3A_217] : memref<10000x128xf32, #tpu.memory_space<vmem_shared>> -> memref<10000x128xf32, #tpu.memory_space<vmem_shared>>
        tpu.wait_indirect_dma semaphore(%arg15 : memref<!tpu.dma_semaphore, #tpu.memory_space<semaphore_mem>>) src(%arg8 : memref<64x128xf32, #tpu.memory_space<vmem>>) dst(%dma_wait3A_218 : memref<10000x128xf32, #tpu.memory_space<vmem_shared>>)
      } else {
      }
      %add3A_178 = arith.constant 2 : i32
      %add3A_179 = arith.addi %add3A_159, %add3A_178 : i32
      %lt3A_180 = arith.cmpi slt, %add3A_179, %add3A_20 : i32
      %convert_element_type3A_181 = arith.extui %lt3A_180 : i1 to i32
      %cond3A_182 = arith.constant 0 : i32
      %cond3A_183 = arith.cmpi ne, %convert_element_type3A_181, %cond3A_182 : i32
      scf.if %cond3A_183 {
        %add3A_212 = arith.constant 2 : i32
        %add3A_213 = arith.addi %add3A_159, %add3A_212 : i32
        %dma_start3A_214 = arith.constant 0 : i32
        %dma_start3A_215 = tpu.memref_slice %arg6[%add3A_213, %dma_start3A_214] : memref<157x64xi32, #tpu.memory_space<vmem>> -> memref<1x64xi32, #tpu.memory_space<vmem>>
        %dma_start3A_216 = tpu.memref_squeeze %dma_start3A_215 : memref<1x64xi32, #tpu.memory_space<vmem>> -> memref<64xi32, #tpu.memory_space<vmem>>
        %dma_start3A_217 = arith.constant 0 : i32
        %dma_start3A_218 = arith.constant 0 : i32
        %dma_start3A_219 = tpu.memref_slice %arg2[%dma_start3A_217, %dma_start3A_218] : memref<10000x128xf32, #tpu.memory_space<hbm>> -> memref<10000x128xf32, #tpu.memory_space<hbm>>
        tpu.enqueue_indirect_dma source(%dma_start3A_219 : memref<10000x128xf32, #tpu.memory_space<hbm>>) target(%arg8 : memref<64x128xf32, #tpu.memory_space<vmem>>) offsets(%dma_start3A_216 : memref<64xi32, #tpu.memory_space<vmem>>) semaphore(%arg12 : memref<!tpu.dma_semaphore, #tpu.memory_space<semaphore_mem>>)
      } else {
      }
      %mul3A_184 = arith.constant 3 : i32
      %mul3A_185 = arith.muli %mul3A_184, %add3A_129 : i32
      %add3A_186 = arith.constant 2 : i32
      %add3A_187 = arith.addi %mul3A_185, %add3A_186 : i32
      %dma_wait3A_188 = arith.constant 0 : i32
      %dma_wait3A_189 = arith.constant 0 : i32
      %dma_wait3A_190 = tpu.memref_slice %arg6[%dma_wait3A_188, %dma_wait3A_189] : memref<157x64xi32, #tpu.memory_space<vmem>> -> memref<1x64xi32, #tpu.memory_space<vmem>>
      %dma_wait3A_191 = tpu.memref_squeeze %dma_wait3A_190 : memref<1x64xi32, #tpu.memory_space<vmem>> -> memref<64xi32, #tpu.memory_space<vmem>>
      %dma_wait3A_192 = arith.constant 0 : i32
      %dma_wait3A_193 = arith.constant 0 : i32
      %dma_wait3A_194 = tpu.memref_slice %arg2[%dma_wait3A_192, %dma_wait3A_193] : memref<10000x128xf32, #tpu.memory_space<hbm>> -> memref<10000x128xf32, #tpu.memory_space<hbm>>
      tpu.wait_indirect_dma semaphore(%arg14 : memref<!tpu.dma_semaphore, #tpu.memory_space<semaphore_mem>>) src(%dma_wait3A_194 : memref<10000x128xf32, #tpu.memory_space<hbm>>) dst(%arg10 : memref<64x128xf32, #tpu.memory_space<vmem>>)
      %dma_start3A_195 = arith.constant 0 : i32
      %dma_start3A_196 = tpu.memref_slice %arg7[%add3A_187, %dma_start3A_195] : memref<157x64xi32, #tpu.memory_space<vmem>> -> memref<1x64xi32, #tpu.memory_space<vmem>>
      %dma_start3A_197 = tpu.memref_squeeze %dma_start3A_196 : memref<1x64xi32, #tpu.memory_space<vmem>> -> memref<64xi32, #tpu.memory_space<vmem>>
      %dma_start3A_198 = arith.constant 0 : i32
      %dma_start3A_199 = arith.constant 0 : i32
      %dma_start3A_200 = tpu.memref_slice %arg11[%dma_start3A_198, %dma_start3A_199] : memref<10000x128xf32, #tpu.memory_space<vmem_shared>> -> memref<10000x128xf32, #tpu.memory_space<vmem_shared>>
      tpu.enqueue_indirect_dma source(%arg10 : memref<64x128xf32, #tpu.memory_space<vmem>>) target(%dma_start3A_200 : memref<10000x128xf32, #tpu.memory_space<vmem_shared>>) offsets(%dma_start3A_197 : memref<64xi32, #tpu.memory_space<vmem>>) semaphore(%arg17 : memref<!tpu.dma_semaphore, #tpu.memory_space<semaphore_mem>>) {add = true}
      %gt3A_201 = arith.constant 0 : i32
      %gt3A_202 = arith.cmpi sgt, %add3A_187, %gt3A_201 : i32
      %convert_element_type3A_203 = arith.extui %gt3A_202 : i1 to i32
      %cond3A_204 = arith.constant 0 : i32
      %cond3A_205 = arith.cmpi ne, %convert_element_type3A_203, %cond3A_204 : i32
      scf.if %cond3A_205 {
        %dma_wait3A_212 = arith.constant 0 : i32
        %dma_wait3A_213 = arith.constant 0 : i32
        %dma_wait3A_214 = tpu.memref_slice %arg7[%dma_wait3A_212, %dma_wait3A_213] : memref<157x64xi32, #tpu.memory_space<vmem>> -> memref<1x64xi32, #tpu.memory_space<vmem>>
        %dma_wait3A_215 = tpu.memref_squeeze %dma_wait3A_214 : memref<1x64xi32, #tpu.memory_space<vmem>> -> memref<64xi32, #tpu.memory_space<vmem>>
        %dma_wait3A_216 = arith.constant 0 : i32
        %dma_wait3A_217 = arith.constant 0 : i32
        %dma_wait3A_218 = tpu.memref_slice %arg11[%dma_wait3A_216, %dma_wait3A_217] : memref<10000x128xf32, #tpu.memory_space<vmem_shared>> -> memref<10000x128xf32, #tpu.memory_space<vmem_shared>>
        tpu.wait_indirect_dma semaphore(%arg16 : memref<!tpu.dma_semaphore, #tpu.memory_space<semaphore_mem>>) src(%arg9 : memref<64x128xf32, #tpu.memory_space<vmem>>) dst(%dma_wait3A_218 : memref<10000x128xf32, #tpu.memory_space<vmem_shared>>)
      } else {
      }
      %add3A_206 = arith.constant 2 : i32
      %add3A_207 = arith.addi %add3A_187, %add3A_206 : i32
      %lt3A_208 = arith.cmpi slt, %add3A_207, %add3A_20 : i32
      %convert_element_type3A_209 = arith.extui %lt3A_208 : i1 to i32
      %cond3A_210 = arith.constant 0 : i32
      %cond3A_211 = arith.cmpi ne, %convert_element_type3A_209, %cond3A_210 : i32
      scf.if %cond3A_211 {
        %add3A_212 = arith.constant 2 : i32
        %add3A_213 = arith.addi %add3A_187, %add3A_212 : i32
        %dma_start3A_214 = arith.constant 0 : i32
        %dma_start3A_215 = tpu.memref_slice %arg6[%add3A_213, %dma_start3A_214] : memref<157x64xi32, #tpu.memory_space<vmem>> -> memref<1x64xi32, #tpu.memory_space<vmem>>
        %dma_start3A_216 = tpu.memref_squeeze %dma_start3A_215 : memref<1x64xi32, #tpu.memory_space<vmem>> -> memref<64xi32, #tpu.memory_space<vmem>>
        %dma_start3A_217 = arith.constant 0 : i32
        %dma_start3A_218 = arith.constant 0 : i32
        %dma_start3A_219 = tpu.memref_slice %arg2[%dma_start3A_217, %dma_start3A_218] : memref<10000x128xf32, #tpu.memory_space<hbm>> -> memref<10000x128xf32, #tpu.memory_space<hbm>>
        tpu.enqueue_indirect_dma source(%dma_start3A_219 : memref<10000x128xf32, #tpu.memory_space<hbm>>) target(%arg9 : memref<64x128xf32, #tpu.memory_space<vmem>>) offsets(%dma_start3A_216 : memref<64xi32, #tpu.memory_space<vmem>>) semaphore(%arg13 : memref<!tpu.dma_semaphore, #tpu.memory_space<semaphore_mem>>)
      } else {
      }
    }
    %while3A_71 = arith.constant 1 : i32
    scf.for %while3A_127 = %while3A_69 to %while3A_65 step %while3A_71  : i32 {
      %mul3A_128 = arith.muli %while3A_127, %while3A : i32
      %add3A_129 = arith.addi %while3A_62, %mul3A_128 : i32
      %mul3A_130 = arith.constant 3 : i32
      %mul3A_131 = arith.muli %mul3A_130, %add3A_129 : i32
      %add3A_132 = arith.constant 0 : i32
      %add3A_133 = arith.addi %mul3A_131, %add3A_132 : i32
      %dma_wait3A = arith.constant 0 : i32
      %dma_wait3A_134 = arith.constant 0 : i32
      %dma_wait3A_135 = tpu.memref_slice %arg6[%dma_wait3A, %dma_wait3A_134] : memref<157x64xi32, #tpu.memory_space<vmem>> -> memref<1x64xi32, #tpu.memory_space<vmem>>
      %dma_wait3A_136 = tpu.memref_squeeze %dma_wait3A_135 : memref<1x64xi32, #tpu.memory_space<vmem>> -> memref<64xi32, #tpu.memory_space<vmem>>
      %dma_wait3A_137 = arith.constant 0 : i32
      %dma_wait3A_138 = arith.constant 0 : i32
      %dma_wait3A_139 = tpu.memref_slice %arg2[%dma_wait3A_137, %dma_wait3A_138] : memref<10000x128xf32, #tpu.memory_space<hbm>> -> memref<10000x128xf32, #tpu.memory_space<hbm>>
      tpu.wait_indirect_dma semaphore(%arg12 : memref<!tpu.dma_semaphore, #tpu.memory_space<semaphore_mem>>) src(%dma_wait3A_139 : memref<10000x128xf32, #tpu.memory_space<hbm>>) dst(%arg8 : memref<64x128xf32, #tpu.memory_space<vmem>>)
      %dma_start3A_140 = arith.constant 0 : i32
      %dma_start3A_141 = tpu.memref_slice %arg7[%add3A_133, %dma_start3A_140] : memref<157x64xi32, #tpu.memory_space<vmem>> -> memref<1x64xi32, #tpu.memory_space<vmem>>
      %dma_start3A_142 = tpu.memref_squeeze %dma_start3A_141 : memref<1x64xi32, #tpu.memory_space<vmem>> -> memref<64xi32, #tpu.memory_space<vmem>>
      %dma_start3A_143 = arith.constant 0 : i32
      %dma_start3A_144 = arith.constant 0 : i32
      %dma_start3A_145 = tpu.memref_slice %arg11[%dma_start3A_143, %dma_start3A_144] : memref<10000x128xf32, #tpu.memory_space<vmem_shared>> -> memref<10000x128xf32, #tpu.memory_space<vmem_shared>>
      tpu.enqueue_indirect_dma source(%arg8 : memref<64x128xf32, #tpu.memory_space<vmem>>) target(%dma_start3A_145 : memref<10000x128xf32, #tpu.memory_space<vmem_shared>>) offsets(%dma_start3A_142 : memref<64xi32, #tpu.memory_space<vmem>>) semaphore(%arg15 : memref<!tpu.dma_semaphore, #tpu.memory_space<semaphore_mem>>) {add = true}
      %gt3A = arith.constant 0 : i32
      %gt3A_146 = arith.cmpi sgt, %add3A_133, %gt3A : i32
      %convert_element_type3A_147 = arith.extui %gt3A_146 : i1 to i32
      %cond3A_148 = arith.constant 0 : i32
      %cond3A_149 = arith.cmpi ne, %convert_element_type3A_147, %cond3A_148 : i32
      scf.if %cond3A_149 {
        %dma_wait3A_212 = arith.constant 0 : i32
        %dma_wait3A_213 = arith.constant 0 : i32
        %dma_wait3A_214 = tpu.memref_slice %arg7[%dma_wait3A_212, %dma_wait3A_213] : memref<157x64xi32, #tpu.memory_space<vmem>> -> memref<1x64xi32, #tpu.memory_space<vmem>>
        %dma_wait3A_215 = tpu.memref_squeeze %dma_wait3A_214 : memref<1x64xi32, #tpu.memory_space<vmem>> -> memref<64xi32, #tpu.memory_space<vmem>>
        %dma_wait3A_216 = arith.constant 0 : i32
        %dma_wait3A_217 = arith.constant 0 : i32
        %dma_wait3A_218 = tpu.memref_slice %arg11[%dma_wait3A_216, %dma_wait3A_217] : memref<10000x128xf32, #tpu.memory_space<vmem_shared>> -> memref<10000x128xf32, #tpu.memory_space<vmem_shared>>
        tpu.wait_indirect_dma semaphore(%arg17 : memref<!tpu.dma_semaphore, #tpu.memory_space<semaphore_mem>>) src(%arg10 : memref<64x128xf32, #tpu.memory_space<vmem>>) dst(%dma_wait3A_218 : memref<10000x128xf32, #tpu.memory_space<vmem_shared>>)
      } else {
      }
      %add3A_150 = arith.constant 2 : i32
      %add3A_151 = arith.addi %add3A_133, %add3A_150 : i32
      %lt3A_152 = arith.cmpi slt, %add3A_151, %add3A_20 : i32
      %convert_element_type3A_153 = arith.extui %lt3A_152 : i1 to i32
      %cond3A_154 = arith.constant 0 : i32
      %cond3A_155 = arith.cmpi ne, %convert_element_type3A_153, %cond3A_154 : i32
      scf.if %cond3A_155 {
        %add3A_212 = arith.constant 2 : i32
        %add3A_213 = arith.addi %add3A_133, %add3A_212 : i32
        %dma_start3A_214 = arith.constant 0 : i32
        %dma_start3A_215 = tpu.memref_slice %arg6[%add3A_213, %dma_start3A_214] : memref<157x64xi32, #tpu.memory_space<vmem>> -> memref<1x64xi32, #tpu.memory_space<vmem>>
        %dma_start3A_216 = tpu.memref_squeeze %dma_start3A_215 : memref<1x64xi32, #tpu.memory_space<vmem>> -> memref<64xi32, #tpu.memory_space<vmem>>
        %dma_start3A_217 = arith.constant 0 : i32
        %dma_start3A_218 = arith.constant 0 : i32
        %dma_start3A_219 = tpu.memref_slice %arg2[%dma_start3A_217, %dma_start3A_218] : memref<10000x128xf32, #tpu.memory_space<hbm>> -> memref<10000x128xf32, #tpu.memory_space<hbm>>
        tpu.enqueue_indirect_dma source(%dma_start3A_219 : memref<10000x128xf32, #tpu.memory_space<hbm>>) target(%arg10 : memref<64x128xf32, #tpu.memory_space<vmem>>) offsets(%dma_start3A_216 : memref<64xi32, #tpu.memory_space<vmem>>) semaphore(%arg14 : memref<!tpu.dma_semaphore, #tpu.memory_space<semaphore_mem>>)
      } else {
      }
      %mul3A_156 = arith.constant 3 : i32
      %mul3A_157 = arith.muli %mul3A_156, %add3A_129 : i32
      %add3A_158 = arith.constant 1 : i32
      %add3A_159 = arith.addi %mul3A_157, %add3A_158 : i32
      %dma_wait3A_160 = arith.constant 0 : i32
      %dma_wait3A_161 = arith.constant 0 : i32
      %dma_wait3A_162 = tpu.memref_slice %arg6[%dma_wait3A_160, %dma_wait3A_161] : memref<157x64xi32, #tpu.memory_space<vmem>> -> memref<1x64xi32, #tpu.memory_space<vmem>>
      %dma_wait3A_163 = tpu.memref_squeeze %dma_wait3A_162 : memref<1x64xi32, #tpu.memory_space<vmem>> -> memref<64xi32, #tpu.memory_space<vmem>>
      %dma_wait3A_164 = arith.constant 0 : i32
      %dma_wait3A_165 = arith.constant 0 : i32
      %dma_wait3A_166 = tpu.memref_slice %arg2[%dma_wait3A_164, %dma_wait3A_165] : memref<10000x128xf32, #tpu.memory_space<hbm>> -> memref<10000x128xf32, #tpu.memory_space<hbm>>
      tpu.wait_indirect_dma semaphore(%arg13 : memref<!tpu.dma_semaphore, #tpu.memory_space<semaphore_mem>>) src(%dma_wait3A_166 : memref<10000x128xf32, #tpu.memory_space<hbm>>) dst(%arg9 : memref<64x128xf32, #tpu.memory_space<vmem>>)
      %dma_start3A_167 = arith.constant 0 : i32
      %dma_start3A_168 = tpu.memref_slice %arg7[%add3A_159, %dma_start3A_167] : memref<157x64xi32, #tpu.memory_space<vmem>> -> memref<1x64xi32, #tpu.memory_space<vmem>>
      %dma_start3A_169 = tpu.memref_squeeze %dma_start3A_168 : memref<1x64xi32, #tpu.memory_space<vmem>> -> memref<64xi32, #tpu.memory_space<vmem>>
      %dma_start3A_170 = arith.constant 0 : i32
      %dma_start3A_171 = arith.constant 0 : i32
      %dma_start3A_172 = tpu.memref_slice %arg11[%dma_start3A_170, %dma_start3A_171] : memref<10000x128xf32, #tpu.memory_space<vmem_shared>> -> memref<10000x128xf32, #tpu.memory_space<vmem_shared>>
      tpu.enqueue_indirect_dma source(%arg9 : memref<64x128xf32, #tpu.memory_space<vmem>>) target(%dma_start3A_172 : memref<10000x128xf32, #tpu.memory_space<vmem_shared>>) offsets(%dma_start3A_169 : memref<64xi32, #tpu.memory_space<vmem>>) semaphore(%arg16 : memref<!tpu.dma_semaphore, #tpu.memory_space<semaphore_mem>>) {add = true}
      %gt3A_173 = arith.constant 0 : i32
      %gt3A_174 = arith.cmpi sgt, %add3A_159, %gt3A_173 : i32
      %convert_element_type3A_175 = arith.extui %gt3A_174 : i1 to i32
      %cond3A_176 = arith.constant 0 : i32
      %cond3A_177 = arith.cmpi ne, %convert_element_type3A_175, %cond3A_176 : i32
      scf.if %cond3A_177 {
        %dma_wait3A_212 = arith.constant 0 : i32
        %dma_wait3A_213 = arith.constant 0 : i32
        %dma_wait3A_214 = tpu.memref_slice %arg7[%dma_wait3A_212, %dma_wait3A_213] : memref<157x64xi32, #tpu.memory_space<vmem>> -> memref<1x64xi32, #tpu.memory_space<vmem>>
        %dma_wait3A_215 = tpu.memref_squeeze %dma_wait3A_214 : memref<1x64xi32, #tpu.memory_space<vmem>> -> memref<64xi32, #tpu.memory_space<vmem>>
        %dma_wait3A_216 = arith.constant 0 : i32
        %dma_wait3A_217 = arith.constant 0 : i32
        %dma_wait3A_218 = tpu.memref_slice %arg11[%dma_wait3A_216, %dma_wait3A_217] : memref<10000x128xf32, #tpu.memory_space<vmem_shared>> -> memref<10000x128xf32, #tpu.memory_space<vmem_shared>>
        tpu.wait_indirect_dma semaphore(%arg15 : memref<!tpu.dma_semaphore, #tpu.memory_space<semaphore_mem>>) src(%arg8 : memref<64x128xf32, #tpu.memory_space<vmem>>) dst(%dma_wait3A_218 : memref<10000x128xf32, #tpu.memory_space<vmem_shared>>)
      } else {
      }
      %add3A_178 = arith.constant 2 : i32
      %add3A_179 = arith.addi %add3A_159, %add3A_178 : i32
      %lt3A_180 = arith.cmpi slt, %add3A_179, %add3A_20 : i32
      %convert_element_type3A_181 = arith.extui %lt3A_180 : i1 to i32
      %cond3A_182 = arith.constant 0 : i32
      %cond3A_183 = arith.cmpi ne, %convert_element_type3A_181, %cond3A_182 : i32
      scf.if %cond3A_183 {
        %add3A_212 = arith.constant 2 : i32
        %add3A_213 = arith.addi %add3A_159, %add3A_212 : i32
        %dma_start3A_214 = arith.constant 0 : i32
        %dma_start3A_215 = tpu.memref_slice %arg6[%add3A_213, %dma_start3A_214] : memref<157x64xi32, #tpu.memory_space<vmem>> -> memref<1x64xi32, #tpu.memory_space<vmem>>
        %dma_start3A_216 = tpu.memref_squeeze %dma_start3A_215 : memref<1x64xi32, #tpu.memory_space<vmem>> -> memref<64xi32, #tpu.memory_space<vmem>>
        %dma_start3A_217 = arith.constant 0 : i32
        %dma_start3A_218 = arith.constant 0 : i32
        %dma_start3A_219 = tpu.memref_slice %arg2[%dma_start3A_217, %dma_start3A_218] : memref<10000x128xf32, #tpu.memory_space<hbm>> -> memref<10000x128xf32, #tpu.memory_space<hbm>>
        tpu.enqueue_indirect_dma source(%dma_start3A_219 : memref<10000x128xf32, #tpu.memory_space<hbm>>) target(%arg8 : memref<64x128xf32, #tpu.memory_space<vmem>>) offsets(%dma_start3A_216 : memref<64xi32, #tpu.memory_space<vmem>>) semaphore(%arg12 : memref<!tpu.dma_semaphore, #tpu.memory_space<semaphore_mem>>)
      } else {
      }
      %mul3A_184 = arith.constant 3 : i32
      %mul3A_185 = arith.muli %mul3A_184, %add3A_129 : i32
      %add3A_186 = arith.constant 2 : i32
      %add3A_187 = arith.addi %mul3A_185, %add3A_186 : i32
      %dma_wait3A_188 = arith.constant 0 : i32
      %dma_wait3A_189 = arith.constant 0 : i32
      %dma_wait3A_190 = tpu.memref_slice %arg6[%dma_wait3A_188, %dma_wait3A_189] : memref<157x64xi32, #tpu.memory_space<vmem>> -> memref<1x64xi32, #tpu.memory_space<vmem>>
      %dma_wait3A_191 = tpu.memref_squeeze %dma_wait3A_190 : memref<1x64xi32, #tpu.memory_space<vmem>> -> memref<64xi32, #tpu.memory_space<vmem>>
      %dma_wait3A_192 = arith.constant 0 : i32
      %dma_wait3A_193 = arith.constant 0 : i32
      %dma_wait3A_194 = tpu.memref_slice %arg2[%dma_wait3A_192, %dma_wait3A_193] : memref<10000x128xf32, #tpu.memory_space<hbm>> -> memref<10000x128xf32, #tpu.memory_space<hbm>>
      tpu.wait_indirect_dma semaphore(%arg14 : memref<!tpu.dma_semaphore, #tpu.memory_space<semaphore_mem>>) src(%dma_wait3A_194 : memref<10000x128xf32, #tpu.memory_space<hbm>>) dst(%arg10 : memref<64x128xf32, #tpu.memory_space<vmem>>)
      %dma_start3A_195 = arith.constant 0 : i32
      %dma_start3A_196 = tpu.memref_slice %arg7[%add3A_187, %dma_start3A_195] : memref<157x64xi32, #tpu.memory_space<vmem>> -> memref<1x64xi32, #tpu.memory_space<vmem>>
      %dma_start3A_197 = tpu.memref_squeeze %dma_start3A_196 : memref<1x64xi32, #tpu.memory_space<vmem>> -> memref<64xi32, #tpu.memory_space<vmem>>
      %dma_start3A_198 = arith.constant 0 : i32
      %dma_start3A_199 = arith.constant 0 : i32
      %dma_start3A_200 = tpu.memref_slice %arg11[%dma_start3A_198, %dma_start3A_199] : memref<10000x128xf32, #tpu.memory_space<vmem_shared>> -> memref<10000x128xf32, #tpu.memory_space<vmem_shared>>
      tpu.enqueue_indirect_dma source(%arg10 : memref<64x128xf32, #tpu.memory_space<vmem>>) target(%dma_start3A_200 : memref<10000x128xf32, #tpu.memory_space<vmem_shared>>) offsets(%dma_start3A_197 : memref<64xi32, #tpu.memory_space<vmem>>) semaphore(%arg17 : memref<!tpu.dma_semaphore, #tpu.memory_space<semaphore_mem>>) {add = true}
      %gt3A_201 = arith.constant 0 : i32
      %gt3A_202 = arith.cmpi sgt, %add3A_187, %gt3A_201 : i32
      %convert_element_type3A_203 = arith.extui %gt3A_202 : i1 to i32
      %cond3A_204 = arith.constant 0 : i32
      %cond3A_205 = arith.cmpi ne, %convert_element_type3A_203, %cond3A_204 : i32
      scf.if %cond3A_205 {
        %dma_wait3A_212 = arith.constant 0 : i32
        %dma_wait3A_213 = arith.constant 0 : i32
        %dma_wait3A_214 = tpu.memref_slice %arg7[%dma_wait3A_212, %dma_wait3A_213] : memref<157x64xi32, #tpu.memory_space<vmem>> -> memref<1x64xi32, #tpu.memory_space<vmem>>
        %dma_wait3A_215 = tpu.memref_squeeze %dma_wait3A_214 : memref<1x64xi32, #tpu.memory_space<vmem>> -> memref<64xi32, #tpu.memory_space<vmem>>
        %dma_wait3A_216 = arith.constant 0 : i32
        %dma_wait3A_217 = arith.constant 0 : i32
        %dma_wait3A_218 = tpu.memref_slice %arg11[%dma_wait3A_216, %dma_wait3A_217] : memref<10000x128xf32, #tpu.memory_space<vmem_shared>> -> memref<10000x128xf32, #tpu.memory_space<vmem_shared>>
        tpu.wait_indirect_dma semaphore(%arg16 : memref<!tpu.dma_semaphore, #tpu.memory_space<semaphore_mem>>) src(%arg9 : memref<64x128xf32, #tpu.memory_space<vmem>>) dst(%dma_wait3A_218 : memref<10000x128xf32, #tpu.memory_space<vmem_shared>>)
      } else {
      }
      %add3A_206 = arith.constant 2 : i32
      %add3A_207 = arith.addi %add3A_187, %add3A_206 : i32
      %lt3A_208 = arith.cmpi slt, %add3A_207, %add3A_20 : i32
      %convert_element_type3A_209 = arith.extui %lt3A_208 : i1 to i32
      %cond3A_210 = arith.constant 0 : i32
      %cond3A_211 = arith.cmpi ne, %convert_element_type3A_209, %cond3A_210 : i32
      scf.if %cond3A_211 {
        %add3A_212 = arith.constant 2 : i32
        %add3A_213 = arith.addi %add3A_187, %add3A_212 : i32
        %dma_start3A_214 = arith.constant 0 : i32
        %dma_start3A_215 = tpu.memref_slice %arg6[%add3A_213, %dma_start3A_214] : memref<157x64xi32, #tpu.memory_space<vmem>> -> memref<1x64xi32, #tpu.memory_space<vmem>>
        %dma_start3A_216 = tpu.memref_squeeze %dma_start3A_215 : memref<1x64xi32, #tpu.memory_space<vmem>> -> memref<64xi32, #tpu.memory_space<vmem>>
        %dma_start3A_217 = arith.constant 0 : i32
        %dma_start3A_218 = arith.constant 0 : i32
        %dma_start3A_219 = tpu.memref_slice %arg2[%dma_start3A_217, %dma_start3A_218] : memref<10000x128xf32, #tpu.memory_space<hbm>> -> memref<10000x128xf32, #tpu.memory_space<hbm>>
        tpu.enqueue_indirect_dma source(%dma_start3A_219 : memref<10000x128xf32, #tpu.memory_space<hbm>>) target(%arg9 : memref<64x128xf32, #tpu.memory_space<vmem>>) offsets(%dma_start3A_216 : memref<64xi32, #tpu.memory_space<vmem>>) semaphore(%arg13 : memref<!tpu.dma_semaphore, #tpu.memory_space<semaphore_mem>>)
      } else {
      }
    }
    %jit3A_72 = arith.constant 3 : i32
    %eq3A = arith.constant 0 : i32
    %eq3A_73 = arith.cmpi eq, %jit3A_72, %eq3A : i32
    %jit3A_74 = arith.constant 1 : i32
    %select_n3A_75 = arith.select %eq3A_73, %jit3A_74, %jit3A_72 : i32
    %rem3A_76 = arith.remsi %add3A_20, %select_n3A_75 : i32
    %ne3A_77 = arith.constant 0 : i32
    %ne3A_78 = arith.cmpi ne, %rem3A_76, %ne3A_77 : i32
    %lt3A_79 = arith.constant 0 : i32
    %lt3A_80 = arith.cmpi slt, %rem3A_76, %lt3A_79 : i32
    %lt3A_81 = arith.constant 0 : i32
    %lt3A_82 = arith.cmpi slt, %select_n3A_75, %lt3A_81 : i32
    %ne3A_83 = arith.xori %lt3A_80, %lt3A_82 : i1
    %and3A_84 = arith.andi %ne3A_83, %ne3A_78 : i1
    %add3A_85 = arith.addi %rem3A_76, %select_n3A_75 : i32
    %select_n3A_86 = arith.select %and3A_84, %add3A_85, %rem3A_76 : i32
    %eq3A_87 = arith.constant 1 : i32
    %eq3A_88 = arith.cmpi eq, %select_n3A_86, %eq3A_87 : i32
    %convert_element_type3A_89 = arith.extui %eq3A_88 : i1 to i32
    %cond3A_90 = arith.constant 0 : i32
    %cond3A_91 = arith.cmpi ne, %convert_element_type3A_89, %cond3A_90 : i32
    scf.if %cond3A_91 {
      %dma_wait3A = arith.constant 0 : i32
      %dma_wait3A_127 = arith.constant 0 : i32
      %dma_wait3A_128 = tpu.memref_slice %arg6[%dma_wait3A, %dma_wait3A_127] : memref<157x64xi32, #tpu.memory_space<vmem>> -> memref<1x64xi32, #tpu.memory_space<vmem>>
      %dma_wait3A_129 = tpu.memref_squeeze %dma_wait3A_128 : memref<1x64xi32, #tpu.memory_space<vmem>> -> memref<64xi32, #tpu.memory_space<vmem>>
      %dma_wait3A_130 = arith.constant 0 : i32
      %dma_wait3A_131 = arith.constant 0 : i32
      %dma_wait3A_132 = tpu.memref_slice %arg2[%dma_wait3A_130, %dma_wait3A_131] : memref<10000x128xf32, #tpu.memory_space<hbm>> -> memref<10000x128xf32, #tpu.memory_space<hbm>>
      tpu.wait_indirect_dma semaphore(%arg12 : memref<!tpu.dma_semaphore, #tpu.memory_space<semaphore_mem>>) src(%dma_wait3A_132 : memref<10000x128xf32, #tpu.memory_space<hbm>>) dst(%arg8 : memref<64x128xf32, #tpu.memory_space<vmem>>)
      %sub3A_133 = arith.constant 1 : i32
      %sub3A_134 = arith.subi %add3A_20, %sub3A_133 : i32
      %dma_start3A_135 = arith.constant 0 : i32
      %dma_start3A_136 = tpu.memref_slice %arg7[%sub3A_134, %dma_start3A_135] : memref<157x64xi32, #tpu.memory_space<vmem>> -> memref<1x64xi32, #tpu.memory_space<vmem>>
      %dma_start3A_137 = tpu.memref_squeeze %dma_start3A_136 : memref<1x64xi32, #tpu.memory_space<vmem>> -> memref<64xi32, #tpu.memory_space<vmem>>
      %dma_start3A_138 = arith.constant 0 : i32
      %dma_start3A_139 = arith.constant 0 : i32
      %dma_start3A_140 = tpu.memref_slice %arg11[%dma_start3A_138, %dma_start3A_139] : memref<10000x128xf32, #tpu.memory_space<vmem_shared>> -> memref<10000x128xf32, #tpu.memory_space<vmem_shared>>
      tpu.enqueue_indirect_dma source(%arg8 : memref<64x128xf32, #tpu.memory_space<vmem>>) target(%dma_start3A_140 : memref<10000x128xf32, #tpu.memory_space<vmem_shared>>) offsets(%dma_start3A_137 : memref<64xi32, #tpu.memory_space<vmem>>) semaphore(%arg15 : memref<!tpu.dma_semaphore, #tpu.memory_space<semaphore_mem>>) {add = true}
      %dma_wait3A_141 = arith.constant 0 : i32
      %dma_wait3A_142 = arith.constant 0 : i32
      %dma_wait3A_143 = tpu.memref_slice %arg7[%dma_wait3A_141, %dma_wait3A_142] : memref<157x64xi32, #tpu.memory_space<vmem>> -> memref<1x64xi32, #tpu.memory_space<vmem>>
      %dma_wait3A_144 = tpu.memref_squeeze %dma_wait3A_143 : memref<1x64xi32, #tpu.memory_space<vmem>> -> memref<64xi32, #tpu.memory_space<vmem>>
      %dma_wait3A_145 = arith.constant 0 : i32
      %dma_wait3A_146 = arith.constant 0 : i32
      %dma_wait3A_147 = tpu.memref_slice %arg11[%dma_wait3A_145, %dma_wait3A_146] : memref<10000x128xf32, #tpu.memory_space<vmem_shared>> -> memref<10000x128xf32, #tpu.memory_space<vmem_shared>>
      tpu.wait_indirect_dma semaphore(%arg17 : memref<!tpu.dma_semaphore, #tpu.memory_space<semaphore_mem>>) src(%arg10 : memref<64x128xf32, #tpu.memory_space<vmem>>) dst(%dma_wait3A_147 : memref<10000x128xf32, #tpu.memory_space<vmem_shared>>)
      %dma_wait3A_148 = arith.constant 0 : i32
      %dma_wait3A_149 = arith.constant 0 : i32
      %dma_wait3A_150 = tpu.memref_slice %arg7[%dma_wait3A_148, %dma_wait3A_149] : memref<157x64xi32, #tpu.memory_space<vmem>> -> memref<1x64xi32, #tpu.memory_space<vmem>>
      %dma_wait3A_151 = tpu.memref_squeeze %dma_wait3A_150 : memref<1x64xi32, #tpu.memory_space<vmem>> -> memref<64xi32, #tpu.memory_space<vmem>>
      %dma_wait3A_152 = arith.constant 0 : i32
      %dma_wait3A_153 = arith.constant 0 : i32
      %dma_wait3A_154 = tpu.memref_slice %arg11[%dma_wait3A_152, %dma_wait3A_153] : memref<10000x128xf32, #tpu.memory_space<vmem_shared>> -> memref<10000x128xf32, #tpu.memory_space<vmem_shared>>
      tpu.wait_indirect_dma semaphore(%arg15 : memref<!tpu.dma_semaphore, #tpu.memory_space<semaphore_mem>>) src(%arg8 : memref<64x128xf32, #tpu.memory_space<vmem>>) dst(%dma_wait3A_154 : memref<10000x128xf32, #tpu.memory_space<vmem_shared>>)
    } else {
    }
    %jit3A_92 = arith.constant 3 : i32
    %eq3A_93 = arith.constant 0 : i32
    %eq3A_94 = arith.cmpi eq, %jit3A_92, %eq3A_93 : i32
    %jit3A_95 = arith.constant 1 : i32
    %select_n3A_96 = arith.select %eq3A_94, %jit3A_95, %jit3A_92 : i32
    %rem3A_97 = arith.remsi %add3A_20, %select_n3A_96 : i32
    %ne3A_98 = arith.constant 0 : i32
    %ne3A_99 = arith.cmpi ne, %rem3A_97, %ne3A_98 : i32
    %lt3A_100 = arith.constant 0 : i32
    %lt3A_101 = arith.cmpi slt, %rem3A_97, %lt3A_100 : i32
    %lt3A_102 = arith.constant 0 : i32
    %lt3A_103 = arith.cmpi slt, %select_n3A_96, %lt3A_102 : i32
    %ne3A_104 = arith.xori %lt3A_101, %lt3A_103 : i1
    %and3A_105 = arith.andi %ne3A_104, %ne3A_99 : i1
    %add3A_106 = arith.addi %rem3A_97, %select_n3A_96 : i32
    %select_n3A_107 = arith.select %and3A_105, %add3A_106, %rem3A_97 : i32
    %eq3A_108 = arith.constant 0 : i32
    %eq3A_109 = arith.cmpi eq, %select_n3A_107, %eq3A_108 : i32
    %convert_element_type3A_110 = arith.extui %eq3A_109 : i1 to i32
    %cond3A_111 = arith.constant 0 : i32
    %cond3A_112 = arith.cmpi ne, %convert_element_type3A_110, %cond3A_111 : i32
    scf.if %cond3A_112 {
      %dma_wait3A = arith.constant 0 : i32
      %dma_wait3A_127 = arith.constant 0 : i32
      %dma_wait3A_128 = tpu.memref_slice %arg7[%dma_wait3A, %dma_wait3A_127] : memref<157x64xi32, #tpu.memory_space<vmem>> -> memref<1x64xi32, #tpu.memory_space<vmem>>
      %dma_wait3A_129 = tpu.memref_squeeze %dma_wait3A_128 : memref<1x64xi32, #tpu.memory_space<vmem>> -> memref<64xi32, #tpu.memory_space<vmem>>
      %dma_wait3A_130 = arith.constant 0 : i32
      %dma_wait3A_131 = arith.constant 0 : i32
      %dma_wait3A_132 = tpu.memref_slice %arg11[%dma_wait3A_130, %dma_wait3A_131] : memref<10000x128xf32, #tpu.memory_space<vmem_shared>> -> memref<10000x128xf32, #tpu.memory_space<vmem_shared>>
      tpu.wait_indirect_dma semaphore(%arg17 : memref<!tpu.dma_semaphore, #tpu.memory_space<semaphore_mem>>) src(%arg10 : memref<64x128xf32, #tpu.memory_space<vmem>>) dst(%dma_wait3A_132 : memref<10000x128xf32, #tpu.memory_space<vmem_shared>>)
    } else {
    }
    %barrier3A_113 = arith.constant 0 : index
    tpu.barrier barrier_id(%barrier3A_113)
    %scan3A_114 = arith.constant 0 : i32
    %scan3A_115 = arith.constant 9 : i32
    %scan3A_116 = arith.addi %scan3A_114, %scan3A_115 : i32
    %scan3A_117 = arith.constant 1 : i32
    scf.for %scan3A_127 = %scan3A_114 to %scan3A_116 step %scan3A_117  : i32 {
      %mul3A_128 = arith.constant 1 : i32
      %mul3A_129 = arith.muli %scan3A_127, %mul3A_128 : i32
      %add3A_130 = arith.constant 0 : i32
      %add3A_131 = arith.addi %add3A_130, %mul3A_129 : i32
      %mul3A_132 = arith.constant 625 : i32
      %mul3A_133 = arith.muli %arg1, %mul3A_132 : i32
      %mul3A_134 = arith.constant 64 : i32
      %mul3A_135 = arith.muli %add3A_131, %mul3A_134 : i32
      %add3A_136 = arith.addi %mul3A_133, %mul3A_135 : i32
      %mul3A_137 = arith.constant 625 : i32
      %mul3A_138 = arith.muli %arg1, %mul3A_137 : i32
      %mul3A_139 = arith.constant 64 : i32
      %mul3A_140 = arith.muli %add3A_131, %mul3A_139 : i32
      %add3A_141 = arith.addi %mul3A_138, %mul3A_140 : i32
      "tpu.region"() ({
        %run_scoped3A = tpu.sem_alloc : memref<!tpu.dma_semaphore, #tpu.memory_space<semaphore_mem>>
        %dma_start3A_142 = arith.constant 0 : i32
        %dma_start3A_143 = tpu.memref_slice %arg5[%arg0, %add3A_141, %dma_start3A_142] : memref<2x10000x128xf32, #tpu.memory_space<hbm>> -> memref<1x64x128xf32, #tpu.memory_space<hbm>>
        %dma_start3A_144 = tpu.memref_squeeze %dma_start3A_143 : memref<1x64x128xf32, #tpu.memory_space<hbm>> -> memref<64x128xf32, #tpu.memory_space<hbm>>
        %dma_start3A_145 = arith.constant 0 : i32
        %dma_start3A_146 = tpu.memref_slice %arg11[%add3A_136, %dma_start3A_145] : memref<10000x128xf32, #tpu.memory_space<vmem_shared>> -> memref<64x128xf32, #tpu.memory_space<vmem_shared>>
        tpu.enqueue_dma source(%dma_start3A_146 : memref<64x128xf32, #tpu.memory_space<vmem_shared>>) target(%dma_start3A_144 : memref<64x128xf32, #tpu.memory_space<hbm>>) target_semaphore(%run_scoped3A : memref<!tpu.dma_semaphore, #tpu.memory_space<semaphore_mem>>)
        %dma_wait3A = arith.constant 0 : i32
        %dma_wait3A_147 = tpu.memref_slice %arg5[%arg0, %add3A_141, %dma_wait3A] : memref<2x10000x128xf32, #tpu.memory_space<hbm>> -> memref<1x64x128xf32, #tpu.memory_space<hbm>>
        %dma_wait3A_148 = tpu.memref_squeeze %dma_wait3A_147 : memref<1x64x128xf32, #tpu.memory_space<hbm>> -> memref<64x128xf32, #tpu.memory_space<hbm>>
        %dma_wait3A_149 = arith.constant 0 : i32
        %dma_wait3A_150 = tpu.memref_slice %arg11[%add3A_136, %dma_wait3A_149] : memref<10000x128xf32, #tpu.memory_space<vmem_shared>> -> memref<64x128xf32, #tpu.memory_space<vmem_shared>>
        tpu.wait_dma2 semaphore(%run_scoped3A : memref<!tpu.dma_semaphore, #tpu.memory_space<semaphore_mem>>) src(%dma_wait3A_150 : memref<64x128xf32, #tpu.memory_space<vmem_shared>>) dst(%dma_wait3A_148 : memref<64x128xf32, #tpu.memory_space<hbm>>)
        tpu.yield
      }) : () -> ()
    }
    %scan3A_118 = arith.constant 9 : i32
    %mul3A_119 = arith.constant 625 : i32
    %mul3A_120 = arith.muli %arg1, %mul3A_119 : i32
    %add3A_121 = arith.constant 576 : i32
    %add3A_122 = arith.addi %mul3A_120, %add3A_121 : i32
    %mul3A_123 = arith.constant 625 : i32
    %mul3A_124 = arith.muli %arg1, %mul3A_123 : i32
    %add3A_125 = arith.constant 576 : i32
    %add3A_126 = arith.addi %mul3A_124, %add3A_125 : i32
    "tpu.region"() ({
      %run_scoped3A = tpu.sem_alloc : memref<!tpu.dma_semaphore, #tpu.memory_space<semaphore_mem>>
      %dma_start3A_127 = arith.constant 0 : i32
      %dma_start3A_128 = tpu.memref_slice %arg5[%arg0, %add3A_126, %dma_start3A_127] : memref<2x10000x128xf32, #tpu.memory_space<hbm>> -> memref<1x49x128xf32, #tpu.memory_space<hbm>>
      %dma_start3A_129 = tpu.memref_squeeze %dma_start3A_128 : memref<1x49x128xf32, #tpu.memory_space<hbm>> -> memref<49x128xf32, #tpu.memory_space<hbm>>
      %dma_start3A_130 = arith.constant 0 : i32
      %dma_start3A_131 = tpu.memref_slice %arg11[%add3A_122, %dma_start3A_130] : memref<10000x128xf32, #tpu.memory_space<vmem_shared>> -> memref<49x128xf32, #tpu.memory_space<vmem_shared>>
      tpu.enqueue_dma source(%dma_start3A_131 : memref<49x128xf32, #tpu.memory_space<vmem_shared>>) target(%dma_start3A_129 : memref<49x128xf32, #tpu.memory_space<hbm>>) target_semaphore(%run_scoped3A : memref<!tpu.dma_semaphore, #tpu.memory_space<semaphore_mem>>)
      %dma_wait3A = arith.constant 0 : i32
      %dma_wait3A_132 = tpu.memref_slice %arg5[%arg0, %add3A_126, %dma_wait3A] : memref<2x10000x128xf32, #tpu.memory_space<hbm>> -> memref<1x49x128xf32, #tpu.memory_space<hbm>>
      %dma_wait3A_133 = tpu.memref_squeeze %dma_wait3A_132 : memref<1x49x128xf32, #tpu.memory_space<hbm>> -> memref<49x128xf32, #tpu.memory_space<hbm>>
      %dma_wait3A_134 = arith.constant 0 : i32
      %dma_wait3A_135 = tpu.memref_slice %arg11[%add3A_122, %dma_wait3A_134] : memref<10000x128xf32, #tpu.memory_space<vmem_shared>> -> memref<49x128xf32, #tpu.memory_space<vmem_shared>>
      tpu.wait_dma2 semaphore(%run_scoped3A : memref<!tpu.dma_semaphore, #tpu.memory_space<semaphore_mem>>) src(%dma_wait3A_135 : memref<49x128xf32, #tpu.memory_space<vmem_shared>>) dst(%dma_wait3A_133 : memref<49x128xf32, #tpu.memory_space<hbm>>)
      tpu.yield
    }) : () -> ()
    return
  }
}

#map = affine_map<(d0, d1) -> (0, 0)>
#map1 = affine_map<(d0, d1) -> (0)>
module attributes {stable_mosaic.version = 14 : i64} {
  func.func @body(%arg0: i32, %arg1: i32, %arg2: memref<10000x128xf32, #tpu.memory_space<hbm>>, %arg3: memref<237x128xf32, #tpu.memory_space<hbm>>, %arg4: memref<1024xi32, #tpu.memory_space<hbm>>, %arg5: memref<1024xi32, #tpu.memory_space<hbm>>, %arg6: memref<1024x128xf32, #tpu.memory_space<hbm>>, %arg7: memref<1024x128xf32, #tpu.memory_space<hbm>>, %arg8: memref<32xi32, #tpu.memory_space<vmem>>, %arg9: memref<32xi32, #tpu.memory_space<vmem>>, %arg10: memref<32x128xf32, #tpu.memory_space<vmem>>, %arg11: memref<32x128xf32, #tpu.memory_space<vmem>>, %arg12: memref<!tpu.dma_semaphore, #tpu.memory_space<semaphore_mem>>) attributes {dimension_semantics = [#tpu.dimension_semantics<core_parallel>, #tpu.dimension_semantics<subcore_parallel>], iteration_bounds = array<i64: 2, 16>, scalar_prefetch = 0 : i64, scratch_operands = 5 : i64, tpu.core_type = #tpu.core_type<sc_vector_subcore>, window_params = [{transform_indices = #map}, {transform_indices = #map}, {transform_indices = #map1}, {transform_indices = #map1}, {transform_indices = #map}, {transform_indices = #map}]} {
    %mul3A = arith.constant 2 : i32
    %mul3A_0 = arith.muli %arg1, %mul3A : i32
    %add3A = arith.addi %mul3A_0, %arg0 : i32
    %mul3A_1 = arith.constant 32 : i32
    %mul3A_2 = arith.muli %add3A, %mul3A_1 : i32
    "tpu.region"() ({
      %run_scoped3A = tpu.sem_alloc : memref<!tpu.dma_semaphore, #tpu.memory_space<semaphore_mem>>
      %dma_start3A_13 = tpu.memref_slice %arg4[%mul3A_2] : memref<1024xi32, #tpu.memory_space<hbm>> -> memref<32xi32, #tpu.memory_space<hbm>>
      %dma_start3A_14 = tpu.memref_slice %arg4[%mul3A_2] : memref<1024xi32, #tpu.memory_space<hbm>> -> memref<32xi32, #tpu.memory_space<hbm>>
      tpu.enqueue_dma source(%dma_start3A_14 : memref<32xi32, #tpu.memory_space<hbm>>) target(%arg8 : memref<32xi32, #tpu.memory_space<vmem>>) target_semaphore(%run_scoped3A : memref<!tpu.dma_semaphore, #tpu.memory_space<semaphore_mem>>)
      %dma_wait3A_15 = tpu.memref_slice %arg4[%mul3A_2] : memref<1024xi32, #tpu.memory_space<hbm>> -> memref<32xi32, #tpu.memory_space<hbm>>
      %dma_wait3A_16 = tpu.memref_slice %arg4[%mul3A_2] : memref<1024xi32, #tpu.memory_space<hbm>> -> memref<32xi32, #tpu.memory_space<hbm>>
      tpu.wait_dma2 semaphore(%run_scoped3A : memref<!tpu.dma_semaphore, #tpu.memory_space<semaphore_mem>>) src(%dma_wait3A_16 : memref<32xi32, #tpu.memory_space<hbm>>) dst(%arg8 : memref<32xi32, #tpu.memory_space<vmem>>)
      tpu.yield
    }) : () -> ()
    "tpu.region"() ({
      %run_scoped3A = tpu.sem_alloc : memref<!tpu.dma_semaphore, #tpu.memory_space<semaphore_mem>>
      %dma_start3A_13 = tpu.memref_slice %arg5[%mul3A_2] : memref<1024xi32, #tpu.memory_space<hbm>> -> memref<32xi32, #tpu.memory_space<hbm>>
      %dma_start3A_14 = tpu.memref_slice %arg5[%mul3A_2] : memref<1024xi32, #tpu.memory_space<hbm>> -> memref<32xi32, #tpu.memory_space<hbm>>
      tpu.enqueue_dma source(%dma_start3A_14 : memref<32xi32, #tpu.memory_space<hbm>>) target(%arg9 : memref<32xi32, #tpu.memory_space<vmem>>) target_semaphore(%run_scoped3A : memref<!tpu.dma_semaphore, #tpu.memory_space<semaphore_mem>>)
      %dma_wait3A_15 = tpu.memref_slice %arg5[%mul3A_2] : memref<1024xi32, #tpu.memory_space<hbm>> -> memref<32xi32, #tpu.memory_space<hbm>>
      %dma_wait3A_16 = tpu.memref_slice %arg5[%mul3A_2] : memref<1024xi32, #tpu.memory_space<hbm>> -> memref<32xi32, #tpu.memory_space<hbm>>
      tpu.wait_dma2 semaphore(%run_scoped3A : memref<!tpu.dma_semaphore, #tpu.memory_space<semaphore_mem>>) src(%dma_wait3A_16 : memref<32xi32, #tpu.memory_space<hbm>>) dst(%arg9 : memref<32xi32, #tpu.memory_space<vmem>>)
      tpu.yield
    }) : () -> ()
    %dma_start3A = arith.constant 0 : i32
    %dma_start3A_3 = arith.constant 0 : i32
    %dma_start3A_4 = tpu.memref_slice %arg2[%dma_start3A, %dma_start3A_3] : memref<10000x128xf32, #tpu.memory_space<hbm>> -> memref<10000x128xf32, #tpu.memory_space<hbm>>
    tpu.enqueue_indirect_dma source(%dma_start3A_4 : memref<10000x128xf32, #tpu.memory_space<hbm>>) target(%arg10 : memref<32x128xf32, #tpu.memory_space<vmem>>) offsets(%arg8 : memref<32xi32, #tpu.memory_space<vmem>>) semaphore(%arg12 : memref<!tpu.dma_semaphore, #tpu.memory_space<semaphore_mem>>)
    %dma_wait3A = arith.constant 0 : i32
    %dma_wait3A_5 = arith.constant 0 : i32
    %dma_wait3A_6 = tpu.memref_slice %arg2[%dma_wait3A, %dma_wait3A_5] : memref<10000x128xf32, #tpu.memory_space<hbm>> -> memref<10000x128xf32, #tpu.memory_space<hbm>>
    tpu.wait_indirect_dma semaphore(%arg12 : memref<!tpu.dma_semaphore, #tpu.memory_space<semaphore_mem>>) src(%dma_wait3A_6 : memref<10000x128xf32, #tpu.memory_space<hbm>>) dst(%arg10 : memref<32x128xf32, #tpu.memory_space<vmem>>)
    %dma_start3A_7 = arith.constant 0 : i32
    %dma_start3A_8 = arith.constant 0 : i32
    %dma_start3A_9 = tpu.memref_slice %arg3[%dma_start3A_7, %dma_start3A_8] : memref<237x128xf32, #tpu.memory_space<hbm>> -> memref<237x128xf32, #tpu.memory_space<hbm>>
    tpu.enqueue_indirect_dma source(%dma_start3A_9 : memref<237x128xf32, #tpu.memory_space<hbm>>) target(%arg11 : memref<32x128xf32, #tpu.memory_space<vmem>>) offsets(%arg9 : memref<32xi32, #tpu.memory_space<vmem>>) semaphore(%arg12 : memref<!tpu.dma_semaphore, #tpu.memory_space<semaphore_mem>>)
    %dma_wait3A_10 = arith.constant 0 : i32
    %dma_wait3A_11 = arith.constant 0 : i32
    %dma_wait3A_12 = tpu.memref_slice %arg3[%dma_wait3A_10, %dma_wait3A_11] : memref<237x128xf32, #tpu.memory_space<hbm>> -> memref<237x128xf32, #tpu.memory_space<hbm>>
    tpu.wait_indirect_dma semaphore(%arg12 : memref<!tpu.dma_semaphore, #tpu.memory_space<semaphore_mem>>) src(%dma_wait3A_12 : memref<237x128xf32, #tpu.memory_space<hbm>>) dst(%arg11 : memref<32x128xf32, #tpu.memory_space<vmem>>)
    "tpu.region"() ({
      %run_scoped3A = tpu.sem_alloc : memref<!tpu.dma_semaphore, #tpu.memory_space<semaphore_mem>>
      %dma_start3A_13 = arith.constant 0 : i32
      %dma_start3A_14 = tpu.memref_slice %arg6[%mul3A_2, %dma_start3A_13] : memref<1024x128xf32, #tpu.memory_space<hbm>> -> memref<32x128xf32, #tpu.memory_space<hbm>>
      %dma_start3A_15 = arith.constant 0 : i32
      %dma_start3A_16 = tpu.memref_slice %arg6[%mul3A_2, %dma_start3A_15] : memref<1024x128xf32, #tpu.memory_space<hbm>> -> memref<32x128xf32, #tpu.memory_space<hbm>>
      tpu.enqueue_dma source(%arg10 : memref<32x128xf32, #tpu.memory_space<vmem>>) target(%dma_start3A_16 : memref<32x128xf32, #tpu.memory_space<hbm>>) target_semaphore(%run_scoped3A : memref<!tpu.dma_semaphore, #tpu.memory_space<semaphore_mem>>)
      %dma_wait3A_17 = arith.constant 0 : i32
      %dma_wait3A_18 = tpu.memref_slice %arg6[%mul3A_2, %dma_wait3A_17] : memref<1024x128xf32, #tpu.memory_space<hbm>> -> memref<32x128xf32, #tpu.memory_space<hbm>>
      %dma_wait3A_19 = arith.constant 0 : i32
      %dma_wait3A_20 = tpu.memref_slice %arg6[%mul3A_2, %dma_wait3A_19] : memref<1024x128xf32, #tpu.memory_space<hbm>> -> memref<32x128xf32, #tpu.memory_space<hbm>>
      tpu.wait_dma2 semaphore(%run_scoped3A : memref<!tpu.dma_semaphore, #tpu.memory_space<semaphore_mem>>) src(%arg10 : memref<32x128xf32, #tpu.memory_space<vmem>>) dst(%dma_wait3A_20 : memref<32x128xf32, #tpu.memory_space<hbm>>)
      tpu.yield
    }) : () -> ()
    "tpu.region"() ({
      %run_scoped3A = tpu.sem_alloc : memref<!tpu.dma_semaphore, #tpu.memory_space<semaphore_mem>>
      %dma_start3A_13 = arith.constant 0 : i32
      %dma_start3A_14 = tpu.memref_slice %arg7[%mul3A_2, %dma_start3A_13] : memref<1024x128xf32, #tpu.memory_space<hbm>> -> memref<32x128xf32, #tpu.memory_space<hbm>>
      %dma_start3A_15 = arith.constant 0 : i32
      %dma_start3A_16 = tpu.memref_slice %arg7[%mul3A_2, %dma_start3A_15] : memref<1024x128xf32, #tpu.memory_space<hbm>> -> memref<32x128xf32, #tpu.memory_space<hbm>>
      tpu.enqueue_dma source(%arg11 : memref<32x128xf32, #tpu.memory_space<vmem>>) target(%dma_start3A_16 : memref<32x128xf32, #tpu.memory_space<hbm>>) target_semaphore(%run_scoped3A : memref<!tpu.dma_semaphore, #tpu.memory_space<semaphore_mem>>)
      %dma_wait3A_17 = arith.constant 0 : i32
      %dma_wait3A_18 = tpu.memref_slice %arg7[%mul3A_2, %dma_wait3A_17] : memref<1024x128xf32, #tpu.memory_space<hbm>> -> memref<32x128xf32, #tpu.memory_space<hbm>>
      %dma_wait3A_19 = arith.constant 0 : i32
      %dma_wait3A_20 = tpu.memref_slice %arg7[%mul3A_2, %dma_wait3A_19] : memref<1024x128xf32, #tpu.memory_space<hbm>> -> memref<32x128xf32, #tpu.memory_space<hbm>>
      tpu.wait_dma2 semaphore(%run_scoped3A : memref<!tpu.dma_semaphore, #tpu.memory_space<semaphore_mem>>) src(%arg11 : memref<32x128xf32, #tpu.memory_space<vmem>>) dst(%dma_wait3A_20 : memref<32x128xf32, #tpu.memory_space<hbm>>)
      tpu.yield
    }) : () -> ()
    return
  }
}

#map = affine_map<(d0, d1) -> (0, 0)>
#map1 = affine_map<(d0, d1) -> (0, 0, 0)>
module attributes {stable_mosaic.version = 14 : i64} {
  func.func @body(%arg0: i32, %arg1: i32, %arg2: memref<10000x128xf32, #tpu.memory_space<hbm>>, %arg3: memref<5000x64xi32, #tpu.memory_space<hbm>>, %arg4: memref<5000x64xi32, #tpu.memory_space<hbm>>, %arg5: memref<2x10000x128xf32, #tpu.memory_space<hbm>>, %arg6: memref<157x64xi32, #tpu.memory_space<vmem>>, %arg7: memref<157x64xi32, #tpu.memory_space<vmem>>, %arg8: memref<64x128xf32, #tpu.memory_space<vmem>>, %arg9: memref<64x128xf32, #tpu.memory_space<vmem>>, %arg10: memref<64x128xf32, #tpu.memory_space<vmem>>, %arg11: memref<10000x128xf32, #tpu.memory_space<vmem_shared>>, %arg12: memref<!tpu.dma_semaphore, #tpu.memory_space<semaphore_mem>>, %arg13: memref<!tpu.dma_semaphore, #tpu.memory_space<semaphore_mem>>, %arg14: memref<!tpu.dma_semaphore, #tpu.memory_space<semaphore_mem>>, %arg15: memref<!tpu.dma_semaphore, #tpu.memory_space<semaphore_mem>>, %arg16: memref<!tpu.dma_semaphore, #tpu.memory_space<semaphore_mem>>, %arg17: memref<!tpu.dma_semaphore, #tpu.memory_space<semaphore_mem>>) attributes {dimension_semantics = [#tpu.dimension_semantics<core_parallel>, #tpu.dimension_semantics<subcore_parallel>], iteration_bounds = array<i64: 2, 16>, scalar_prefetch = 0 : i64, scratch_operands = 12 : i64, tpu.core_type = #tpu.core_type<sc_vector_subcore>, window_params = [{transform_indices = #map}, {transform_indices = #map}, {transform_indices = #map}, {transform_indices = #map1}]} {
    %mul3A = arith.constant 2 : i32
    %mul3A_0 = arith.muli %arg1, %mul3A : i32
    %add3A = arith.addi %mul3A_0, %arg0 : i32
    %scan3A = arith.constant 0 : i32
    %scan3A_1 = arith.constant 64 : i32
    %scan3A_2 = arith.addi %scan3A, %scan3A_1 : i32
    %scan3A_3 = arith.constant 1 : i32
    scf.for %scan3A_127 = %scan3A to %scan3A_2 step %scan3A_3  : i32 {
      %mul3A_128 = arith.constant 1 : i32
      %mul3A_129 = arith.muli %scan3A_127, %mul3A_128 : i32
      %add3A_130 = arith.constant 0 : i32
      %add3A_131 = arith.addi %add3A_130, %mul3A_129 : i32
      %broadcast_in_dim3A = arith.constant 0.000000e+00 : f32
      %broadcast_in_dim3A_132 = vector.broadcast %broadcast_in_dim3A : f32 to vector<16xf32>
      %swap3A = arith.index_cast %add3A_131 : i32 to index
      %swap3A_133 = arith.constant 0 : index
      %swap3A_134 = tpu.vector_load %arg8[%swap3A, %swap3A_133] {strides = array<i32>} : memref<64x128xf32, #tpu.memory_space<vmem>>, vector<1x16xf32>,
      %swap3A_135 = vector.shape_cast %swap3A_134 : vector<1x16xf32> to vector<16xf32>
      %swap3A_136 = vector.shape_cast %broadcast_in_dim3A_132 : vector<16xf32> to vector<1x16xf32>
      tpu.vector_store %arg8[%swap3A, %swap3A_133], %swap3A_136 {strides = array<i32>} : memref<64x128xf32, #tpu.memory_space<vmem>>, vector<1x16xf32>,
      %broadcast_in_dim3A_137 = arith.constant 0.000000e+00 : f32
      %broadcast_in_dim3A_138 = vector.broadcast %broadcast_in_dim3A_137 : f32 to vector<16xf32>
      %swap3A_139 = arith.index_cast %add3A_131 : i32 to index
      %swap3A_140 = arith.constant 16 : index
      %swap3A_141 = tpu.vector_load %arg8[%swap3A_139, %swap3A_140] {strides = array<i32>} : memref<64x128xf32, #tpu.memory_space<vmem>>, vector<1x16xf32>,
      %swap3A_142 = vector.shape_cast %swap3A_141 : vector<1x16xf32> to vector<16xf32>
      %swap3A_143 = vector.shape_cast %broadcast_in_dim3A_138 : vector<16xf32> to vector<1x16xf32>
      tpu.vector_store %arg8[%swap3A_139, %swap3A_140], %swap3A_143 {strides = array<i32>} : memref<64x128xf32, #tpu.memory_space<vmem>>, vector<1x16xf32>,
      %broadcast_in_dim3A_144 = arith.constant 0.000000e+00 : f32
      %broadcast_in_dim3A_145 = vector.broadcast %broadcast_in_dim3A_144 : f32 to vector<16xf32>
      %swap3A_146 = arith.index_cast %add3A_131 : i32 to index
      %swap3A_147 = arith.constant 32 : index
      %swap3A_148 = tpu.vector_load %arg8[%swap3A_146, %swap3A_147] {strides = array<i32>} : memref<64x128xf32, #tpu.memory_space<vmem>>, vector<1x16xf32>,
      %swap3A_149 = vector.shape_cast %swap3A_148 : vector<1x16xf32> to vector<16xf32>
      %swap3A_150 = vector.shape_cast %broadcast_in_dim3A_145 : vector<16xf32> to vector<1x16xf32>
      tpu.vector_store %arg8[%swap3A_146, %swap3A_147], %swap3A_150 {strides = array<i32>} : memref<64x128xf32, #tpu.memory_space<vmem>>, vector<1x16xf32>,
      %broadcast_in_dim3A_151 = arith.constant 0.000000e+00 : f32
      %broadcast_in_dim3A_152 = vector.broadcast %broadcast_in_dim3A_151 : f32 to vector<16xf32>
      %swap3A_153 = arith.index_cast %add3A_131 : i32 to index
      %swap3A_154 = arith.constant 48 : index
      %swap3A_155 = tpu.vector_load %arg8[%swap3A_153, %swap3A_154] {strides = array<i32>} : memref<64x128xf32, #tpu.memory_space<vmem>>, vector<1x16xf32>,
      %swap3A_156 = vector.shape_cast %swap3A_155 : vector<1x16xf32> to vector<16xf32>
      %swap3A_157 = vector.shape_cast %broadcast_in_dim3A_152 : vector<16xf32> to vector<1x16xf32>
      tpu.vector_store %arg8[%swap3A_153, %swap3A_154], %swap3A_157 {strides = array<i32>} : memref<64x128xf32, #tpu.memory_space<vmem>>, vector<1x16xf32>,
      %broadcast_in_dim3A_158 = arith.constant 0.000000e+00 : f32
      %broadcast_in_dim3A_159 = vector.broadcast %broadcast_in_dim3A_158 : f32 to vector<16xf32>
      %swap3A_160 = arith.index_cast %add3A_131 : i32 to index
      %swap3A_161 = arith.constant 64 : index
      %swap3A_162 = tpu.vector_load %arg8[%swap3A_160, %swap3A_161] {strides = array<i32>} : memref<64x128xf32, #tpu.memory_space<vmem>>, vector<1x16xf32>,
      %swap3A_163 = vector.shape_cast %swap3A_162 : vector<1x16xf32> to vector<16xf32>
      %swap3A_164 = vector.shape_cast %broadcast_in_dim3A_159 : vector<16xf32> to vector<1x16xf32>
      tpu.vector_store %arg8[%swap3A_160, %swap3A_161], %swap3A_164 {strides = array<i32>} : memref<64x128xf32, #tpu.memory_space<vmem>>, vector<1x16xf32>,
      %broadcast_in_dim3A_165 = arith.constant 0.000000e+00 : f32
      %broadcast_in_dim3A_166 = vector.broadcast %broadcast_in_dim3A_165 : f32 to vector<16xf32>
      %swap3A_167 = arith.index_cast %add3A_131 : i32 to index
      %swap3A_168 = arith.constant 80 : index
      %swap3A_169 = tpu.vector_load %arg8[%swap3A_167, %swap3A_168] {strides = array<i32>} : memref<64x128xf32, #tpu.memory_space<vmem>>, vector<1x16xf32>,
      %swap3A_170 = vector.shape_cast %swap3A_169 : vector<1x16xf32> to vector<16xf32>
      %swap3A_171 = vector.shape_cast %broadcast_in_dim3A_166 : vector<16xf32> to vector<1x16xf32>
      tpu.vector_store %arg8[%swap3A_167, %swap3A_168], %swap3A_171 {strides = array<i32>} : memref<64x128xf32, #tpu.memory_space<vmem>>, vector<1x16xf32>,
      %broadcast_in_dim3A_172 = arith.constant 0.000000e+00 : f32
      %broadcast_in_dim3A_173 = vector.broadcast %broadcast_in_dim3A_172 : f32 to vector<16xf32>
      %swap3A_174 = arith.index_cast %add3A_131 : i32 to index
      %swap3A_175 = arith.constant 96 : index
      %swap3A_176 = tpu.vector_load %arg8[%swap3A_174, %swap3A_175] {strides = array<i32>} : memref<64x128xf32, #tpu.memory_space<vmem>>, vector<1x16xf32>,
      %swap3A_177 = vector.shape_cast %swap3A_176 : vector<1x16xf32> to vector<16xf32>
      %swap3A_178 = vector.shape_cast %broadcast_in_dim3A_173 : vector<16xf32> to vector<1x16xf32>
      tpu.vector_store %arg8[%swap3A_174, %swap3A_175], %swap3A_178 {strides = array<i32>} : memref<64x128xf32, #tpu.memory_space<vmem>>, vector<1x16xf32>,
      %broadcast_in_dim3A_179 = arith.constant 0.000000e+00 : f32
      %broadcast_in_dim3A_180 = vector.broadcast %broadcast_in_dim3A_179 : f32 to vector<16xf32>
      %swap3A_181 = arith.index_cast %add3A_131 : i32 to index
      %swap3A_182 = arith.constant 112 : index
      %swap3A_183 = tpu.vector_load %arg8[%swap3A_181, %swap3A_182] {strides = array<i32>} : memref<64x128xf32, #tpu.memory_space<vmem>>, vector<1x16xf32>,
      %swap3A_184 = vector.shape_cast %swap3A_183 : vector<1x16xf32> to vector<16xf32>
      %swap3A_185 = vector.shape_cast %broadcast_in_dim3A_180 : vector<16xf32> to vector<1x16xf32>
      tpu.vector_store %arg8[%swap3A_181, %swap3A_182], %swap3A_185 {strides = array<i32>} : memref<64x128xf32, #tpu.memory_space<vmem>>, vector<1x16xf32>,
    }
    %scan3A_4 = arith.constant 64 : i32
    %scan3A_5 = arith.constant 0 : i32
    %scan3A_6 = arith.constant 9 : i32
    %scan3A_7 = arith.addi %scan3A_5, %scan3A_6 : i32
    %scan3A_8 = arith.constant 1 : i32
    scf.for %scan3A_127 = %scan3A_5 to %scan3A_7 step %scan3A_8  : i32 {
      %mul3A_128 = arith.constant 1 : i32
      %mul3A_129 = arith.muli %scan3A_127, %mul3A_128 : i32
      %add3A_130 = arith.constant 0 : i32
      %add3A_131 = arith.addi %add3A_130, %mul3A_129 : i32
      %mul3A_132 = arith.constant 625 : i32
      %mul3A_133 = arith.muli %arg1, %mul3A_132 : i32
      %mul3A_134 = arith.constant 64 : i32
      %mul3A_135 = arith.muli %add3A_131, %mul3A_134 : i32
      %add3A_136 = arith.addi %mul3A_133, %mul3A_135 : i32
      "tpu.region"() ({
        %run_scoped3A = tpu.sem_alloc : memref<!tpu.dma_semaphore, #tpu.memory_space<semaphore_mem>>
        %dma_start3A_137 = arith.constant 0 : i32
        %dma_start3A_138 = tpu.memref_slice %arg11[%add3A_136, %dma_start3A_137] : memref<10000x128xf32, #tpu.memory_space<vmem_shared>> -> memref<64x128xf32, #tpu.memory_space<vmem_shared>>
        %dma_start3A_139 = arith.constant 0 : i32
        %dma_start3A_140 = tpu.memref_slice %arg11[%add3A_136, %dma_start3A_139] : memref<10000x128xf32, #tpu.memory_space<vmem_shared>> -> memref<64x128xf32, #tpu.memory_space<vmem_shared>>
        tpu.enqueue_dma source(%arg8 : memref<64x128xf32, #tpu.memory_space<vmem>>) target(%dma_start3A_140 : memref<64x128xf32, #tpu.memory_space<vmem_shared>>) target_semaphore(%run_scoped3A : memref<!tpu.dma_semaphore, #tpu.memory_space<semaphore_mem>>)
        %dma_wait3A = arith.constant 0 : i32
        %dma_wait3A_141 = tpu.memref_slice %arg11[%add3A_136, %dma_wait3A] : memref<10000x128xf32, #tpu.memory_space<vmem_shared>> -> memref<64x128xf32, #tpu.memory_space<vmem_shared>>
        %dma_wait3A_142 = arith.constant 0 : i32
        %dma_wait3A_143 = tpu.memref_slice %arg11[%add3A_136, %dma_wait3A_142] : memref<10000x128xf32, #tpu.memory_space<vmem_shared>> -> memref<64x128xf32, #tpu.memory_space<vmem_shared>>
        tpu.wait_dma2 semaphore(%run_scoped3A : memref<!tpu.dma_semaphore, #tpu.memory_space<semaphore_mem>>) src(%arg8 : memref<64x128xf32, #tpu.memory_space<vmem>>) dst(%dma_wait3A_143 : memref<64x128xf32, #tpu.memory_space<vmem_shared>>)
        tpu.yield
      }) : () -> ()
    }
    %scan3A_9 = arith.constant 9 : i32
    %mul3A_10 = arith.constant 625 : i32
    %mul3A_11 = arith.muli %arg1, %mul3A_10 : i32
    %add3A_12 = arith.constant 576 : i32
    %add3A_13 = arith.addi %mul3A_11, %add3A_12 : i32
    "tpu.region"() ({
      %run_scoped3A = tpu.sem_alloc : memref<!tpu.dma_semaphore, #tpu.memory_space<semaphore_mem>>
      %dma_start3A_127 = arith.constant 0 : i32
      %dma_start3A_128 = arith.constant 0 : i32
      %dma_start3A_129 = tpu.memref_slice %arg8[%dma_start3A_127, %dma_start3A_128] : memref<64x128xf32, #tpu.memory_space<vmem>> -> memref<49x128xf32, #tpu.memory_space<vmem>>
      %dma_start3A_130 = arith.constant 0 : i32
      %dma_start3A_131 = tpu.memref_slice %arg11[%add3A_13, %dma_start3A_130] : memref<10000x128xf32, #tpu.memory_space<vmem_shared>> -> memref<49x128xf32, #tpu.memory_space<vmem_shared>>
      %dma_start3A_132 = arith.constant 0 : i32
      %dma_start3A_133 = tpu.memref_slice %arg11[%add3A_13, %dma_start3A_132] : memref<10000x128xf32, #tpu.memory_space<vmem_shared>> -> memref<49x128xf32, #tpu.memory_space<vmem_shared>>
      %dma_start3A_134 = arith.constant 0 : i32
      %dma_start3A_135 = arith.constant 0 : i32
      %dma_start3A_136 = tpu.memref_slice %arg8[%dma_start3A_134, %dma_start3A_135] : memref<64x128xf32, #tpu.memory_space<vmem>> -> memref<49x128xf32, #tpu.memory_space<vmem>>
      tpu.enqueue_dma source(%dma_start3A_136 : memref<49x128xf32, #tpu.memory_space<vmem>>) target(%dma_start3A_133 : memref<49x128xf32, #tpu.memory_space<vmem_shared>>) target_semaphore(%run_scoped3A : memref<!tpu.dma_semaphore, #tpu.memory_space<semaphore_mem>>)
      %dma_wait3A = arith.constant 0 : i32
      %dma_wait3A_137 = arith.constant 0 : i32
      %dma_wait3A_138 = tpu.memref_slice %arg8[%dma_wait3A, %dma_wait3A_137] : memref<64x128xf32, #tpu.memory_space<vmem>> -> memref<49x128xf32, #tpu.memory_space<vmem>>
      %dma_wait3A_139 = arith.constant 0 : i32
      %dma_wait3A_140 = tpu.memref_slice %arg11[%add3A_13, %dma_wait3A_139] : memref<10000x128xf32, #tpu.memory_space<vmem_shared>> -> memref<49x128xf32, #tpu.memory_space<vmem_shared>>
      %dma_wait3A_141 = arith.constant 0 : i32
      %dma_wait3A_142 = tpu.memref_slice %arg11[%add3A_13, %dma_wait3A_141] : memref<10000x128xf32, #tpu.memory_space<vmem_shared>> -> memref<49x128xf32, #tpu.memory_space<vmem_shared>>
      %dma_wait3A_143 = arith.constant 0 : i32
      %dma_wait3A_144 = arith.constant 0 : i32
      %dma_wait3A_145 = tpu.memref_slice %arg8[%dma_wait3A_143, %dma_wait3A_144] : memref<64x128xf32, #tpu.memory_space<vmem>> -> memref<49x128xf32, #tpu.memory_space<vmem>>
      tpu.wait_dma2 semaphore(%run_scoped3A : memref<!tpu.dma_semaphore, #tpu.memory_space<semaphore_mem>>) src(%dma_wait3A_145 : memref<49x128xf32, #tpu.memory_space<vmem>>) dst(%dma_wait3A_142 : memref<49x128xf32, #tpu.memory_space<vmem_shared>>)
      tpu.yield
    }) : () -> ()
    %barrier3A = arith.constant 0 : index
    tpu.barrier barrier_id(%barrier3A)
    %mul3A_14 = arith.constant 156 : i32
    %mul3A_15 = arith.muli %mul3A_14, %add3A : i32
    %min3A = arith.constant 8 : i32
    %min3A_16 = arith.minsi %add3A, %min3A : i32
    %add3A_17 = arith.addi %mul3A_15, %min3A_16 : i32
    %lt3A = arith.constant 8 : i32
    %lt3A_18 = arith.cmpi slt, %add3A, %lt3A : i32
    %convert_element_type3A = arith.extui %lt3A_18 : i1 to i32
    %add3A_19 = arith.constant 156 : i32
    %add3A_20 = arith.addi %add3A_19, %convert_element_type3A : i32
    "tpu.region"() ({
      %run_scoped3A = tpu.sem_alloc : memref<!tpu.dma_semaphore, #tpu.memory_space<semaphore_mem>>
      %dma_start3A_127 = arith.constant 0 : i32
      %dma_start3A_128 = arith.constant 0 : i32
      %dma_start3A_129 = tpu.memref_slice %arg6[%dma_start3A_127, %dma_start3A_128] : memref<157x64xi32, #tpu.memory_space<vmem>> -> memref<156x64xi32, #tpu.memory_space<vmem>>
      %dma_start3A_130 = arith.constant 0 : i32
      %dma_start3A_131 = tpu.memref_slice %arg3[%add3A_17, %dma_start3A_130] : memref<5000x64xi32, #tpu.memory_space<hbm>> -> memref<156x64xi32, #tpu.memory_space<hbm>>
      %dma_start3A_132 = arith.constant 0 : i32
      %dma_start3A_133 = arith.constant 0 : i32
      %dma_start3A_134 = tpu.memref_slice %arg6[%dma_start3A_132, %dma_start3A_133] : memref<157x64xi32, #tpu.memory_space<vmem>> -> memref<156x64xi32, #tpu.memory_space<vmem>>
      %dma_start3A_135 = arith.constant 0 : i32
      %dma_start3A_136 = tpu.memref_slice %arg3[%add3A_17, %dma_start3A_135] : memref<5000x64xi32, #tpu.memory_space<hbm>> -> memref<156x64xi32, #tpu.memory_space<hbm>>
      tpu.enqueue_dma source(%dma_start3A_136 : memref<156x64xi32, #tpu.memory_space<hbm>>) target(%dma_start3A_134 : memref<156x64xi32, #tpu.memory_space<vmem>>) target_semaphore(%run_scoped3A : memref<!tpu.dma_semaphore, #tpu.memory_space<semaphore_mem>>)
      %dma_wait3A = arith.constant 0 : i32
      %dma_wait3A_137 = arith.constant 0 : i32
      %dma_wait3A_138 = tpu.memref_slice %arg6[%dma_wait3A, %dma_wait3A_137] : memref<157x64xi32, #tpu.memory_space<vmem>> -> memref<156x64xi32, #tpu.memory_space<vmem>>
      %dma_wait3A_139 = arith.constant 0 : i32
      %dma_wait3A_140 = tpu.memref_slice %arg3[%add3A_17, %dma_wait3A_139] : memref<5000x64xi32, #tpu.memory_space<hbm>> -> memref<156x64xi32, #tpu.memory_space<hbm>>
      %dma_wait3A_141 = arith.constant 0 : i32
      %dma_wait3A_142 = arith.constant 0 : i32
      %dma_wait3A_143 = tpu.memref_slice %arg6[%dma_wait3A_141, %dma_wait3A_142] : memref<157x64xi32, #tpu.memory_space<vmem>> -> memref<156x64xi32, #tpu.memory_space<vmem>>
      %dma_wait3A_144 = arith.constant 0 : i32
      %dma_wait3A_145 = tpu.memref_slice %arg3[%add3A_17, %dma_wait3A_144] : memref<5000x64xi32, #tpu.memory_space<hbm>> -> memref<156x64xi32, #tpu.memory_space<hbm>>
      tpu.wait_dma2 semaphore(%run_scoped3A : memref<!tpu.dma_semaphore, #tpu.memory_space<semaphore_mem>>) src(%dma_wait3A_145 : memref<156x64xi32, #tpu.memory_space<hbm>>) dst(%dma_wait3A_143 : memref<156x64xi32, #tpu.memory_space<vmem>>)
      tpu.yield
    }) : () -> ()
    "tpu.region"() ({
      %run_scoped3A = tpu.sem_alloc : memref<!tpu.dma_semaphore, #tpu.memory_space<semaphore_mem>>
      %dma_start3A_127 = arith.constant 0 : i32
      %dma_start3A_128 = arith.constant 0 : i32
      %dma_start3A_129 = tpu.memref_slice %arg7[%dma_start3A_127, %dma_start3A_128] : memref<157x64xi32, #tpu.memory_space<vmem>> -> memref<156x64xi32, #tpu.memory_space<vmem>>
      %dma_start3A_130 = arith.constant 0 : i32
      %dma_start3A_131 = tpu.memref_slice %arg4[%add3A_17, %dma_start3A_130] : memref<5000x64xi32, #tpu.memory_space<hbm>> -> memref<156x64xi32, #tpu.memory_space<hbm>>
      %dma_start3A_132 = arith.constant 0 : i32
      %dma_start3A_133 = arith.constant 0 : i32
      %dma_start3A_134 = tpu.memref_slice %arg7[%dma_start3A_132, %dma_start3A_133] : memref<157x64xi32, #tpu.memory_space<vmem>> -> memref<156x64xi32, #tpu.memory_space<vmem>>
      %dma_start3A_135 = arith.constant 0 : i32
      %dma_start3A_136 = tpu.memref_slice %arg4[%add3A_17, %dma_start3A_135] : memref<5000x64xi32, #tpu.memory_space<hbm>> -> memref<156x64xi32, #tpu.memory_space<hbm>>
      tpu.enqueue_dma source(%dma_start3A_136 : memref<156x64xi32, #tpu.memory_space<hbm>>) target(%dma_start3A_134 : memref<156x64xi32, #tpu.memory_space<vmem>>) target_semaphore(%run_scoped3A : memref<!tpu.dma_semaphore, #tpu.memory_space<semaphore_mem>>)
      %dma_wait3A = arith.constant 0 : i32
      %dma_wait3A_137 = arith.constant 0 : i32
      %dma_wait3A_138 = tpu.memref_slice %arg7[%dma_wait3A, %dma_wait3A_137] : memref<157x64xi32, #tpu.memory_space<vmem>> -> memref<156x64xi32, #tpu.memory_space<vmem>>
      %dma_wait3A_139 = arith.constant 0 : i32
      %dma_wait3A_140 = tpu.memref_slice %arg4[%add3A_17, %dma_wait3A_139] : memref<5000x64xi32, #tpu.memory_space<hbm>> -> memref<156x64xi32, #tpu.memory_space<hbm>>
      %dma_wait3A_141 = arith.constant 0 : i32
      %dma_wait3A_142 = arith.constant 0 : i32
      %dma_wait3A_143 = tpu.memref_slice %arg7[%dma_wait3A_141, %dma_wait3A_142] : memref<157x64xi32, #tpu.memory_space<vmem>> -> memref<156x64xi32, #tpu.memory_space<vmem>>
      %dma_wait3A_144 = arith.constant 0 : i32
      %dma_wait3A_145 = tpu.memref_slice %arg4[%add3A_17, %dma_wait3A_144] : memref<5000x64xi32, #tpu.memory_space<hbm>> -> memref<156x64xi32, #tpu.memory_space<hbm>>
      tpu.wait_dma2 semaphore(%run_scoped3A : memref<!tpu.dma_semaphore, #tpu.memory_space<semaphore_mem>>) src(%dma_wait3A_145 : memref<156x64xi32, #tpu.memory_space<hbm>>) dst(%dma_wait3A_143 : memref<156x64xi32, #tpu.memory_space<vmem>>)
      tpu.yield
    }) : () -> ()
    %lt3A_21 = arith.constant 8 : i32
    %lt3A_22 = arith.cmpi slt, %add3A, %lt3A_21 : i32
    %convert_element_type3A_23 = arith.extui %lt3A_22 : i1 to i32
    %cond3A = arith.constant 0 : i32
    %cond3A_24 = arith.cmpi ne, %convert_element_type3A_23, %cond3A : i32
    scf.if %cond3A_24 {
      %add3A_127 = arith.constant 156 : i32
      %add3A_128 = arith.addi %add3A_17, %add3A_127 : i32
      %run_scoped3A = arith.constant 156 : i32
      "tpu.region"() ({
        %run_scoped3A_132 = tpu.sem_alloc : memref<!tpu.dma_semaphore, #tpu.memory_space<semaphore_mem>>
        %dma_start3A_133 = arith.constant 0 : i32
        %dma_start3A_134 = tpu.memref_slice %arg6[%run_scoped3A, %dma_start3A_133] : memref<157x64xi32, #tpu.memory_space<vmem>> -> memref<1x64xi32, #tpu.memory_space<vmem>>
        %dma_start3A_135 = tpu.memref_squeeze %dma_start3A_134 : memref<1x64xi32, #tpu.memory_space<vmem>> -> memref<64xi32, #tpu.memory_space<vmem>>
        %dma_start3A_136 = arith.constant 0 : i32
        %dma_start3A_137 = tpu.memref_slice %arg3[%add3A_128, %dma_start3A_136] : memref<5000x64xi32, #tpu.memory_space<hbm>> -> memref<1x64xi32, #tpu.memory_space<hbm>>
        %dma_start3A_138 = tpu.memref_squeeze %dma_start3A_137 : memref<1x64xi32, #tpu.memory_space<hbm>> -> memref<64xi32, #tpu.memory_space<hbm>>
        %dma_start3A_139 = arith.constant 0 : i32
        %dma_start3A_140 = tpu.memref_slice %arg6[%run_scoped3A, %dma_start3A_139] : memref<157x64xi32, #tpu.memory_space<vmem>> -> memref<1x64xi32, #tpu.memory_space<vmem>>
        %dma_start3A_141 = tpu.memref_squeeze %dma_start3A_140 : memref<1x64xi32, #tpu.memory_space<vmem>> -> memref<64xi32, #tpu.memory_space<vmem>>
        %dma_start3A_142 = arith.constant 0 : i32
        %dma_start3A_143 = tpu.memref_slice %arg3[%add3A_128, %dma_start3A_142] : memref<5000x64xi32, #tpu.memory_space<hbm>> -> memref<1x64xi32, #tpu.memory_space<hbm>>
        %dma_start3A_144 = tpu.memref_squeeze %dma_start3A_143 : memref<1x64xi32, #tpu.memory_space<hbm>> -> memref<64xi32, #tpu.memory_space<hbm>>
        tpu.enqueue_dma source(%dma_start3A_144 : memref<64xi32, #tpu.memory_space<hbm>>) target(%dma_start3A_141 : memref<64xi32, #tpu.memory_space<vmem>>) target_semaphore(%run_scoped3A_132 : memref<!tpu.dma_semaphore, #tpu.memory_space<semaphore_mem>>)
        %dma_wait3A = arith.constant 0 : i32
        %dma_wait3A_145 = tpu.memref_slice %arg6[%run_scoped3A, %dma_wait3A] : memref<157x64xi32, #tpu.memory_space<vmem>> -> memref<1x64xi32, #tpu.memory_space<vmem>>
        %dma_wait3A_146 = tpu.memref_squeeze %dma_wait3A_145 : memref<1x64xi32, #tpu.memory_space<vmem>> -> memref<64xi32, #tpu.memory_space<vmem>>
        %dma_wait3A_147 = arith.constant 0 : i32
        %dma_wait3A_148 = tpu.memref_slice %arg3[%add3A_128, %dma_wait3A_147] : memref<5000x64xi32, #tpu.memory_space<hbm>> -> memref<1x64xi32, #tpu.memory_space<hbm>>
        %dma_wait3A_149 = tpu.memref_squeeze %dma_wait3A_148 : memref<1x64xi32, #tpu.memory_space<hbm>> -> memref<64xi32, #tpu.memory_space<hbm>>
        %dma_wait3A_150 = arith.constant 0 : i32
        %dma_wait3A_151 = tpu.memref_slice %arg6[%run_scoped3A, %dma_wait3A_150] : memref<157x64xi32, #tpu.memory_space<vmem>> -> memref<1x64xi32, #tpu.memory_space<vmem>>
        %dma_wait3A_152 = tpu.memref_squeeze %dma_wait3A_151 : memref<1x64xi32, #tpu.memory_space<vmem>> -> memref<64xi32, #tpu.memory_space<vmem>>
        %dma_wait3A_153 = arith.constant 0 : i32
        %dma_wait3A_154 = tpu.memref_slice %arg3[%add3A_128, %dma_wait3A_153] : memref<5000x64xi32, #tpu.memory_space<hbm>> -> memref<1x64xi32, #tpu.memory_space<hbm>>
        %dma_wait3A_155 = tpu.memref_squeeze %dma_wait3A_154 : memref<1x64xi32, #tpu.memory_space<hbm>> -> memref<64xi32, #tpu.memory_space<hbm>>
        tpu.wait_dma2 semaphore(%run_scoped3A_132 : memref<!tpu.dma_semaphore, #tpu.memory_space<semaphore_mem>>) src(%dma_wait3A_155 : memref<64xi32, #tpu.memory_space<hbm>>) dst(%dma_wait3A_152 : memref<64xi32, #tpu.memory_space<vmem>>)
        tpu.yield
      }) : () -> ()
      %add3A_129 = arith.constant 156 : i32
      %add3A_130 = arith.addi %add3A_17, %add3A_129 : i32
      %run_scoped3A_131 = arith.constant 156 : i32
      "tpu.region"() ({
        %run_scoped3A_132 = tpu.sem_alloc : memref<!tpu.dma_semaphore, #tpu.memory_space<semaphore_mem>>
        %dma_start3A_133 = arith.constant 0 : i32
        %dma_start3A_134 = tpu.memref_slice %arg7[%run_scoped3A_131, %dma_start3A_133] : memref<157x64xi32, #tpu.memory_space<vmem>> -> memref<1x64xi32, #tpu.memory_space<vmem>>
        %dma_start3A_135 = tpu.memref_squeeze %dma_start3A_134 : memref<1x64xi32, #tpu.memory_space<vmem>> -> memref<64xi32, #tpu.memory_space<vmem>>
        %dma_start3A_136 = arith.constant 0 : i32
        %dma_start3A_137 = tpu.memref_slice %arg4[%add3A_130, %dma_start3A_136] : memref<5000x64xi32, #tpu.memory_space<hbm>> -> memref<1x64xi32, #tpu.memory_space<hbm>>
        %dma_start3A_138 = tpu.memref_squeeze %dma_start3A_137 : memref<1x64xi32, #tpu.memory_space<hbm>> -> memref<64xi32, #tpu.memory_space<hbm>>
        %dma_start3A_139 = arith.constant 0 : i32
        %dma_start3A_140 = tpu.memref_slice %arg7[%run_scoped3A_131, %dma_start3A_139] : memref<157x64xi32, #tpu.memory_space<vmem>> -> memref<1x64xi32, #tpu.memory_space<vmem>>
        %dma_start3A_141 = tpu.memref_squeeze %dma_start3A_140 : memref<1x64xi32, #tpu.memory_space<vmem>> -> memref<64xi32, #tpu.memory_space<vmem>>
        %dma_start3A_142 = arith.constant 0 : i32
        %dma_start3A_143 = tpu.memref_slice %arg4[%add3A_130, %dma_start3A_142] : memref<5000x64xi32, #tpu.memory_space<hbm>> -> memref<1x64xi32, #tpu.memory_space<hbm>>
        %dma_start3A_144 = tpu.memref_squeeze %dma_start3A_143 : memref<1x64xi32, #tpu.memory_space<hbm>> -> memref<64xi32, #tpu.memory_space<hbm>>
        tpu.enqueue_dma source(%dma_start3A_144 : memref<64xi32, #tpu.memory_space<hbm>>) target(%dma_start3A_141 : memref<64xi32, #tpu.memory_space<vmem>>) target_semaphore(%run_scoped3A_132 : memref<!tpu.dma_semaphore, #tpu.memory_space<semaphore_mem>>)
        %dma_wait3A = arith.constant 0 : i32
        %dma_wait3A_145 = tpu.memref_slice %arg7[%run_scoped3A_131, %dma_wait3A] : memref<157x64xi32, #tpu.memory_space<vmem>> -> memref<1x64xi32, #tpu.memory_space<vmem>>
        %dma_wait3A_146 = tpu.memref_squeeze %dma_wait3A_145 : memref<1x64xi32, #tpu.memory_space<vmem>> -> memref<64xi32, #tpu.memory_space<vmem>>
        %dma_wait3A_147 = arith.constant 0 : i32
        %dma_wait3A_148 = tpu.memref_slice %arg4[%add3A_130, %dma_wait3A_147] : memref<5000x64xi32, #tpu.memory_space<hbm>> -> memref<1x64xi32, #tpu.memory_space<hbm>>
        %dma_wait3A_149 = tpu.memref_squeeze %dma_wait3A_148 : memref<1x64xi32, #tpu.memory_space<hbm>> -> memref<64xi32, #tpu.memory_space<hbm>>
        %dma_wait3A_150 = arith.constant 0 : i32
        %dma_wait3A_151 = tpu.memref_slice %arg7[%run_scoped3A_131, %dma_wait3A_150] : memref<157x64xi32, #tpu.memory_space<vmem>> -> memref<1x64xi32, #tpu.memory_space<vmem>>
        %dma_wait3A_152 = tpu.memref_squeeze %dma_wait3A_151 : memref<1x64xi32, #tpu.memory_space<vmem>> -> memref<64xi32, #tpu.memory_space<vmem>>
        %dma_wait3A_153 = arith.constant 0 : i32
        %dma_wait3A_154 = tpu.memref_slice %arg4[%add3A_130, %dma_wait3A_153] : memref<5000x64xi32, #tpu.memory_space<hbm>> -> memref<1x64xi32, #tpu.memory_space<hbm>>
        %dma_wait3A_155 = tpu.memref_squeeze %dma_wait3A_154 : memref<1x64xi32, #tpu.memory_space<hbm>> -> memref<64xi32, #tpu.memory_space<hbm>>
        tpu.wait_dma2 semaphore(%run_scoped3A_132 : memref<!tpu.dma_semaphore, #tpu.memory_space<semaphore_mem>>) src(%dma_wait3A_155 : memref<64xi32, #tpu.memory_space<hbm>>) dst(%dma_wait3A_152 : memref<64xi32, #tpu.memory_space<vmem>>)
        tpu.yield
      }) : () -> ()
    } else {
    }
    %dma_start3A = arith.constant 0 : i32
    %dma_start3A_25 = arith.constant 0 : i32
    %dma_start3A_26 = tpu.memref_slice %arg6[%dma_start3A, %dma_start3A_25] : memref<157x64xi32, #tpu.memory_space<vmem>> -> memref<1x64xi32, #tpu.memory_space<vmem>>
    %dma_start3A_27 = tpu.memref_squeeze %dma_start3A_26 : memref<1x64xi32, #tpu.memory_space<vmem>> -> memref<64xi32, #tpu.memory_space<vmem>>
    %dma_start3A_28 = arith.constant 0 : i32
    %dma_start3A_29 = arith.constant 0 : i32
    %dma_start3A_30 = tpu.memref_slice %arg2[%dma_start3A_28, %dma_start3A_29] : memref<10000x128xf32, #tpu.memory_space<hbm>> -> memref<10000x128xf32, #tpu.memory_space<hbm>>
    tpu.enqueue_indirect_dma source(%dma_start3A_30 : memref<10000x128xf32, #tpu.memory_space<hbm>>) target(%arg8 : memref<64x128xf32, #tpu.memory_space<vmem>>) offsets(%dma_start3A_27 : memref<64xi32, #tpu.memory_space<vmem>>) semaphore(%arg12 : memref<!tpu.dma_semaphore, #tpu.memory_space<semaphore_mem>>)
    %dma_start3A_31 = arith.constant 1 : i32
    %dma_start3A_32 = arith.constant 0 : i32
    %dma_start3A_33 = tpu.memref_slice %arg6[%dma_start3A_31, %dma_start3A_32] : memref<157x64xi32, #tpu.memory_space<vmem>> -> memref<1x64xi32, #tpu.memory_space<vmem>>
    %dma_start3A_34 = tpu.memref_squeeze %dma_start3A_33 : memref<1x64xi32, #tpu.memory_space<vmem>> -> memref<64xi32, #tpu.memory_space<vmem>>
    %dma_start3A_35 = arith.constant 0 : i32
    %dma_start3A_36 = arith.constant 0 : i32
    %dma_start3A_37 = tpu.memref_slice %arg2[%dma_start3A_35, %dma_start3A_36] : memref<10000x128xf32, #tpu.memory_space<hbm>> -> memref<10000x128xf32, #tpu.memory_space<hbm>>
    tpu.enqueue_indirect_dma source(%dma_start3A_37 : memref<10000x128xf32, #tpu.memory_space<hbm>>) target(%arg9 : memref<64x128xf32, #tpu.memory_space<vmem>>) offsets(%dma_start3A_34 : memref<64xi32, #tpu.memory_space<vmem>>) semaphore(%arg13 : memref<!tpu.dma_semaphore, #tpu.memory_space<semaphore_mem>>)
    %jit3A = arith.constant 3 : i32
    %div3A = arith.divsi %add3A_20, %jit3A : i32
    %sign3A = arith.constant 0 : i32
    %sign3A_38 = arith.cmpi sgt, %add3A_20, %sign3A : i32
    %sign3A_39 = arith.extui %sign3A_38 : i1 to i32
    %sign3A_40 = arith.constant 0 : i32
    %sign3A_41 = arith.cmpi slt, %add3A_20, %sign3A_40 : i32
    %sign3A_42 = arith.extui %sign3A_41 : i1 to i32
    %sign3A_43 = arith.subi %sign3A_39, %sign3A_42 : i32
    %sign3A_44 = arith.constant 0 : i32
    %sign3A_45 = arith.cmpi sgt, %jit3A, %sign3A_44 : i32
    %sign3A_46 = arith.extui %sign3A_45 : i1 to i32
    %sign3A_47 = arith.constant 0 : i32
    %sign3A_48 = arith.cmpi slt, %jit3A, %sign3A_47 : i32
    %sign3A_49 = arith.extui %sign3A_48 : i1 to i32
    %sign3A_50 = arith.subi %sign3A_46, %sign3A_49 : i32
    %ne3A = arith.cmpi ne, %sign3A_43, %sign3A_50 : i32
    %rem3A = arith.remsi %add3A_20, %jit3A : i32
    %ne3A_51 = arith.constant 0 : i32
    %ne3A_52 = arith.cmpi ne, %rem3A, %ne3A_51 : i32
    %and3A = arith.andi %ne3A, %ne3A_52 : i1
    %sub3A = arith.constant 1 : i32
    %sub3A_53 = arith.subi %div3A, %sub3A : i32
    %select_n3A = arith.select %and3A, %sub3A_53, %div3A : i32
    %sub3A_54 = arith.constant 0 : i32
    %sub3A_55 = arith.subi %select_n3A, %sub3A_54 : i32
    %sub3A_56 = arith.constant 1 : i32
    %sub3A_57 = arith.constant 1 : i32
    %sub3A_58 = arith.subi %sub3A_56, %sub3A_57 : i32
    %add3A_59 = arith.addi %sub3A_55, %sub3A_58 : i32
    %div3A_60 = arith.constant 1 : i32
    %div3A_61 = arith.divsi %add3A_59, %div3A_60 : i32
    %while3A = arith.constant 1 : i32
    %while3A_62 = arith.constant 0 : i32
    %while3A_63 = arith.constant 0 : i32
    %while3A_64 = arith.subi %div3A_61, %while3A_63 : i32
    %while3A_65 = arith.addi %while3A_63, %while3A_64 : i32
    %while3A_66 = arith.constant 1 : i32
    %while3A_67 = arith.divsi %while3A_64, %while3A_66 : i32
    %while3A_68 = arith.muli %while3A_67, %while3A_66 : i32
    %while3A_69 = arith.addi %while3A_63, %while3A_68 : i32
    %while3A_70 = arith.constant 1 : i32
    scf.for %while3A_127 = %while3A_63 to %while3A_69 step %while3A_70  : i32 {
      %mul3A_128 = arith.muli %while3A_127, %while3A : i32
      %add3A_129 = arith.addi %while3A_62, %mul3A_128 : i32
      %mul3A_130 = arith.constant 3 : i32
      %mul3A_131 = arith.muli %mul3A_130, %add3A_129 : i32
      %add3A_132 = arith.constant 0 : i32
      %add3A_133 = arith.addi %mul3A_131, %add3A_132 : i32
      %dma_wait3A = arith.constant 0 : i32
      %dma_wait3A_134 = arith.constant 0 : i32
      %dma_wait3A_135 = tpu.memref_slice %arg6[%dma_wait3A, %dma_wait3A_134] : memref<157x64xi32, #tpu.memory_space<vmem>> -> memref<1x64xi32, #tpu.memory_space<vmem>>
      %dma_wait3A_136 = tpu.memref_squeeze %dma_wait3A_135 : memref<1x64xi32, #tpu.memory_space<vmem>> -> memref<64xi32, #tpu.memory_space<vmem>>
      %dma_wait3A_137 = arith.constant 0 : i32
      %dma_wait3A_138 = arith.constant 0 : i32
      %dma_wait3A_139 = tpu.memref_slice %arg2[%dma_wait3A_137, %dma_wait3A_138] : memref<10000x128xf32, #tpu.memory_space<hbm>> -> memref<10000x128xf32, #tpu.memory_space<hbm>>
      tpu.wait_indirect_dma semaphore(%arg12 : memref<!tpu.dma_semaphore, #tpu.memory_space<semaphore_mem>>) src(%dma_wait3A_139 : memref<10000x128xf32, #tpu.memory_space<hbm>>) dst(%arg8 : memref<64x128xf32, #tpu.memory_space<vmem>>)
      %dma_start3A_140 = arith.constant 0 : i32
      %dma_start3A_141 = tpu.memref_slice %arg7[%add3A_133, %dma_start3A_140] : memref<157x64xi32, #tpu.memory_space<vmem>> -> memref<1x64xi32, #tpu.memory_space<vmem>>
      %dma_start3A_142 = tpu.memref_squeeze %dma_start3A_141 : memref<1x64xi32, #tpu.memory_space<vmem>> -> memref<64xi32, #tpu.memory_space<vmem>>
      %dma_start3A_143 = arith.constant 0 : i32
      %dma_start3A_144 = arith.constant 0 : i32
      %dma_start3A_145 = tpu.memref_slice %arg11[%dma_start3A_143, %dma_start3A_144] : memref<10000x128xf32, #tpu.memory_space<vmem_shared>> -> memref<10000x128xf32, #tpu.memory_space<vmem_shared>>
      tpu.enqueue_indirect_dma source(%arg8 : memref<64x128xf32, #tpu.memory_space<vmem>>) target(%dma_start3A_145 : memref<10000x128xf32, #tpu.memory_space<vmem_shared>>) offsets(%dma_start3A_142 : memref<64xi32, #tpu.memory_space<vmem>>) semaphore(%arg15 : memref<!tpu.dma_semaphore, #tpu.memory_space<semaphore_mem>>) {add = true}
      %gt3A = arith.constant 0 : i32
      %gt3A_146 = arith.cmpi sgt, %add3A_133, %gt3A : i32
      %convert_element_type3A_147 = arith.extui %gt3A_146 : i1 to i32
      %cond3A_148 = arith.constant 0 : i32
      %cond3A_149 = arith.cmpi ne, %convert_element_type3A_147, %cond3A_148 : i32
      scf.if %cond3A_149 {
        %dma_wait3A_212 = arith.constant 0 : i32
        %dma_wait3A_213 = arith.constant 0 : i32
        %dma_wait3A_214 = tpu.memref_slice %arg7[%dma_wait3A_212, %dma_wait3A_213] : memref<157x64xi32, #tpu.memory_space<vmem>> -> memref<1x64xi32, #tpu.memory_space<vmem>>
        %dma_wait3A_215 = tpu.memref_squeeze %dma_wait3A_214 : memref<1x64xi32, #tpu.memory_space<vmem>> -> memref<64xi32, #tpu.memory_space<vmem>>
        %dma_wait3A_216 = arith.constant 0 : i32
        %dma_wait3A_217 = arith.constant 0 : i32
        %dma_wait3A_218 = tpu.memref_slice %arg11[%dma_wait3A_216, %dma_wait3A_217] : memref<10000x128xf32, #tpu.memory_space<vmem_shared>> -> memref<10000x128xf32, #tpu.memory_space<vmem_shared>>
        tpu.wait_indirect_dma semaphore(%arg17 : memref<!tpu.dma_semaphore, #tpu.memory_space<semaphore_mem>>) src(%arg10 : memref<64x128xf32, #tpu.memory_space<vmem>>) dst(%dma_wait3A_218 : memref<10000x128xf32, #tpu.memory_space<vmem_shared>>)
      } else {
      }
      %add3A_150 = arith.constant 2 : i32
      %add3A_151 = arith.addi %add3A_133, %add3A_150 : i32
      %lt3A_152 = arith.cmpi slt, %add3A_151, %add3A_20 : i32
      %convert_element_type3A_153 = arith.extui %lt3A_152 : i1 to i32
      %cond3A_154 = arith.constant 0 : i32
      %cond3A_155 = arith.cmpi ne, %convert_element_type3A_153, %cond3A_154 : i32
      scf.if %cond3A_155 {
        %add3A_212 = arith.constant 2 : i32
        %add3A_213 = arith.addi %add3A_133, %add3A_212 : i32
        %dma_start3A_214 = arith.constant 0 : i32
        %dma_start3A_215 = tpu.memref_slice %arg6[%add3A_213, %dma_start3A_214] : memref<157x64xi32, #tpu.memory_space<vmem>> -> memref<1x64xi32, #tpu.memory_space<vmem>>
        %dma_start3A_216 = tpu.memref_squeeze %dma_start3A_215 : memref<1x64xi32, #tpu.memory_space<vmem>> -> memref<64xi32, #tpu.memory_space<vmem>>
        %dma_start3A_217 = arith.constant 0 : i32
        %dma_start3A_218 = arith.constant 0 : i32
        %dma_start3A_219 = tpu.memref_slice %arg2[%dma_start3A_217, %dma_start3A_218] : memref<10000x128xf32, #tpu.memory_space<hbm>> -> memref<10000x128xf32, #tpu.memory_space<hbm>>
        tpu.enqueue_indirect_dma source(%dma_start3A_219 : memref<10000x128xf32, #tpu.memory_space<hbm>>) target(%arg10 : memref<64x128xf32, #tpu.memory_space<vmem>>) offsets(%dma_start3A_216 : memref<64xi32, #tpu.memory_space<vmem>>) semaphore(%arg14 : memref<!tpu.dma_semaphore, #tpu.memory_space<semaphore_mem>>)
      } else {
      }
      %mul3A_156 = arith.constant 3 : i32
      %mul3A_157 = arith.muli %mul3A_156, %add3A_129 : i32
      %add3A_158 = arith.constant 1 : i32
      %add3A_159 = arith.addi %mul3A_157, %add3A_158 : i32
      %dma_wait3A_160 = arith.constant 0 : i32
      %dma_wait3A_161 = arith.constant 0 : i32
      %dma_wait3A_162 = tpu.memref_slice %arg6[%dma_wait3A_160, %dma_wait3A_161] : memref<157x64xi32, #tpu.memory_space<vmem>> -> memref<1x64xi32, #tpu.memory_space<vmem>>
      %dma_wait3A_163 = tpu.memref_squeeze %dma_wait3A_162 : memref<1x64xi32, #tpu.memory_space<vmem>> -> memref<64xi32, #tpu.memory_space<vmem>>
      %dma_wait3A_164 = arith.constant 0 : i32
      %dma_wait3A_165 = arith.constant 0 : i32
      %dma_wait3A_166 = tpu.memref_slice %arg2[%dma_wait3A_164, %dma_wait3A_165] : memref<10000x128xf32, #tpu.memory_space<hbm>> -> memref<10000x128xf32, #tpu.memory_space<hbm>>
      tpu.wait_indirect_dma semaphore(%arg13 : memref<!tpu.dma_semaphore, #tpu.memory_space<semaphore_mem>>) src(%dma_wait3A_166 : memref<10000x128xf32, #tpu.memory_space<hbm>>) dst(%arg9 : memref<64x128xf32, #tpu.memory_space<vmem>>)
      %dma_start3A_167 = arith.constant 0 : i32
      %dma_start3A_168 = tpu.memref_slice %arg7[%add3A_159, %dma_start3A_167] : memref<157x64xi32, #tpu.memory_space<vmem>> -> memref<1x64xi32, #tpu.memory_space<vmem>>
      %dma_start3A_169 = tpu.memref_squeeze %dma_start3A_168 : memref<1x64xi32, #tpu.memory_space<vmem>> -> memref<64xi32, #tpu.memory_space<vmem>>
      %dma_start3A_170 = arith.constant 0 : i32
      %dma_start3A_171 = arith.constant 0 : i32
      %dma_start3A_172 = tpu.memref_slice %arg11[%dma_start3A_170, %dma_start3A_171] : memref<10000x128xf32, #tpu.memory_space<vmem_shared>> -> memref<10000x128xf32, #tpu.memory_space<vmem_shared>>
      tpu.enqueue_indirect_dma source(%arg9 : memref<64x128xf32, #tpu.memory_space<vmem>>) target(%dma_start3A_172 : memref<10000x128xf32, #tpu.memory_space<vmem_shared>>) offsets(%dma_start3A_169 : memref<64xi32, #tpu.memory_space<vmem>>) semaphore(%arg16 : memref<!tpu.dma_semaphore, #tpu.memory_space<semaphore_mem>>) {add = true}
      %gt3A_173 = arith.constant 0 : i32
      %gt3A_174 = arith.cmpi sgt, %add3A_159, %gt3A_173 : i32
      %convert_element_type3A_175 = arith.extui %gt3A_174 : i1 to i32
      %cond3A_176 = arith.constant 0 : i32
      %cond3A_177 = arith.cmpi ne, %convert_element_type3A_175, %cond3A_176 : i32
      scf.if %cond3A_177 {
        %dma_wait3A_212 = arith.constant 0 : i32
        %dma_wait3A_213 = arith.constant 0 : i32
        %dma_wait3A_214 = tpu.memref_slice %arg7[%dma_wait3A_212, %dma_wait3A_213] : memref<157x64xi32, #tpu.memory_space<vmem>> -> memref<1x64xi32, #tpu.memory_space<vmem>>
        %dma_wait3A_215 = tpu.memref_squeeze %dma_wait3A_214 : memref<1x64xi32, #tpu.memory_space<vmem>> -> memref<64xi32, #tpu.memory_space<vmem>>
        %dma_wait3A_216 = arith.constant 0 : i32
        %dma_wait3A_217 = arith.constant 0 : i32
        %dma_wait3A_218 = tpu.memref_slice %arg11[%dma_wait3A_216, %dma_wait3A_217] : memref<10000x128xf32, #tpu.memory_space<vmem_shared>> -> memref<10000x128xf32, #tpu.memory_space<vmem_shared>>
        tpu.wait_indirect_dma semaphore(%arg15 : memref<!tpu.dma_semaphore, #tpu.memory_space<semaphore_mem>>) src(%arg8 : memref<64x128xf32, #tpu.memory_space<vmem>>) dst(%dma_wait3A_218 : memref<10000x128xf32, #tpu.memory_space<vmem_shared>>)
      } else {
      }
      %add3A_178 = arith.constant 2 : i32
      %add3A_179 = arith.addi %add3A_159, %add3A_178 : i32
      %lt3A_180 = arith.cmpi slt, %add3A_179, %add3A_20 : i32
      %convert_element_type3A_181 = arith.extui %lt3A_180 : i1 to i32
      %cond3A_182 = arith.constant 0 : i32
      %cond3A_183 = arith.cmpi ne, %convert_element_type3A_181, %cond3A_182 : i32
      scf.if %cond3A_183 {
        %add3A_212 = arith.constant 2 : i32
        %add3A_213 = arith.addi %add3A_159, %add3A_212 : i32
        %dma_start3A_214 = arith.constant 0 : i32
        %dma_start3A_215 = tpu.memref_slice %arg6[%add3A_213, %dma_start3A_214] : memref<157x64xi32, #tpu.memory_space<vmem>> -> memref<1x64xi32, #tpu.memory_space<vmem>>
        %dma_start3A_216 = tpu.memref_squeeze %dma_start3A_215 : memref<1x64xi32, #tpu.memory_space<vmem>> -> memref<64xi32, #tpu.memory_space<vmem>>
        %dma_start3A_217 = arith.constant 0 : i32
        %dma_start3A_218 = arith.constant 0 : i32
        %dma_start3A_219 = tpu.memref_slice %arg2[%dma_start3A_217, %dma_start3A_218] : memref<10000x128xf32, #tpu.memory_space<hbm>> -> memref<10000x128xf32, #tpu.memory_space<hbm>>
        tpu.enqueue_indirect_dma source(%dma_start3A_219 : memref<10000x128xf32, #tpu.memory_space<hbm>>) target(%arg8 : memref<64x128xf32, #tpu.memory_space<vmem>>) offsets(%dma_start3A_216 : memref<64xi32, #tpu.memory_space<vmem>>) semaphore(%arg12 : memref<!tpu.dma_semaphore, #tpu.memory_space<semaphore_mem>>)
      } else {
      }
      %mul3A_184 = arith.constant 3 : i32
      %mul3A_185 = arith.muli %mul3A_184, %add3A_129 : i32
      %add3A_186 = arith.constant 2 : i32
      %add3A_187 = arith.addi %mul3A_185, %add3A_186 : i32
      %dma_wait3A_188 = arith.constant 0 : i32
      %dma_wait3A_189 = arith.constant 0 : i32
      %dma_wait3A_190 = tpu.memref_slice %arg6[%dma_wait3A_188, %dma_wait3A_189] : memref<157x64xi32, #tpu.memory_space<vmem>> -> memref<1x64xi32, #tpu.memory_space<vmem>>
      %dma_wait3A_191 = tpu.memref_squeeze %dma_wait3A_190 : memref<1x64xi32, #tpu.memory_space<vmem>> -> memref<64xi32, #tpu.memory_space<vmem>>
      %dma_wait3A_192 = arith.constant 0 : i32
      %dma_wait3A_193 = arith.constant 0 : i32
      %dma_wait3A_194 = tpu.memref_slice %arg2[%dma_wait3A_192, %dma_wait3A_193] : memref<10000x128xf32, #tpu.memory_space<hbm>> -> memref<10000x128xf32, #tpu.memory_space<hbm>>
      tpu.wait_indirect_dma semaphore(%arg14 : memref<!tpu.dma_semaphore, #tpu.memory_space<semaphore_mem>>) src(%dma_wait3A_194 : memref<10000x128xf32, #tpu.memory_space<hbm>>) dst(%arg10 : memref<64x128xf32, #tpu.memory_space<vmem>>)
      %dma_start3A_195 = arith.constant 0 : i32
      %dma_start3A_196 = tpu.memref_slice %arg7[%add3A_187, %dma_start3A_195] : memref<157x64xi32, #tpu.memory_space<vmem>> -> memref<1x64xi32, #tpu.memory_space<vmem>>
      %dma_start3A_197 = tpu.memref_squeeze %dma_start3A_196 : memref<1x64xi32, #tpu.memory_space<vmem>> -> memref<64xi32, #tpu.memory_space<vmem>>
      %dma_start3A_198 = arith.constant 0 : i32
      %dma_start3A_199 = arith.constant 0 : i32
      %dma_start3A_200 = tpu.memref_slice %arg11[%dma_start3A_198, %dma_start3A_199] : memref<10000x128xf32, #tpu.memory_space<vmem_shared>> -> memref<10000x128xf32, #tpu.memory_space<vmem_shared>>
      tpu.enqueue_indirect_dma source(%arg10 : memref<64x128xf32, #tpu.memory_space<vmem>>) target(%dma_start3A_200 : memref<10000x128xf32, #tpu.memory_space<vmem_shared>>) offsets(%dma_start3A_197 : memref<64xi32, #tpu.memory_space<vmem>>) semaphore(%arg17 : memref<!tpu.dma_semaphore, #tpu.memory_space<semaphore_mem>>) {add = true}
      %gt3A_201 = arith.constant 0 : i32
      %gt3A_202 = arith.cmpi sgt, %add3A_187, %gt3A_201 : i32
      %convert_element_type3A_203 = arith.extui %gt3A_202 : i1 to i32
      %cond3A_204 = arith.constant 0 : i32
      %cond3A_205 = arith.cmpi ne, %convert_element_type3A_203, %cond3A_204 : i32
      scf.if %cond3A_205 {
        %dma_wait3A_212 = arith.constant 0 : i32
        %dma_wait3A_213 = arith.constant 0 : i32
        %dma_wait3A_214 = tpu.memref_slice %arg7[%dma_wait3A_212, %dma_wait3A_213] : memref<157x64xi32, #tpu.memory_space<vmem>> -> memref<1x64xi32, #tpu.memory_space<vmem>>
        %dma_wait3A_215 = tpu.memref_squeeze %dma_wait3A_214 : memref<1x64xi32, #tpu.memory_space<vmem>> -> memref<64xi32, #tpu.memory_space<vmem>>
        %dma_wait3A_216 = arith.constant 0 : i32
        %dma_wait3A_217 = arith.constant 0 : i32
        %dma_wait3A_218 = tpu.memref_slice %arg11[%dma_wait3A_216, %dma_wait3A_217] : memref<10000x128xf32, #tpu.memory_space<vmem_shared>> -> memref<10000x128xf32, #tpu.memory_space<vmem_shared>>
        tpu.wait_indirect_dma semaphore(%arg16 : memref<!tpu.dma_semaphore, #tpu.memory_space<semaphore_mem>>) src(%arg9 : memref<64x128xf32, #tpu.memory_space<vmem>>) dst(%dma_wait3A_218 : memref<10000x128xf32, #tpu.memory_space<vmem_shared>>)
      } else {
      }
      %add3A_206 = arith.constant 2 : i32
      %add3A_207 = arith.addi %add3A_187, %add3A_206 : i32
      %lt3A_208 = arith.cmpi slt, %add3A_207, %add3A_20 : i32
      %convert_element_type3A_209 = arith.extui %lt3A_208 : i1 to i32
      %cond3A_210 = arith.constant 0 : i32
      %cond3A_211 = arith.cmpi ne, %convert_element_type3A_209, %cond3A_210 : i32
      scf.if %cond3A_211 {
        %add3A_212 = arith.constant 2 : i32
        %add3A_213 = arith.addi %add3A_187, %add3A_212 : i32
        %dma_start3A_214 = arith.constant 0 : i32
        %dma_start3A_215 = tpu.memref_slice %arg6[%add3A_213, %dma_start3A_214] : memref<157x64xi32, #tpu.memory_space<vmem>> -> memref<1x64xi32, #tpu.memory_space<vmem>>
        %dma_start3A_216 = tpu.memref_squeeze %dma_start3A_215 : memref<1x64xi32, #tpu.memory_space<vmem>> -> memref<64xi32, #tpu.memory_space<vmem>>
        %dma_start3A_217 = arith.constant 0 : i32
        %dma_start3A_218 = arith.constant 0 : i32
        %dma_start3A_219 = tpu.memref_slice %arg2[%dma_start3A_217, %dma_start3A_218] : memref<10000x128xf32, #tpu.memory_space<hbm>> -> memref<10000x128xf32, #tpu.memory_space<hbm>>
        tpu.enqueue_indirect_dma source(%dma_start3A_219 : memref<10000x128xf32, #tpu.memory_space<hbm>>) target(%arg9 : memref<64x128xf32, #tpu.memory_space<vmem>>) offsets(%dma_start3A_216 : memref<64xi32, #tpu.memory_space<vmem>>) semaphore(%arg13 : memref<!tpu.dma_semaphore, #tpu.memory_space<semaphore_mem>>)
      } else {
      }
    }
    %while3A_71 = arith.constant 1 : i32
    scf.for %while3A_127 = %while3A_69 to %while3A_65 step %while3A_71  : i32 {
      %mul3A_128 = arith.muli %while3A_127, %while3A : i32
      %add3A_129 = arith.addi %while3A_62, %mul3A_128 : i32
      %mul3A_130 = arith.constant 3 : i32
      %mul3A_131 = arith.muli %mul3A_130, %add3A_129 : i32
      %add3A_132 = arith.constant 0 : i32
      %add3A_133 = arith.addi %mul3A_131, %add3A_132 : i32
      %dma_wait3A = arith.constant 0 : i32
      %dma_wait3A_134 = arith.constant 0 : i32
      %dma_wait3A_135 = tpu.memref_slice %arg6[%dma_wait3A, %dma_wait3A_134] : memref<157x64xi32, #tpu.memory_space<vmem>> -> memref<1x64xi32, #tpu.memory_space<vmem>>
      %dma_wait3A_136 = tpu.memref_squeeze %dma_wait3A_135 : memref<1x64xi32, #tpu.memory_space<vmem>> -> memref<64xi32, #tpu.memory_space<vmem>>
      %dma_wait3A_137 = arith.constant 0 : i32
      %dma_wait3A_138 = arith.constant 0 : i32
      %dma_wait3A_139 = tpu.memref_slice %arg2[%dma_wait3A_137, %dma_wait3A_138] : memref<10000x128xf32, #tpu.memory_space<hbm>> -> memref<10000x128xf32, #tpu.memory_space<hbm>>
      tpu.wait_indirect_dma semaphore(%arg12 : memref<!tpu.dma_semaphore, #tpu.memory_space<semaphore_mem>>) src(%dma_wait3A_139 : memref<10000x128xf32, #tpu.memory_space<hbm>>) dst(%arg8 : memref<64x128xf32, #tpu.memory_space<vmem>>)
      %dma_start3A_140 = arith.constant 0 : i32
      %dma_start3A_141 = tpu.memref_slice %arg7[%add3A_133, %dma_start3A_140] : memref<157x64xi32, #tpu.memory_space<vmem>> -> memref<1x64xi32, #tpu.memory_space<vmem>>
      %dma_start3A_142 = tpu.memref_squeeze %dma_start3A_141 : memref<1x64xi32, #tpu.memory_space<vmem>> -> memref<64xi32, #tpu.memory_space<vmem>>
      %dma_start3A_143 = arith.constant 0 : i32
      %dma_start3A_144 = arith.constant 0 : i32
      %dma_start3A_145 = tpu.memref_slice %arg11[%dma_start3A_143, %dma_start3A_144] : memref<10000x128xf32, #tpu.memory_space<vmem_shared>> -> memref<10000x128xf32, #tpu.memory_space<vmem_shared>>
      tpu.enqueue_indirect_dma source(%arg8 : memref<64x128xf32, #tpu.memory_space<vmem>>) target(%dma_start3A_145 : memref<10000x128xf32, #tpu.memory_space<vmem_shared>>) offsets(%dma_start3A_142 : memref<64xi32, #tpu.memory_space<vmem>>) semaphore(%arg15 : memref<!tpu.dma_semaphore, #tpu.memory_space<semaphore_mem>>) {add = true}
      %gt3A = arith.constant 0 : i32
      %gt3A_146 = arith.cmpi sgt, %add3A_133, %gt3A : i32
      %convert_element_type3A_147 = arith.extui %gt3A_146 : i1 to i32
      %cond3A_148 = arith.constant 0 : i32
      %cond3A_149 = arith.cmpi ne, %convert_element_type3A_147, %cond3A_148 : i32
      scf.if %cond3A_149 {
        %dma_wait3A_212 = arith.constant 0 : i32
        %dma_wait3A_213 = arith.constant 0 : i32
        %dma_wait3A_214 = tpu.memref_slice %arg7[%dma_wait3A_212, %dma_wait3A_213] : memref<157x64xi32, #tpu.memory_space<vmem>> -> memref<1x64xi32, #tpu.memory_space<vmem>>
        %dma_wait3A_215 = tpu.memref_squeeze %dma_wait3A_214 : memref<1x64xi32, #tpu.memory_space<vmem>> -> memref<64xi32, #tpu.memory_space<vmem>>
        %dma_wait3A_216 = arith.constant 0 : i32
        %dma_wait3A_217 = arith.constant 0 : i32
        %dma_wait3A_218 = tpu.memref_slice %arg11[%dma_wait3A_216, %dma_wait3A_217] : memref<10000x128xf32, #tpu.memory_space<vmem_shared>> -> memref<10000x128xf32, #tpu.memory_space<vmem_shared>>
        tpu.wait_indirect_dma semaphore(%arg17 : memref<!tpu.dma_semaphore, #tpu.memory_space<semaphore_mem>>) src(%arg10 : memref<64x128xf32, #tpu.memory_space<vmem>>) dst(%dma_wait3A_218 : memref<10000x128xf32, #tpu.memory_space<vmem_shared>>)
      } else {
      }
      %add3A_150 = arith.constant 2 : i32
      %add3A_151 = arith.addi %add3A_133, %add3A_150 : i32
      %lt3A_152 = arith.cmpi slt, %add3A_151, %add3A_20 : i32
      %convert_element_type3A_153 = arith.extui %lt3A_152 : i1 to i32
      %cond3A_154 = arith.constant 0 : i32
      %cond3A_155 = arith.cmpi ne, %convert_element_type3A_153, %cond3A_154 : i32
      scf.if %cond3A_155 {
        %add3A_212 = arith.constant 2 : i32
        %add3A_213 = arith.addi %add3A_133, %add3A_212 : i32
        %dma_start3A_214 = arith.constant 0 : i32
        %dma_start3A_215 = tpu.memref_slice %arg6[%add3A_213, %dma_start3A_214] : memref<157x64xi32, #tpu.memory_space<vmem>> -> memref<1x64xi32, #tpu.memory_space<vmem>>
        %dma_start3A_216 = tpu.memref_squeeze %dma_start3A_215 : memref<1x64xi32, #tpu.memory_space<vmem>> -> memref<64xi32, #tpu.memory_space<vmem>>
        %dma_start3A_217 = arith.constant 0 : i32
        %dma_start3A_218 = arith.constant 0 : i32
        %dma_start3A_219 = tpu.memref_slice %arg2[%dma_start3A_217, %dma_start3A_218] : memref<10000x128xf32, #tpu.memory_space<hbm>> -> memref<10000x128xf32, #tpu.memory_space<hbm>>
        tpu.enqueue_indirect_dma source(%dma_start3A_219 : memref<10000x128xf32, #tpu.memory_space<hbm>>) target(%arg10 : memref<64x128xf32, #tpu.memory_space<vmem>>) offsets(%dma_start3A_216 : memref<64xi32, #tpu.memory_space<vmem>>) semaphore(%arg14 : memref<!tpu.dma_semaphore, #tpu.memory_space<semaphore_mem>>)
      } else {
      }
      %mul3A_156 = arith.constant 3 : i32
      %mul3A_157 = arith.muli %mul3A_156, %add3A_129 : i32
      %add3A_158 = arith.constant 1 : i32
      %add3A_159 = arith.addi %mul3A_157, %add3A_158 : i32
      %dma_wait3A_160 = arith.constant 0 : i32
      %dma_wait3A_161 = arith.constant 0 : i32
      %dma_wait3A_162 = tpu.memref_slice %arg6[%dma_wait3A_160, %dma_wait3A_161] : memref<157x64xi32, #tpu.memory_space<vmem>> -> memref<1x64xi32, #tpu.memory_space<vmem>>
      %dma_wait3A_163 = tpu.memref_squeeze %dma_wait3A_162 : memref<1x64xi32, #tpu.memory_space<vmem>> -> memref<64xi32, #tpu.memory_space<vmem>>
      %dma_wait3A_164 = arith.constant 0 : i32
      %dma_wait3A_165 = arith.constant 0 : i32
      %dma_wait3A_166 = tpu.memref_slice %arg2[%dma_wait3A_164, %dma_wait3A_165] : memref<10000x128xf32, #tpu.memory_space<hbm>> -> memref<10000x128xf32, #tpu.memory_space<hbm>>
      tpu.wait_indirect_dma semaphore(%arg13 : memref<!tpu.dma_semaphore, #tpu.memory_space<semaphore_mem>>) src(%dma_wait3A_166 : memref<10000x128xf32, #tpu.memory_space<hbm>>) dst(%arg9 : memref<64x128xf32, #tpu.memory_space<vmem>>)
      %dma_start3A_167 = arith.constant 0 : i32
      %dma_start3A_168 = tpu.memref_slice %arg7[%add3A_159, %dma_start3A_167] : memref<157x64xi32, #tpu.memory_space<vmem>> -> memref<1x64xi32, #tpu.memory_space<vmem>>
      %dma_start3A_169 = tpu.memref_squeeze %dma_start3A_168 : memref<1x64xi32, #tpu.memory_space<vmem>> -> memref<64xi32, #tpu.memory_space<vmem>>
      %dma_start3A_170 = arith.constant 0 : i32
      %dma_start3A_171 = arith.constant 0 : i32
      %dma_start3A_172 = tpu.memref_slice %arg11[%dma_start3A_170, %dma_start3A_171] : memref<10000x128xf32, #tpu.memory_space<vmem_shared>> -> memref<10000x128xf32, #tpu.memory_space<vmem_shared>>
      tpu.enqueue_indirect_dma source(%arg9 : memref<64x128xf32, #tpu.memory_space<vmem>>) target(%dma_start3A_172 : memref<10000x128xf32, #tpu.memory_space<vmem_shared>>) offsets(%dma_start3A_169 : memref<64xi32, #tpu.memory_space<vmem>>) semaphore(%arg16 : memref<!tpu.dma_semaphore, #tpu.memory_space<semaphore_mem>>) {add = true}
      %gt3A_173 = arith.constant 0 : i32
      %gt3A_174 = arith.cmpi sgt, %add3A_159, %gt3A_173 : i32
      %convert_element_type3A_175 = arith.extui %gt3A_174 : i1 to i32
      %cond3A_176 = arith.constant 0 : i32
      %cond3A_177 = arith.cmpi ne, %convert_element_type3A_175, %cond3A_176 : i32
      scf.if %cond3A_177 {
        %dma_wait3A_212 = arith.constant 0 : i32
        %dma_wait3A_213 = arith.constant 0 : i32
        %dma_wait3A_214 = tpu.memref_slice %arg7[%dma_wait3A_212, %dma_wait3A_213] : memref<157x64xi32, #tpu.memory_space<vmem>> -> memref<1x64xi32, #tpu.memory_space<vmem>>
        %dma_wait3A_215 = tpu.memref_squeeze %dma_wait3A_214 : memref<1x64xi32, #tpu.memory_space<vmem>> -> memref<64xi32, #tpu.memory_space<vmem>>
        %dma_wait3A_216 = arith.constant 0 : i32
        %dma_wait3A_217 = arith.constant 0 : i32
        %dma_wait3A_218 = tpu.memref_slice %arg11[%dma_wait3A_216, %dma_wait3A_217] : memref<10000x128xf32, #tpu.memory_space<vmem_shared>> -> memref<10000x128xf32, #tpu.memory_space<vmem_shared>>
        tpu.wait_indirect_dma semaphore(%arg15 : memref<!tpu.dma_semaphore, #tpu.memory_space<semaphore_mem>>) src(%arg8 : memref<64x128xf32, #tpu.memory_space<vmem>>) dst(%dma_wait3A_218 : memref<10000x128xf32, #tpu.memory_space<vmem_shared>>)
      } else {
      }
      %add3A_178 = arith.constant 2 : i32
      %add3A_179 = arith.addi %add3A_159, %add3A_178 : i32
      %lt3A_180 = arith.cmpi slt, %add3A_179, %add3A_20 : i32
      %convert_element_type3A_181 = arith.extui %lt3A_180 : i1 to i32
      %cond3A_182 = arith.constant 0 : i32
      %cond3A_183 = arith.cmpi ne, %convert_element_type3A_181, %cond3A_182 : i32
      scf.if %cond3A_183 {
        %add3A_212 = arith.constant 2 : i32
        %add3A_213 = arith.addi %add3A_159, %add3A_212 : i32
        %dma_start3A_214 = arith.constant 0 : i32
        %dma_start3A_215 = tpu.memref_slice %arg6[%add3A_213, %dma_start3A_214] : memref<157x64xi32, #tpu.memory_space<vmem>> -> memref<1x64xi32, #tpu.memory_space<vmem>>
        %dma_start3A_216 = tpu.memref_squeeze %dma_start3A_215 : memref<1x64xi32, #tpu.memory_space<vmem>> -> memref<64xi32, #tpu.memory_space<vmem>>
        %dma_start3A_217 = arith.constant 0 : i32
        %dma_start3A_218 = arith.constant 0 : i32
        %dma_start3A_219 = tpu.memref_slice %arg2[%dma_start3A_217, %dma_start3A_218] : memref<10000x128xf32, #tpu.memory_space<hbm>> -> memref<10000x128xf32, #tpu.memory_space<hbm>>
        tpu.enqueue_indirect_dma source(%dma_start3A_219 : memref<10000x128xf32, #tpu.memory_space<hbm>>) target(%arg8 : memref<64x128xf32, #tpu.memory_space<vmem>>) offsets(%dma_start3A_216 : memref<64xi32, #tpu.memory_space<vmem>>) semaphore(%arg12 : memref<!tpu.dma_semaphore, #tpu.memory_space<semaphore_mem>>)
      } else {
      }
      %mul3A_184 = arith.constant 3 : i32
      %mul3A_185 = arith.muli %mul3A_184, %add3A_129 : i32
      %add3A_186 = arith.constant 2 : i32
      %add3A_187 = arith.addi %mul3A_185, %add3A_186 : i32
      %dma_wait3A_188 = arith.constant 0 : i32
      %dma_wait3A_189 = arith.constant 0 : i32
      %dma_wait3A_190 = tpu.memref_slice %arg6[%dma_wait3A_188, %dma_wait3A_189] : memref<157x64xi32, #tpu.memory_space<vmem>> -> memref<1x64xi32, #tpu.memory_space<vmem>>
      %dma_wait3A_191 = tpu.memref_squeeze %dma_wait3A_190 : memref<1x64xi32, #tpu.memory_space<vmem>> -> memref<64xi32, #tpu.memory_space<vmem>>
      %dma_wait3A_192 = arith.constant 0 : i32
      %dma_wait3A_193 = arith.constant 0 : i32
      %dma_wait3A_194 = tpu.memref_slice %arg2[%dma_wait3A_192, %dma_wait3A_193] : memref<10000x128xf32, #tpu.memory_space<hbm>> -> memref<10000x128xf32, #tpu.memory_space<hbm>>
      tpu.wait_indirect_dma semaphore(%arg14 : memref<!tpu.dma_semaphore, #tpu.memory_space<semaphore_mem>>) src(%dma_wait3A_194 : memref<10000x128xf32, #tpu.memory_space<hbm>>) dst(%arg10 : memref<64x128xf32, #tpu.memory_space<vmem>>)
      %dma_start3A_195 = arith.constant 0 : i32
      %dma_start3A_196 = tpu.memref_slice %arg7[%add3A_187, %dma_start3A_195] : memref<157x64xi32, #tpu.memory_space<vmem>> -> memref<1x64xi32, #tpu.memory_space<vmem>>
      %dma_start3A_197 = tpu.memref_squeeze %dma_start3A_196 : memref<1x64xi32, #tpu.memory_space<vmem>> -> memref<64xi32, #tpu.memory_space<vmem>>
      %dma_start3A_198 = arith.constant 0 : i32
      %dma_start3A_199 = arith.constant 0 : i32
      %dma_start3A_200 = tpu.memref_slice %arg11[%dma_start3A_198, %dma_start3A_199] : memref<10000x128xf32, #tpu.memory_space<vmem_shared>> -> memref<10000x128xf32, #tpu.memory_space<vmem_shared>>
      tpu.enqueue_indirect_dma source(%arg10 : memref<64x128xf32, #tpu.memory_space<vmem>>) target(%dma_start3A_200 : memref<10000x128xf32, #tpu.memory_space<vmem_shared>>) offsets(%dma_start3A_197 : memref<64xi32, #tpu.memory_space<vmem>>) semaphore(%arg17 : memref<!tpu.dma_semaphore, #tpu.memory_space<semaphore_mem>>) {add = true}
      %gt3A_201 = arith.constant 0 : i32
      %gt3A_202 = arith.cmpi sgt, %add3A_187, %gt3A_201 : i32
      %convert_element_type3A_203 = arith.extui %gt3A_202 : i1 to i32
      %cond3A_204 = arith.constant 0 : i32
      %cond3A_205 = arith.cmpi ne, %convert_element_type3A_203, %cond3A_204 : i32
      scf.if %cond3A_205 {
        %dma_wait3A_212 = arith.constant 0 : i32
        %dma_wait3A_213 = arith.constant 0 : i32
        %dma_wait3A_214 = tpu.memref_slice %arg7[%dma_wait3A_212, %dma_wait3A_213] : memref<157x64xi32, #tpu.memory_space<vmem>> -> memref<1x64xi32, #tpu.memory_space<vmem>>
        %dma_wait3A_215 = tpu.memref_squeeze %dma_wait3A_214 : memref<1x64xi32, #tpu.memory_space<vmem>> -> memref<64xi32, #tpu.memory_space<vmem>>
        %dma_wait3A_216 = arith.constant 0 : i32
        %dma_wait3A_217 = arith.constant 0 : i32
        %dma_wait3A_218 = tpu.memref_slice %arg11[%dma_wait3A_216, %dma_wait3A_217] : memref<10000x128xf32, #tpu.memory_space<vmem_shared>> -> memref<10000x128xf32, #tpu.memory_space<vmem_shared>>
        tpu.wait_indirect_dma semaphore(%arg16 : memref<!tpu.dma_semaphore, #tpu.memory_space<semaphore_mem>>) src(%arg9 : memref<64x128xf32, #tpu.memory_space<vmem>>) dst(%dma_wait3A_218 : memref<10000x128xf32, #tpu.memory_space<vmem_shared>>)
      } else {
      }
      %add3A_206 = arith.constant 2 : i32
      %add3A_207 = arith.addi %add3A_187, %add3A_206 : i32
      %lt3A_208 = arith.cmpi slt, %add3A_207, %add3A_20 : i32
      %convert_element_type3A_209 = arith.extui %lt3A_208 : i1 to i32
      %cond3A_210 = arith.constant 0 : i32
      %cond3A_211 = arith.cmpi ne, %convert_element_type3A_209, %cond3A_210 : i32
      scf.if %cond3A_211 {
        %add3A_212 = arith.constant 2 : i32
        %add3A_213 = arith.addi %add3A_187, %add3A_212 : i32
        %dma_start3A_214 = arith.constant 0 : i32
        %dma_start3A_215 = tpu.memref_slice %arg6[%add3A_213, %dma_start3A_214] : memref<157x64xi32, #tpu.memory_space<vmem>> -> memref<1x64xi32, #tpu.memory_space<vmem>>
        %dma_start3A_216 = tpu.memref_squeeze %dma_start3A_215 : memref<1x64xi32, #tpu.memory_space<vmem>> -> memref<64xi32, #tpu.memory_space<vmem>>
        %dma_start3A_217 = arith.constant 0 : i32
        %dma_start3A_218 = arith.constant 0 : i32
        %dma_start3A_219 = tpu.memref_slice %arg2[%dma_start3A_217, %dma_start3A_218] : memref<10000x128xf32, #tpu.memory_space<hbm>> -> memref<10000x128xf32, #tpu.memory_space<hbm>>
        tpu.enqueue_indirect_dma source(%dma_start3A_219 : memref<10000x128xf32, #tpu.memory_space<hbm>>) target(%arg9 : memref<64x128xf32, #tpu.memory_space<vmem>>) offsets(%dma_start3A_216 : memref<64xi32, #tpu.memory_space<vmem>>) semaphore(%arg13 : memref<!tpu.dma_semaphore, #tpu.memory_space<semaphore_mem>>)
      } else {
      }
    }
    %jit3A_72 = arith.constant 3 : i32
    %eq3A = arith.constant 0 : i32
    %eq3A_73 = arith.cmpi eq, %jit3A_72, %eq3A : i32
    %jit3A_74 = arith.constant 1 : i32
    %select_n3A_75 = arith.select %eq3A_73, %jit3A_74, %jit3A_72 : i32
    %rem3A_76 = arith.remsi %add3A_20, %select_n3A_75 : i32
    %ne3A_77 = arith.constant 0 : i32
    %ne3A_78 = arith.cmpi ne, %rem3A_76, %ne3A_77 : i32
    %lt3A_79 = arith.constant 0 : i32
    %lt3A_80 = arith.cmpi slt, %rem3A_76, %lt3A_79 : i32
    %lt3A_81 = arith.constant 0 : i32
    %lt3A_82 = arith.cmpi slt, %select_n3A_75, %lt3A_81 : i32
    %ne3A_83 = arith.xori %lt3A_80, %lt3A_82 : i1
    %and3A_84 = arith.andi %ne3A_83, %ne3A_78 : i1
    %add3A_85 = arith.addi %rem3A_76, %select_n3A_75 : i32
    %select_n3A_86 = arith.select %and3A_84, %add3A_85, %rem3A_76 : i32
    %eq3A_87 = arith.constant 1 : i32
    %eq3A_88 = arith.cmpi eq, %select_n3A_86, %eq3A_87 : i32
    %convert_element_type3A_89 = arith.extui %eq3A_88 : i1 to i32
    %cond3A_90 = arith.constant 0 : i32
    %cond3A_91 = arith.cmpi ne, %convert_element_type3A_89, %cond3A_90 : i32
    scf.if %cond3A_91 {
      %dma_wait3A = arith.constant 0 : i32
      %dma_wait3A_127 = arith.constant 0 : i32
      %dma_wait3A_128 = tpu.memref_slice %arg6[%dma_wait3A, %dma_wait3A_127] : memref<157x64xi32, #tpu.memory_space<vmem>> -> memref<1x64xi32, #tpu.memory_space<vmem>>
      %dma_wait3A_129 = tpu.memref_squeeze %dma_wait3A_128 : memref<1x64xi32, #tpu.memory_space<vmem>> -> memref<64xi32, #tpu.memory_space<vmem>>
      %dma_wait3A_130 = arith.constant 0 : i32
      %dma_wait3A_131 = arith.constant 0 : i32
      %dma_wait3A_132 = tpu.memref_slice %arg2[%dma_wait3A_130, %dma_wait3A_131] : memref<10000x128xf32, #tpu.memory_space<hbm>> -> memref<10000x128xf32, #tpu.memory_space<hbm>>
      tpu.wait_indirect_dma semaphore(%arg12 : memref<!tpu.dma_semaphore, #tpu.memory_space<semaphore_mem>>) src(%dma_wait3A_132 : memref<10000x128xf32, #tpu.memory_space<hbm>>) dst(%arg8 : memref<64x128xf32, #tpu.memory_space<vmem>>)
      %sub3A_133 = arith.constant 1 : i32
      %sub3A_134 = arith.subi %add3A_20, %sub3A_133 : i32
      %dma_start3A_135 = arith.constant 0 : i32
      %dma_start3A_136 = tpu.memref_slice %arg7[%sub3A_134, %dma_start3A_135] : memref<157x64xi32, #tpu.memory_space<vmem>> -> memref<1x64xi32, #tpu.memory_space<vmem>>
      %dma_start3A_137 = tpu.memref_squeeze %dma_start3A_136 : memref<1x64xi32, #tpu.memory_space<vmem>> -> memref<64xi32, #tpu.memory_space<vmem>>
      %dma_start3A_138 = arith.constant 0 : i32
      %dma_start3A_139 = arith.constant 0 : i32
      %dma_start3A_140 = tpu.memref_slice %arg11[%dma_start3A_138, %dma_start3A_139] : memref<10000x128xf32, #tpu.memory_space<vmem_shared>> -> memref<10000x128xf32, #tpu.memory_space<vmem_shared>>
      tpu.enqueue_indirect_dma source(%arg8 : memref<64x128xf32, #tpu.memory_space<vmem>>) target(%dma_start3A_140 : memref<10000x128xf32, #tpu.memory_space<vmem_shared>>) offsets(%dma_start3A_137 : memref<64xi32, #tpu.memory_space<vmem>>) semaphore(%arg15 : memref<!tpu.dma_semaphore, #tpu.memory_space<semaphore_mem>>) {add = true}
      %dma_wait3A_141 = arith.constant 0 : i32
      %dma_wait3A_142 = arith.constant 0 : i32
      %dma_wait3A_143 = tpu.memref_slice %arg7[%dma_wait3A_141, %dma_wait3A_142] : memref<157x64xi32, #tpu.memory_space<vmem>> -> memref<1x64xi32, #tpu.memory_space<vmem>>
      %dma_wait3A_144 = tpu.memref_squeeze %dma_wait3A_143 : memref<1x64xi32, #tpu.memory_space<vmem>> -> memref<64xi32, #tpu.memory_space<vmem>>
      %dma_wait3A_145 = arith.constant 0 : i32
      %dma_wait3A_146 = arith.constant 0 : i32
      %dma_wait3A_147 = tpu.memref_slice %arg11[%dma_wait3A_145, %dma_wait3A_146] : memref<10000x128xf32, #tpu.memory_space<vmem_shared>> -> memref<10000x128xf32, #tpu.memory_space<vmem_shared>>
      tpu.wait_indirect_dma semaphore(%arg17 : memref<!tpu.dma_semaphore, #tpu.memory_space<semaphore_mem>>) src(%arg10 : memref<64x128xf32, #tpu.memory_space<vmem>>) dst(%dma_wait3A_147 : memref<10000x128xf32, #tpu.memory_space<vmem_shared>>)
      %dma_wait3A_148 = arith.constant 0 : i32
      %dma_wait3A_149 = arith.constant 0 : i32
      %dma_wait3A_150 = tpu.memref_slice %arg7[%dma_wait3A_148, %dma_wait3A_149] : memref<157x64xi32, #tpu.memory_space<vmem>> -> memref<1x64xi32, #tpu.memory_space<vmem>>
      %dma_wait3A_151 = tpu.memref_squeeze %dma_wait3A_150 : memref<1x64xi32, #tpu.memory_space<vmem>> -> memref<64xi32, #tpu.memory_space<vmem>>
      %dma_wait3A_152 = arith.constant 0 : i32
      %dma_wait3A_153 = arith.constant 0 : i32
      %dma_wait3A_154 = tpu.memref_slice %arg11[%dma_wait3A_152, %dma_wait3A_153] : memref<10000x128xf32, #tpu.memory_space<vmem_shared>> -> memref<10000x128xf32, #tpu.memory_space<vmem_shared>>
      tpu.wait_indirect_dma semaphore(%arg15 : memref<!tpu.dma_semaphore, #tpu.memory_space<semaphore_mem>>) src(%arg8 : memref<64x128xf32, #tpu.memory_space<vmem>>) dst(%dma_wait3A_154 : memref<10000x128xf32, #tpu.memory_space<vmem_shared>>)
    } else {
    }
    %jit3A_92 = arith.constant 3 : i32
    %eq3A_93 = arith.constant 0 : i32
    %eq3A_94 = arith.cmpi eq, %jit3A_92, %eq3A_93 : i32
    %jit3A_95 = arith.constant 1 : i32
    %select_n3A_96 = arith.select %eq3A_94, %jit3A_95, %jit3A_92 : i32
    %rem3A_97 = arith.remsi %add3A_20, %select_n3A_96 : i32
    %ne3A_98 = arith.constant 0 : i32
    %ne3A_99 = arith.cmpi ne, %rem3A_97, %ne3A_98 : i32
    %lt3A_100 = arith.constant 0 : i32
    %lt3A_101 = arith.cmpi slt, %rem3A_97, %lt3A_100 : i32
    %lt3A_102 = arith.constant 0 : i32
    %lt3A_103 = arith.cmpi slt, %select_n3A_96, %lt3A_102 : i32
    %ne3A_104 = arith.xori %lt3A_101, %lt3A_103 : i1
    %and3A_105 = arith.andi %ne3A_104, %ne3A_99 : i1
    %add3A_106 = arith.addi %rem3A_97, %select_n3A_96 : i32
    %select_n3A_107 = arith.select %and3A_105, %add3A_106, %rem3A_97 : i32
    %eq3A_108 = arith.constant 0 : i32
    %eq3A_109 = arith.cmpi eq, %select_n3A_107, %eq3A_108 : i32
    %convert_element_type3A_110 = arith.extui %eq3A_109 : i1 to i32
    %cond3A_111 = arith.constant 0 : i32
    %cond3A_112 = arith.cmpi ne, %convert_element_type3A_110, %cond3A_111 : i32
    scf.if %cond3A_112 {
      %dma_wait3A = arith.constant 0 : i32
      %dma_wait3A_127 = arith.constant 0 : i32
      %dma_wait3A_128 = tpu.memref_slice %arg7[%dma_wait3A, %dma_wait3A_127] : memref<157x64xi32, #tpu.memory_space<vmem>> -> memref<1x64xi32, #tpu.memory_space<vmem>>
      %dma_wait3A_129 = tpu.memref_squeeze %dma_wait3A_128 : memref<1x64xi32, #tpu.memory_space<vmem>> -> memref<64xi32, #tpu.memory_space<vmem>>
      %dma_wait3A_130 = arith.constant 0 : i32
      %dma_wait3A_131 = arith.constant 0 : i32
      %dma_wait3A_132 = tpu.memref_slice %arg11[%dma_wait3A_130, %dma_wait3A_131] : memref<10000x128xf32, #tpu.memory_space<vmem_shared>> -> memref<10000x128xf32, #tpu.memory_space<vmem_shared>>
      tpu.wait_indirect_dma semaphore(%arg17 : memref<!tpu.dma_semaphore, #tpu.memory_space<semaphore_mem>>) src(%arg10 : memref<64x128xf32, #tpu.memory_space<vmem>>) dst(%dma_wait3A_132 : memref<10000x128xf32, #tpu.memory_space<vmem_shared>>)
    } else {
    }
    %barrier3A_113 = arith.constant 0 : index
    tpu.barrier barrier_id(%barrier3A_113)
    %scan3A_114 = arith.constant 0 : i32
    %scan3A_115 = arith.constant 9 : i32
    %scan3A_116 = arith.addi %scan3A_114, %scan3A_115 : i32
    %scan3A_117 = arith.constant 1 : i32
    scf.for %scan3A_127 = %scan3A_114 to %scan3A_116 step %scan3A_117  : i32 {
      %mul3A_128 = arith.constant 1 : i32
      %mul3A_129 = arith.muli %scan3A_127, %mul3A_128 : i32
      %add3A_130 = arith.constant 0 : i32
      %add3A_131 = arith.addi %add3A_130, %mul3A_129 : i32
      %mul3A_132 = arith.constant 625 : i32
      %mul3A_133 = arith.muli %arg1, %mul3A_132 : i32
      %mul3A_134 = arith.constant 64 : i32
      %mul3A_135 = arith.muli %add3A_131, %mul3A_134 : i32
      %add3A_136 = arith.addi %mul3A_133, %mul3A_135 : i32
      %mul3A_137 = arith.constant 625 : i32
      %mul3A_138 = arith.muli %arg1, %mul3A_137 : i32
      %mul3A_139 = arith.constant 64 : i32
      %mul3A_140 = arith.muli %add3A_131, %mul3A_139 : i32
      %add3A_141 = arith.addi %mul3A_138, %mul3A_140 : i32
      "tpu.region"() ({
        %run_scoped3A = tpu.sem_alloc : memref<!tpu.dma_semaphore, #tpu.memory_space<semaphore_mem>>
        %dma_start3A_142 = arith.constant 0 : i32
        %dma_start3A_143 = tpu.memref_slice %arg5[%arg0, %add3A_141, %dma_start3A_142] : memref<2x10000x128xf32, #tpu.memory_space<hbm>> -> memref<1x64x128xf32, #tpu.memory_space<hbm>>
        %dma_start3A_144 = tpu.memref_squeeze %dma_start3A_143 : memref<1x64x128xf32, #tpu.memory_space<hbm>> -> memref<64x128xf32, #tpu.memory_space<hbm>>
        %dma_start3A_145 = arith.constant 0 : i32
        %dma_start3A_146 = tpu.memref_slice %arg11[%add3A_136, %dma_start3A_145] : memref<10000x128xf32, #tpu.memory_space<vmem_shared>> -> memref<64x128xf32, #tpu.memory_space<vmem_shared>>
        tpu.enqueue_dma source(%dma_start3A_146 : memref<64x128xf32, #tpu.memory_space<vmem_shared>>) target(%dma_start3A_144 : memref<64x128xf32, #tpu.memory_space<hbm>>) target_semaphore(%run_scoped3A : memref<!tpu.dma_semaphore, #tpu.memory_space<semaphore_mem>>)
        %dma_wait3A = arith.constant 0 : i32
        %dma_wait3A_147 = tpu.memref_slice %arg5[%arg0, %add3A_141, %dma_wait3A] : memref<2x10000x128xf32, #tpu.memory_space<hbm>> -> memref<1x64x128xf32, #tpu.memory_space<hbm>>
        %dma_wait3A_148 = tpu.memref_squeeze %dma_wait3A_147 : memref<1x64x128xf32, #tpu.memory_space<hbm>> -> memref<64x128xf32, #tpu.memory_space<hbm>>
        %dma_wait3A_149 = arith.constant 0 : i32
        %dma_wait3A_150 = tpu.memref_slice %arg11[%add3A_136, %dma_wait3A_149] : memref<10000x128xf32, #tpu.memory_space<vmem_shared>> -> memref<64x128xf32, #tpu.memory_space<vmem_shared>>
        tpu.wait_dma2 semaphore(%run_scoped3A : memref<!tpu.dma_semaphore, #tpu.memory_space<semaphore_mem>>) src(%dma_wait3A_150 : memref<64x128xf32, #tpu.memory_space<vmem_shared>>) dst(%dma_wait3A_148 : memref<64x128xf32, #tpu.memory_space<hbm>>)
        tpu.yield
      }) : () -> ()
    }
    %scan3A_118 = arith.constant 9 : i32
    %mul3A_119 = arith.constant 625 : i32
    %mul3A_120 = arith.muli %arg1, %mul3A_119 : i32
    %add3A_121 = arith.constant 576 : i32
    %add3A_122 = arith.addi %mul3A_120, %add3A_121 : i32
    %mul3A_123 = arith.constant 625 : i32
    %mul3A_124 = arith.muli %arg1, %mul3A_123 : i32
    %add3A_125 = arith.constant 576 : i32
    %add3A_126 = arith.addi %mul3A_124, %add3A_125 : i32
    "tpu.region"() ({
      %run_scoped3A = tpu.sem_alloc : memref<!tpu.dma_semaphore, #tpu.memory_space<semaphore_mem>>
      %dma_start3A_127 = arith.constant 0 : i32
      %dma_start3A_128 = tpu.memref_slice %arg5[%arg0, %add3A_126, %dma_start3A_127] : memref<2x10000x128xf32, #tpu.memory_space<hbm>> -> memref<1x49x128xf32, #tpu.memory_space<hbm>>
      %dma_start3A_129 = tpu.memref_squeeze %dma_start3A_128 : memref<1x49x128xf32, #tpu.memory_space<hbm>> -> memref<49x128xf32, #tpu.memory_space<hbm>>
      %dma_start3A_130 = arith.constant 0 : i32
      %dma_start3A_131 = tpu.memref_slice %arg11[%add3A_122, %dma_start3A_130] : memref<10000x128xf32, #tpu.memory_space<vmem_shared>> -> memref<49x128xf32, #tpu.memory_space<vmem_shared>>
      tpu.enqueue_dma source(%dma_start3A_131 : memref<49x128xf32, #tpu.memory_space<vmem_shared>>) target(%dma_start3A_129 : memref<49x128xf32, #tpu.memory_space<hbm>>) target_semaphore(%run_scoped3A : memref<!tpu.dma_semaphore, #tpu.memory_space<semaphore_mem>>)
      %dma_wait3A = arith.constant 0 : i32
      %dma_wait3A_132 = tpu.memref_slice %arg5[%arg0, %add3A_126, %dma_wait3A] : memref<2x10000x128xf32, #tpu.memory_space<hbm>> -> memref<1x49x128xf32, #tpu.memory_space<hbm>>
      %dma_wait3A_133 = tpu.memref_squeeze %dma_wait3A_132 : memref<1x49x128xf32, #tpu.memory_space<hbm>> -> memref<49x128xf32, #tpu.memory_space<hbm>>
      %dma_wait3A_134 = arith.constant 0 : i32
      %dma_wait3A_135 = tpu.memref_slice %arg11[%add3A_122, %dma_wait3A_134] : memref<10000x128xf32, #tpu.memory_space<vmem_shared>> -> memref<49x128xf32, #tpu.memory_space<vmem_shared>>
      tpu.wait_dma2 semaphore(%run_scoped3A : memref<!tpu.dma_semaphore, #tpu.memory_space<semaphore_mem>>) src(%dma_wait3A_135 : memref<49x128xf32, #tpu.memory_space<vmem_shared>>) dst(%dma_wait3A_133 : memref<49x128xf32, #tpu.memory_space<hbm>>)
      tpu.yield
    }) : () -> ()
    return
  }
}

module attributes {stable_mosaic.version = 14 : i64} {
  func.func @_x_body(%arg0: i32, %arg1: memref<2000x128xf32, #tpu.memory_space<vmem>>, %arg2: memref<128x128xf32, #tpu.memory_space<vmem>>, %arg3: memref<2000x4xf32, #tpu.memory_space<vmem>>, %arg4: memref<2000x128xf32, #tpu.memory_space<vmem>>) attributes {dimension_semantics = [#tpu.dimension_semantics<arbitrary>], iteration_bounds = array<i64: 5>, scalar_prefetch = 0 : i64, scratch_operands = 0 : i64, tpu.core_type = #tpu.core_type<tc>, window_params = [{transform_indices = @transform_0, window_bounds = array<i64: 2000, 128>}, {pipeline_mode = #tpu.pipeline_mode<synchronous>, transform_indices = @transform_1, window_bounds = array<i64: 128, 128>}, {transform_indices = @transform_2, window_bounds = array<i64: 2000, 4>}, {transform_indices = @transform_3, window_bounds = array<i64: 2000, 128>}]} {
    %get3A = arith.constant 0 : index
    %get3A_0 = arith.constant 0 : index
    %get3A_1 = vector.load %arg3[%get3A, %get3A_0] : memref<2000x4xf32, #tpu.memory_space<vmem>>, vector<2000x4xf32>
    %slice3A = vector.extract_strided_slice %get3A_1 {offsets = [0, 0], sizes = [2000, 1], strides = [1, 1]} : vector<2000x4xf32> to vector<2000x1xf32>
    %slice3A_2 = vector.extract_strided_slice %get3A_1 {offsets = [0, 2], sizes = [2000, 1], strides = [1, 1]} : vector<2000x4xf32> to vector<2000x1xf32>
    %add3A = arith.addf %slice3A, %slice3A_2 : vector<2000x1xf32>
    %max3A = arith.constant 1.000000e+00 : f32
    %max3A_3 = vector.broadcast %max3A : f32 to vector<2000x1xf32>
    %max3A_4 = arith.maximumf %add3A, %max3A_3 : vector<2000x1xf32>
    %rsqrt3A = math.rsqrt %max3A_4 : vector<2000x1xf32>
    %get3A_5 = arith.constant 0 : index
    %get3A_6 = arith.constant 0 : index
    %get3A_7 = vector.load %arg1[%get3A_5, %get3A_6] : memref<2000x128xf32, #tpu.memory_space<vmem>>, vector<2000x128xf32>
    %get3A_8 = arith.constant 0 : index
    %get3A_9 = arith.constant 0 : index
    %get3A_10 = vector.load %arg2[%get3A_8, %get3A_9] : memref<128x128xf32, #tpu.memory_space<vmem>>, vector<128x128xf32>
    %dot_general3A = arith.constant dense<0.000000e+00> : vector<2000x128xf32>
    %dot_general3A_11 = tpu.matmul %get3A_7, %get3A_10, %dot_general3A {dimension_numbers = #tpu.dot_dimension_numbers<[1], [0], [0], [1], [0, 0, 1, 1], [], []>, precision = #tpu.contract_precision<fp32>, transpose_lhs_hint = false} : vector<2000x128xf32>, vector<128x128xf32>, vector<2000x128xf32> -> vector<2000x128xf32>
    %mul3A = vector.broadcast %rsqrt3A : vector<2000x1xf32> to vector<2000x128xf32>
    %mul3A_12 = arith.mulf %dot_general3A_11, %mul3A : vector<2000x128xf32>
    %swap3A = arith.constant 0 : index
    %swap3A_13 = arith.constant 0 : index
    %swap3A_14 = vector.load %arg4[%swap3A, %swap3A_13] : memref<2000x128xf32, #tpu.memory_space<vmem>>, vector<2000x128xf32>
    tpu.vector_store %arg4[%swap3A, %swap3A_13], %mul3A_12 {strides = array<i32>} : memref<2000x128xf32, #tpu.memory_space<vmem>>, vector<2000x128xf32>,
    return
  }
  func.func @transform_0(%arg0: i32) -> (i32, i32) {
    %c0_i32 = arith.constant 0 : i32
    %c0_i32_0 = arith.constant 0 : i32
    return %arg0, %c0_i32 : i32, i32
  }
  func.func @transform_1(%arg0: i32) -> (i32, i32) {
    %c0_i32 = arith.constant 0 : i32
    %c0_i32_0 = arith.constant 0 : i32
    %c0_i32_1 = arith.constant 0 : i32
    return %c0_i32, %c0_i32_0 : i32, i32
  }
  func.func @transform_2(%arg0: i32) -> (i32, i32) {
    %c0_i32 = arith.constant 0 : i32
    %c0_i32_0 = arith.constant 0 : i32
    return %arg0, %c0_i32 : i32, i32
  }
  func.func @transform_3(%arg0: i32) -> (i32, i32) {
    %c0_i32 = arith.constant 0 : i32
    %c0_i32_0 = arith.constant 0 : i32
    return %arg0, %c0_i32 : i32, i32
  }
}

module attributes {stable_mosaic.version = 14 : i64} {
  func.func @_combine_body(%arg0: i32, %arg1: memref<2x2000x128xf32, #tpu.memory_space<vmem>>, %arg2: memref<2000x4xf32, #tpu.memory_space<vmem>>, %arg3: memref<1x128xf32, #tpu.memory_space<vmem>>, %arg4: memref<2000x128xf32, #tpu.memory_space<vmem>>, %arg5: memref<8x128xf32, #tpu.memory_space<vmem>>) attributes {dimension_semantics = [#tpu.dimension_semantics<arbitrary>], iteration_bounds = array<i64: 5>, scalar_prefetch = 0 : i64, scratch_operands = 0 : i64, tpu.core_type = #tpu.core_type<tc>, window_params = [{transform_indices = @transform_0, window_bounds = array<i64: 2, 2000, 128>}, {transform_indices = @transform_1, window_bounds = array<i64: 2000, 4>}, {pipeline_mode = #tpu.pipeline_mode<synchronous>, transform_indices = @transform_2, window_bounds = array<i64: 1, 128>}, {transform_indices = @transform_3, window_bounds = array<i64: 2000, 128>}, {pipeline_mode = #tpu.pipeline_mode<synchronous>, transform_indices = @transform_4, window_bounds = array<i64: 8, 128>}]} {
    %get3A = arith.constant 0 : index
    %get3A_0 = arith.constant 0 : index
    %get3A_1 = arith.constant 0 : index
    %get3A_2 = vector.load %arg1[%get3A, %get3A_0, %get3A_1] : memref<2x2000x128xf32, #tpu.memory_space<vmem>>, vector<2x2000x128xf32>
    %get3A_3 = arith.constant 0 : index
    %get3A_4 = arith.constant 0 : index
    %get3A_5 = vector.load %arg2[%get3A_3, %get3A_4] : memref<2000x4xf32, #tpu.memory_space<vmem>>, vector<2000x4xf32>
    %slice3A = vector.extract_strided_slice %get3A_5 {offsets = [0, 1], sizes = [2000, 1], strides = [1, 1]} : vector<2000x4xf32> to vector<2000x1xf32>
    %slice3A_6 = vector.extract_strided_slice %get3A_5 {offsets = [0, 3], sizes = [2000, 1], strides = [1, 1]} : vector<2000x4xf32> to vector<2000x1xf32>
    %add3A = arith.addf %slice3A, %slice3A_6 : vector<2000x1xf32>
    %max3A = arith.constant 1.000000e+00 : f32
    %max3A_7 = vector.broadcast %max3A : f32 to vector<2000x1xf32>
    %max3A_8 = arith.maximumf %add3A, %max3A_7 : vector<2000x1xf32>
    %rsqrt3A = math.rsqrt %max3A_8 : vector<2000x1xf32>
    %slice3A_9 = vector.extract_strided_slice %get3A_2 {offsets = [0, 0, 0], sizes = [1, 2000, 128], strides = [1, 1, 1]} : vector<2x2000x128xf32> to vector<1x2000x128xf32>
    %squeeze3A = vector.shape_cast %slice3A_9 : vector<1x2000x128xf32> to vector<2000x128xf32>
    %slice3A_10 = vector.extract_strided_slice %get3A_2 {offsets = [1, 0, 0], sizes = [1, 2000, 128], strides = [1, 1, 1]} : vector<2x2000x128xf32> to vector<1x2000x128xf32>
    %squeeze3A_11 = vector.shape_cast %slice3A_10 : vector<1x2000x128xf32> to vector<2000x128xf32>
    %add3A_12 = arith.addf %squeeze3A, %squeeze3A_11 : vector<2000x128xf32>
    %mul3A = vector.broadcast %rsqrt3A : vector<2000x1xf32> to vector<2000x128xf32>
    %mul3A_13 = arith.mulf %add3A_12, %mul3A : vector<2000x128xf32>
    %get3A_14 = arith.constant 0 : index
    %get3A_15 = arith.constant 0 : index
    %get3A_16 = vector.load %arg3[%get3A_14, %get3A_15] : memref<1x128xf32, #tpu.memory_space<vmem>>, vector<1x128xf32>
    %add3A_17 = vector.broadcast %get3A_16 : vector<1x128xf32> to vector<2000x128xf32>
    %add3A_18 = arith.addf %mul3A_13, %add3A_17 : vector<2000x128xf32>
    %swap3A = arith.constant 0 : index
    %swap3A_19 = arith.constant 0 : index
    %swap3A_20 = vector.load %arg4[%swap3A, %swap3A_19] : memref<2000x128xf32, #tpu.memory_space<vmem>>, vector<2000x128xf32>
    tpu.vector_store %arg4[%swap3A, %swap3A_19], %add3A_18 {strides = array<i32>} : memref<2000x128xf32, #tpu.memory_space<vmem>>, vector<2000x128xf32>,
    %reduce_sum3A = arith.constant dense<0.000000e+00> : vector<128xf32>
    %reduce_sum3A_21 = vector.multi_reduction <add>, %add3A_18, %reduce_sum3A [0] : vector<2000x128xf32> to vector<128xf32>
    %broadcast_in_dim3A = vector.shape_cast %reduce_sum3A_21 : vector<128xf32> to vector<1x128xf32>
    %mul3A_22 = arith.mulf %add3A_18, %add3A_18 : vector<2000x128xf32>
    %reduce_sum3A_23 = arith.constant dense<0.000000e+00> : vector<128xf32>
    %reduce_sum3A_24 = vector.multi_reduction <add>, %mul3A_22, %reduce_sum3A_23 [0] : vector<2000x128xf32> to vector<128xf32>
    %broadcast_in_dim3A_25 = vector.shape_cast %reduce_sum3A_24 : vector<128xf32> to vector<1x128xf32>
    %broadcast_in_dim3A_26 = arith.constant 0.000000e+00 : f32
    %broadcast_in_dim3A_27 = vector.broadcast %broadcast_in_dim3A_26 : f32 to vector<6x128xf32>
    %concatenate3A = tpu.concatenate %broadcast_in_dim3A, %broadcast_in_dim3A_25, %broadcast_in_dim3A_27 in 0 : vector<1x128xf32>, vector<1x128xf32>, vector<6x128xf32> -> vector<8x128xf32>
    %eq3A = arith.constant 0 : i32
    %eq3A_28 = arith.cmpi eq, %arg0, %eq3A : i32
    %convert_element_type3A = arith.extui %eq3A_28 : i1 to i32
    %cond3A = arith.constant 0 : i32
    %cond3A_29 = arith.cmpi ne, %convert_element_type3A, %cond3A : i32
    scf.if %cond3A_29 {
      %broadcast_in_dim3A_37 = arith.constant 0.000000e+00 : f32
      %broadcast_in_dim3A_38 = vector.broadcast %broadcast_in_dim3A_37 : f32 to vector<8x128xf32>
      %swap3A_39 = arith.constant 0 : index
      %swap3A_40 = arith.constant 0 : index
      %swap3A_41 = vector.load %arg5[%swap3A_39, %swap3A_40] : memref<8x128xf32, #tpu.memory_space<vmem>>, vector<8x128xf32>
      tpu.vector_store %arg5[%swap3A_39, %swap3A_40], %broadcast_in_dim3A_38 {strides = array<i32>} : memref<8x128xf32, #tpu.memory_space<vmem>>, vector<8x128xf32>,
    } else {
    }
    %get3A_30 = arith.constant 0 : index
    %get3A_31 = arith.constant 0 : index
    %get3A_32 = vector.load %arg5[%get3A_30, %get3A_31] : memref<8x128xf32, #tpu.memory_space<vmem>>, vector<8x128xf32>
    %add3A_33 = arith.addf %get3A_32, %concatenate3A : vector<8x128xf32>
    %swap3A_34 = arith.constant 0 : index
    %swap3A_35 = arith.constant 0 : index
    %swap3A_36 = vector.load %arg5[%swap3A_34, %swap3A_35] : memref<8x128xf32, #tpu.memory_space<vmem>>, vector<8x128xf32>
    tpu.vector_store %arg5[%swap3A_34, %swap3A_35], %add3A_33 {strides = array<i32>} : memref<8x128xf32, #tpu.memory_space<vmem>>, vector<8x128xf32>,
    return
  }
  func.func @transform_0(%arg0: i32) -> (i32, i32, i32) {
    %c0_i32 = arith.constant 0 : i32
    %c0_i32_0 = arith.constant 0 : i32
    %c0_i32_1 = arith.constant 0 : i32
    return %c0_i32, %arg0, %c0_i32_0 : i32, i32, i32
  }
  func.func @transform_1(%arg0: i32) -> (i32, i32) {
    %c0_i32 = arith.constant 0 : i32
    %c0_i32_0 = arith.constant 0 : i32
    return %arg0, %c0_i32 : i32, i32
  }
  func.func @transform_2(%arg0: i32) -> (i32, i32) {
    %c0_i32 = arith.constant 0 : i32
    %c0_i32_0 = arith.constant 0 : i32
    %c0_i32_1 = arith.constant 0 : i32
    return %c0_i32, %c0_i32_0 : i32, i32
  }
  func.func @transform_3(%arg0: i32) -> (i32, i32) {
    %c0_i32 = arith.constant 0 : i32
    %c0_i32_0 = arith.constant 0 : i32
    return %arg0, %c0_i32 : i32, i32
  }
  func.func @transform_4(%arg0: i32) -> (i32, i32) {
    %c0_i32 = arith.constant 0 : i32
    %c0_i32_0 = arith.constant 0 : i32
    %c0_i32_1 = arith.constant 0 : i32
    return %c0_i32, %c0_i32_0 : i32, i32
  }
}

module attributes {stable_mosaic.version = 14 : i64} {
  func.func @_bn_next_body(%arg0: i32, %arg1: memref<2000x128xf32, #tpu.memory_space<vmem>>, %arg2: memref<8x128xf32, #tpu.memory_space<vmem>>, %arg3: memref<1x128xf32, #tpu.memory_space<vmem>>, %arg4: memref<1x128xf32, #tpu.memory_space<vmem>>, %arg5: memref<128x128xf32, #tpu.memory_space<vmem>>, %arg6: memref<2000x4xf32, #tpu.memory_space<vmem>>, %arg7: memref<2000x128xf32, #tpu.memory_space<vmem>>) attributes {dimension_semantics = [#tpu.dimension_semantics<arbitrary>], iteration_bounds = array<i64: 5>, scalar_prefetch = 0 : i64, scratch_operands = 0 : i64, tpu.core_type = #tpu.core_type<tc>, window_params = [{transform_indices = @transform_0, window_bounds = array<i64: 2000, 128>}, {pipeline_mode = #tpu.pipeline_mode<synchronous>, transform_indices = @transform_1, window_bounds = array<i64: 8, 128>}, {pipeline_mode = #tpu.pipeline_mode<synchronous>, transform_indices = @transform_2, window_bounds = array<i64: 1, 128>}, {pipeline_mode = #tpu.pipeline_mode<synchronous>, transform_indices = @transform_3, window_bounds = array<i64: 1, 128>}, {pipeline_mode = #tpu.pipeline_mode<synchronous>, transform_indices = @transform_4, window_bounds = array<i64: 128, 128>}, {transform_indices = @transform_5, window_bounds = array<i64: 2000, 4>}, {transform_indices = @transform_6, window_bounds = array<i64: 2000, 128>}]} {
    %get3A = arith.constant 0 : index
    %get3A_0 = arith.constant 0 : index
    %get3A_1 = vector.load %arg1[%get3A, %get3A_0] : memref<2000x128xf32, #tpu.memory_space<vmem>>, vector<2000x128xf32>
    %get3A_2 = arith.constant 0 : index
    %get3A_3 = arith.constant 0 : index
    %get3A_4 = vector.load %arg2[%get3A_2, %get3A_3] : memref<8x128xf32, #tpu.memory_space<vmem>>, vector<8x128xf32>
    %get3A_5 = arith.constant 0 : index
    %get3A_6 = arith.constant 0 : index
    %get3A_7 = vector.load %arg3[%get3A_5, %get3A_6] : memref<1x128xf32, #tpu.memory_space<vmem>>, vector<1x128xf32>
    %get3A_8 = arith.constant 0 : index
    %get3A_9 = arith.constant 0 : index
    %get3A_10 = vector.load %arg4[%get3A_8, %get3A_9] : memref<1x128xf32, #tpu.memory_space<vmem>>, vector<1x128xf32>
    %slice3A = vector.extract_strided_slice %get3A_4 {offsets = [0, 0], sizes = [1, 128], strides = [1, 1]} : vector<8x128xf32> to vector<1x128xf32>
    %div3A = arith.constant 1.000000e+04 : f32
    %div3A_11 = vector.broadcast %div3A : f32 to vector<1x128xf32>
    %div3A_12 = arith.divf %slice3A, %div3A_11 : vector<1x128xf32>
    %slice3A_13 = vector.extract_strided_slice %get3A_4 {offsets = [1, 0], sizes = [1, 128], strides = [1, 1]} : vector<8x128xf32> to vector<1x128xf32>
    %div3A_14 = arith.constant 1.000000e+04 : f32
    %div3A_15 = vector.broadcast %div3A_14 : f32 to vector<1x128xf32>
    %div3A_16 = arith.divf %slice3A_13, %div3A_15 : vector<1x128xf32>
    %mul3A = arith.mulf %div3A_12, %div3A_12 : vector<1x128xf32>
    %sub3A = arith.subf %div3A_16, %mul3A : vector<1x128xf32>
    %sub3A_17 = vector.broadcast %div3A_12 : vector<1x128xf32> to vector<2000x128xf32>
    %sub3A_18 = arith.subf %get3A_1, %sub3A_17 : vector<2000x128xf32>
    %mul3A_19 = vector.broadcast %get3A_7 : vector<1x128xf32> to vector<2000x128xf32>
    %mul3A_20 = arith.mulf %mul3A_19, %sub3A_18 : vector<2000x128xf32>
    %add3A = arith.constant 9.99999974E-6 : f32
    %add3A_21 = vector.broadcast %add3A : f32 to vector<1x128xf32>
    %add3A_22 = arith.addf %sub3A, %add3A_21 : vector<1x128xf32>
    %rsqrt3A = math.rsqrt %add3A_22 : vector<1x128xf32>
    %mul3A_23 = vector.broadcast %rsqrt3A : vector<1x128xf32> to vector<2000x128xf32>
    %mul3A_24 = arith.mulf %mul3A_20, %mul3A_23 : vector<2000x128xf32>
    %add3A_25 = vector.broadcast %get3A_10 : vector<1x128xf32> to vector<2000x128xf32>
    %add3A_26 = arith.addf %mul3A_24, %add3A_25 : vector<2000x128xf32>
    %tanh3A = math.tanh %add3A_26 : vector<2000x128xf32>
    %get3A_27 = arith.constant 0 : index
    %get3A_28 = arith.constant 0 : index
    %get3A_29 = vector.load %arg6[%get3A_27, %get3A_28] : memref<2000x4xf32, #tpu.memory_space<vmem>>, vector<2000x4xf32>
    %slice3A_30 = vector.extract_strided_slice %get3A_29 {offsets = [0, 0], sizes = [2000, 1], strides = [1, 1]} : vector<2000x4xf32> to vector<2000x1xf32>
    %slice3A_31 = vector.extract_strided_slice %get3A_29 {offsets = [0, 2], sizes = [2000, 1], strides = [1, 1]} : vector<2000x4xf32> to vector<2000x1xf32>
    %add3A_32 = arith.addf %slice3A_30, %slice3A_31 : vector<2000x1xf32>
    %max3A = arith.constant 1.000000e+00 : f32
    %max3A_33 = vector.broadcast %max3A : f32 to vector<2000x1xf32>
    %max3A_34 = arith.maximumf %add3A_32, %max3A_33 : vector<2000x1xf32>
    %rsqrt3A_35 = math.rsqrt %max3A_34 : vector<2000x1xf32>
    %get3A_36 = arith.constant 0 : index
    %get3A_37 = arith.constant 0 : index
    %get3A_38 = vector.load %arg5[%get3A_36, %get3A_37] : memref<128x128xf32, #tpu.memory_space<vmem>>, vector<128x128xf32>
    %dot_general3A = arith.constant dense<0.000000e+00> : vector<2000x128xf32>
    %dot_general3A_39 = tpu.matmul %tanh3A, %get3A_38, %dot_general3A {dimension_numbers = #tpu.dot_dimension_numbers<[1], [0], [0], [1], [0, 0, 1, 1], [], []>, precision = #tpu.contract_precision<fp32>, transpose_lhs_hint = false} : vector<2000x128xf32>, vector<128x128xf32>, vector<2000x128xf32> -> vector<2000x128xf32>
    %mul3A_40 = vector.broadcast %rsqrt3A_35 : vector<2000x1xf32> to vector<2000x128xf32>
    %mul3A_41 = arith.mulf %dot_general3A_39, %mul3A_40 : vector<2000x128xf32>
    %swap3A = arith.constant 0 : index
    %swap3A_42 = arith.constant 0 : index
    %swap3A_43 = vector.load %arg7[%swap3A, %swap3A_42] : memref<2000x128xf32, #tpu.memory_space<vmem>>, vector<2000x128xf32>
    tpu.vector_store %arg7[%swap3A, %swap3A_42], %mul3A_41 {strides = array<i32>} : memref<2000x128xf32, #tpu.memory_space<vmem>>, vector<2000x128xf32>,
    return
  }
  func.func @transform_0(%arg0: i32) -> (i32, i32) {
    %c0_i32 = arith.constant 0 : i32
    %c0_i32_0 = arith.constant 0 : i32
    return %arg0, %c0_i32 : i32, i32
  }
  func.func @transform_1(%arg0: i32) -> (i32, i32) {
    %c0_i32 = arith.constant 0 : i32
    %c0_i32_0 = arith.constant 0 : i32
    %c0_i32_1 = arith.constant 0 : i32
    return %c0_i32, %c0_i32_0 : i32, i32
  }
  func.func @transform_2(%arg0: i32) -> (i32, i32) {
    %c0_i32 = arith.constant 0 : i32
    %c0_i32_0 = arith.constant 0 : i32
    %c0_i32_1 = arith.constant 0 : i32
    return %c0_i32, %c0_i32_0 : i32, i32
  }
  func.func @transform_3(%arg0: i32) -> (i32, i32) {
    %c0_i32 = arith.constant 0 : i32
    %c0_i32_0 = arith.constant 0 : i32
    %c0_i32_1 = arith.constant 0 : i32
    return %c0_i32, %c0_i32_0 : i32, i32
  }
  func.func @transform_4(%arg0: i32) -> (i32, i32) {
    %c0_i32 = arith.constant 0 : i32
    %c0_i32_0 = arith.constant 0 : i32
    %c0_i32_1 = arith.constant 0 : i32
    return %c0_i32, %c0_i32_0 : i32, i32
  }
  func.func @transform_5(%arg0: i32) -> (i32, i32) {
    %c0_i32 = arith.constant 0 : i32
    %c0_i32_0 = arith.constant 0 : i32
    return %arg0, %c0_i32 : i32, i32
  }
  func.func @transform_6(%arg0: i32) -> (i32, i32) {
    %c0_i32 = arith.constant 0 : i32
    %c0_i32_0 = arith.constant 0 : i32
    return %arg0, %c0_i32 : i32, i32
  }
}

module attributes {stable_mosaic.version = 14 : i64} {
  func.func @_bn_final_body(%arg0: i32, %arg1: memref<2000x128xf32, #tpu.memory_space<vmem>>, %arg2: memref<8x128xf32, #tpu.memory_space<vmem>>, %arg3: memref<1x128xf32, #tpu.memory_space<vmem>>, %arg4: memref<1x128xf32, #tpu.memory_space<vmem>>, %arg5: memref<2000x128xf32, #tpu.memory_space<vmem>>) attributes {dimension_semantics = [#tpu.dimension_semantics<arbitrary>], iteration_bounds = array<i64: 5>, scalar_prefetch = 0 : i64, scratch_operands = 0 : i64, tpu.core_type = #tpu.core_type<tc>, window_params = [{transform_indices = @transform_0, window_bounds = array<i64: 2000, 128>}, {pipeline_mode = #tpu.pipeline_mode<synchronous>, transform_indices = @transform_1, window_bounds = array<i64: 8, 128>}, {pipeline_mode = #tpu.pipeline_mode<synchronous>, transform_indices = @transform_2, window_bounds = array<i64: 1, 128>}, {pipeline_mode = #tpu.pipeline_mode<synchronous>, transform_indices = @transform_3, window_bounds = array<i64: 1, 128>}, {transform_indices = @transform_4, window_bounds = array<i64: 2000, 128>}]} {
    %get3A = arith.constant 0 : index
    %get3A_0 = arith.constant 0 : index
    %get3A_1 = vector.load %arg1[%get3A, %get3A_0] : memref<2000x128xf32, #tpu.memory_space<vmem>>, vector<2000x128xf32>
    %get3A_2 = arith.constant 0 : index
    %get3A_3 = arith.constant 0 : index
    %get3A_4 = vector.load %arg2[%get3A_2, %get3A_3] : memref<8x128xf32, #tpu.memory_space<vmem>>, vector<8x128xf32>
    %get3A_5 = arith.constant 0 : index
    %get3A_6 = arith.constant 0 : index
    %get3A_7 = vector.load %arg3[%get3A_5, %get3A_6] : memref<1x128xf32, #tpu.memory_space<vmem>>, vector<1x128xf32>
    %get3A_8 = arith.constant 0 : index
    %get3A_9 = arith.constant 0 : index
    %get3A_10 = vector.load %arg4[%get3A_8, %get3A_9] : memref<1x128xf32, #tpu.memory_space<vmem>>, vector<1x128xf32>
    %slice3A = vector.extract_strided_slice %get3A_4 {offsets = [0, 0], sizes = [1, 128], strides = [1, 1]} : vector<8x128xf32> to vector<1x128xf32>
    %div3A = arith.constant 1.000000e+04 : f32
    %div3A_11 = vector.broadcast %div3A : f32 to vector<1x128xf32>
    %div3A_12 = arith.divf %slice3A, %div3A_11 : vector<1x128xf32>
    %slice3A_13 = vector.extract_strided_slice %get3A_4 {offsets = [1, 0], sizes = [1, 128], strides = [1, 1]} : vector<8x128xf32> to vector<1x128xf32>
    %div3A_14 = arith.constant 1.000000e+04 : f32
    %div3A_15 = vector.broadcast %div3A_14 : f32 to vector<1x128xf32>
    %div3A_16 = arith.divf %slice3A_13, %div3A_15 : vector<1x128xf32>
    %mul3A = arith.mulf %div3A_12, %div3A_12 : vector<1x128xf32>
    %sub3A = arith.subf %div3A_16, %mul3A : vector<1x128xf32>
    %sub3A_17 = vector.broadcast %div3A_12 : vector<1x128xf32> to vector<2000x128xf32>
    %sub3A_18 = arith.subf %get3A_1, %sub3A_17 : vector<2000x128xf32>
    %mul3A_19 = vector.broadcast %get3A_7 : vector<1x128xf32> to vector<2000x128xf32>
    %mul3A_20 = arith.mulf %mul3A_19, %sub3A_18 : vector<2000x128xf32>
    %add3A = arith.constant 9.99999974E-6 : f32
    %add3A_21 = vector.broadcast %add3A : f32 to vector<1x128xf32>
    %add3A_22 = arith.addf %sub3A, %add3A_21 : vector<1x128xf32>
    %rsqrt3A = math.rsqrt %add3A_22 : vector<1x128xf32>
    %mul3A_23 = vector.broadcast %rsqrt3A : vector<1x128xf32> to vector<2000x128xf32>
    %mul3A_24 = arith.mulf %mul3A_20, %mul3A_23 : vector<2000x128xf32>
    %add3A_25 = vector.broadcast %get3A_10 : vector<1x128xf32> to vector<2000x128xf32>
    %add3A_26 = arith.addf %mul3A_24, %add3A_25 : vector<2000x128xf32>
    %tanh3A = math.tanh %add3A_26 : vector<2000x128xf32>
    %swap3A = arith.constant 0 : index
    %swap3A_27 = arith.constant 0 : index
    %swap3A_28 = vector.load %arg5[%swap3A, %swap3A_27] : memref<2000x128xf32, #tpu.memory_space<vmem>>, vector<2000x128xf32>
    tpu.vector_store %arg5[%swap3A, %swap3A_27], %tanh3A {strides = array<i32>} : memref<2000x128xf32, #tpu.memory_space<vmem>>, vector<2000x128xf32>,
    return
  }
  func.func @transform_0(%arg0: i32) -> (i32, i32) {
    %c0_i32 = arith.constant 0 : i32
    %c0_i32_0 = arith.constant 0 : i32
    return %arg0, %c0_i32 : i32, i32
  }
  func.func @transform_1(%arg0: i32) -> (i32, i32) {
    %c0_i32 = arith.constant 0 : i32
    %c0_i32_0 = arith.constant 0 : i32
    %c0_i32_1 = arith.constant 0 : i32
    return %c0_i32, %c0_i32_0 : i32, i32
  }
  func.func @transform_2(%arg0: i32) -> (i32, i32) {
    %c0_i32 = arith.constant 0 : i32
    %c0_i32_0 = arith.constant 0 : i32
    %c0_i32_1 = arith.constant 0 : i32
    return %c0_i32, %c0_i32_0 : i32, i32
  }
  func.func @transform_3(%arg0: i32) -> (i32, i32) {
    %c0_i32 = arith.constant 0 : i32
    %c0_i32_0 = arith.constant 0 : i32
    %c0_i32_1 = arith.constant 0 : i32
    return %c0_i32, %c0_i32_0 : i32, i32
  }
  func.func @transform_4(%arg0: i32) -> (i32, i32) {
    %c0_i32 = arith.constant 0 : i32
    %c0_i32_0 = arith.constant 0 : i32
    return %arg0, %c0_i32 : i32, i32
  }
}

module attributes {stable_mosaic.version = 14 : i64} {
  func.func @_score_body(%arg0: i32, %arg1: memref<1024x128xf32, #tpu.memory_space<vmem>>, %arg2: memref<1024x128xf32, #tpu.memory_space<vmem>>, %arg3: memref<1000x128xf32, #tpu.memory_space<vmem>>, %arg4: memref<1000x1024xf32, #tpu.memory_space<vmem>>) attributes {dimension_semantics = [#tpu.dimension_semantics<arbitrary>], iteration_bounds = array<i64: 10>, scalar_prefetch = 0 : i64, scratch_operands = 0 : i64, tpu.core_type = #tpu.core_type<tc>, window_params = [{pipeline_mode = #tpu.pipeline_mode<synchronous>, transform_indices = @transform_0, window_bounds = array<i64: 1024, 128>}, {pipeline_mode = #tpu.pipeline_mode<synchronous>, transform_indices = @transform_1, window_bounds = array<i64: 1024, 128>}, {transform_indices = @transform_2, window_bounds = array<i64: 1000, 128>}, {transform_indices = @transform_3, window_bounds = array<i64: 1000, 1024>}]} {
    %get3A = arith.constant 0 : index
    %get3A_0 = arith.constant 0 : index
    %get3A_1 = vector.load %arg1[%get3A, %get3A_0] : memref<1024x128xf32, #tpu.memory_space<vmem>>, vector<1024x128xf32>
    %get3A_2 = arith.constant 0 : index
    %get3A_3 = arith.constant 0 : index
    %get3A_4 = vector.load %arg2[%get3A_2, %get3A_3] : memref<1024x128xf32, #tpu.memory_space<vmem>>, vector<1024x128xf32>
    %mul3A = arith.mulf %get3A_1, %get3A_4 : vector<1024x128xf32>
    %get3A_5 = arith.constant 0 : index
    %get3A_6 = arith.constant 0 : index
    %get3A_7 = vector.load %arg3[%get3A_5, %get3A_6] : memref<1000x128xf32, #tpu.memory_space<vmem>>, vector<1000x128xf32>
    %dot_general3A = arith.constant dense<0.000000e+00> : vector<1000x1024xf32>
    %dot_general3A_8 = tpu.matmul %get3A_7, %mul3A, %dot_general3A {dimension_numbers = #tpu.dot_dimension_numbers<[1], [1], [0], [0], [0, 0, 1, 0], [], []>, precision = #tpu.contract_precision<fp32>, transpose_lhs_hint = false} : vector<1000x128xf32>, vector<1024x128xf32>, vector<1000x1024xf32> -> vector<1000x1024xf32>
    %logistic3A = arith.negf %dot_general3A_8 : vector<1000x1024xf32>
    %logistic3A_9 = math.exp %logistic3A : vector<1000x1024xf32>
    %logistic3A_10 = arith.constant 1.000000e+00 : f32
    %logistic3A_11 = vector.broadcast %logistic3A_10 : f32 to vector<1000x1024xf32>
    %logistic3A_12 = arith.addf %logistic3A_11, %logistic3A_9 : vector<1000x1024xf32>
    %logistic3A_13 = arith.divf %logistic3A_11, %logistic3A_12 : vector<1000x1024xf32>
    %swap3A = arith.constant 0 : index
    %swap3A_14 = arith.constant 0 : index
    %swap3A_15 = vector.load %arg4[%swap3A, %swap3A_14] : memref<1000x1024xf32, #tpu.memory_space<vmem>>, vector<1000x1024xf32>
    tpu.vector_store %arg4[%swap3A, %swap3A_14], %logistic3A_13 {strides = array<i32>} : memref<1000x1024xf32, #tpu.memory_space<vmem>>, vector<1000x1024xf32>,
    return
  }
  func.func @transform_0(%arg0: i32) -> (i32, i32) {
    %c0_i32 = arith.constant 0 : i32
    %c0_i32_0 = arith.constant 0 : i32
    %c0_i32_1 = arith.constant 0 : i32
    return %c0_i32, %c0_i32_0 : i32, i32
  }
  func.func @transform_1(%arg0: i32) -> (i32, i32) {
    %c0_i32 = arith.constant 0 : i32
    %c0_i32_0 = arith.constant 0 : i32
    %c0_i32_1 = arith.constant 0 : i32
    return %c0_i32, %c0_i32_0 : i32, i32
  }
  func.func @transform_2(%arg0: i32) -> (i32, i32) {
    %c0_i32 = arith.constant 0 : i32
    %c0_i32_0 = arith.constant 0 : i32
    return %arg0, %c0_i32 : i32, i32
  }
  func.func @transform_3(%arg0: i32) -> (i32, i32) {
    %c0_i32 = arith.constant 0 : i32
    %c0_i32_0 = arith.constant 0 : i32
    return %arg0, %c0_i32 : i32, i32
  }
}

</mosaic_0001>

<sc_bundles>
// kernel: kernel.12.cloned.1.call-start
scs
__scs_entry_jumppad:
0x0: {  	(pc) =	sbr.rel $0x88, $3  }
0x1: {  	(tag) =	ssettag $0x0;
	lr =	simm.s32 $0x1  }
0x2: {  	[smem:$0x3F94] =	sst lr;
	_ =	strace $0xD0000000  }
0x3: {  	_ = 	snop  }
0x4: {  	_ = 	snop  }
0x5: {  	_ = 	snop  }
0x6: {  	_ = 	snop  }
0x7: {  	_ = 	snop  }
__scs_overlays_trampoline_lowered:
0x8: {  	[smem:$0x3FA3] =	sst s0  }
0x9: {  	[smem:$0x3FA4] =	sst s1  }
0xa: {  	[smem:$0x3FA5] =	sst s2  }
0xb: {  	[smem:$0x3FA6] =	sst s3  }
0xc: {  	[smem:$0x3FA7] =	sst s4  }
0xd: {  	[smem:$0x3FA8] =	sst s5  }
0xe: {  	[smem:$0x3FA9] =	sst s6  }
0xf: {  	[smem:$0x3FAA] =	sst s7  }
0x10: {  	[smem:$0x3FAB] =	sst s8  }
0x11: {  	[smem:$0x3FAC] =	sst s9;
	s0 =	simm.s32 @!p0 $0x0  }
0x12: {  	s1 =	sld [smem:$0x3F92];
	s0 =	simm.s32 @p0 $0x1  }
0x13: {  	[smem:$0x3FAD] =	sst s0;
	s0 =	simm.s32 @!p1 $0x0  }
0x14: {  	s2 =	sld [smem:$0x3F91];
	s0 =	simm.s32 @p1 $0x1  }
0x15: {  	[smem:$0x3FAE] =	sst s0;
	s0 =	simm.s32 @!p2 $0x0  }
0x16: {  	s3 =	sld [smem:$0x3FDB];
	s0 =	simm.s32 @p2 $0x1  }
0x17: {  	s4 =	simm.s32 $0x1BF5;
	[smem:$0x3FB0] =	sst s0  }
0x18: {  	s0 =	sld [smem:$0x3F93];
	_ =	swait.ge [sflag:s4], $0x0  }
0x19: {  	s7 =	sld [smem:$0x3F94]  }
0x1a: {  	s8 =	sadd.s32 $0xFFFFE003, lr  }
0x1b: {  	s9 =	sadd.s32 $0xFFFFFEF7, lr;
	s5 =	simm.s32 $0xFFFFFFFF;
	p2 =	slt.u32 s8, $0xFFFFF086  }
0x1c: {  	p1 =	slt.u32 s9, $0xF7A;
	s5 =	simm.s32 @!p2 $0x0  }
0x1d: {  	s5 =	simm.s32 @p1 $0x1;
	p0 =	seq.s32 s7, s2  }
0x1e: {  	s7 =	smul.u32 @!p0 $0xF7A, s2;
	p2 =	seq.s32 @!p0 s5, $0x0  }
0x1f: {  	s9 =	smul.u32 $0xF7A, s1;
	s8 =	simm.s32 @!p0 $0x1BF5;
	p2 =	por !p2, p0  }
0x20: {  	[sflag:s8] =	ssyncset.s32 @!p0 $0xFFFFF086;
	s6 =	sadd.s32 @!p0 s3, s7;
	s7 =	simm.s32 @!p0 $0x108  }
0x21: {  	s3 =	sadd.s32 s3, s9;
	s6 =	sadd.s32 @!p0 $0x88, s6;
	s7 =	simm.s32 @p2 $0x1082  }
0x22: {  	[simem:s7], [sflag:s8] =	dma.local @!p0 [hbm:s6], $0xF7A  }
0x23: {  	s9 =	sor.u32 $0xD0000000, s2;
	s6 =	simm.s32 $0x108;
	_ =	swait.ge @!p0 [sflag:s8], $0x0  }
0x24: {  	s3 =	sadd.s32 $0x88, s3;
	s6 =	simm.s32 @!p1 $0x1082;
	[sflag:s4] =	ssyncset.s32 $0xFFFFF086  }
0x25: {  	[simem:s6], [sflag:s4] =	dma.local [hbm:s3], $0xF7A  }
0x26: {  	[smem:$0x3F94] =	sst s1;
	(tag) =	ssettag s2;
	_ =	strace s9  }
0x27: {  	s1 =	sld [smem:$0x3FA4]  }
0x28: {  	s2 =	sld [smem:$0x3FA5]  }
0x29: {  	s4 =	sld [smem:$0x3FA7]  }
0x2a: {  	p0 =	seq.s32 s5, $0x0;
	s5 =	sld [smem:$0x3FA8]  }
0x2b: {  	s6 =	sld [smem:$0x3FA9]  }
0x2c: {  	s7 =	sld [smem:$0x3FAA]  }
0x2d: {  	s3 =	simm.s32 $0x108;
	s8 =	sld [smem:$0x3FAB]  }
0x2e: {  	s3 =	simm.s32 @!p0 $0x1082;
	s9 =	sld [smem:$0x3FAC]  }
0x2f: {  	lr =	sadd.s32 s0, s3;
	s0 =	sld [smem:$0x3FA3]  }
0x30: {  	s3 =	sld [smem:$0x3FA6]  }
0x31: {  	[smem:$0x3FAF] =	sst s10  }
0x32: {  	s10 =	sld [smem:$0x3FAD];
	_ =	sdelay $0x3  }
0x33: {  	p0 =	seq.s32 s10, $0x1;
	s10 =	sld [smem:$0x3FAF];
	_ =	sdelay $0x3  }
0x34: {  	[smem:$0x3FAF] =	sst s10  }
0x35: {  	s10 =	sld [smem:$0x3FAE];
	_ =	sdelay $0x3  }
0x36: {  	p1 =	seq.s32 s10, $0x1;
	s10 =	sld [smem:$0x3FAF];
	_ =	sdelay $0x3  }
0x37: {  	[smem:$0x3FAF] =	sst s10  }
0x38: {  	s10 =	sld [smem:$0x3FB0]  }
0x39: {  	_ = 	snop;
	(pc) =	sbr.ind lr, $3  }
0x3a: {  	_ = 	snop  }
0x3b: {  	_ = 	snop  }
0x3c: {  	p2 =	seq.s32 s10, $0x1;
	s10 =	sld [smem:$0x3FAF]  }
0x3d: {  	_ =	shalt  }
0x3e: {  	_ =	shalt  }
0x3f: {  	_ =	shalt  }
0x40: {  	_ =	shalt  }
0x41: {  	_ =	shalt  }
0x42: {  	_ =	shalt  }
0x43: {  	_ =	shalt  }
0x44: {  	_ =	shalt  }
0x45: {  	_ =	shalt  }
0x46: {  	_ =	shalt  }
0x47: {  	_ =	shalt  }
0x48: {  	_ =	shalt  }
0x49: {  	_ =	shalt  }
0x4a: {  	_ =	shalt  }
0x4b: {  	_ =	shalt  }
0x4c: {  	_ =	shalt  }
0x4d: {  	_ =	shalt  }
0x4e: {  	_ =	shalt  }
0x4f: {  	_ =	shalt  }
0x50: {  	_ =	shalt  }
0x51: {  	_ =	shalt  }
0x52: {  	_ =	shalt  }
0x53: {  	_ =	shalt  }
0x54: {  	_ =	shalt  }
0x55: {  	_ =	shalt  }
0x56: {  	_ =	shalt  }
0x57: {  	_ =	shalt  }
0x58: {  	_ =	shalt  }
0x59: {  	_ =	shalt  }
0x5a: {  	_ =	shalt  }
0x5b: {  	_ =	shalt  }
0x5c: {  	_ =	shalt  }
0x5d: {  	_ =	shalt  }
0x5e: {  	_ =	shalt  }
0x5f: {  	_ =	shalt  }
0x60: {  	_ =	shalt  }
0x61: {  	_ =	shalt  }
0x62: {  	_ =	shalt  }
0x63: {  	_ =	shalt  }
0x64: {  	_ =	shalt  }
0x65: {  	_ =	shalt  }
0x66: {  	_ =	shalt  }
0x67: {  	_ =	shalt  }
0x68: {  	_ =	shalt  }
0x69: {  	_ =	shalt  }
0x6a: {  	_ =	shalt  }
0x6b: {  	_ =	shalt  }
0x6c: {  	_ =	shalt  }
0x6d: {  	_ =	shalt  }
0x6e: {  	_ =	shalt  }
0x6f: {  	_ =	shalt  }
0x70: {  	_ =	shalt  }
0x71: {  	_ =	shalt  }
0x72: {  	_ =	shalt  }
0x73: {  	_ =	shalt  }
0x74: {  	_ =	shalt  }
0x75: {  	_ =	shalt  }
0x76: {  	_ =	shalt  }
0x77: {  	_ =	shalt  }
0x78: {  	_ =	shalt  }
0x79: {  	_ =	shalt  }
0x7a: {  	_ =	shalt  }
0x7b: {  	_ =	shalt  }
0x7c: {  	_ =	shalt  }
0x7d: {  	_ =	shalt  }
0x7e: {  	_ =	shalt  }
0x7f: {  	_ =	shalt  }
0x80: {  	_ =	shalt  }
0x81: {  	_ =	shalt  }
0x82: {  	_ =	shalt  }
0x83: {  	_ =	shalt  }
0x84: {  	_ =	shalt  }
0x85: {  	_ =	shalt  }
0x86: {  	_ =	shalt  }
0x87: {  	_ =	shalt  }
.Lfunc_end0:
.L_simem_size_0:
called_computation_lowered:
.L_overlay_start_0:
0x88: {  	s2 =	sld [smem:$0x3FD9]  }
0x89: {  	s3 =	sld [smem:$0x3FFE];
	_ =	sdelay $0x1  }
0x8a: {  	s1 =	srdreg.scid  }
0x8b: {  	s0 =	sand.u32 $0x1, s1  }
0x8c: {  	s17 =	sshll.u32 s0, $0xA;
	s2 =	sadd.s32 s3, s2  }
0x8d: {  	s2 =	sadd.s32 s2, s17  }
0x8e: {  	[smem:$0x3FBB] =	sst s2  }
0x8f: {  	_ = 	snop  }
0x90: {  	s2 =	sld [smem:$0x3FD0];
	(tm) =	ssettm $0x1  }
0x91: {  	s18 =	sld [smem:$0x3FFB];
	_ =	sdelay $0x3  }
0x92: {  	_ =	strace s18  }
0x93: {  	s3 =	sld [smem:$0x3FFC];
	_ =	sdelay $0x3  }
0x94: {  	_ =	strace s3  }
0x95: {  	s3 =	sld [smem:$0x3FFD];
	_ =	sdelay $0x3  }
0x96: {  	_ =	strace s3  }
0x97: {  	_ =	strace $0x8FFFFFFF  }
0x98: {  	s19 =	sld [smem:$0x3FDB];
	_ =	sdelay $0x1  }
0x99: {  	s4 =	simm.s32 $_scs_section_size  }
0x9a: {  	s5 =	simm.s32 $_size__tile_overlayer_lowered;
	s6 =	simm.s32 $_tile_overlayer_lowered  }
0x9b: {  	s22 =	simm.s32 $0x1BFF;
	s21 =	sshll.u32 s6, $0x1;
	s3 =	sadd.s32 s4, s19  }
0x9c: {  	s7 =	simm.s32 $0x0;
	s20 =	sshll.u32 s5, $0x1;
	s5 =	sadd.s32 s21, s3  }
0x9d: {  	[timem:s7], [sflag:s22] =	dma.local [hbm:s5], s20  }
0x9e: {  	_ =	swait.ge [sflag:s22], s20  }
0x9f: {  	s4 =	ssub.s32 $0x0, s20;
	[sflag:s22] =	ssyncset.done $0x0  }
0xa0: {  	[sflag:s22] =	ssyncadd.s32 s4;
	_ =	sdelay $0x1  }
0xa1: {  	s23 =	simm.s32 $0x1B8B  }
0xa2: {  	_ =	swait.ge [sflag:s23], $0x1  }
0xa3: {  	[sflag:s23] =	ssyncset.done $0x0  }
0xa4: {  	s25 =	simm.s32 $0x1B8E;
	s24 =	sld [smem:$0x3FFE];
	[sflag:s23] =	ssyncadd.s32 $0xFFFFFFFF  }
0xa5: {  	s26 =	simm.s32 $execute0_lowered;
	[smem:$0x3FD2] =	sst s25  }
0xa6: {  	s5 =	sshll.u32 s26, $0x1;
	_ =	strace $0x80000046;
	[dreg:$0x1] =	wrdreg $0xFFFFFFFF  }
0xa7: {  	s28 =	simm.s32 $_size_execute0_lowered;
	s3 =	sadd.s32 s3, s5;
	[dreg:$0x0] =	wrdreg $0x0  }
0xa8: {  	s5 =	sshll.u32 s28, $0x1;
	[dreg:$0x2] =	wrdreg s3  }
0xa9: {  	[dreg:$0x3] =	wrdreg s5  }
0xaa: {  	[dreg:$0x4] =	wrdreg $0xC0  }
0xab: {  	_ =	task [dreg:s7], $0x5FFFF  }
0xac: {  	[dreg:$0x1] =	wrdreg $0xFFFFFFFF  }
0xad: {  	[dreg:$0x0] =	wrdreg $0x60  }
0xae: {  	[dreg:$0x2] =	wrdreg s24  }
0xaf: {  	[dreg:$0x3] =	wrdreg s2  }
0xb0: {  	[dreg:$0x4] =	wrdreg $0x57500  }
0xb1: {  	[dreg:$0x5] =	wrdreg $0x59C80  }
0xb2: {  	[dreg:$0x6] =	wrdreg $0x9  }
0xb3: {  	_ =	task.clear_ibuf [dreg:s7], $0x7FFFF;
	_ =	strace $0x90000046  }
0xb4: {  	s29 =	simm.s32 $0x9;
	_ =	strace $0x80000048  }
0xb5: {  	_ =	swait.ge [sflag:s29], $0x1  }
0xb6: {  	[sflag:s29] =	ssyncadd.s32 $0xFFFFFFFF  }
0xb7: {  	_ =	strace $0x90000048  }
0xb8: {  	_ =	sfence  }
0xb9: {  	s30 =	sld [smem:$0x0];
	_ =	sdelay $0x2  }
0xba: {  	s31 =	sshll.u32 s1, $0xD;
	s1 =	sshrl.u32 s1, $0x2  }
0xbb: {  	s3 =	sand.u32 $0x4000, s31;
	s1 =	sadd.s32 s1, s30  }
0xbc: {  	s0 =	sor.u32 s3, s0;
	s1 =	sshll.u32 s1, $0x11  }
0xbd: {  	s0 =	sor.u32 s1, s0  }
0xbe: {  	s0 =	sadd.s32 $0x8F2B, s0  }
0xbf: {  	[sflag:s0] =	ssyncadd.remote.s32 $0x1  }
0xc0: {  	_ =	sfence.sel $0xFFFF  }
0xc1: {  	[dreg:$0x0] =	wrdreg $0xFFFFFFFF;
	(pc) =	sbr.abs _section_cstart, $3  }
0xc2: {  	[dreg:$0x1] =	wrdreg $0xFFFFFFFF  }
0xc3: {  	_ =	task.clear_ibuf [dreg:s7], $0x2FFFF;
	_ =	strace $0x9FFFFFFF  }
0xc4: {  	(tm) =	ssettm $0x7FFFFFFF  }
0xc5: {  	_ =	shalt  }
tec
execute0_lowered:
.L_overlay_start_1:
0x0: {  	(tag) =	ssettag $0x1  }
0x1: {  	s5 =	rddreg [dreg:$0x0]  }
0x2: {  	s13 =	rddreg [dreg:$0x1]  }
0x3: {  	s1 =	rddreg [dreg:$0x2]  }
0x4: {  	s2 =	rddreg [dreg:$0x3]  }
0x5: {  	s0 =	rddreg [dreg:$0x4]  }
0x6: {  	s3 =	simm.s32 $0x0;
	s6 =	srdreg.scid;
	s4 =	stileid.u32  }
0x7: {  	s22 =	simm.s32 $0x0;
	[smem:$0x7FF] =	sst s3;
	s8 =	sadd.s32 $0xD600, s5  }
0x8: {  	s9 =	sand.u32 $0x1, s6;
	s25 =	sshll.u32 s4, $0x1;
	s7 =	smul.u32 $0x1F40, s4  }
0x9: {  	s10 =	sadd.s32 $0x3800, s5;
	p0 =	slt.u32 s4, $0x5;
	p1 =	slt.u32 s4, $0x2  }
0xa: {  	s16 =	smul.u32 $0x3E8, s4;
	p2 =	slt.u32 s4, $0x6;
	_ =	strace $0x80000047  }
0xb: {  	s26 =	ssub.s32 $0x2, s9;
	s6 =	sor.u32 s9, s25;
	s31 =	smul.u32 $0x4E20, s9  }
0xc: {  	s11 =	sshrl.u32 s26, $0x1;
	s7 =	sshrl.u32 s7, $0x2;
	s12 =	smul.u32 $0x4E, s6  }
0xd: {  	s6 =	smin.u32 s6, $0x4;
	s17 =	sadd.s32 $0xFFFFE890, s16;
	s20 =	sadd.s32 s16, s1  }
0xe: {  	s14 =	ssub.s32 s26, s11;
	s28 =	sadd.s32 s7, s2;
	s15 =	sadd.s32 s7, s1  }
0xf: {  	s11 =	simm.s32 $0x3;
	s18 =	sadd.s32 s16, s31;
	s21 =	sadd.s32 s17, s2  }
0x10: {  	s16 =	simm.s32 $0x80;
	s5 =	sadd.s32 $0xFFFFD8F0, s28;
	s6 =	sadd.s32 s6, s12  }
0x11: {  	s12 =	sadd.s32 s17, s31;
	s11 =	simm.s32 @!p1 $0x2;
	s18 =	sshrl.u32 s18, $0x3  }
0x12: {  	s14 =	smax.u32 s14, $0x1;
	p1 =	sgt.u32 s4, $0x1;
	s17 =	simm.s32 $0x4F00  }
0x13: {  	s21 =	sshrl.u32 @!p2 s21, $0x3;
	s29 =	sshll.u32 s6, $0x4;
	s19 =	sshrl.u32 s12, $0x3  }
0x14: {  	s12 =	sadd.s32 s13, s18;
	s5 =	smov.u32 @p0 s15;
	p0 =	sgt.u32 s4, $0x9  }
0x15: {  	s15 =	simm.s32 $0x2780;
	s18 =	simm.s32 $0x1;
	s6 =	sadd.s32 s8, s29  }
0x16: {  	s30 =	sadd.s32 $0x4E0, s29;
	s7 =	sadd.s32 s10, s29;
	s13 =	sadd.s32 s13, s19  }
0x17: {  	s19 =	simm.s32 $0x2;
	s20 =	sshrl.u32 @!p0 s20, $0x3;
	s8 =	sadd.s32 s8, s30  }
0x18: {  	v0 =	vimm.f32 $1.000000000e+00;
	v1 =	vimm.f32 $0.0e+00;
	s9 =	sadd.s32 s10, s30;
	s10 =	simm.s32 $0x3;
	s13 =	sadd.s32 $0x4E2, s13  }
.LBB2_1:
0x19: {  	[tilespmem:$0x4F00] =	vst v0  }
0x1a: {  	[tilespmem:$0x4F10] =	vst v0  }
0x1b: {  	[tilespmem:$0x4F20] =	vst v0  }
0x1c: {  	[tilespmem:$0x4F30] =	vst v0  }
0x1d: {  	[tilespmem:$0x4F40] =	vst v0  }
0x1e: {  	[tilespmem:$0x4F50] =	vst v0  }
0x1f: {  	[tilespmem:$0x4F60] =	vst v0  }
0x20: {  	[tilespmem:$0x4F70] =	vst v0;
	s23 =	simm.s32 $0x40;
	s24 =	simm.s32 $0x0  }
.LBB2_2:
0x21: {  	p3 =	sne.s32 s23, $0x1F00;
	[tilespmem:s24+$0x4F80] =	vst v1;
	s24 =	smov.u32 s23;
	s23 =	sadd.s32 $0x40, s23  }
.Ltmp0:
0x22: {  	(pc) =	sbr.rel @p3 .LBB2_2-.Ltmp0, $2  }
0x23: {  	_ =	sdelay $0x2  }
0x24: {  	s24 =	sshra.s32 s24, $0x2  }
0x25: {  	[tilespmem:s24+$0x4F80] =	vst v1;
	s23 =	simm.s32 @!p0 $0x4F80  }
0x26: {  	[spmem:s5] =	stream.linear.scatter @!p0 [tilespmem:s23], [sflag:$0x3], $0x7D0, $0x38;
	[tilespmem:$0x5C40] =	vst v63  }
0x27: {  	s23 =	simm.s32 @!p0 $0x3  }
0x28: {  	_ =	swait.ge @!p0 [sflag:s23], $0x7D0  }
0x29: {  	[sflag:s23] =	ssyncset.done @!p0 $0x0  }
0x2a: {  	[sflag:s23] =	ssyncadd.s32 @!p0 $0xFFFFF830  }
0x2b: {  	[bflag:$0x0] =	sbarrier.arrive $0xFFFF  }
0x2c: {  	[tilespmem:s3], [sflag:$0x3] =	stream.linear.gather [hbm4b:s6+s3], $0x2700, $0x38;
	[tilespmem:$0x5C40] =	vst v63  }
0x2d: {  	_ =	swait.ge [sflag:s10], $0x2700  }
0x2e: {  	[sflag:s10] =	ssyncset.done $0x0  }
0x2f: {  	[sflag:s10] =	ssyncadd.s32 $0xFFFFD900  }
0x30: {  	[tilespmem:s15], [sflag:$0x3] =	stream.linear.gather [hbm4b:s7+s3], $0x2700, $0x38;
	[tilespmem:$0x5C40] =	vst v63  }
0x31: {  	_ =	swait.ge [sflag:s10], $0x2700  }
0x32: {  	[sflag:s10] =	ssyncset.done $0x0  }
0x33: {  	s24 =	simm.s32 @!p1 $0x2700;
	s23 =	simm.s32 @!p1 $0x0;
	[sflag:s10] =	ssyncadd.s32 $0xFFFFD900  }
0x34: {  	[tilespmem:s24], [sflag:$0x3] =	stream.linear.gather @!p1 [hbm4b:s8+s23], $0x80, $0x38;
	[tilespmem:$0x5C40] =	vst v63  }
0x35: {  	s24 =	simm.s32 @!p1 $0x3  }
0x36: {  	_ =	swait.ge @!p1 [sflag:s24], $0x80  }
0x37: {  	[sflag:s24] =	ssyncset.done @!p1 $0x0  }
0x38: {  	s25 =	simm.s32 @!p1 $0x4E80;
	[sflag:s24] =	ssyncadd.s32 @!p1 $0xFFFFFF80  }
0x39: {  	[tilespmem:s25], [sflag:$0x3] =	stream.linear.gather @!p1 [hbm4b:s9+s23], $0x80, $0x38;
	[tilespmem:$0x5C40] =	vst v63  }
0x3a: {  	_ =	swait.ge @!p1 [sflag:s24], $0x80  }
0x3b: {  	[sflag:s24] =	ssyncset.done @!p1 $0x0  }
0x3c: {  	s31 =	simm.s32 $0x0;
	[sflag:s24] =	ssyncadd.s32 @!p1 $0xFFFFFF80  }
0x3d: {  	[spmem:s1] =	stream.indirect.scatter.add.f32 [tilespmem:s17], [sflag:$0x1], $0x1, s31, s16, $0xb8;
	[tilespmem:$0x5C40] =	vst v63  }
0x3e: {  	s24 =	simm.s32 $0x2780  }
0x3f: {  	[spmem:s2] =	stream.indirect.scatter.add.f32 [tilespmem:s17], [sflag:$0x2], $0x1, s24, s16, $0xb8;
	[tilespmem:$0x5C40] =	vst v63  }
0x40: {  	s25 =	simm.s32 $0x80  }
0x41: {  	[spmem:s1] =	stream.indirect.scatter.add.f32 [tilespmem:s17], [sflag:$0x1], $0x1, s25, s16, $0xb8;
	[tilespmem:$0x5C40] =	vst v63  }
0x42: {  	s26 =	simm.s32 $0x2800  }
0x43: {  	[spmem:s2] =	stream.indirect.scatter.add.f32 [tilespmem:s17], [sflag:$0x2], $0x1, s26, s16, $0xb8;
	[tilespmem:$0x5C40] =	vst v63  }
0x44: {  	s28 =	simm.s32 $0x100  }
0x45: {  	[spmem:s1] =	stream.indirect.scatter.add.f32 [tilespmem:s17], [sflag:$0x1], $0x1, s28, s16, $0xb8;
	[tilespmem:$0x5C40] =	vst v63  }
0x46: {  	s29 =	simm.s32 $0x2880  }
0x47: {  	[spmem:s2] =	stream.indirect.scatter.add.f32 [tilespmem:s17], [sflag:$0x2], $0x1, s29, s16, $0xb8;
	[tilespmem:$0x5C40] =	vst v63  }
0x48: {  	s30 =	simm.s32 $0x180  }
0x49: {  	[spmem:s1] =	stream.indirect.scatter.add.f32 [tilespmem:s17], [sflag:$0x1], $0x1, s30, s16, $0xb8;
	[tilespmem:$0x5C40] =	vst v63  }
0x4a: {  	s31 =	simm.s32 $0x2900  }
0x4b: {  	[spmem:s2] =	stream.indirect.scatter.add.f32 [tilespmem:s17], [sflag:$0x2], $0x1, s31, s16, $0xb8;
	[tilespmem:$0x5C40] =	vst v63  }
0x4c: {  	_ =	swait.ge [sflag:s18], $0x80  }
0x4d: {  	[sflag:s18] =	ssyncset.done $0x0  }
0x4e: {  	[sflag:s18] =	ssyncadd.s32 $0xFFFFFF80  }
0x4f: {  	_ =	swait.ge [sflag:s19], $0x80  }
0x50: {  	[sflag:s19] =	ssyncset.done $0x0  }
0x51: {  	[sflag:s19] =	ssyncadd.s32 $0xFFFFFF80  }
0x52: {  	_ =	swait.ge [sflag:s18], $0x80  }
0x53: {  	[sflag:s18] =	ssyncset.done $0x0  }
0x54: {  	[sflag:s18] =	ssyncadd.s32 $0xFFFFFF80  }
0x55: {  	_ =	swait.ge [sflag:s19], $0x80  }
0x56: {  	[sflag:s19] =	ssyncset.done $0x0  }
0x57: {  	[sflag:s19] =	ssyncadd.s32 $0xFFFFFF80  }
0x58: {  	_ =	swait.ge [sflag:s18], $0x80  }
0x59: {  	[sflag:s18] =	ssyncset.done $0x0  }
0x5a: {  	[sflag:s18] =	ssyncadd.s32 $0xFFFFFF80  }
0x5b: {  	_ =	swait.ge [sflag:s19], $0x80  }
0x5c: {  	[sflag:s19] =	ssyncset.done $0x0  }
0x5d: {  	[sflag:s19] =	ssyncadd.s32 $0xFFFFFF80  }
0x5e: {  	_ =	swait.ge [sflag:s18], $0x80  }
0x5f: {  	[sflag:s18] =	ssyncset.done $0x0  }
0x60: {  	[sflag:s18] =	ssyncadd.s32 $0xFFFFFF80  }
0x61: {  	_ =	swait.ge [sflag:s19], $0x80  }
0x62: {  	s23 =	simm.s32 $0x800;
	s25 =	simm.s32 $0x1000;
	[sflag:s19] =	ssyncset.done $0x0  }
.LBB2_4:
0x63: {  	s26 =	sshra.s32 s23, $0x2  }
0x64: {  	[sflag:s19] =	ssyncadd.s32 $0xFFFFFF80;
	s23 =	smov.u32 s25;
	s24 =	sadd.s32 $0x800, s25  }
0x65: {  	[spmem:s1] =	stream.indirect.scatter.add.f32 [tilespmem:s17], [sflag:$0x1], $0x1, s26, s16, $0xb8;
	[tilespmem:$0x5C40] =	vst v63  }
0x66: {  	p3 =	sne.s32 s25, $0x9000;
	s25 =	sadd.s32 $0x2780, s26  }
0x67: {  	[spmem:s2] =	stream.indirect.scatter.add.f32 [tilespmem:s17], [sflag:$0x2], $0x1, s25, s16, $0xb8;
	[tilespmem:$0x5C40] =	vst v63  }
0x68: {  	s25 =	sadd.s32 $0x80, s26  }
0x69: {  	[spmem:s1] =	stream.indirect.scatter.add.f32 [tilespmem:s17], [sflag:$0x1], $0x1, s25, s16, $0xb8;
	[tilespmem:$0x5C40] =	vst v63  }
0x6a: {  	s25 =	sadd.s32 $0x2800, s26  }
0x6b: {  	[spmem:s2] =	stream.indirect.scatter.add.f32 [tilespmem:s17], [sflag:$0x2], $0x1, s25, s16, $0xb8;
	[tilespmem:$0x5C40] =	vst v63  }
0x6c: {  	s25 =	sadd.s32 $0x100, s26  }
0x6d: {  	[spmem:s1] =	stream.indirect.scatter.add.f32 [tilespmem:s17], [sflag:$0x1], $0x1, s25, s16, $0xb8;
	[tilespmem:$0x5C40] =	vst v63  }
0x6e: {  	s25 =	sadd.s32 $0x2880, s26  }
0x6f: {  	[spmem:s2] =	stream.indirect.scatter.add.f32 [tilespmem:s17], [sflag:$0x2], $0x1, s25, s16, $0xb8;
	[tilespmem:$0x5C40] =	vst v63  }
0x70: {  	s25 =	sadd.s32 $0x180, s26  }
0x71: {  	[spmem:s1] =	stream.indirect.scatter.add.f32 [tilespmem:s17], [sflag:$0x1], $0x1, s25, s16, $0xb8;
	[tilespmem:$0x5C40] =	vst v63  }
0x72: {  	s25 =	sadd.s32 $0x2900, s26  }
0x73: {  	[spmem:s2] =	stream.indirect.scatter.add.f32 [tilespmem:s17], [sflag:$0x2], $0x1, s25, s16, $0xb8;
	[tilespmem:$0x5C40] =	vst v63  }
0x74: {  	_ =	swait.ge [sflag:s18], $0x80  }
0x75: {  	[sflag:s18] =	ssyncset.done $0x0  }
0x76: {  	[sflag:s18] =	ssyncadd.s32 $0xFFFFFF80  }
0x77: {  	_ =	swait.ge [sflag:s19], $0x80  }
0x78: {  	[sflag:s19] =	ssyncset.done $0x0  }
0x79: {  	[sflag:s19] =	ssyncadd.s32 $0xFFFFFF80  }
0x7a: {  	_ =	swait.ge [sflag:s18], $0x80  }
0x7b: {  	[sflag:s18] =	ssyncset.done $0x0  }
0x7c: {  	[sflag:s18] =	ssyncadd.s32 $0xFFFFFF80  }
0x7d: {  	_ =	swait.ge [sflag:s19], $0x80  }
0x7e: {  	[sflag:s19] =	ssyncset.done $0x0  }
0x7f: {  	[sflag:s19] =	ssyncadd.s32 $0xFFFFFF80  }
0x80: {  	_ =	swait.ge [sflag:s18], $0x80  }
0x81: {  	[sflag:s18] =	ssyncset.done $0x0  }
0x82: {  	[sflag:s18] =	ssyncadd.s32 $0xFFFFFF80  }
0x83: {  	_ =	swait.ge [sflag:s19], $0x80  }
0x84: {  	[sflag:s19] =	ssyncset.done $0x0  }
0x85: {  	[sflag:s19] =	ssyncadd.s32 $0xFFFFFF80  }
.Ltmp1:
0x86: {  	_ =	swait.ge [sflag:s18], $0x80;
	(pc) =	sbr.rel @p3 .LBB2_4-.Ltmp1, $4  }
0x87: {  	[sflag:s18] =	ssyncset.done $0x0  }
0x88: {  	[sflag:s18] =	ssyncadd.s32 $0xFFFFFF80  }
0x89: {  	_ =	swait.ge [sflag:s19], $0x80  }
0x8a: {  	s25 =	smov.u32 s24;
	[sflag:s19] =	ssyncset.done $0x0  }
0x8b: {  	s23 =	sshra.s32 s23, $0x2;
	[sflag:s19] =	ssyncadd.s32 $0xFFFFFF80  }
0x8c: {  	[spmem:s1] =	stream.indirect.scatter.add.f32 [tilespmem:s17], [sflag:$0x1], $0x1, s23, s16, $0xb8;
	[tilespmem:$0x5C40] =	vst v63  }
0x8d: {  	s24 =	sadd.s32 $0x2780, s23  }
0x8e: {  	[spmem:s2] =	stream.indirect.scatter.add.f32 [tilespmem:s17], [sflag:$0x2], $0x1, s24, s16, $0xb8;
	[tilespmem:$0x5C40] =	vst v63  }
0x8f: {  	s26 =	sadd.s32 $0x80, s23  }
0x90: {  	[spmem:s1] =	stream.indirect.scatter.add.f32 [tilespmem:s17], [sflag:$0x1], $0x1, s26, s16, $0xb8;
	[tilespmem:$0x5C40] =	vst v63  }
0x91: {  	s28 =	sadd.s32 $0x2800, s23  }
0x92: {  	[spmem:s2] =	stream.indirect.scatter.add.f32 [tilespmem:s17], [sflag:$0x2], $0x1, s28, s16, $0xb8;
	[tilespmem:$0x5C40] =	vst v63  }
0x93: {  	s29 =	sadd.s32 $0x100, s23  }
0x94: {  	[spmem:s1] =	stream.indirect.scatter.add.f32 [tilespmem:s17], [sflag:$0x1], $0x1, s29, s16, $0xb8;
	[tilespmem:$0x5C40] =	vst v63  }
0x95: {  	s30 =	sadd.s32 $0x2880, s23  }
0x96: {  	[spmem:s2] =	stream.indirect.scatter.add.f32 [tilespmem:s17], [sflag:$0x2], $0x1, s30, s16, $0xb8;
	[tilespmem:$0x5C40] =	vst v63  }
0x97: {  	s31 =	sadd.s32 $0x180, s23  }
0x98: {  	[spmem:s1] =	stream.indirect.scatter.add.f32 [tilespmem:s17], [sflag:$0x1], $0x1, s31, s16, $0xb8;
	[tilespmem:$0x5C40] =	vst v63  }
0x99: {  	s23 =	sadd.s32 $0x2900, s23  }
0x9a: {  	[spmem:s2] =	stream.indirect.scatter.add.f32 [tilespmem:s17], [sflag:$0x2], $0x1, s23, s16, $0xb8;
	[tilespmem:$0x5C40] =	vst v63  }
0x9b: {  	_ =	swait.ge [sflag:s18], $0x80  }
0x9c: {  	[sflag:s18] =	ssyncset.done $0x0  }
0x9d: {  	[sflag:s18] =	ssyncadd.s32 $0xFFFFFF80  }
0x9e: {  	_ =	swait.ge [sflag:s19], $0x80  }
0x9f: {  	[sflag:s19] =	ssyncset.done $0x0  }
0xa0: {  	[sflag:s19] =	ssyncadd.s32 $0xFFFFFF80  }
0xa1: {  	_ =	swait.ge [sflag:s18], $0x80  }
0xa2: {  	[sflag:s18] =	ssyncset.done $0x0  }
0xa3: {  	[sflag:s18] =	ssyncadd.s32 $0xFFFFFF80  }
0xa4: {  	_ =	swait.ge [sflag:s19], $0x80  }
0xa5: {  	[sflag:s19] =	ssyncset.done $0x0  }
0xa6: {  	[sflag:s19] =	ssyncadd.s32 $0xFFFFFF80  }
0xa7: {  	_ =	swait.ge [sflag:s18], $0x80  }
0xa8: {  	[sflag:s18] =	ssyncset.done $0x0  }
0xa9: {  	[sflag:s18] =	ssyncadd.s32 $0xFFFFFF80  }
0xaa: {  	_ =	swait.ge [sflag:s19], $0x80  }
0xab: {  	[sflag:s19] =	ssyncset.done $0x0  }
0xac: {  	[sflag:s19] =	ssyncadd.s32 $0xFFFFFF80  }
0xad: {  	_ =	swait.ge [sflag:s18], $0x80  }
0xae: {  	[sflag:s18] =	ssyncset.done $0x0  }
0xaf: {  	[sflag:s18] =	ssyncadd.s32 $0xFFFFFF80  }
0xb0: {  	_ =	swait.ge [sflag:s19], $0x80  }
0xb1: {  	[sflag:s19] =	ssyncset.done $0x0  }
0xb2: {  	s23 =	simm.s32 $0x2600;
	[sflag:s19] =	ssyncadd.s32 $0xFFFFFF80  }
0xb3: {  	[spmem:s1] =	stream.indirect.scatter.add.f32 [tilespmem:s17], [sflag:$0x3], $0x1, s23, s16, $0xb8;
	[tilespmem:$0x5C40] =	vst v63  }
0xb4: {  	p3 =	sne.s32 s11, $0x1;
	_ =	swait.ge [sflag:s10], $0x80  }
.Ltmp2:
0xb5: {  	[sflag:s10] =	ssyncset.done $0x0;
	(pc) =	sbr.rel @!p3 .LBB2_7-.Ltmp2, $4  }
0xb6: {  	s24 =	simm.s32 $0x4D80;
	[sflag:s10] =	ssyncadd.s32 $0xFFFFFF80  }
0xb7: {  	[spmem:s2] =	stream.indirect.scatter.add.f32 [tilespmem:s17], [sflag:$0x3], $0x1, s24, s16, $0xb8;
	[tilespmem:$0x5C40] =	vst v63  }
0xb8: {  	_ =	swait.ge [sflag:s10], $0x80  }
0xb9: {  	s25 =	sadd.s32 $0xFFFFFFFF, s11;
	[sflag:s10] =	ssyncset.done $0x0  }
.LBB2_6:
0xba: {  	[sflag:s10] =	ssyncadd.s32 $0xFFFFFF80;
	s24 =	sadd.s32 $0x80, s24;
	s23 =	sadd.s32 $0x80, s23  }
0xbb: {  	[spmem:s1] =	stream.indirect.scatter.add.f32 [tilespmem:s17], [sflag:$0x3], $0x1, s23, s16, $0xb8;
	[tilespmem:$0x5C40] =	vst v63  }
0xbc: {  	p3 =	sne.s32 s25, $0x1;
	s25 =	sadd.s32 $0xFFFFFFFF, s25;
	_ =	swait.ge [sflag:s10], $0x80  }
.Ltmp3:
0xbd: {  	[sflag:s10] =	ssyncset.done $0x0;
	(pc) =	sbr.rel @p3 .LBB2_6-.Ltmp3, $4  }
0xbe: {  	[sflag:s10] =	ssyncadd.s32 $0xFFFFFF80  }
0xbf: {  	[spmem:s2] =	stream.indirect.scatter.add.f32 [tilespmem:s17], [sflag:$0x3], $0x1, s24, s16, $0xb8;
	[tilespmem:$0x5C40] =	vst v63  }
0xc0: {  	_ =	swait.ge [sflag:s10], $0x80  }
0xc1: {  	[sflag:s10] =	ssyncset.done $0x0  }
.LBB2_7:
0xc2: {  	[sflag:s10] =	ssyncadd.s32 $0xFFFFFF80;
	s23 =	sshll.u32 @!p0 s4, $0x6  }
0xc3: {  	[bflag:$0x0] =	sbarrier.arrive $0xFFFF;
	s23 =	sor.u32 @!p0 $0x1C03, s23  }
0xc4: {  	[hbm:s12], [sflag:s23] =	dma.local @!p0 [spmem:s20], $0x7D  }
0xc5: {  	s23 =	simm.s32 @!p0 $0x3  }
0xc6: {  	_ =	swait.ge @!p0 [sflag:s23], $0x7D  }
0xc7: {  	s24 =	sshll.u32 @!p2 s4, $0x6;
	s22 =	sadd.s32 $0x1, s22;
	[sflag:s23] =	ssyncset.done @!p0 $0x0  }
0xc8: {  	p3 =	sne.s32 s22, s14;
	[sflag:s23] =	ssyncadd.s32 @!p0 $0xFFFFFF83;
	s23 =	sor.u32 @!p2 $0x1C03, s24  }
0xc9: {  	[hbm:s13], [sflag:s23] =	dma.local @!p2 [spmem:s21], $0x7D  }
.Ltmp4:
0xca: {  	_ = 	snop;
	(pc) =	sbr.rel @p3 .LBB2_1-.Ltmp4, $4  }
0xcb: {  	s23 =	simm.s32 @!p2 $0x3  }
0xcc: {  	_ =	swait.ge @!p2 [sflag:s23], $0x7D  }
0xcd: {  	[sflag:s23] =	ssyncset.done @!p2 $0x0  }
0xce: {  	[sflag:s23] =	ssyncadd.s32 @!p2 $0xFFFFFF83  }
0xcf: {  	_ =	sfence.sel $0x180000  }
0xd0: {  	[bflag:$0x0] =	sbarrier.arrive $0xFFFF  }
0xd1: {  	p0 =	sne.s32 s4, $0x0;
	_ =	strace $0x90000047  }
0xd2: {  	s0 =	sadd.s32 @!p0 $0x100000, s0;
	[bflag:$0x2] =	sbarrier.arrive $0xFFFF  }
0xd3: {  	[sflag:s0] =	ssyncadd.tile.s32 @!p0 $0x1;
	_ =	shalt  }
.Lfunc_end2:
_tile_overlayer_lowered:
.L_overlay_start_2:
0xd4: {  	(tag) =	ssettag $0x2  }
0xd5: {  	s0 =	rddreg [dreg:$0x0];
	s2 =	stileid.u32  }
0xd6: {  	s1 =	rddreg [dreg:$0x1];
	p0 =	sne.s32 s2, $0x0  }
0xd7: {  	s3 =	rddreg [dreg:$0x2];
	[bflag:$0x3] =	sbarrier.arrive $0xFFFF;
	s2 =	simm.s32 @!p0 $0x1C03  }
0xd8: {  	[timem:s3], [sflag:s2] =	dma.local @!p0 [hbm:s0], s1  }
0xd9: {  	s0 =	simm.s32 @!p0 $0x3  }
0xda: {  	_ =	swait.ge @!p0 [sflag:s0], s1  }
0xdb: {  	s1 =	ssub.s32 @!p0 $0x0, s1;
	[sflag:s0] =	ssyncset.done @!p0 $0x0  }
0xdc: {  	[sflag:s0] =	ssyncadd.s32 @!p0 s1  }
0xdd: {  	[bflag:$0x3] =	sbarrier.arrive $0xFFFF  }
0xde: {  	_ =	shalt  }

// kernel: kernel.15.cloned.1.call-start
scs
__scs_entry_jumppad:
0x0: {  	(pc) =	sbr.rel $0x88, $3  }
0x1: {  	(tag) =	ssettag $0x0;
	lr =	simm.s32 $0x1  }
0x2: {  	[smem:$0x3F94] =	sst lr;
	_ =	strace $0xD0000000  }
0x3: {  	_ = 	snop  }
0x4: {  	_ = 	snop  }
0x5: {  	_ = 	snop  }
0x6: {  	_ = 	snop  }
0x7: {  	_ = 	snop  }
__scs_overlays_trampoline_lowered:
0x8: {  	[smem:$0x3FA3] =	sst s0  }
0x9: {  	[smem:$0x3FA4] =	sst s1  }
0xa: {  	[smem:$0x3FA5] =	sst s2  }
0xb: {  	[smem:$0x3FA6] =	sst s3  }
0xc: {  	[smem:$0x3FA7] =	sst s4  }
0xd: {  	[smem:$0x3FA8] =	sst s5  }
0xe: {  	[smem:$0x3FA9] =	sst s6  }
0xf: {  	[smem:$0x3FAA] =	sst s7  }
0x10: {  	[smem:$0x3FAB] =	sst s8  }
0x11: {  	[smem:$0x3FAC] =	sst s9;
	s0 =	simm.s32 @!p0 $0x0  }
0x12: {  	s1 =	sld [smem:$0x3F92];
	s0 =	simm.s32 @p0 $0x1  }
0x13: {  	[smem:$0x3FAD] =	sst s0;
	s0 =	simm.s32 @!p1 $0x0  }
0x14: {  	s2 =	sld [smem:$0x3F91];
	s0 =	simm.s32 @p1 $0x1  }
0x15: {  	[smem:$0x3FAE] =	sst s0;
	s0 =	simm.s32 @!p2 $0x0  }
0x16: {  	s3 =	sld [smem:$0x3FDB];
	s0 =	simm.s32 @p2 $0x1  }
0x17: {  	s4 =	simm.s32 $0x1BF5;
	[smem:$0x3FB0] =	sst s0  }
0x18: {  	s0 =	sld [smem:$0x3F93];
	_ =	swait.ge [sflag:s4], $0x0  }
0x19: {  	s7 =	sld [smem:$0x3F94]  }
0x1a: {  	s8 =	sadd.s32 $0xFFFFE003, lr  }
0x1b: {  	s9 =	sadd.s32 $0xFFFFFEF7, lr;
	s5 =	simm.s32 $0xFFFFFFFF;
	p2 =	slt.u32 s8, $0xFFFFF086  }
0x1c: {  	p1 =	slt.u32 s9, $0xF7A;
	s5 =	simm.s32 @!p2 $0x0  }
0x1d: {  	s5 =	simm.s32 @p1 $0x1;
	p0 =	seq.s32 s7, s2  }
0x1e: {  	s7 =	smul.u32 @!p0 $0xF7A, s2;
	p2 =	seq.s32 @!p0 s5, $0x0  }
0x1f: {  	s9 =	smul.u32 $0xF7A, s1;
	s8 =	simm.s32 @!p0 $0x1BF5;
	p2 =	por !p2, p0  }
0x20: {  	[sflag:s8] =	ssyncset.s32 @!p0 $0xFFFFF086;
	s6 =	sadd.s32 @!p0 s3, s7;
	s7 =	simm.s32 @!p0 $0x108  }
0x21: {  	s3 =	sadd.s32 s3, s9;
	s6 =	sadd.s32 @!p0 $0x88, s6;
	s7 =	simm.s32 @p2 $0x1082  }
0x22: {  	[simem:s7], [sflag:s8] =	dma.local @!p0 [hbm:s6], $0xF7A  }
0x23: {  	s9 =	sor.u32 $0xD0000000, s2;
	s6 =	simm.s32 $0x108;
	_ =	swait.ge @!p0 [sflag:s8], $0x0  }
0x24: {  	s3 =	sadd.s32 $0x88, s3;
	s6 =	simm.s32 @!p1 $0x1082;
	[sflag:s4] =	ssyncset.s32 $0xFFFFF086  }
0x25: {  	[simem:s6], [sflag:s4] =	dma.local [hbm:s3], $0xF7A  }
0x26: {  	[smem:$0x3F94] =	sst s1;
	(tag) =	ssettag s2;
	_ =	strace s9  }
0x27: {  	s1 =	sld [smem:$0x3FA4]  }
0x28: {  	s2 =	sld [smem:$0x3FA5]  }
0x29: {  	s4 =	sld [smem:$0x3FA7]  }
0x2a: {  	p0 =	seq.s32 s5, $0x0;
	s5 =	sld [smem:$0x3FA8]  }
0x2b: {  	s6 =	sld [smem:$0x3FA9]  }
0x2c: {  	s7 =	sld [smem:$0x3FAA]  }
0x2d: {  	s3 =	simm.s32 $0x108;
	s8 =	sld [smem:$0x3FAB]  }
0x2e: {  	s3 =	simm.s32 @!p0 $0x1082;
	s9 =	sld [smem:$0x3FAC]  }
0x2f: {  	lr =	sadd.s32 s0, s3;
	s0 =	sld [smem:$0x3FA3]  }
0x30: {  	s3 =	sld [smem:$0x3FA6]  }
0x31: {  	[smem:$0x3FAF] =	sst s10  }
0x32: {  	s10 =	sld [smem:$0x3FAD];
	_ =	sdelay $0x3  }
0x33: {  	p0 =	seq.s32 s10, $0x1;
	s10 =	sld [smem:$0x3FAF];
	_ =	sdelay $0x3  }
0x34: {  	[smem:$0x3FAF] =	sst s10  }
0x35: {  	s10 =	sld [smem:$0x3FAE];
	_ =	sdelay $0x3  }
0x36: {  	p1 =	seq.s32 s10, $0x1;
	s10 =	sld [smem:$0x3FAF];
	_ =	sdelay $0x3  }
0x37: {  	[smem:$0x3FAF] =	sst s10  }
0x38: {  	s10 =	sld [smem:$0x3FB0]  }
0x39: {  	_ = 	snop;
	(pc) =	sbr.ind lr, $3  }
0x3a: {  	_ = 	snop  }
0x3b: {  	_ = 	snop  }
0x3c: {  	p2 =	seq.s32 s10, $0x1;
	s10 =	sld [smem:$0x3FAF]  }
0x3d: {  	_ =	shalt  }
0x3e: {  	_ =	shalt  }
0x3f: {  	_ =	shalt  }
0x40: {  	_ =	shalt  }
0x41: {  	_ =	shalt  }
0x42: {  	_ =	shalt  }
0x43: {  	_ =	shalt  }
0x44: {  	_ =	shalt  }
0x45: {  	_ =	shalt  }
0x46: {  	_ =	shalt  }
0x47: {  	_ =	shalt  }
0x48: {  	_ =	shalt  }
0x49: {  	_ =	shalt  }
0x4a: {  	_ =	shalt  }
0x4b: {  	_ =	shalt  }
0x4c: {  	_ =	shalt  }
0x4d: {  	_ =	shalt  }
0x4e: {  	_ =	shalt  }
0x4f: {  	_ =	shalt  }
0x50: {  	_ =	shalt  }
0x51: {  	_ =	shalt  }
0x52: {  	_ =	shalt  }
0x53: {  	_ =	shalt  }
0x54: {  	_ =	shalt  }
0x55: {  	_ =	shalt  }
0x56: {  	_ =	shalt  }
0x57: {  	_ =	shalt  }
0x58: {  	_ =	shalt  }
0x59: {  	_ =	shalt  }
0x5a: {  	_ =	shalt  }
0x5b: {  	_ =	shalt  }
0x5c: {  	_ =	shalt  }
0x5d: {  	_ =	shalt  }
0x5e: {  	_ =	shalt  }
0x5f: {  	_ =	shalt  }
0x60: {  	_ =	shalt  }
0x61: {  	_ =	shalt  }
0x62: {  	_ =	shalt  }
0x63: {  	_ =	shalt  }
0x64: {  	_ =	shalt  }
0x65: {  	_ =	shalt  }
0x66: {  	_ =	shalt  }
0x67: {  	_ =	shalt  }
0x68: {  	_ =	shalt  }
0x69: {  	_ =	shalt  }
0x6a: {  	_ =	shalt  }
0x6b: {  	_ =	shalt  }
0x6c: {  	_ =	shalt  }
0x6d: {  	_ =	shalt  }
0x6e: {  	_ =	shalt  }
0x6f: {  	_ =	shalt  }
0x70: {  	_ =	shalt  }
0x71: {  	_ =	shalt  }
0x72: {  	_ =	shalt  }
0x73: {  	_ =	shalt  }
0x74: {  	_ =	shalt  }
0x75: {  	_ =	shalt  }
0x76: {  	_ =	shalt  }
0x77: {  	_ =	shalt  }
0x78: {  	_ =	shalt  }
0x79: {  	_ =	shalt  }
0x7a: {  	_ =	shalt  }
0x7b: {  	_ =	shalt  }
0x7c: {  	_ =	shalt  }
0x7d: {  	_ =	shalt  }
0x7e: {  	_ =	shalt  }
0x7f: {  	_ =	shalt  }
0x80: {  	_ =	shalt  }
0x81: {  	_ =	shalt  }
0x82: {  	_ =	shalt  }
0x83: {  	_ =	shalt  }
0x84: {  	_ =	shalt  }
0x85: {  	_ =	shalt  }
0x86: {  	_ =	shalt  }
0x87: {  	_ =	shalt  }
.Lfunc_end0:
.L_simem_size_0:
called_computation.1_lowered:
.L_overlay_start_0:
0x88: {  	s2 =	sld [smem:$0x3FD9]  }
0x89: {  	s3 =	sld [smem:$0x3FFE];
	_ =	sdelay $0x1  }
0x8a: {  	s1 =	srdreg.scid  }
0x8b: {  	s0 =	sand.u32 $0x1, s1  }
0x8c: {  	s17 =	sshll.u32 s0, $0xA;
	s2 =	sadd.s32 s3, s2  }
0x8d: {  	s2 =	sadd.s32 s2, s17  }
0x8e: {  	[smem:$0x3FBB] =	sst s2  }
0x8f: {  	_ = 	snop  }
0x90: {  	s2 =	sld [smem:$0x3FD0];
	(tm) =	ssettm $0x1  }
0x91: {  	s18 =	sld [smem:$0x3FFB];
	_ =	sdelay $0x3  }
0x92: {  	_ =	strace s18  }
0x93: {  	s3 =	sld [smem:$0x3FFC];
	_ =	sdelay $0x3  }
0x94: {  	_ =	strace s3  }
0x95: {  	s3 =	sld [smem:$0x3FFD];
	_ =	sdelay $0x3  }
0x96: {  	_ =	strace s3  }
0x97: {  	_ =	strace $0x8FFFFFFF  }
0x98: {  	s19 =	sld [smem:$0x3FDB];
	_ =	sdelay $0x1  }
0x99: {  	s4 =	simm.s32 $_scs_section_size  }
0x9a: {  	s5 =	simm.s32 $_size__tile_overlayer_lowered;
	s6 =	simm.s32 $_tile_overlayer_lowered  }
0x9b: {  	s22 =	simm.s32 $0x1BFF;
	s21 =	sshll.u32 s6, $0x1;
	s3 =	sadd.s32 s4, s19  }
0x9c: {  	s7 =	simm.s32 $0x0;
	s20 =	sshll.u32 s5, $0x1;
	s5 =	sadd.s32 s21, s3  }
0x9d: {  	[timem:s7], [sflag:s22] =	dma.local [hbm:s5], s20  }
0x9e: {  	_ =	swait.ge [sflag:s22], s20  }
0x9f: {  	s4 =	ssub.s32 $0x0, s20;
	[sflag:s22] =	ssyncset.done $0x0  }
0xa0: {  	[sflag:s22] =	ssyncadd.s32 s4;
	_ =	sdelay $0x1  }
0xa1: {  	s23 =	simm.s32 $0x1B8B  }
0xa2: {  	_ =	swait.ge [sflag:s23], $0x1  }
0xa3: {  	[sflag:s23] =	ssyncset.done $0x0  }
0xa4: {  	s25 =	simm.s32 $0x1B8E;
	s24 =	sld [smem:$0x3FFE];
	[sflag:s23] =	ssyncadd.s32 $0xFFFFFFFF  }
0xa5: {  	s26 =	simm.s32 $execute0_lowered;
	[smem:$0x3FD2] =	sst s25  }
0xa6: {  	s5 =	sshll.u32 s26, $0x1;
	_ =	strace $0x80000049;
	[dreg:$0x1] =	wrdreg $0xFFFFFFFF  }
0xa7: {  	s28 =	simm.s32 $_size_execute0_lowered;
	s3 =	sadd.s32 s3, s5;
	[dreg:$0x0] =	wrdreg $0x0  }
0xa8: {  	s5 =	sshll.u32 s28, $0x1;
	[dreg:$0x2] =	wrdreg s3  }
0xa9: {  	[dreg:$0x3] =	wrdreg s5  }
0xaa: {  	[dreg:$0x4] =	wrdreg $0xC0  }
0xab: {  	_ =	task [dreg:s7], $0x5FFFF  }
0xac: {  	[dreg:$0x1] =	wrdreg $0xFFFFFFFF  }
0xad: {  	[dreg:$0x0] =	wrdreg $0x60  }
0xae: {  	[dreg:$0x2] =	wrdreg s24  }
0xaf: {  	[dreg:$0x3] =	wrdreg s2  }
0xb0: {  	[dreg:$0x4] =	wrdreg $0xAE800  }
0xb1: {  	[dreg:$0x5] =	wrdreg $0x9  }
0xb2: {  	_ =	task.clear_ibuf [dreg:s7], $0x6FFFF;
	_ =	strace $0x90000049  }
0xb3: {  	s29 =	simm.s32 $0x9;
	_ =	strace $0x8000004B  }
0xb4: {  	_ =	swait.ge [sflag:s29], $0x1  }
0xb5: {  	[sflag:s29] =	ssyncadd.s32 $0xFFFFFFFF  }
0xb6: {  	_ =	strace $0x9000004B  }
0xb7: {  	_ =	sfence  }
0xb8: {  	s30 =	sld [smem:$0x0];
	_ =	sdelay $0x2  }
0xb9: {  	s31 =	sshll.u32 s1, $0xD;
	s1 =	sshrl.u32 s1, $0x2  }
0xba: {  	s3 =	sand.u32 $0x4000, s31;
	s1 =	sadd.s32 s1, s30  }
0xbb: {  	s0 =	sor.u32 s3, s0;
	s1 =	sshll.u32 s1, $0x11  }
0xbc: {  	s0 =	sor.u32 s1, s0  }
0xbd: {  	s0 =	sadd.s32 $0x8F2B, s0  }
0xbe: {  	[sflag:s0] =	ssyncadd.remote.s32 $0x1  }
0xbf: {  	_ =	sfence.sel $0xFFFF  }
0xc0: {  	[dreg:$0x0] =	wrdreg $0xFFFFFFFF;
	(pc) =	sbr.abs _section_cstart, $3  }
0xc1: {  	[dreg:$0x1] =	wrdreg $0xFFFFFFFF  }
0xc2: {  	_ =	task.clear_ibuf [dreg:s7], $0x2FFFF;
	_ =	strace $0x9FFFFFFF  }
0xc3: {  	(tm) =	ssettm $0x7FFFFFFF  }
tec
execute0_lowered:
.L_overlay_start_1:
0x0: {  	(tag) =	ssettag $0x1  }
0x1: {  	s0 =	rddreg [dreg:$0x0]  }
0x2: {  	s2 =	rddreg [dreg:$0x1];
	s3 =	simm.s32 $0x0;
	s1 =	srdreg.scid  }
0x3: {  	s20 =	stileid.u32;
	[smem:$0x7FF] =	sst s3  }
0x4: {  	s5 =	sand.u32 $0x1, s1;
	s6 =	sadd.s32 $0xD600, s0;
	s23 =	sshll.u32 s20, $0x1  }
0x5: {  	p2 =	slt.u32 s20, $0x4;
	s1 =	simm.s32 $0x9D;
	s3 =	smul.u32 $0x13880, s20  }
0x6: {  	s4 =	ssub.s32 $0x2, s5;
	s9 =	sor.u32 s5, s23;
	s5 =	smul.u32 $0x138800, s5  }
0x7: {  	s7 =	sadd.s32 $0x3800, s0;
	s1 =	simm.s32 @!p2 $0x9C;
	s10 =	smul.u32 $0x9C, s9  }
0x8: {  	s8 =	sshrl.u32 s4, $0x1;
	s9 =	smin.u32 s9, $0x8;
	s25 =	smul.u32 $0xAB, s1  }
0x9: {  	s14 =	sadd.s32 $0xA000, s3;
	s4 =	ssub.s32 s4, s8;
	s17 =	sadd.s32 s5, s3  }
0xa: {  	s15 =	sadd.s32 s5, s14;
	s24 =	sadd.s32 s9, s10;
	s10 =	sadd.s32 $0x12000, s3  }
0xb: {  	s9 =	sshrl.u32 s25, $0x9;
	s25 =	sadd.s32 $0xC000, s3;
	s4 =	smax.u32 s4, $0x1  }
0xc: {  	s8 =	sshll.u32 s24, $0x3;
	s9 =	smul.u32 $0x3, s9;
	s28 =	sadd.s32 s5, s10  }
0xd: {  	s24 =	sshrl.u32 s15, $0x3;
	s11 =	sadd.s32 s6, s8;
	s26 =	sadd.s32 s7, s8  }
0xe: {  	s8 =	sadd.s32 $0x4E0, s8;
	s30 =	sshrl.u32 s28, $0x3;
	[dreg:$0x4] =	wrdreg s11  }
0xf: {  	s28 =	sadd.s32 s5, s25;
	[dreg:$0x5] =	wrdreg s26;
	s6 =	sadd.s32 s6, s8  }
0x10: {  	s29 =	sadd.s32 s7, s8;
	s31 =	ssub.s32 s1, s9;
	s11 =	sadd.s32 $0x4000, s3  }
0x11: {  	s8 =	sshrl.u32 s17, $0x3;
	s26 =	sadd.s32 $0xE000, s3;
	s17 =	sadd.s32 $0x10000, s3  }
0x12: {  	s15 =	sshrl.u32 s28, $0x3;
	s1 =	sadd.s32 $0xFFFFFFFD, s1;
	[dreg:$0x6] =	wrdreg s6  }
0x13: {  	[dreg:$0x7] =	wrdreg s29;
	s6 =	sadd.s32 s2, s30;
	s12 =	sadd.s32 s5, s11  }
0x14: {  	s8 =	sadd.s32 s2, s8;
	s16 =	sadd.s32 s5, s26;
	s15 =	sadd.s32 s2, s15  }
0x15: {  	s7 =	sand.u32 $0xFF, s31;
	s30 =	smul.u32 $0x4E200, s20;
	[dreg:$0x8] =	wrdreg s6  }
0x16: {  	s6 =	sadd.s32 $0x2000, s3;
	[dreg:$0x9] =	wrdreg s8;
	s21 =	sshrl.u32 s12, $0x3  }
0x17: {  	s16 =	sshrl.u32 s16, $0x3;
	[dreg:$0xf] =	wrdreg s15;
	p0 =	seq.s32 s7, $0x0  }
0x18: {  	p1 =	sne.s32 s7, $0x1;
	s18 =	sadd.s32 s5, s6;
	s8 =	sadd.s32 s2, s21  }
0x19: {  	s29 =	sadd.s32 s2, s16;
	s16 =	rddreg [dreg:$0x2];
	s31 =	sshrl.u32 s30, $0x2  }
0x1a: {  	s9 =	sshrl.u32 s18, $0x3;
	[dreg:$0xb] =	wrdreg s8;
	s8 =	sadd.s32 $0x6000, s3  }
0x1b: {  	[dreg:$0x10] =	wrdreg s29;
	s18 =	sadd.s32 $0x17400, s0;
	s0 =	simm.s32 $0x4E40  }
0x1c: {  	s21 =	sadd.s32 s10, s16;
	s6 =	sadd.s32 s6, s16;
	s7 =	sadd.s32 s11, s16  }
0x1d: {  	s15 =	sadd.s32 s14, s16;
	s14 =	simm.s32 $0x8E80;
	s19 =	sadd.s32 s2, s9  }
0x1e: {  	s9 =	sadd.s32 $0x8000, s3;
	s22 =	sadd.s32 s5, s8;
	s0 =	simm.s32 @!p2 $0x4E00  }
0x1f: {  	s10 =	sadd.s32 s8, s16;
	p2 =	sgt.u32 s20, $0x3;
	s30 =	sshrl.u32 s15, $0x3  }
0x20: {  	s8 =	simm.s32 $0x4E80;
	[dreg:$0xa] =	wrdreg s19;
	s13 =	sadd.s32 s5, s9  }
0x21: {  	s12 =	sshrl.u32 s22, $0x3;
	s5 =	sadd.s32 s5, s17;
	s19 =	sadd.s32 s31, s16  }
0x22: {  	s11 =	sadd.s32 s9, s16;
	s22 =	sadd.s32 s25, s16;
	s25 =	sshrl.u32 s6, $0x3  }
0x23: {  	s28 =	sshrl.u32 s10, $0x3;
	s13 =	sshrl.u32 s13, $0x3;
	s12 =	sadd.s32 s2, s12  }
0x24: {  	s9 =	simm.s32 $0x7;
	[dreg:$0xc] =	wrdreg s12;
	s23 =	sadd.s32 s2, s13  }
0x25: {  	s5 =	sshrl.u32 s5, $0x3;
	s12 =	sadd.s32 s2, s24;
	[dreg:$0xd] =	wrdreg s23  }
0x26: {  	s10 =	simm.s32 $0x2740;
	s2 =	sadd.s32 s2, s5;
	[dreg:$0xe] =	wrdreg s12  }
0x27: {  	s29 =	sshrl.u32 s11, $0x3;
	s31 =	sshrl.u32 s22, $0x3;
	[dreg:$0x11] =	wrdreg s2  }
0x28: {  	s6 =	sadd.s32 $0xE000, s19;
	_ =	strace $0x8000004A;
	[dreg:$0x12] =	wrdreg s0  }
0x29: {  	s11 =	simm.s32 $0x40;
	s22 =	simm.s32 $0x4;
	[dreg:$0x13] =	wrdreg s4  }
0x2a: {  	s5 =	sadd.s32 s3, s16;
	s24 =	sadd.s32 s17, s16;
	[dreg:$0x14] =	wrdreg s1  }
0x2b: {  	s23 =	sadd.s32 s26, s16;
	s26 =	sshrl.u32 s7, $0x3;
	[dreg:$0x16] =	wrdreg s25  }
0x2c: {  	s3 =	sadd.s32 $0x8000, s19;
	s13 =	simm.s32 $0x1;
	[dreg:$0x17] =	wrdreg s26  }
0x2d: {  	s17 =	simm.s32 $0x2;
	s20 =	sshrl.u32 s24, $0x3;
	[dreg:$0x18] =	wrdreg s28  }
0x2e: {  	s2 =	sadd.s32 $0x6000, s19;
	s7 =	sadd.s32 $0x10000, s19;
	[dreg:$0x19] =	wrdreg s29  }
.Ltmp0:
0x2f: {  	s12 =	simm.s32 $0x6E80;
	[dreg:$0x1a] =	wrdreg s30;
	(pc) =	sbr.rel .LBB2_1-.Ltmp0, $4  }
0x30: {  	s24 =	simm.s32 $0x6;
	s0 =	sshrl.u32 s5, $0x3;
	[dreg:$0x1b] =	wrdreg s31  }
0x31: {  	s15 =	sshrl.u32 s23, $0x3;
	s1 =	sadd.s32 $0x4000, s19;
	s4 =	sadd.s32 $0xA000, s19  }
0x32: {  	s5 =	sadd.s32 $0xC000, s19;
	s23 =	simm.s32 $0x5;
	s25 =	simm.s32 $0x3  }
0x33: {  	v0 =	vimm.f32 $0.0e+00;
	s26 =	simm.s32 $0x0;
	[dreg:$0x15] =	wrdreg s0;
	s0 =	sadd.s32 $0x2000, s19  }
.LBB2_6:
0x34: {  	s28 =	simm.s32 $0x6  }
.LBB2_9:
0x35: {  	_ =	swait.ge [sflag:s28], $0x2000  }
0x36: {  	[sflag:s28] =	ssyncset.done $0x0  }
0x37: {  	[sflag:s28] =	ssyncadd.s32 $0xFFFFE000  }
.LBB2_10:
0x38: {  	s28 =	stileid.u32;
	[bflag:$0x0] =	sbarrier.arrive $0xFFFF  }
0x39: {  	s28 =	sshll.u32 s28, $0x6;
	s29 =	rddreg [dreg:$0x9]  }
0x3a: {  	s30 =	rddreg [dreg:$0x15];
	s28 =	sor.u32 $0x1C07, s28  }
0x3b: {  	[hbm:s29], [sflag:s28] =	dma.local [spmem:s30], $0x400  }
0x3c: {  	_ =	swait.ge [sflag:s9], $0x400  }
0x3d: {  	[sflag:s9] =	ssyncset.done $0x0;
	s29 =	rddreg [dreg:$0xa]  }
0x3e: {  	s31 =	rddreg [dreg:$0x16];
	[sflag:s9] =	ssyncadd.s32 $0xFFFFFC00  }
0x3f: {  	[hbm:s29], [sflag:s28] =	dma.local [spmem:s31], $0x400  }
0x40: {  	_ =	swait.ge [sflag:s9], $0x400  }
0x41: {  	[sflag:s9] =	ssyncset.done $0x0;
	s29 =	rddreg [dreg:$0xb]  }
0x42: {  	s31 =	rddreg [dreg:$0x17];
	[sflag:s9] =	ssyncadd.s32 $0xFFFFFC00  }
0x43: {  	[hbm:s29], [sflag:s28] =	dma.local [spmem:s31], $0x400  }
0x44: {  	_ =	swait.ge [sflag:s9], $0x400  }
0x45: {  	[sflag:s9] =	ssyncset.done $0x0;
	s29 =	rddreg [dreg:$0xc]  }
0x46: {  	s31 =	rddreg [dreg:$0x18];
	[sflag:s9] =	ssyncadd.s32 $0xFFFFFC00  }
0x47: {  	[hbm:s29], [sflag:s28] =	dma.local [spmem:s31], $0x400  }
0x48: {  	_ =	swait.ge [sflag:s9], $0x400  }
0x49: {  	[sflag:s9] =	ssyncset.done $0x0;
	s29 =	rddreg [dreg:$0xd]  }
0x4a: {  	s31 =	rddreg [dreg:$0x19];
	[sflag:s9] =	ssyncadd.s32 $0xFFFFFC00  }
0x4b: {  	[hbm:s29], [sflag:s28] =	dma.local [spmem:s31], $0x400  }
0x4c: {  	_ =	swait.ge [sflag:s9], $0x400  }
0x4d: {  	[sflag:s9] =	ssyncset.done $0x0;
	s29 =	rddreg [dreg:$0xe]  }
0x4e: {  	s31 =	rddreg [dreg:$0x1a];
	[sflag:s9] =	ssyncadd.s32 $0xFFFFFC00  }
0x4f: {  	[hbm:s29], [sflag:s28] =	dma.local [spmem:s31], $0x400  }
0x50: {  	_ =	swait.ge [sflag:s9], $0x400  }
0x51: {  	[sflag:s9] =	ssyncset.done $0x0;
	s29 =	rddreg [dreg:$0xf]  }
0x52: {  	s31 =	rddreg [dreg:$0x1b];
	[sflag:s9] =	ssyncadd.s32 $0xFFFFFC00  }
0x53: {  	[hbm:s29], [sflag:s28] =	dma.local [spmem:s31], $0x400  }
0x54: {  	_ =	swait.ge [sflag:s9], $0x400  }
0x55: {  	[sflag:s9] =	ssyncset.done $0x0  }
0x56: {  	s31 =	rddreg [dreg:$0x10];
	[sflag:s9] =	ssyncadd.s32 $0xFFFFFC00  }
0x57: {  	[hbm:s31], [sflag:s28] =	dma.local [spmem:s15], $0x400  }
0x58: {  	_ =	swait.ge [sflag:s9], $0x400  }
0x59: {  	[sflag:s9] =	ssyncset.done $0x0  }
0x5a: {  	s30 =	rddreg [dreg:$0x11];
	[sflag:s9] =	ssyncadd.s32 $0xFFFFFC00  }
0x5b: {  	[hbm:s30], [sflag:s28] =	dma.local [spmem:s20], $0x400  }
0x5c: {  	_ =	swait.ge [sflag:s9], $0x400  }
0x5d: {  	[sflag:s9] =	ssyncset.done $0x0  }
0x5e: {  	s29 =	sshrl.u32 s21, $0x3;
	s31 =	rddreg [dreg:$0x8];
	[sflag:s9] =	ssyncadd.s32 $0xFFFFFC00  }
0x5f: {  	[hbm:s31], [sflag:s28] =	dma.local [spmem:s29], $0x310  }
0x60: {  	_ =	swait.ge [sflag:s9], $0x310  }
0x61: {  	s26 =	sadd.s32 $0x1, s26;
	s31 =	rddreg [dreg:$0x13]  }
0x62: {  	p3 =	sne.s32 s26, s31  }
.Ltmp1:
0x63: {  	_ = 	snop;
	(pc) =	sbr.rel @!p3 .LBB2_11-.Ltmp1, $3  }
0x64: {  	_ =	sdelay $0x1  }
0x65: {  	[sflag:s9] =	ssyncset.done $0x0  }
0x66: {  	[sflag:s9] =	ssyncadd.s32 $0xFFFFFCF0  }
.LBB2_1:
0x67: {  	s28 =	simm.s32 $0x0;
	s29 =	simm.s32 $0x200  }
.LBB2_2:
0x68: {  	p3 =	sne.s32 s29, $0x7E00;
	[tilespmem:s28+$0x4EF0] =	vst v0  }
0x69: {  	[tilespmem:s28+$0x4E80] =	vst v0  }
0x6a: {  	[tilespmem:s28+$0x4E90] =	vst v0  }
.Ltmp2:
0x6b: {  	[tilespmem:s28+$0x4EA0] =	vst v0;
	(pc) =	sbr.rel @p3 .LBB2_2-.Ltmp2, $4  }
0x6c: {  	[tilespmem:s28+$0x4EB0] =	vst v0  }
0x6d: {  	[tilespmem:s28+$0x4EC0] =	vst v0  }
0x6e: {  	[tilespmem:s28+$0x4ED0] =	vst v0  }
0x6f: {  	[tilespmem:s28+$0x4EE0] =	vst v0;
	s28 =	sshra.s32 s29, $0x2;
	s29 =	sadd.s32 $0x200, s29  }
0x70: {  	[tilespmem:s28+$0x4EF0] =	vst v0  }
0x71: {  	[tilespmem:s28+$0x4E80] =	vst v0  }
0x72: {  	[tilespmem:s28+$0x4E90] =	vst v0  }
0x73: {  	[tilespmem:s28+$0x4EA0] =	vst v0  }
0x74: {  	[tilespmem:s28+$0x4EB0] =	vst v0  }
0x75: {  	[tilespmem:s28+$0x4EC0] =	vst v0  }
0x76: {  	[tilespmem:s28+$0x4ED0] =	vst v0  }
0x77: {  	[tilespmem:s28+$0x4EE0] =	vst v0  }
0x78: {  	[spmem:s19] =	stream.linear.scatter [tilespmem:s8], [sflag:$0x7], $0x2000, $0x38;
	[tilespmem:$0x1E700] =	vst v63  }
0x79: {  	_ =	swait.ge [sflag:s9], $0x2000  }
0x7a: {  	[sflag:s9] =	ssyncset.done $0x0  }
0x7b: {  	[sflag:s9] =	ssyncadd.s32 $0xFFFFE000  }
0x7c: {  	[spmem:s0] =	stream.linear.scatter [tilespmem:s8], [sflag:$0x7], $0x2000, $0x38;
	[tilespmem:$0x1E700] =	vst v63  }
0x7d: {  	_ =	swait.ge [sflag:s9], $0x2000  }
0x7e: {  	[sflag:s9] =	ssyncset.done $0x0  }
0x7f: {  	[sflag:s9] =	ssyncadd.s32 $0xFFFFE000  }
0x80: {  	[spmem:s1] =	stream.linear.scatter [tilespmem:s8], [sflag:$0x7], $0x2000, $0x38;
	[tilespmem:$0x1E700] =	vst v63  }
0x81: {  	_ =	swait.ge [sflag:s9], $0x2000  }
0x82: {  	[sflag:s9] =	ssyncset.done $0x0  }
0x83: {  	[sflag:s9] =	ssyncadd.s32 $0xFFFFE000  }
0x84: {  	[spmem:s2] =	stream.linear.scatter [tilespmem:s8], [sflag:$0x7], $0x2000, $0x38;
	[tilespmem:$0x1E700] =	vst v63  }
0x85: {  	_ =	swait.ge [sflag:s9], $0x2000  }
0x86: {  	[sflag:s9] =	ssyncset.done $0x0  }
0x87: {  	[sflag:s9] =	ssyncadd.s32 $0xFFFFE000  }
0x88: {  	[spmem:s3] =	stream.linear.scatter [tilespmem:s8], [sflag:$0x7], $0x2000, $0x38;
	[tilespmem:$0x1E700] =	vst v63  }
0x89: {  	_ =	swait.ge [sflag:s9], $0x2000  }
0x8a: {  	[sflag:s9] =	ssyncset.done $0x0  }
0x8b: {  	[sflag:s9] =	ssyncadd.s32 $0xFFFFE000  }
0x8c: {  	[spmem:s4] =	stream.linear.scatter [tilespmem:s8], [sflag:$0x7], $0x2000, $0x38;
	[tilespmem:$0x1E700] =	vst v63  }
0x8d: {  	_ =	swait.ge [sflag:s9], $0x2000  }
0x8e: {  	[sflag:s9] =	ssyncset.done $0x0  }
0x8f: {  	[sflag:s9] =	ssyncadd.s32 $0xFFFFE000  }
0x90: {  	[spmem:s5] =	stream.linear.scatter [tilespmem:s8], [sflag:$0x7], $0x2000, $0x38;
	[tilespmem:$0x1E700] =	vst v63  }
0x91: {  	_ =	swait.ge [sflag:s9], $0x2000  }
0x92: {  	[sflag:s9] =	ssyncset.done $0x0  }
0x93: {  	[sflag:s9] =	ssyncadd.s32 $0xFFFFE000  }
0x94: {  	[spmem:s6] =	stream.linear.scatter [tilespmem:s8], [sflag:$0x7], $0x2000, $0x38;
	[tilespmem:$0x1E700] =	vst v63  }
0x95: {  	_ =	swait.ge [sflag:s9], $0x2000  }
0x96: {  	[sflag:s9] =	ssyncset.done $0x0  }
0x97: {  	[sflag:s9] =	ssyncadd.s32 $0xFFFFE000  }
0x98: {  	[spmem:s7] =	stream.linear.scatter [tilespmem:s8], [sflag:$0x7], $0x2000, $0x38;
	[tilespmem:$0x1E700] =	vst v63  }
0x99: {  	_ =	swait.ge [sflag:s9], $0x2000  }
0x9a: {  	[sflag:s9] =	ssyncset.done $0x0  }
0x9b: {  	[sflag:s9] =	ssyncadd.s32 $0xFFFFE000  }
0x9c: {  	[spmem:s21] =	stream.linear.scatter [tilespmem:s8], [sflag:$0x7], $0x1880, $0x38;
	[tilespmem:$0x1E700] =	vst v63  }
0x9d: {  	_ =	swait.ge [sflag:s9], $0x1880  }
0x9e: {  	[sflag:s9] =	ssyncset.done $0x0  }
0x9f: {  	[sflag:s9] =	ssyncadd.s32 $0xFFFFE780  }
0xa0: {  	[bflag:$0x0] =	sbarrier.arrive $0xFFFF  }
0xa1: {  	s28 =	simm.s32 $0x0;
	s29 =	rddreg [dreg:$0x4]  }
0xa2: {  	[tilespmem:s28], [sflag:$0x7] =	stream.linear.gather [hbm4b:s29+s28], $0x2700, $0x38;
	[tilespmem:$0x1E700] =	vst v63  }
0xa3: {  	_ =	swait.ge [sflag:s9], $0x2700  }
0xa4: {  	[sflag:s9] =	ssyncset.done $0x0  }
0xa5: {  	s29 =	rddreg [dreg:$0x5];
	[sflag:s9] =	ssyncadd.s32 $0xFFFFD900  }
0xa6: {  	[tilespmem:s10], [sflag:$0x7] =	stream.linear.gather [hbm4b:s29+s28], $0x2700, $0x38;
	[tilespmem:$0x1E700] =	vst v63  }
0xa7: {  	_ =	swait.ge [sflag:s9], $0x2700  }
0xa8: {  	s28 =	simm.s32 @!p2 $0x0;
	[sflag:s9] =	ssyncset.done $0x0  }
0xa9: {  	s29 =	simm.s32 @!p2 $0x2700;
	s30 =	rddreg [dreg:$0x6];
	[sflag:s9] =	ssyncadd.s32 $0xFFFFD900  }
0xaa: {  	[tilespmem:s29], [sflag:$0x7] =	stream.linear.gather @!p2 [hbm4b:s30+s28], $0x40, $0x38;
	[tilespmem:$0x1E700] =	vst v63  }
0xab: {  	s29 =	simm.s32 @!p2 $0x7  }
0xac: {  	_ =	swait.ge @!p2 [sflag:s29], $0x40  }
0xad: {  	[sflag:s29] =	ssyncset.done @!p2 $0x0  }
0xae: {  	s30 =	simm.s32 @!p2 $0x4E40;
	s31 =	rddreg [dreg:$0x7];
	[sflag:s29] =	ssyncadd.s32 @!p2 $0xFFFFFFC0  }
0xaf: {  	[tilespmem:s30], [sflag:$0x7] =	stream.linear.gather @!p2 [hbm4b:s31+s28], $0x40, $0x38;
	[tilespmem:$0x1E700] =	vst v63  }
0xb0: {  	_ =	swait.ge @!p2 [sflag:s29], $0x40  }
0xb1: {  	[sflag:s29] =	ssyncset.done @!p2 $0x0  }
0xb2: {  	s28 =	simm.s32 $0x0;
	[sflag:s29] =	ssyncadd.s32 @!p2 $0xFFFFFFC0  }
0xb3: {  	[tilespmem:s8], [sflag:$0x1] =	stream.indirect.gather [hbm4b:s18+s11], $0x80, s28, s11, $0xb8;
	[tilespmem:$0x1E700] =	vst v63  }
0xb4: {  	_ = 	snop  }
0xb5: {  	[tilespmem:s12], [sflag:$0x2] =	stream.indirect.gather [hbm4b:s18+s11], $0x80, s11, s11, $0xb8;
	[tilespmem:$0x1E700] =	vst v63  }
0xb6: {  	_ =	swait.ge [sflag:s13], $0x2000  }
0xb7: {  	[sflag:s13] =	ssyncset.done $0x0  }
0xb8: {  	[sflag:s13] =	ssyncadd.s32 $0xFFFFE000  }
0xb9: {  	[spmem:s16] =	stream.indirect.scatter.add.f32 [tilespmem:s8], [sflag:$0x4], $0x80, s10, s11, $0xb8;
	[tilespmem:$0x1E700] =	vst v63  }
0xba: {  	s28 =	simm.s32 $0x80  }
0xbb: {  	[tilespmem:s14], [sflag:$0x3] =	stream.indirect.gather [hbm4b:s18+s11], $0x80, s28, s11, $0xb8;
	[tilespmem:$0x1E700] =	vst v63  }
0xbc: {  	_ =	swait.ge [sflag:s17], $0x2000  }
0xbd: {  	[sflag:s17] =	ssyncset.done $0x0  }
0xbe: {  	s28 =	simm.s32 $0x2780;
	[sflag:s17] =	ssyncadd.s32 $0xFFFFE000  }
0xbf: {  	[spmem:s16] =	stream.indirect.scatter.add.f32 [tilespmem:s12], [sflag:$0x5], $0x80, s28, s11, $0xb8;
	[tilespmem:$0x1E700] =	vst v63  }
0xc0: {  	_ =	swait.ge [sflag:s22], $0x2000  }
0xc1: {  	[sflag:s22] =	ssyncset.done $0x0  }
0xc2: {  	s28 =	simm.s32 $0xC0;
	[sflag:s22] =	ssyncadd.s32 $0xFFFFE000  }
0xc3: {  	[tilespmem:s8], [sflag:$0x1] =	stream.indirect.gather [hbm4b:s18+s11], $0x80, s28, s11, $0xb8;
	[tilespmem:$0x1E700] =	vst v63  }
0xc4: {  	s28 =	simm.s32 $0x3  }
0xc5: {  	_ =	swait.ge [sflag:s28], $0x2000  }
0xc6: {  	[sflag:s28] =	ssyncset.done $0x0  }
0xc7: {  	[sflag:s28] =	ssyncadd.s32 $0xFFFFE000;
	s28 =	simm.s32 $0x27C0  }
0xc8: {  	[spmem:s16] =	stream.indirect.scatter.add.f32 [tilespmem:s14], [sflag:$0x6], $0x80, s28, s11, $0xb8;
	[tilespmem:$0x1E700] =	vst v63  }
0xc9: {  	_ =	swait.ge [sflag:s23], $0x2000  }
0xca: {  	[sflag:s23] =	ssyncset.done $0x0  }
0xcb: {  	s28 =	simm.s32 $0x100;
	[sflag:s23] =	ssyncadd.s32 $0xFFFFE000  }
0xcc: {  	[tilespmem:s12], [sflag:$0x2] =	stream.indirect.gather [hbm4b:s18+s11], $0x80, s28, s11, $0xb8;
	[tilespmem:$0x1E700] =	vst v63  }
0xcd: {  	_ =	swait.ge [sflag:s13], $0x2000  }
0xce: {  	[sflag:s13] =	ssyncset.done $0x0  }
0xcf: {  	s28 =	simm.s32 $0x2800;
	[sflag:s13] =	ssyncadd.s32 $0xFFFFE000  }
0xd0: {  	[spmem:s16] =	stream.indirect.scatter.add.f32 [tilespmem:s8], [sflag:$0x4], $0x80, s28, s11, $0xb8;
	[tilespmem:$0x1E700] =	vst v63  }
0xd1: {  	_ =	swait.ge [sflag:s24], $0x2000  }
0xd2: {  	[sflag:s24] =	ssyncset.done $0x0  }
0xd3: {  	s28 =	simm.s32 $0x140;
	[sflag:s24] =	ssyncadd.s32 $0xFFFFE000  }
0xd4: {  	[tilespmem:s14], [sflag:$0x3] =	stream.indirect.gather [hbm4b:s18+s11], $0x80, s28, s11, $0xb8;
	[tilespmem:$0x1E700] =	vst v63  }
0xd5: {  	_ =	swait.ge [sflag:s17], $0x2000  }
0xd6: {  	[sflag:s17] =	ssyncset.done $0x0  }
0xd7: {  	s28 =	simm.s32 $0x2840;
	[sflag:s17] =	ssyncadd.s32 $0xFFFFE000  }
0xd8: {  	[spmem:s16] =	stream.indirect.scatter.add.f32 [tilespmem:s12], [sflag:$0x5], $0x80, s28, s11, $0xb8;
	[tilespmem:$0x1E700] =	vst v63  }
0xd9: {  	_ =	swait.ge [sflag:s22], $0x2000  }
0xda: {  	[sflag:s22] =	ssyncset.done $0x0  }
0xdb: {  	s28 =	simm.s32 $0x180;
	[sflag:s22] =	ssyncadd.s32 $0xFFFFE000  }
0xdc: {  	[tilespmem:s8], [sflag:$0x1] =	stream.indirect.gather [hbm4b:s18+s11], $0x80, s28, s11, $0xb8;
	[tilespmem:$0x1E700] =	vst v63  }
0xdd: {  	_ =	swait.ge [sflag:s25], $0x2000  }
0xde: {  	[sflag:s25] =	ssyncset.done $0x0  }
0xdf: {  	s28 =	simm.s32 $0x2880;
	[sflag:s25] =	ssyncadd.s32 $0xFFFFE000  }
0xe0: {  	[spmem:s16] =	stream.indirect.scatter.add.f32 [tilespmem:s14], [sflag:$0x6], $0x80, s28, s11, $0xb8;
	[tilespmem:$0x1E700] =	vst v63  }
0xe1: {  	_ =	swait.ge [sflag:s23], $0x2000  }
0xe2: {  	s30 =	simm.s32 $0x1C0;
	[sflag:s23] =	ssyncset.done $0x0  }
0xe3: {  	s29 =	simm.s32 $0x300;
	s28 =	simm.s32 $0x6;
	[sflag:s23] =	ssyncadd.s32 $0xFFFFE000  }
.LBB2_4:
0xe4: {  	[tilespmem:s12], [sflag:$0x2] =	stream.indirect.gather [hbm4b:s18+s11], $0x80, s30, s11, $0xb8;
	[tilespmem:$0x1E700] =	vst v63  }
0xe5: {  	s30 =	smov.u32 s29;
	s29 =	sadd.s32 $0x300, s29;
	_ =	swait.ge [sflag:s13], $0x2000  }
0xe6: {  	s30 =	sshra.s32 s30, $0x2;
	p3 =	sne.s32 s29, $0x9600;
	[sflag:s13] =	ssyncset.done $0x0  }
0xe7: {  	s31 =	sadd.s32 $0x2800, s30;
	[sflag:s13] =	ssyncadd.s32 $0xFFFFE000  }
0xe8: {  	[spmem:s16] =	stream.indirect.scatter.add.f32 [tilespmem:s8], [sflag:$0x4], $0x80, s31, s11, $0xb8;
	[tilespmem:$0x1E700] =	vst v63  }
0xe9: {  	_ =	swait.ge [sflag:s24], $0x2000  }
0xea: {  	[sflag:s24] =	ssyncset.done $0x0  }
0xeb: {  	s31 =	sadd.s32 $0x140, s30;
	[sflag:s24] =	ssyncadd.s32 $0xFFFFE000  }
0xec: {  	[tilespmem:s14], [sflag:$0x3] =	stream.indirect.gather [hbm4b:s18+s11], $0x80, s31, s11, $0xb8;
	[tilespmem:$0x1E700] =	vst v63  }
0xed: {  	_ =	swait.ge [sflag:s17], $0x2000  }
0xee: {  	[sflag:s17] =	ssyncset.done $0x0  }
0xef: {  	s31 =	sadd.s32 $0x2840, s30;
	[sflag:s17] =	ssyncadd.s32 $0xFFFFE000  }
0xf0: {  	[spmem:s16] =	stream.indirect.scatter.add.f32 [tilespmem:s12], [sflag:$0x5], $0x80, s31, s11, $0xb8;
	[tilespmem:$0x1E700] =	vst v63  }
0xf1: {  	_ =	swait.ge [sflag:s22], $0x2000  }
0xf2: {  	[sflag:s22] =	ssyncset.done $0x0  }
0xf3: {  	s31 =	sadd.s32 $0x180, s30;
	[sflag:s22] =	ssyncadd.s32 $0xFFFFE000  }
0xf4: {  	[tilespmem:s8], [sflag:$0x1] =	stream.indirect.gather [hbm4b:s18+s11], $0x80, s31, s11, $0xb8;
	[tilespmem:$0x1E700] =	vst v63  }
0xf5: {  	_ =	swait.ge [sflag:s25], $0x2000  }
0xf6: {  	[sflag:s25] =	ssyncset.done $0x0  }
.Ltmp3:
0xf7: {  	s31 =	sadd.s32 $0x2880, s30;
	[sflag:s25] =	ssyncadd.s32 $0xFFFFE000;
	(pc) =	sbr.rel @p3 .LBB2_4-.Ltmp3, $4  }
0xf8: {  	[spmem:s16] =	stream.indirect.scatter.add.f32 [tilespmem:s14], [sflag:$0x6], $0x80, s31, s11, $0xb8;
	[tilespmem:$0x1E700] =	vst v63  }
0xf9: {  	_ =	swait.ge [sflag:s23], $0x2000  }
0xfa: {  	[sflag:s23] =	ssyncset.done $0x0  }
0xfb: {  	s28 =	sadd.s32 $0x3, s28;
	s30 =	sadd.s32 $0x1C0, s30;
	[sflag:s23] =	ssyncadd.s32 $0xFFFFE000  }
0xfc: {  	[tilespmem:s12], [sflag:$0x2] =	stream.indirect.gather [hbm4b:s18+s11], $0x80, s30, s11, $0xb8;
	[tilespmem:$0x1E700] =	vst v63  }
0xfd: {  	_ =	swait.ge [sflag:s13], $0x2000  }
0xfe: {  	s29 =	sshra.s32 s29, $0x2;
	[sflag:s13] =	ssyncset.done $0x0  }
0xff: {  	s31 =	sadd.s32 $0x2800, s29;
	[sflag:s13] =	ssyncadd.s32 $0xFFFFE000  }
0x100: {  	[spmem:s16] =	stream.indirect.scatter.add.f32 [tilespmem:s8], [sflag:$0x4], $0x80, s31, s11, $0xb8;
	[tilespmem:$0x1E700] =	vst v63  }
0x101: {  	_ =	swait.ge [sflag:s24], $0x2000  }
0x102: {  	[sflag:s24] =	ssyncset.done $0x0  }
0x103: {  	s31 =	simm.s32 $0x26C0;
	[sflag:s24] =	ssyncadd.s32 $0xFFFFE000  }
0x104: {  	[tilespmem:s14], [sflag:$0x3] =	stream.indirect.gather [hbm4b:s18+s11], $0x80, s31, s11, $0xb8;
	[tilespmem:$0x1E700] =	vst v63  }
0x105: {  	_ =	swait.ge [sflag:s17], $0x2000  }
0x106: {  	[sflag:s17] =	ssyncset.done $0x0  }
0x107: {  	s29 =	sadd.s32 $0x2840, s29;
	[sflag:s17] =	ssyncadd.s32 $0xFFFFE000  }
0x108: {  	[spmem:s16] =	stream.indirect.scatter.add.f32 [tilespmem:s12], [sflag:$0x5], $0x80, s29, s11, $0xb8;
	[tilespmem:$0x1E700] =	vst v63  }
0x109: {  	_ =	swait.ge [sflag:s22], $0x2000  }
0x10a: {  	[sflag:s22] =	ssyncset.done $0x0;
	s30 =	rddreg [dreg:$0x14]  }
0x10b: {  	[sflag:s22] =	ssyncadd.s32 $0xFFFFE000;
	p3 =	sge.u32 s28, s30  }
0x10c: {  	s28 =	simm.s32 @!p3 $0x40;
	s29 =	simm.s32 @!p3 $0x2700;
	s30 =	simm.s32 @!p3 $0x4E80  }
0x10d: {  	[tilespmem:s30], [sflag:$0x1] =	stream.indirect.gather @!p3 [hbm4b:s18+s28], $0x80, s29, s28, $0xb8;
	[tilespmem:$0x1E700] =	vst v63  }
0x10e: {  	_ =	swait.ge [sflag:s25], $0x2000  }
0x10f: {  	[sflag:s25] =	ssyncset.done $0x0  }
.Ltmp4:
0x110: {  	s31 =	simm.s32 $0x4E00;
	[sflag:s25] =	ssyncadd.s32 $0xFFFFE000;
	(pc) =	sbr.rel @p0 .LBB2_6-.Ltmp4, $4  }
0x111: {  	[spmem:s16] =	stream.indirect.scatter.add.f32 [tilespmem:s14], [sflag:$0x6], $0x80, s31, s11, $0xb8;
	[tilespmem:$0x1E700] =	vst v63  }
0x112: {  	_ =	swait.ge [sflag:s23], $0x2000  }
0x113: {  	[sflag:s23] =	ssyncset.done $0x0  }
0x114: {  	[sflag:s23] =	ssyncadd.s32 $0xFFFFE000  }
.Ltmp5:
0x115: {  	(pc) =	sbr.rel @p1 .LBB2_10-.Ltmp5, $1  }
0x116: {  	_ =	sdelay $0x3  }
0x117: {  	_ =	swait.ge [sflag:s13], $0x2000  }
0x118: {  	[sflag:s13] =	ssyncset.done $0x0  }
.Ltmp6:
0x119: {  	s28 =	rddreg [dreg:$0x12];
	[sflag:s13] =	ssyncadd.s32 $0xFFFFE000;
	(pc) =	sbr.rel .LBB2_9-.Ltmp6, $4  }
0x11a: {  	[spmem:s16] =	stream.indirect.scatter.add.f32 [tilespmem:s8], [sflag:$0x4], $0x80, s28, s11, $0xb8;
	[tilespmem:$0x1E700] =	vst v63  }
0x11b: {  	_ =	swait.ge [sflag:s24], $0x2000  }
0x11c: {  	[sflag:s24] =	ssyncset.done $0x0  }
0x11d: {  	s28 =	simm.s32 $0x4;
	[sflag:s24] =	ssyncadd.s32 $0xFFFFE000  }
.LBB2_11:
0x11e: {  	_ =	sfence.sel $0x180000  }
0x11f: {  	[bflag:$0x0] =	sbarrier.arrive $0xFFFF  }
0x120: {  	_ =	strace $0x9000004A  }
0x121: {  	s0 =	stileid.u32;
	[bflag:$0x2] =	sbarrier.arrive $0xFFFF  }
0x122: {  	p0 =	sne.s32 s0, $0x0;
	s0 =	rddreg [dreg:$0x3]  }
0x123: {  	s0 =	sadd.s32 @!p0 $0x100000, s0  }
0x124: {  	[sflag:s0] =	ssyncadd.tile.s32 @!p0 $0x1;
	_ =	shalt  }
.Lfunc_end2:
_tile_overlayer_lowered:
.L_overlay_start_2:
0x125: {  	(tag) =	ssettag $0x2  }
0x126: {  	s0 =	rddreg [dreg:$0x0];
	s2 =	stileid.u32  }
0x127: {  	s1 =	rddreg [dreg:$0x1];
	p0 =	sne.s32 s2, $0x0  }
0x128: {  	s3 =	rddreg [dreg:$0x2];
	[bflag:$0x3] =	sbarrier.arrive $0xFFFF;
	s2 =	simm.s32 @!p0 $0x1C07  }
0x129: {  	[timem:s3], [sflag:s2] =	dma.local @!p0 [hbm:s0], s1  }
0x12a: {  	s0 =	simm.s32 @!p0 $0x7  }
0x12b: {  	_ =	swait.ge @!p0 [sflag:s0], s1  }
0x12c: {  	s1 =	ssub.s32 @!p0 $0x0, s1;
	[sflag:s0] =	ssyncset.done @!p0 $0x0  }
0x12d: {  	[sflag:s0] =	ssyncadd.s32 @!p0 s1  }
0x12e: {  	[bflag:$0x3] =	sbarrier.arrive $0xFFFF  }
0x12f: {  	_ =	shalt  }

// kernel: kernel.18.cloned.1.call-start
scs
__scs_entry_jumppad:
0x0: {  	(pc) =	sbr.rel $0x88, $3  }
0x1: {  	(tag) =	ssettag $0x0;
	lr =	simm.s32 $0x1  }
0x2: {  	[smem:$0x3F94] =	sst lr;
	_ =	strace $0xD0000000  }
0x3: {  	_ = 	snop  }
0x4: {  	_ = 	snop  }
0x5: {  	_ = 	snop  }
0x6: {  	_ = 	snop  }
0x7: {  	_ = 	snop  }
__scs_overlays_trampoline_lowered:
0x8: {  	[smem:$0x3FA3] =	sst s0  }
0x9: {  	[smem:$0x3FA4] =	sst s1  }
0xa: {  	[smem:$0x3FA5] =	sst s2  }
0xb: {  	[smem:$0x3FA6] =	sst s3  }
0xc: {  	[smem:$0x3FA7] =	sst s4  }
0xd: {  	[smem:$0x3FA8] =	sst s5  }
0xe: {  	[smem:$0x3FA9] =	sst s6  }
0xf: {  	[smem:$0x3FAA] =	sst s7  }
0x10: {  	[smem:$0x3FAB] =	sst s8  }
0x11: {  	[smem:$0x3FAC] =	sst s9;
	s0 =	simm.s32 @!p0 $0x0  }
0x12: {  	s1 =	sld [smem:$0x3F92];
	s0 =	simm.s32 @p0 $0x1  }
0x13: {  	[smem:$0x3FAD] =	sst s0;
	s0 =	simm.s32 @!p1 $0x0  }
0x14: {  	s2 =	sld [smem:$0x3F91];
	s0 =	simm.s32 @p1 $0x1  }
0x15: {  	[smem:$0x3FAE] =	sst s0;
	s0 =	simm.s32 @!p2 $0x0  }
0x16: {  	s3 =	sld [smem:$0x3FDB];
	s0 =	simm.s32 @p2 $0x1  }
0x17: {  	s4 =	simm.s32 $0x1BF5;
	[smem:$0x3FB0] =	sst s0  }
0x18: {  	s0 =	sld [smem:$0x3F93];
	_ =	swait.ge [sflag:s4], $0x0  }
0x19: {  	s7 =	sld [smem:$0x3F94]  }
0x1a: {  	s8 =	sadd.s32 $0xFFFFE003, lr  }
0x1b: {  	s9 =	sadd.s32 $0xFFFFFEF7, lr;
	s5 =	simm.s32 $0xFFFFFFFF;
	p2 =	slt.u32 s8, $0xFFFFF086  }
0x1c: {  	p1 =	slt.u32 s9, $0xF7A;
	s5 =	simm.s32 @!p2 $0x0  }
0x1d: {  	s5 =	simm.s32 @p1 $0x1;
	p0 =	seq.s32 s7, s2  }
0x1e: {  	s7 =	smul.u32 @!p0 $0xF7A, s2;
	p2 =	seq.s32 @!p0 s5, $0x0  }
0x1f: {  	s9 =	smul.u32 $0xF7A, s1;
	s8 =	simm.s32 @!p0 $0x1BF5;
	p2 =	por !p2, p0  }
0x20: {  	[sflag:s8] =	ssyncset.s32 @!p0 $0xFFFFF086;
	s6 =	sadd.s32 @!p0 s3, s7;
	s7 =	simm.s32 @!p0 $0x108  }
0x21: {  	s3 =	sadd.s32 s3, s9;
	s6 =	sadd.s32 @!p0 $0x88, s6;
	s7 =	simm.s32 @p2 $0x1082  }
0x22: {  	[simem:s7], [sflag:s8] =	dma.local @!p0 [hbm:s6], $0xF7A  }
0x23: {  	s9 =	sor.u32 $0xD0000000, s2;
	s6 =	simm.s32 $0x108;
	_ =	swait.ge @!p0 [sflag:s8], $0x0  }
0x24: {  	s3 =	sadd.s32 $0x88, s3;
	s6 =	simm.s32 @!p1 $0x1082;
	[sflag:s4] =	ssyncset.s32 $0xFFFFF086  }
0x25: {  	[simem:s6], [sflag:s4] =	dma.local [hbm:s3], $0xF7A  }
0x26: {  	[smem:$0x3F94] =	sst s1;
	(tag) =	ssettag s2;
	_ =	strace s9  }
0x27: {  	s1 =	sld [smem:$0x3FA4]  }
0x28: {  	s2 =	sld [smem:$0x3FA5]  }
0x29: {  	s4 =	sld [smem:$0x3FA7]  }
0x2a: {  	p0 =	seq.s32 s5, $0x0;
	s5 =	sld [smem:$0x3FA8]  }
0x2b: {  	s6 =	sld [smem:$0x3FA9]  }
0x2c: {  	s7 =	sld [smem:$0x3FAA]  }
0x2d: {  	s3 =	simm.s32 $0x108;
	s8 =	sld [smem:$0x3FAB]  }
0x2e: {  	s3 =	simm.s32 @!p0 $0x1082;
	s9 =	sld [smem:$0x3FAC]  }
0x2f: {  	lr =	sadd.s32 s0, s3;
	s0 =	sld [smem:$0x3FA3]  }
0x30: {  	s3 =	sld [smem:$0x3FA6]  }
0x31: {  	[smem:$0x3FAF] =	sst s10  }
0x32: {  	s10 =	sld [smem:$0x3FAD];
	_ =	sdelay $0x3  }
0x33: {  	p0 =	seq.s32 s10, $0x1;
	s10 =	sld [smem:$0x3FAF];
	_ =	sdelay $0x3  }
0x34: {  	[smem:$0x3FAF] =	sst s10  }
0x35: {  	s10 =	sld [smem:$0x3FAE];
	_ =	sdelay $0x3  }
0x36: {  	p1 =	seq.s32 s10, $0x1;
	s10 =	sld [smem:$0x3FAF];
	_ =	sdelay $0x3  }
0x37: {  	[smem:$0x3FAF] =	sst s10  }
0x38: {  	s10 =	sld [smem:$0x3FB0]  }
0x39: {  	_ = 	snop;
	(pc) =	sbr.ind lr, $3  }
0x3a: {  	_ = 	snop  }
0x3b: {  	_ = 	snop  }
0x3c: {  	p2 =	seq.s32 s10, $0x1;
	s10 =	sld [smem:$0x3FAF]  }
0x3d: {  	_ =	shalt  }
0x3e: {  	_ =	shalt  }
0x3f: {  	_ =	shalt  }
0x40: {  	_ =	shalt  }
0x41: {  	_ =	shalt  }
0x42: {  	_ =	shalt  }
0x43: {  	_ =	shalt  }
0x44: {  	_ =	shalt  }
0x45: {  	_ =	shalt  }
0x46: {  	_ =	shalt  }
0x47: {  	_ =	shalt  }
0x48: {  	_ =	shalt  }
0x49: {  	_ =	shalt  }
0x4a: {  	_ =	shalt  }
0x4b: {  	_ =	shalt  }
0x4c: {  	_ =	shalt  }
0x4d: {  	_ =	shalt  }
0x4e: {  	_ =	shalt  }
0x4f: {  	_ =	shalt  }
0x50: {  	_ =	shalt  }
0x51: {  	_ =	shalt  }
0x52: {  	_ =	shalt  }
0x53: {  	_ =	shalt  }
0x54: {  	_ =	shalt  }
0x55: {  	_ =	shalt  }
0x56: {  	_ =	shalt  }
0x57: {  	_ =	shalt  }
0x58: {  	_ =	shalt  }
0x59: {  	_ =	shalt  }
0x5a: {  	_ =	shalt  }
0x5b: {  	_ =	shalt  }
0x5c: {  	_ =	shalt  }
0x5d: {  	_ =	shalt  }
0x5e: {  	_ =	shalt  }
0x5f: {  	_ =	shalt  }
0x60: {  	_ =	shalt  }
0x61: {  	_ =	shalt  }
0x62: {  	_ =	shalt  }
0x63: {  	_ =	shalt  }
0x64: {  	_ =	shalt  }
0x65: {  	_ =	shalt  }
0x66: {  	_ =	shalt  }
0x67: {  	_ =	shalt  }
0x68: {  	_ =	shalt  }
0x69: {  	_ =	shalt  }
0x6a: {  	_ =	shalt  }
0x6b: {  	_ =	shalt  }
0x6c: {  	_ =	shalt  }
0x6d: {  	_ =	shalt  }
0x6e: {  	_ =	shalt  }
0x6f: {  	_ =	shalt  }
0x70: {  	_ =	shalt  }
0x71: {  	_ =	shalt  }
0x72: {  	_ =	shalt  }
0x73: {  	_ =	shalt  }
0x74: {  	_ =	shalt  }
0x75: {  	_ =	shalt  }
0x76: {  	_ =	shalt  }
0x77: {  	_ =	shalt  }
0x78: {  	_ =	shalt  }
0x79: {  	_ =	shalt  }
0x7a: {  	_ =	shalt  }
0x7b: {  	_ =	shalt  }
0x7c: {  	_ =	shalt  }
0x7d: {  	_ =	shalt  }
0x7e: {  	_ =	shalt  }
0x7f: {  	_ =	shalt  }
0x80: {  	_ =	shalt  }
0x81: {  	_ =	shalt  }
0x82: {  	_ =	shalt  }
0x83: {  	_ =	shalt  }
0x84: {  	_ =	shalt  }
0x85: {  	_ =	shalt  }
0x86: {  	_ =	shalt  }
0x87: {  	_ =	shalt  }
.Lfunc_end0:
.L_simem_size_0:
called_computation.2_lowered:
.L_overlay_start_0:
0x88: {  	s2 =	sld [smem:$0x3FD9]  }
0x89: {  	s3 =	sld [smem:$0x3FFE];
	_ =	sdelay $0x1  }
0x8a: {  	s1 =	srdreg.scid  }
0x8b: {  	s0 =	sand.u32 $0x1, s1  }
0x8c: {  	s17 =	sshll.u32 s0, $0xA;
	s2 =	sadd.s32 s3, s2  }
0x8d: {  	s2 =	sadd.s32 s2, s17  }
0x8e: {  	[smem:$0x3FBB] =	sst s2  }
0x8f: {  	_ = 	snop  }
0x90: {  	s2 =	sld [smem:$0x3FD0];
	(tm) =	ssettm $0x1  }
0x91: {  	s18 =	sld [smem:$0x3FFB];
	_ =	sdelay $0x3  }
0x92: {  	_ =	strace s18  }
0x93: {  	s3 =	sld [smem:$0x3FFC];
	_ =	sdelay $0x3  }
0x94: {  	_ =	strace s3  }
0x95: {  	s3 =	sld [smem:$0x3FFD];
	_ =	sdelay $0x3  }
0x96: {  	_ =	strace s3  }
0x97: {  	_ =	strace $0x8FFFFFFF  }
0x98: {  	s19 =	sld [smem:$0x3FDB];
	_ =	sdelay $0x1  }
0x99: {  	s4 =	simm.s32 $_scs_section_size  }
0x9a: {  	s5 =	simm.s32 $_size__tile_overlayer_lowered;
	s6 =	simm.s32 $_tile_overlayer_lowered  }
0x9b: {  	s22 =	simm.s32 $0x1BFF;
	s21 =	sshll.u32 s6, $0x1;
	s3 =	sadd.s32 s4, s19  }
0x9c: {  	s7 =	simm.s32 $0x0;
	s20 =	sshll.u32 s5, $0x1;
	s5 =	sadd.s32 s21, s3  }
0x9d: {  	[timem:s7], [sflag:s22] =	dma.local [hbm:s5], s20  }
0x9e: {  	_ =	swait.ge [sflag:s22], s20  }
0x9f: {  	s4 =	ssub.s32 $0x0, s20;
	[sflag:s22] =	ssyncset.done $0x0  }
0xa0: {  	[sflag:s22] =	ssyncadd.s32 s4;
	_ =	sdelay $0x1  }
0xa1: {  	s23 =	simm.s32 $0x1B8B  }
0xa2: {  	_ =	swait.ge [sflag:s23], $0x1  }
0xa3: {  	[sflag:s23] =	ssyncset.done $0x0  }
0xa4: {  	s25 =	simm.s32 $0x1B8E;
	s24 =	sld [smem:$0x3FFE];
	[sflag:s23] =	ssyncadd.s32 $0xFFFFFFFF  }
0xa5: {  	s26 =	simm.s32 $execute0_lowered;
	[smem:$0x3FD2] =	sst s25  }
0xa6: {  	s5 =	sshll.u32 s26, $0x1;
	_ =	strace $0x8000004C;
	[dreg:$0x1] =	wrdreg $0xFFFFFFFF  }
0xa7: {  	s28 =	simm.s32 $_size_execute0_lowered;
	s3 =	sadd.s32 s3, s5;
	[dreg:$0x0] =	wrdreg $0x0  }
0xa8: {  	s5 =	sshll.u32 s28, $0x1;
	[dreg:$0x2] =	wrdreg s3  }
0xa9: {  	[dreg:$0x3] =	wrdreg s5  }
0xaa: {  	[dreg:$0x4] =	wrdreg $0xC0  }
0xab: {  	_ =	task [dreg:s7], $0x5FFFF  }
0xac: {  	[dreg:$0x1] =	wrdreg $0xFFFFFFFF  }
0xad: {  	[dreg:$0x0] =	wrdreg $0x60  }
0xae: {  	[dreg:$0x2] =	wrdreg s24  }
0xaf: {  	[dreg:$0x3] =	wrdreg s2  }
0xb0: {  	[dreg:$0x4] =	wrdreg $0xAE800  }
0xb1: {  	[dreg:$0x5] =	wrdreg $0x9  }
0xb2: {  	_ =	task.clear_ibuf [dreg:s7], $0x6FFFF;
	_ =	strace $0x9000004C  }
0xb3: {  	s29 =	simm.s32 $0x9;
	_ =	strace $0x8000004E  }
0xb4: {  	_ =	swait.ge [sflag:s29], $0x1  }
0xb5: {  	[sflag:s29] =	ssyncadd.s32 $0xFFFFFFFF  }
0xb6: {  	_ =	strace $0x9000004E  }
0xb7: {  	_ =	sfence  }
0xb8: {  	s30 =	sld [smem:$0x0];
	_ =	sdelay $0x2  }
0xb9: {  	s31 =	sshll.u32 s1, $0xD;
	s1 =	sshrl.u32 s1, $0x2  }
0xba: {  	s3 =	sand.u32 $0x4000, s31;
	s1 =	sadd.s32 s1, s30  }
0xbb: {  	s0 =	sor.u32 s3, s0;
	s1 =	sshll.u32 s1, $0x11  }
0xbc: {  	s0 =	sor.u32 s1, s0  }
0xbd: {  	s0 =	sadd.s32 $0x8F2B, s0  }
0xbe: {  	[sflag:s0] =	ssyncadd.remote.s32 $0x1  }
0xbf: {  	_ =	sfence.sel $0xFFFF  }
0xc0: {  	[dreg:$0x0] =	wrdreg $0xFFFFFFFF;
	(pc) =	sbr.abs _section_cstart, $3  }
0xc1: {  	[dreg:$0x1] =	wrdreg $0xFFFFFFFF  }
0xc2: {  	_ =	task.clear_ibuf [dreg:s7], $0x2FFFF;
	_ =	strace $0x9FFFFFFF  }
0xc3: {  	(tm) =	ssettm $0x7FFFFFFF  }
tec
execute0_lowered:
.L_overlay_start_1:
0x0: {  	(tag) =	ssettag $0x1  }
0x1: {  	s0 =	rddreg [dreg:$0x0]  }
0x2: {  	s2 =	rddreg [dreg:$0x1];
	s3 =	simm.s32 $0x0;
	s1 =	srdreg.scid  }
0x3: {  	s20 =	stileid.u32;
	[smem:$0x7FF] =	sst s3  }
0x4: {  	s5 =	sand.u32 $0x1, s1;
	s6 =	sadd.s32 $0xD600, s0;
	s23 =	sshll.u32 s20, $0x1  }
0x5: {  	p2 =	slt.u32 s20, $0x4;
	s1 =	simm.s32 $0x9D;
	s3 =	smul.u32 $0x13880, s20  }
0x6: {  	s4 =	ssub.s32 $0x2, s5;
	s9 =	sor.u32 s5, s23;
	s5 =	smul.u32 $0x138800, s5  }
0x7: {  	s7 =	sadd.s32 $0x3800, s0;
	s1 =	simm.s32 @!p2 $0x9C;
	s10 =	smul.u32 $0x9C, s9  }
0x8: {  	s8 =	sshrl.u32 s4, $0x1;
	s9 =	smin.u32 s9, $0x8;
	s25 =	smul.u32 $0xAB, s1  }
0x9: {  	s14 =	sadd.s32 $0xA000, s3;
	s4 =	ssub.s32 s4, s8;
	s17 =	sadd.s32 s5, s3  }
0xa: {  	s15 =	sadd.s32 s5, s14;
	s24 =	sadd.s32 s9, s10;
	s10 =	sadd.s32 $0x12000, s3  }
0xb: {  	s9 =	sshrl.u32 s25, $0x9;
	s25 =	sadd.s32 $0xC000, s3;
	s4 =	smax.u32 s4, $0x1  }
0xc: {  	s8 =	sshll.u32 s24, $0x3;
	s9 =	smul.u32 $0x3, s9;
	s28 =	sadd.s32 s5, s10  }
0xd: {  	s24 =	sshrl.u32 s15, $0x3;
	s11 =	sadd.s32 s6, s8;
	s26 =	sadd.s32 s7, s8  }
0xe: {  	s8 =	sadd.s32 $0x4E0, s8;
	s30 =	sshrl.u32 s28, $0x3;
	[dreg:$0x4] =	wrdreg s11  }
0xf: {  	s28 =	sadd.s32 s5, s25;
	[dreg:$0x5] =	wrdreg s26;
	s6 =	sadd.s32 s6, s8  }
0x10: {  	s29 =	sadd.s32 s7, s8;
	s31 =	ssub.s32 s1, s9;
	s11 =	sadd.s32 $0x4000, s3  }
0x11: {  	s8 =	sshrl.u32 s17, $0x3;
	s26 =	sadd.s32 $0xE000, s3;
	s17 =	sadd.s32 $0x10000, s3  }
0x12: {  	s15 =	sshrl.u32 s28, $0x3;
	s1 =	sadd.s32 $0xFFFFFFFD, s1;
	[dreg:$0x6] =	wrdreg s6  }
0x13: {  	[dreg:$0x7] =	wrdreg s29;
	s6 =	sadd.s32 s2, s30;
	s12 =	sadd.s32 s5, s11  }
0x14: {  	s8 =	sadd.s32 s2, s8;
	s16 =	sadd.s32 s5, s26;
	s15 =	sadd.s32 s2, s15  }
0x15: {  	s7 =	sand.u32 $0xFF, s31;
	s30 =	smul.u32 $0x4E200, s20;
	[dreg:$0x8] =	wrdreg s6  }
0x16: {  	s6 =	sadd.s32 $0x2000, s3;
	[dreg:$0x9] =	wrdreg s8;
	s21 =	sshrl.u32 s12, $0x3  }
0x17: {  	s16 =	sshrl.u32 s16, $0x3;
	[dreg:$0xf] =	wrdreg s15;
	p0 =	seq.s32 s7, $0x0  }
0x18: {  	p1 =	sne.s32 s7, $0x1;
	s18 =	sadd.s32 s5, s6;
	s8 =	sadd.s32 s2, s21  }
0x19: {  	s29 =	sadd.s32 s2, s16;
	s16 =	rddreg [dreg:$0x2];
	s31 =	sshrl.u32 s30, $0x2  }
0x1a: {  	s9 =	sshrl.u32 s18, $0x3;
	[dreg:$0xb] =	wrdreg s8;
	s8 =	sadd.s32 $0x6000, s3  }
0x1b: {  	[dreg:$0x10] =	wrdreg s29;
	s18 =	sadd.s32 $0x17400, s0;
	s0 =	simm.s32 $0x4E40  }
0x1c: {  	s21 =	sadd.s32 s10, s16;
	s6 =	sadd.s32 s6, s16;
	s7 =	sadd.s32 s11, s16  }
0x1d: {  	s15 =	sadd.s32 s14, s16;
	s14 =	simm.s32 $0x8E80;
	s19 =	sadd.s32 s2, s9  }
0x1e: {  	s9 =	sadd.s32 $0x8000, s3;
	s22 =	sadd.s32 s5, s8;
	s0 =	simm.s32 @!p2 $0x4E00  }
0x1f: {  	s10 =	sadd.s32 s8, s16;
	p2 =	sgt.u32 s20, $0x3;
	s30 =	sshrl.u32 s15, $0x3  }
0x20: {  	s8 =	simm.s32 $0x4E80;
	[dreg:$0xa] =	wrdreg s19;
	s13 =	sadd.s32 s5, s9  }
0x21: {  	s12 =	sshrl.u32 s22, $0x3;
	s5 =	sadd.s32 s5, s17;
	s19 =	sadd.s32 s31, s16  }
0x22: {  	s11 =	sadd.s32 s9, s16;
	s22 =	sadd.s32 s25, s16;
	s25 =	sshrl.u32 s6, $0x3  }
0x23: {  	s28 =	sshrl.u32 s10, $0x3;
	s13 =	sshrl.u32 s13, $0x3;
	s12 =	sadd.s32 s2, s12  }
0x24: {  	s9 =	simm.s32 $0x7;
	[dreg:$0xc] =	wrdreg s12;
	s23 =	sadd.s32 s2, s13  }
0x25: {  	s5 =	sshrl.u32 s5, $0x3;
	s12 =	sadd.s32 s2, s24;
	[dreg:$0xd] =	wrdreg s23  }
0x26: {  	s10 =	simm.s32 $0x2740;
	s2 =	sadd.s32 s2, s5;
	[dreg:$0xe] =	wrdreg s12  }
0x27: {  	s29 =	sshrl.u32 s11, $0x3;
	s31 =	sshrl.u32 s22, $0x3;
	[dreg:$0x11] =	wrdreg s2  }
0x28: {  	s6 =	sadd.s32 $0xE000, s19;
	_ =	strace $0x8000004D;
	[dreg:$0x12] =	wrdreg s0  }
0x29: {  	s11 =	simm.s32 $0x40;
	s22 =	simm.s32 $0x4;
	[dreg:$0x13] =	wrdreg s4  }
0x2a: {  	s5 =	sadd.s32 s3, s16;
	s24 =	sadd.s32 s17, s16;
	[dreg:$0x14] =	wrdreg s1  }
0x2b: {  	s23 =	sadd.s32 s26, s16;
	s26 =	sshrl.u32 s7, $0x3;
	[dreg:$0x16] =	wrdreg s25  }
0x2c: {  	s3 =	sadd.s32 $0x8000, s19;
	s13 =	simm.s32 $0x1;
	[dreg:$0x17] =	wrdreg s26  }
0x2d: {  	s17 =	simm.s32 $0x2;
	s20 =	sshrl.u32 s24, $0x3;
	[dreg:$0x18] =	wrdreg s28  }
0x2e: {  	s2 =	sadd.s32 $0x6000, s19;
	s7 =	sadd.s32 $0x10000, s19;
	[dreg:$0x19] =	wrdreg s29  }
.Ltmp0:
0x2f: {  	s12 =	simm.s32 $0x6E80;
	[dreg:$0x1a] =	wrdreg s30;
	(pc) =	sbr.rel .LBB2_1-.Ltmp0, $4  }
0x30: {  	s24 =	simm.s32 $0x6;
	s0 =	sshrl.u32 s5, $0x3;
	[dreg:$0x1b] =	wrdreg s31  }
0x31: {  	s15 =	sshrl.u32 s23, $0x3;
	s1 =	sadd.s32 $0x4000, s19;
	s4 =	sadd.s32 $0xA000, s19  }
0x32: {  	s5 =	sadd.s32 $0xC000, s19;
	s23 =	simm.s32 $0x5;
	s25 =	simm.s32 $0x3  }
0x33: {  	v0 =	vimm.f32 $0.0e+00;
	s26 =	simm.s32 $0x0;
	[dreg:$0x15] =	wrdreg s0;
	s0 =	sadd.s32 $0x2000, s19  }
.LBB2_6:
0x34: {  	s28 =	simm.s32 $0x6  }
.LBB2_9:
0x35: {  	_ =	swait.ge [sflag:s28], $0x2000  }
0x36: {  	[sflag:s28] =	ssyncset.done $0x0  }
0x37: {  	[sflag:s28] =	ssyncadd.s32 $0xFFFFE000  }
.LBB2_10:
0x38: {  	s28 =	stileid.u32;
	[bflag:$0x0] =	sbarrier.arrive $0xFFFF  }
0x39: {  	s28 =	sshll.u32 s28, $0x6;
	s29 =	rddreg [dreg:$0x9]  }
0x3a: {  	s30 =	rddreg [dreg:$0x15];
	s28 =	sor.u32 $0x1C07, s28  }
0x3b: {  	[hbm:s29], [sflag:s28] =	dma.local [spmem:s30], $0x400  }
0x3c: {  	_ =	swait.ge [sflag:s9], $0x400  }
0x3d: {  	[sflag:s9] =	ssyncset.done $0x0;
	s29 =	rddreg [dreg:$0xa]  }
0x3e: {  	s31 =	rddreg [dreg:$0x16];
	[sflag:s9] =	ssyncadd.s32 $0xFFFFFC00  }
0x3f: {  	[hbm:s29], [sflag:s28] =	dma.local [spmem:s31], $0x400  }
0x40: {  	_ =	swait.ge [sflag:s9], $0x400  }
0x41: {  	[sflag:s9] =	ssyncset.done $0x0;
	s29 =	rddreg [dreg:$0xb]  }
0x42: {  	s31 =	rddreg [dreg:$0x17];
	[sflag:s9] =	ssyncadd.s32 $0xFFFFFC00  }
0x43: {  	[hbm:s29], [sflag:s28] =	dma.local [spmem:s31], $0x400  }
0x44: {  	_ =	swait.ge [sflag:s9], $0x400  }
0x45: {  	[sflag:s9] =	ssyncset.done $0x0;
	s29 =	rddreg [dreg:$0xc]  }
0x46: {  	s31 =	rddreg [dreg:$0x18];
	[sflag:s9] =	ssyncadd.s32 $0xFFFFFC00  }
0x47: {  	[hbm:s29], [sflag:s28] =	dma.local [spmem:s31], $0x400  }
0x48: {  	_ =	swait.ge [sflag:s9], $0x400  }
0x49: {  	[sflag:s9] =	ssyncset.done $0x0;
	s29 =	rddreg [dreg:$0xd]  }
0x4a: {  	s31 =	rddreg [dreg:$0x19];
	[sflag:s9] =	ssyncadd.s32 $0xFFFFFC00  }
0x4b: {  	[hbm:s29], [sflag:s28] =	dma.local [spmem:s31], $0x400  }
0x4c: {  	_ =	swait.ge [sflag:s9], $0x400  }
0x4d: {  	[sflag:s9] =	ssyncset.done $0x0;
	s29 =	rddreg [dreg:$0xe]  }
0x4e: {  	s31 =	rddreg [dreg:$0x1a];
	[sflag:s9] =	ssyncadd.s32 $0xFFFFFC00  }
0x4f: {  	[hbm:s29], [sflag:s28] =	dma.local [spmem:s31], $0x400  }
0x50: {  	_ =	swait.ge [sflag:s9], $0x400  }
0x51: {  	[sflag:s9] =	ssyncset.done $0x0;
	s29 =	rddreg [dreg:$0xf]  }
0x52: {  	s31 =	rddreg [dreg:$0x1b];
	[sflag:s9] =	ssyncadd.s32 $0xFFFFFC00  }
0x53: {  	[hbm:s29], [sflag:s28] =	dma.local [spmem:s31], $0x400  }
0x54: {  	_ =	swait.ge [sflag:s9], $0x400  }
0x55: {  	[sflag:s9] =	ssyncset.done $0x0  }
0x56: {  	s31 =	rddreg [dreg:$0x10];
	[sflag:s9] =	ssyncadd.s32 $0xFFFFFC00  }
0x57: {  	[hbm:s31], [sflag:s28] =	dma.local [spmem:s15], $0x400  }
0x58: {  	_ =	swait.ge [sflag:s9], $0x400  }
0x59: {  	[sflag:s9] =	ssyncset.done $0x0  }
0x5a: {  	s30 =	rddreg [dreg:$0x11];
	[sflag:s9] =	ssyncadd.s32 $0xFFFFFC00  }
0x5b: {  	[hbm:s30], [sflag:s28] =	dma.local [spmem:s20], $0x400  }
0x5c: {  	_ =	swait.ge [sflag:s9], $0x400  }
0x5d: {  	[sflag:s9] =	ssyncset.done $0x0  }
0x5e: {  	s29 =	sshrl.u32 s21, $0x3;
	s31 =	rddreg [dreg:$0x8];
	[sflag:s9] =	ssyncadd.s32 $0xFFFFFC00  }
0x5f: {  	[hbm:s31], [sflag:s28] =	dma.local [spmem:s29], $0x310  }
0x60: {  	_ =	swait.ge [sflag:s9], $0x310  }
0x61: {  	s26 =	sadd.s32 $0x1, s26;
	s31 =	rddreg [dreg:$0x13]  }
0x62: {  	p3 =	sne.s32 s26, s31  }
.Ltmp1:
0x63: {  	_ = 	snop;
	(pc) =	sbr.rel @!p3 .LBB2_11-.Ltmp1, $3  }
0x64: {  	_ =	sdelay $0x1  }
0x65: {  	[sflag:s9] =	ssyncset.done $0x0  }
0x66: {  	[sflag:s9] =	ssyncadd.s32 $0xFFFFFCF0  }
.LBB2_1:
0x67: {  	s28 =	simm.s32 $0x0;
	s29 =	simm.s32 $0x200  }
.LBB2_2:
0x68: {  	p3 =	sne.s32 s29, $0x7E00;
	[tilespmem:s28+$0x4EF0] =	vst v0  }
0x69: {  	[tilespmem:s28+$0x4E80] =	vst v0  }
0x6a: {  	[tilespmem:s28+$0x4E90] =	vst v0  }
.Ltmp2:
0x6b: {  	[tilespmem:s28+$0x4EA0] =	vst v0;
	(pc) =	sbr.rel @p3 .LBB2_2-.Ltmp2, $4  }
0x6c: {  	[tilespmem:s28+$0x4EB0] =	vst v0  }
0x6d: {  	[tilespmem:s28+$0x4EC0] =	vst v0  }
0x6e: {  	[tilespmem:s28+$0x4ED0] =	vst v0  }
0x6f: {  	[tilespmem:s28+$0x4EE0] =	vst v0;
	s28 =	sshra.s32 s29, $0x2;
	s29 =	sadd.s32 $0x200, s29  }
0x70: {  	[tilespmem:s28+$0x4EF0] =	vst v0  }
0x71: {  	[tilespmem:s28+$0x4E80] =	vst v0  }
0x72: {  	[tilespmem:s28+$0x4E90] =	vst v0  }
0x73: {  	[tilespmem:s28+$0x4EA0] =	vst v0  }
0x74: {  	[tilespmem:s28+$0x4EB0] =	vst v0  }
0x75: {  	[tilespmem:s28+$0x4EC0] =	vst v0  }
0x76: {  	[tilespmem:s28+$0x4ED0] =	vst v0  }
0x77: {  	[tilespmem:s28+$0x4EE0] =	vst v0  }
0x78: {  	[spmem:s19] =	stream.linear.scatter [tilespmem:s8], [sflag:$0x7], $0x2000, $0x38;
	[tilespmem:$0x1E700] =	vst v63  }
0x79: {  	_ =	swait.ge [sflag:s9], $0x2000  }
0x7a: {  	[sflag:s9] =	ssyncset.done $0x0  }
0x7b: {  	[sflag:s9] =	ssyncadd.s32 $0xFFFFE000  }
0x7c: {  	[spmem:s0] =	stream.linear.scatter [tilespmem:s8], [sflag:$0x7], $0x2000, $0x38;
	[tilespmem:$0x1E700] =	vst v63  }
0x7d: {  	_ =	swait.ge [sflag:s9], $0x2000  }
0x7e: {  	[sflag:s9] =	ssyncset.done $0x0  }
0x7f: {  	[sflag:s9] =	ssyncadd.s32 $0xFFFFE000  }
0x80: {  	[spmem:s1] =	stream.linear.scatter [tilespmem:s8], [sflag:$0x7], $0x2000, $0x38;
	[tilespmem:$0x1E700] =	vst v63  }
0x81: {  	_ =	swait.ge [sflag:s9], $0x2000  }
0x82: {  	[sflag:s9] =	ssyncset.done $0x0  }
0x83: {  	[sflag:s9] =	ssyncadd.s32 $0xFFFFE000  }
0x84: {  	[spmem:s2] =	stream.linear.scatter [tilespmem:s8], [sflag:$0x7], $0x2000, $0x38;
	[tilespmem:$0x1E700] =	vst v63  }
0x85: {  	_ =	swait.ge [sflag:s9], $0x2000  }
0x86: {  	[sflag:s9] =	ssyncset.done $0x0  }
0x87: {  	[sflag:s9] =	ssyncadd.s32 $0xFFFFE000  }
0x88: {  	[spmem:s3] =	stream.linear.scatter [tilespmem:s8], [sflag:$0x7], $0x2000, $0x38;
	[tilespmem:$0x1E700] =	vst v63  }
0x89: {  	_ =	swait.ge [sflag:s9], $0x2000  }
0x8a: {  	[sflag:s9] =	ssyncset.done $0x0  }
0x8b: {  	[sflag:s9] =	ssyncadd.s32 $0xFFFFE000  }
0x8c: {  	[spmem:s4] =	stream.linear.scatter [tilespmem:s8], [sflag:$0x7], $0x2000, $0x38;
	[tilespmem:$0x1E700] =	vst v63  }
0x8d: {  	_ =	swait.ge [sflag:s9], $0x2000  }
0x8e: {  	[sflag:s9] =	ssyncset.done $0x0  }
0x8f: {  	[sflag:s9] =	ssyncadd.s32 $0xFFFFE000  }
0x90: {  	[spmem:s5] =	stream.linear.scatter [tilespmem:s8], [sflag:$0x7], $0x2000, $0x38;
	[tilespmem:$0x1E700] =	vst v63  }
0x91: {  	_ =	swait.ge [sflag:s9], $0x2000  }
0x92: {  	[sflag:s9] =	ssyncset.done $0x0  }
0x93: {  	[sflag:s9] =	ssyncadd.s32 $0xFFFFE000  }
0x94: {  	[spmem:s6] =	stream.linear.scatter [tilespmem:s8], [sflag:$0x7], $0x2000, $0x38;
	[tilespmem:$0x1E700] =	vst v63  }
0x95: {  	_ =	swait.ge [sflag:s9], $0x2000  }
0x96: {  	[sflag:s9] =	ssyncset.done $0x0  }
0x97: {  	[sflag:s9] =	ssyncadd.s32 $0xFFFFE000  }
0x98: {  	[spmem:s7] =	stream.linear.scatter [tilespmem:s8], [sflag:$0x7], $0x2000, $0x38;
	[tilespmem:$0x1E700] =	vst v63  }
0x99: {  	_ =	swait.ge [sflag:s9], $0x2000  }
0x9a: {  	[sflag:s9] =	ssyncset.done $0x0  }
0x9b: {  	[sflag:s9] =	ssyncadd.s32 $0xFFFFE000  }
0x9c: {  	[spmem:s21] =	stream.linear.scatter [tilespmem:s8], [sflag:$0x7], $0x1880, $0x38;
	[tilespmem:$0x1E700] =	vst v63  }
0x9d: {  	_ =	swait.ge [sflag:s9], $0x1880  }
0x9e: {  	[sflag:s9] =	ssyncset.done $0x0  }
0x9f: {  	[sflag:s9] =	ssyncadd.s32 $0xFFFFE780  }
0xa0: {  	[bflag:$0x0] =	sbarrier.arrive $0xFFFF  }
0xa1: {  	s28 =	simm.s32 $0x0;
	s29 =	rddreg [dreg:$0x4]  }
0xa2: {  	[tilespmem:s28], [sflag:$0x7] =	stream.linear.gather [hbm4b:s29+s28], $0x2700, $0x38;
	[tilespmem:$0x1E700] =	vst v63  }
0xa3: {  	_ =	swait.ge [sflag:s9], $0x2700  }
0xa4: {  	[sflag:s9] =	ssyncset.done $0x0  }
0xa5: {  	s29 =	rddreg [dreg:$0x5];
	[sflag:s9] =	ssyncadd.s32 $0xFFFFD900  }
0xa6: {  	[tilespmem:s10], [sflag:$0x7] =	stream.linear.gather [hbm4b:s29+s28], $0x2700, $0x38;
	[tilespmem:$0x1E700] =	vst v63  }
0xa7: {  	_ =	swait.ge [sflag:s9], $0x2700  }
0xa8: {  	s28 =	simm.s32 @!p2 $0x0;
	[sflag:s9] =	ssyncset.done $0x0  }
0xa9: {  	s29 =	simm.s32 @!p2 $0x2700;
	s30 =	rddreg [dreg:$0x6];
	[sflag:s9] =	ssyncadd.s32 $0xFFFFD900  }
0xaa: {  	[tilespmem:s29], [sflag:$0x7] =	stream.linear.gather @!p2 [hbm4b:s30+s28], $0x40, $0x38;
	[tilespmem:$0x1E700] =	vst v63  }
0xab: {  	s29 =	simm.s32 @!p2 $0x7  }
0xac: {  	_ =	swait.ge @!p2 [sflag:s29], $0x40  }
0xad: {  	[sflag:s29] =	ssyncset.done @!p2 $0x0  }
0xae: {  	s30 =	simm.s32 @!p2 $0x4E40;
	s31 =	rddreg [dreg:$0x7];
	[sflag:s29] =	ssyncadd.s32 @!p2 $0xFFFFFFC0  }
0xaf: {  	[tilespmem:s30], [sflag:$0x7] =	stream.linear.gather @!p2 [hbm4b:s31+s28], $0x40, $0x38;
	[tilespmem:$0x1E700] =	vst v63  }
0xb0: {  	_ =	swait.ge @!p2 [sflag:s29], $0x40  }
0xb1: {  	[sflag:s29] =	ssyncset.done @!p2 $0x0  }
0xb2: {  	s28 =	simm.s32 $0x0;
	[sflag:s29] =	ssyncadd.s32 @!p2 $0xFFFFFFC0  }
0xb3: {  	[tilespmem:s8], [sflag:$0x1] =	stream.indirect.gather [hbm4b:s18+s11], $0x80, s28, s11, $0xb8;
	[tilespmem:$0x1E700] =	vst v63  }
0xb4: {  	_ = 	snop  }
0xb5: {  	[tilespmem:s12], [sflag:$0x2] =	stream.indirect.gather [hbm4b:s18+s11], $0x80, s11, s11, $0xb8;
	[tilespmem:$0x1E700] =	vst v63  }
0xb6: {  	_ =	swait.ge [sflag:s13], $0x2000  }
0xb7: {  	[sflag:s13] =	ssyncset.done $0x0  }
0xb8: {  	[sflag:s13] =	ssyncadd.s32 $0xFFFFE000  }
0xb9: {  	[spmem:s16] =	stream.indirect.scatter.add.f32 [tilespmem:s8], [sflag:$0x4], $0x80, s10, s11, $0xb8;
	[tilespmem:$0x1E700] =	vst v63  }
0xba: {  	s28 =	simm.s32 $0x80  }
0xbb: {  	[tilespmem:s14], [sflag:$0x3] =	stream.indirect.gather [hbm4b:s18+s11], $0x80, s28, s11, $0xb8;
	[tilespmem:$0x1E700] =	vst v63  }
0xbc: {  	_ =	swait.ge [sflag:s17], $0x2000  }
0xbd: {  	[sflag:s17] =	ssyncset.done $0x0  }
0xbe: {  	s28 =	simm.s32 $0x2780;
	[sflag:s17] =	ssyncadd.s32 $0xFFFFE000  }
0xbf: {  	[spmem:s16] =	stream.indirect.scatter.add.f32 [tilespmem:s12], [sflag:$0x5], $0x80, s28, s11, $0xb8;
	[tilespmem:$0x1E700] =	vst v63  }
0xc0: {  	_ =	swait.ge [sflag:s22], $0x2000  }
0xc1: {  	[sflag:s22] =	ssyncset.done $0x0  }
0xc2: {  	s28 =	simm.s32 $0xC0;
	[sflag:s22] =	ssyncadd.s32 $0xFFFFE000  }
0xc3: {  	[tilespmem:s8], [sflag:$0x1] =	stream.indirect.gather [hbm4b:s18+s11], $0x80, s28, s11, $0xb8;
	[tilespmem:$0x1E700] =	vst v63  }
0xc4: {  	s28 =	simm.s32 $0x3  }
0xc5: {  	_ =	swait.ge [sflag:s28], $0x2000  }
0xc6: {  	[sflag:s28] =	ssyncset.done $0x0  }
0xc7: {  	[sflag:s28] =	ssyncadd.s32 $0xFFFFE000;
	s28 =	simm.s32 $0x27C0  }
0xc8: {  	[spmem:s16] =	stream.indirect.scatter.add.f32 [tilespmem:s14], [sflag:$0x6], $0x80, s28, s11, $0xb8;
	[tilespmem:$0x1E700] =	vst v63  }
0xc9: {  	_ =	swait.ge [sflag:s23], $0x2000  }
0xca: {  	[sflag:s23] =	ssyncset.done $0x0  }
0xcb: {  	s28 =	simm.s32 $0x100;
	[sflag:s23] =	ssyncadd.s32 $0xFFFFE000  }
0xcc: {  	[tilespmem:s12], [sflag:$0x2] =	stream.indirect.gather [hbm4b:s18+s11], $0x80, s28, s11, $0xb8;
	[tilespmem:$0x1E700] =	vst v63  }
0xcd: {  	_ =	swait.ge [sflag:s13], $0x2000  }
0xce: {  	[sflag:s13] =	ssyncset.done $0x0  }
0xcf: {  	s28 =	simm.s32 $0x2800;
	[sflag:s13] =	ssyncadd.s32 $0xFFFFE000  }
0xd0: {  	[spmem:s16] =	stream.indirect.scatter.add.f32 [tilespmem:s8], [sflag:$0x4], $0x80, s28, s11, $0xb8;
	[tilespmem:$0x1E700] =	vst v63  }
0xd1: {  	_ =	swait.ge [sflag:s24], $0x2000  }
0xd2: {  	[sflag:s24] =	ssyncset.done $0x0  }
0xd3: {  	s28 =	simm.s32 $0x140;
	[sflag:s24] =	ssyncadd.s32 $0xFFFFE000  }
0xd4: {  	[tilespmem:s14], [sflag:$0x3] =	stream.indirect.gather [hbm4b:s18+s11], $0x80, s28, s11, $0xb8;
	[tilespmem:$0x1E700] =	vst v63  }
0xd5: {  	_ =	swait.ge [sflag:s17], $0x2000  }
0xd6: {  	[sflag:s17] =	ssyncset.done $0x0  }
0xd7: {  	s28 =	simm.s32 $0x2840;
	[sflag:s17] =	ssyncadd.s32 $0xFFFFE000  }
0xd8: {  	[spmem:s16] =	stream.indirect.scatter.add.f32 [tilespmem:s12], [sflag:$0x5], $0x80, s28, s11, $0xb8;
	[tilespmem:$0x1E700] =	vst v63  }
0xd9: {  	_ =	swait.ge [sflag:s22], $0x2000  }
0xda: {  	[sflag:s22] =	ssyncset.done $0x0  }
0xdb: {  	s28 =	simm.s32 $0x180;
	[sflag:s22] =	ssyncadd.s32 $0xFFFFE000  }
0xdc: {  	[tilespmem:s8], [sflag:$0x1] =	stream.indirect.gather [hbm4b:s18+s11], $0x80, s28, s11, $0xb8;
	[tilespmem:$0x1E700] =	vst v63  }
0xdd: {  	_ =	swait.ge [sflag:s25], $0x2000  }
0xde: {  	[sflag:s25] =	ssyncset.done $0x0  }
0xdf: {  	s28 =	simm.s32 $0x2880;
	[sflag:s25] =	ssyncadd.s32 $0xFFFFE000  }
0xe0: {  	[spmem:s16] =	stream.indirect.scatter.add.f32 [tilespmem:s14], [sflag:$0x6], $0x80, s28, s11, $0xb8;
	[tilespmem:$0x1E700] =	vst v63  }
0xe1: {  	_ =	swait.ge [sflag:s23], $0x2000  }
0xe2: {  	s30 =	simm.s32 $0x1C0;
	[sflag:s23] =	ssyncset.done $0x0  }
0xe3: {  	s29 =	simm.s32 $0x300;
	s28 =	simm.s32 $0x6;
	[sflag:s23] =	ssyncadd.s32 $0xFFFFE000  }
.LBB2_4:
0xe4: {  	[tilespmem:s12], [sflag:$0x2] =	stream.indirect.gather [hbm4b:s18+s11], $0x80, s30, s11, $0xb8;
	[tilespmem:$0x1E700] =	vst v63  }
0xe5: {  	s30 =	smov.u32 s29;
	s29 =	sadd.s32 $0x300, s29;
	_ =	swait.ge [sflag:s13], $0x2000  }
0xe6: {  	s30 =	sshra.s32 s30, $0x2;
	p3 =	sne.s32 s29, $0x9600;
	[sflag:s13] =	ssyncset.done $0x0  }
0xe7: {  	s31 =	sadd.s32 $0x2800, s30;
	[sflag:s13] =	ssyncadd.s32 $0xFFFFE000  }
0xe8: {  	[spmem:s16] =	stream.indirect.scatter.add.f32 [tilespmem:s8], [sflag:$0x4], $0x80, s31, s11, $0xb8;
	[tilespmem:$0x1E700] =	vst v63  }
0xe9: {  	_ =	swait.ge [sflag:s24], $0x2000  }
0xea: {  	[sflag:s24] =	ssyncset.done $0x0  }
0xeb: {  	s31 =	sadd.s32 $0x140, s30;
	[sflag:s24] =	ssyncadd.s32 $0xFFFFE000  }
0xec: {  	[tilespmem:s14], [sflag:$0x3] =	stream.indirect.gather [hbm4b:s18+s11], $0x80, s31, s11, $0xb8;
	[tilespmem:$0x1E700] =	vst v63  }
0xed: {  	_ =	swait.ge [sflag:s17], $0x2000  }
0xee: {  	[sflag:s17] =	ssyncset.done $0x0  }
0xef: {  	s31 =	sadd.s32 $0x2840, s30;
	[sflag:s17] =	ssyncadd.s32 $0xFFFFE000  }
0xf0: {  	[spmem:s16] =	stream.indirect.scatter.add.f32 [tilespmem:s12], [sflag:$0x5], $0x80, s31, s11, $0xb8;
	[tilespmem:$0x1E700] =	vst v63  }
0xf1: {  	_ =	swait.ge [sflag:s22], $0x2000  }
0xf2: {  	[sflag:s22] =	ssyncset.done $0x0  }
0xf3: {  	s31 =	sadd.s32 $0x180, s30;
	[sflag:s22] =	ssyncadd.s32 $0xFFFFE000  }
0xf4: {  	[tilespmem:s8], [sflag:$0x1] =	stream.indirect.gather [hbm4b:s18+s11], $0x80, s31, s11, $0xb8;
	[tilespmem:$0x1E700] =	vst v63  }
0xf5: {  	_ =	swait.ge [sflag:s25], $0x2000  }
0xf6: {  	[sflag:s25] =	ssyncset.done $0x0  }
.Ltmp3:
0xf7: {  	s31 =	sadd.s32 $0x2880, s30;
	[sflag:s25] =	ssyncadd.s32 $0xFFFFE000;
	(pc) =	sbr.rel @p3 .LBB2_4-.Ltmp3, $4  }
0xf8: {  	[spmem:s16] =	stream.indirect.scatter.add.f32 [tilespmem:s14], [sflag:$0x6], $0x80, s31, s11, $0xb8;
	[tilespmem:$0x1E700] =	vst v63  }
0xf9: {  	_ =	swait.ge [sflag:s23], $0x2000  }
0xfa: {  	[sflag:s23] =	ssyncset.done $0x0  }
0xfb: {  	s28 =	sadd.s32 $0x3, s28;
	s30 =	sadd.s32 $0x1C0, s30;
	[sflag:s23] =	ssyncadd.s32 $0xFFFFE000  }
0xfc: {  	[tilespmem:s12], [sflag:$0x2] =	stream.indirect.gather [hbm4b:s18+s11], $0x80, s30, s11, $0xb8;
	[tilespmem:$0x1E700] =	vst v63  }
0xfd: {  	_ =	swait.ge [sflag:s13], $0x2000  }
0xfe: {  	s29 =	sshra.s32 s29, $0x2;
	[sflag:s13] =	ssyncset.done $0x0  }
0xff: {  	s31 =	sadd.s32 $0x2800, s29;
	[sflag:s13] =	ssyncadd.s32 $0xFFFFE000  }
0x100: {  	[spmem:s16] =	stream.indirect.scatter.add.f32 [tilespmem:s8], [sflag:$0x4], $0x80, s31, s11, $0xb8;
	[tilespmem:$0x1E700] =	vst v63  }
0x101: {  	_ =	swait.ge [sflag:s24], $0x2000  }
0x102: {  	[sflag:s24] =	ssyncset.done $0x0  }
0x103: {  	s31 =	simm.s32 $0x26C0;
	[sflag:s24] =	ssyncadd.s32 $0xFFFFE000  }
0x104: {  	[tilespmem:s14], [sflag:$0x3] =	stream.indirect.gather [hbm4b:s18+s11], $0x80, s31, s11, $0xb8;
	[tilespmem:$0x1E700] =	vst v63  }
0x105: {  	_ =	swait.ge [sflag:s17], $0x2000  }
0x106: {  	[sflag:s17] =	ssyncset.done $0x0  }
0x107: {  	s29 =	sadd.s32 $0x2840, s29;
	[sflag:s17] =	ssyncadd.s32 $0xFFFFE000  }
0x108: {  	[spmem:s16] =	stream.indirect.scatter.add.f32 [tilespmem:s12], [sflag:$0x5], $0x80, s29, s11, $0xb8;
	[tilespmem:$0x1E700] =	vst v63  }
0x109: {  	_ =	swait.ge [sflag:s22], $0x2000  }
0x10a: {  	[sflag:s22] =	ssyncset.done $0x0;
	s30 =	rddreg [dreg:$0x14]  }
0x10b: {  	[sflag:s22] =	ssyncadd.s32 $0xFFFFE000;
	p3 =	sge.u32 s28, s30  }
0x10c: {  	s28 =	simm.s32 @!p3 $0x40;
	s29 =	simm.s32 @!p3 $0x2700;
	s30 =	simm.s32 @!p3 $0x4E80  }
0x10d: {  	[tilespmem:s30], [sflag:$0x1] =	stream.indirect.gather @!p3 [hbm4b:s18+s28], $0x80, s29, s28, $0xb8;
	[tilespmem:$0x1E700] =	vst v63  }
0x10e: {  	_ =	swait.ge [sflag:s25], $0x2000  }
0x10f: {  	[sflag:s25] =	ssyncset.done $0x0  }
.Ltmp4:
0x110: {  	s31 =	simm.s32 $0x4E00;
	[sflag:s25] =	ssyncadd.s32 $0xFFFFE000;
	(pc) =	sbr.rel @p0 .LBB2_6-.Ltmp4, $4  }
0x111: {  	[spmem:s16] =	stream.indirect.scatter.add.f32 [tilespmem:s14], [sflag:$0x6], $0x80, s31, s11, $0xb8;
	[tilespmem:$0x1E700] =	vst v63  }
0x112: {  	_ =	swait.ge [sflag:s23], $0x2000  }
0x113: {  	[sflag:s23] =	ssyncset.done $0x0  }
0x114: {  	[sflag:s23] =	ssyncadd.s32 $0xFFFFE000  }
.Ltmp5:
0x115: {  	(pc) =	sbr.rel @p1 .LBB2_10-.Ltmp5, $1  }
0x116: {  	_ =	sdelay $0x3  }
0x117: {  	_ =	swait.ge [sflag:s13], $0x2000  }
0x118: {  	[sflag:s13] =	ssyncset.done $0x0  }
.Ltmp6:
0x119: {  	s28 =	rddreg [dreg:$0x12];
	[sflag:s13] =	ssyncadd.s32 $0xFFFFE000;
	(pc) =	sbr.rel .LBB2_9-.Ltmp6, $4  }
0x11a: {  	[spmem:s16] =	stream.indirect.scatter.add.f32 [tilespmem:s8], [sflag:$0x4], $0x80, s28, s11, $0xb8;
	[tilespmem:$0x1E700] =	vst v63  }
0x11b: {  	_ =	swait.ge [sflag:s24], $0x2000  }
0x11c: {  	[sflag:s24] =	ssyncset.done $0x0  }
0x11d: {  	s28 =	simm.s32 $0x4;
	[sflag:s24] =	ssyncadd.s32 $0xFFFFE000  }
.LBB2_11:
0x11e: {  	_ =	sfence.sel $0x180000  }
0x11f: {  	[bflag:$0x0] =	sbarrier.arrive $0xFFFF  }
0x120: {  	_ =	strace $0x9000004D  }
0x121: {  	s0 =	stileid.u32;
	[bflag:$0x2] =	sbarrier.arrive $0xFFFF  }
0x122: {  	p0 =	sne.s32 s0, $0x0;
	s0 =	rddreg [dreg:$0x3]  }
0x123: {  	s0 =	sadd.s32 @!p0 $0x100000, s0  }
0x124: {  	[sflag:s0] =	ssyncadd.tile.s32 @!p0 $0x1;
	_ =	shalt  }
.Lfunc_end2:
_tile_overlayer_lowered:
.L_overlay_start_2:
0x125: {  	(tag) =	ssettag $0x2  }
0x126: {  	s0 =	rddreg [dreg:$0x0];
	s2 =	stileid.u32  }
0x127: {  	s1 =	rddreg [dreg:$0x1];
	p0 =	sne.s32 s2, $0x0  }
0x128: {  	s3 =	rddreg [dreg:$0x2];
	[bflag:$0x3] =	sbarrier.arrive $0xFFFF;
	s2 =	simm.s32 @!p0 $0x1C07  }
0x129: {  	[timem:s3], [sflag:s2] =	dma.local @!p0 [hbm:s0], s1  }
0x12a: {  	s0 =	simm.s32 @!p0 $0x7  }
0x12b: {  	_ =	swait.ge @!p0 [sflag:s0], s1  }
0x12c: {  	s1 =	ssub.s32 @!p0 $0x0, s1;
	[sflag:s0] =	ssyncset.done @!p0 $0x0  }
0x12d: {  	[sflag:s0] =	ssyncadd.s32 @!p0 s1  }
0x12e: {  	[bflag:$0x3] =	sbarrier.arrive $0xFFFF  }
0x12f: {  	_ =	shalt  }

// kernel: kernel.21.cloned.1.call-start
scs
__scs_entry_jumppad:
0x0: {  	(pc) =	sbr.rel $0x88, $3  }
0x1: {  	(tag) =	ssettag $0x0;
	lr =	simm.s32 $0x1  }
0x2: {  	[smem:$0x3F94] =	sst lr;
	_ =	strace $0xD0000000  }
0x3: {  	_ = 	snop  }
0x4: {  	_ = 	snop  }
0x5: {  	_ = 	snop  }
0x6: {  	_ = 	snop  }
0x7: {  	_ = 	snop  }
__scs_overlays_trampoline_lowered:
0x8: {  	[smem:$0x3FA3] =	sst s0  }
0x9: {  	[smem:$0x3FA4] =	sst s1  }
0xa: {  	[smem:$0x3FA5] =	sst s2  }
0xb: {  	[smem:$0x3FA6] =	sst s3  }
0xc: {  	[smem:$0x3FA7] =	sst s4  }
0xd: {  	[smem:$0x3FA8] =	sst s5  }
0xe: {  	[smem:$0x3FA9] =	sst s6  }
0xf: {  	[smem:$0x3FAA] =	sst s7  }
0x10: {  	[smem:$0x3FAB] =	sst s8  }
0x11: {  	[smem:$0x3FAC] =	sst s9;
	s0 =	simm.s32 @!p0 $0x0  }
0x12: {  	s1 =	sld [smem:$0x3F92];
	s0 =	simm.s32 @p0 $0x1  }
0x13: {  	[smem:$0x3FAD] =	sst s0;
	s0 =	simm.s32 @!p1 $0x0  }
0x14: {  	s2 =	sld [smem:$0x3F91];
	s0 =	simm.s32 @p1 $0x1  }
0x15: {  	[smem:$0x3FAE] =	sst s0;
	s0 =	simm.s32 @!p2 $0x0  }
0x16: {  	s3 =	sld [smem:$0x3FDB];
	s0 =	simm.s32 @p2 $0x1  }
0x17: {  	s4 =	simm.s32 $0x1BF5;
	[smem:$0x3FB0] =	sst s0  }
0x18: {  	s0 =	sld [smem:$0x3F93];
	_ =	swait.ge [sflag:s4], $0x0  }
0x19: {  	s7 =	sld [smem:$0x3F94]  }
0x1a: {  	s8 =	sadd.s32 $0xFFFFE003, lr  }
0x1b: {  	s9 =	sadd.s32 $0xFFFFFEF7, lr;
	s5 =	simm.s32 $0xFFFFFFFF;
	p2 =	slt.u32 s8, $0xFFFFF086  }
0x1c: {  	p1 =	slt.u32 s9, $0xF7A;
	s5 =	simm.s32 @!p2 $0x0  }
0x1d: {  	s5 =	simm.s32 @p1 $0x1;
	p0 =	seq.s32 s7, s2  }
0x1e: {  	s7 =	smul.u32 @!p0 $0xF7A, s2;
	p2 =	seq.s32 @!p0 s5, $0x0  }
0x1f: {  	s9 =	smul.u32 $0xF7A, s1;
	s8 =	simm.s32 @!p0 $0x1BF5;
	p2 =	por !p2, p0  }
0x20: {  	[sflag:s8] =	ssyncset.s32 @!p0 $0xFFFFF086;
	s6 =	sadd.s32 @!p0 s3, s7;
	s7 =	simm.s32 @!p0 $0x108  }
0x21: {  	s3 =	sadd.s32 s3, s9;
	s6 =	sadd.s32 @!p0 $0x88, s6;
	s7 =	simm.s32 @p2 $0x1082  }
0x22: {  	[simem:s7], [sflag:s8] =	dma.local @!p0 [hbm:s6], $0xF7A  }
0x23: {  	s9 =	sor.u32 $0xD0000000, s2;
	s6 =	simm.s32 $0x108;
	_ =	swait.ge @!p0 [sflag:s8], $0x0  }
0x24: {  	s3 =	sadd.s32 $0x88, s3;
	s6 =	simm.s32 @!p1 $0x1082;
	[sflag:s4] =	ssyncset.s32 $0xFFFFF086  }
0x25: {  	[simem:s6], [sflag:s4] =	dma.local [hbm:s3], $0xF7A  }
0x26: {  	[smem:$0x3F94] =	sst s1;
	(tag) =	ssettag s2;
	_ =	strace s9  }
0x27: {  	s1 =	sld [smem:$0x3FA4]  }
0x28: {  	s2 =	sld [smem:$0x3FA5]  }
0x29: {  	s4 =	sld [smem:$0x3FA7]  }
0x2a: {  	p0 =	seq.s32 s5, $0x0;
	s5 =	sld [smem:$0x3FA8]  }
0x2b: {  	s6 =	sld [smem:$0x3FA9]  }
0x2c: {  	s7 =	sld [smem:$0x3FAA]  }
0x2d: {  	s3 =	simm.s32 $0x108;
	s8 =	sld [smem:$0x3FAB]  }
0x2e: {  	s3 =	simm.s32 @!p0 $0x1082;
	s9 =	sld [smem:$0x3FAC]  }
0x2f: {  	lr =	sadd.s32 s0, s3;
	s0 =	sld [smem:$0x3FA3]  }
0x30: {  	s3 =	sld [smem:$0x3FA6]  }
0x31: {  	[smem:$0x3FAF] =	sst s10  }
0x32: {  	s10 =	sld [smem:$0x3FAD];
	_ =	sdelay $0x3  }
0x33: {  	p0 =	seq.s32 s10, $0x1;
	s10 =	sld [smem:$0x3FAF];
	_ =	sdelay $0x3  }
0x34: {  	[smem:$0x3FAF] =	sst s10  }
0x35: {  	s10 =	sld [smem:$0x3FAE];
	_ =	sdelay $0x3  }
0x36: {  	p1 =	seq.s32 s10, $0x1;
	s10 =	sld [smem:$0x3FAF];
	_ =	sdelay $0x3  }
0x37: {  	[smem:$0x3FAF] =	sst s10  }
0x38: {  	s10 =	sld [smem:$0x3FB0]  }
0x39: {  	_ = 	snop;
	(pc) =	sbr.ind lr, $3  }
0x3a: {  	_ = 	snop  }
0x3b: {  	_ = 	snop  }
0x3c: {  	p2 =	seq.s32 s10, $0x1;
	s10 =	sld [smem:$0x3FAF]  }
0x3d: {  	_ =	shalt  }
0x3e: {  	_ =	shalt  }
0x3f: {  	_ =	shalt  }
0x40: {  	_ =	shalt  }
0x41: {  	_ =	shalt  }
0x42: {  	_ =	shalt  }
0x43: {  	_ =	shalt  }
0x44: {  	_ =	shalt  }
0x45: {  	_ =	shalt  }
0x46: {  	_ =	shalt  }
0x47: {  	_ =	shalt  }
0x48: {  	_ =	shalt  }
0x49: {  	_ =	shalt  }
0x4a: {  	_ =	shalt  }
0x4b: {  	_ =	shalt  }
0x4c: {  	_ =	shalt  }
0x4d: {  	_ =	shalt  }
0x4e: {  	_ =	shalt  }
0x4f: {  	_ =	shalt  }
0x50: {  	_ =	shalt  }
0x51: {  	_ =	shalt  }
0x52: {  	_ =	shalt  }
0x53: {  	_ =	shalt  }
0x54: {  	_ =	shalt  }
0x55: {  	_ =	shalt  }
0x56: {  	_ =	shalt  }
0x57: {  	_ =	shalt  }
0x58: {  	_ =	shalt  }
0x59: {  	_ =	shalt  }
0x5a: {  	_ =	shalt  }
0x5b: {  	_ =	shalt  }
0x5c: {  	_ =	shalt  }
0x5d: {  	_ =	shalt  }
0x5e: {  	_ =	shalt  }
0x5f: {  	_ =	shalt  }
0x60: {  	_ =	shalt  }
0x61: {  	_ =	shalt  }
0x62: {  	_ =	shalt  }
0x63: {  	_ =	shalt  }
0x64: {  	_ =	shalt  }
0x65: {  	_ =	shalt  }
0x66: {  	_ =	shalt  }
0x67: {  	_ =	shalt  }
0x68: {  	_ =	shalt  }
0x69: {  	_ =	shalt  }
0x6a: {  	_ =	shalt  }
0x6b: {  	_ =	shalt  }
0x6c: {  	_ =	shalt  }
0x6d: {  	_ =	shalt  }
0x6e: {  	_ =	shalt  }
0x6f: {  	_ =	shalt  }
0x70: {  	_ =	shalt  }
0x71: {  	_ =	shalt  }
0x72: {  	_ =	shalt  }
0x73: {  	_ =	shalt  }
0x74: {  	_ =	shalt  }
0x75: {  	_ =	shalt  }
0x76: {  	_ =	shalt  }
0x77: {  	_ =	shalt  }
0x78: {  	_ =	shalt  }
0x79: {  	_ =	shalt  }
0x7a: {  	_ =	shalt  }
0x7b: {  	_ =	shalt  }
0x7c: {  	_ =	shalt  }
0x7d: {  	_ =	shalt  }
0x7e: {  	_ =	shalt  }
0x7f: {  	_ =	shalt  }
0x80: {  	_ =	shalt  }
0x81: {  	_ =	shalt  }
0x82: {  	_ =	shalt  }
0x83: {  	_ =	shalt  }
0x84: {  	_ =	shalt  }
0x85: {  	_ =	shalt  }
0x86: {  	_ =	shalt  }
0x87: {  	_ =	shalt  }
.Lfunc_end0:
.L_simem_size_0:
called_computation.3_lowered:
.L_overlay_start_0:
0x88: {  	s2 =	sld [smem:$0x3FD9]  }
0x89: {  	s3 =	sld [smem:$0x3FFE];
	_ =	sdelay $0x1  }
0x8a: {  	s1 =	srdreg.scid  }
0x8b: {  	s0 =	sand.u32 $0x1, s1  }
0x8c: {  	s17 =	sshll.u32 s0, $0xA;
	s2 =	sadd.s32 s3, s2  }
0x8d: {  	s2 =	sadd.s32 s2, s17  }
0x8e: {  	[smem:$0x3FBB] =	sst s2  }
0x8f: {  	_ = 	snop  }
0x90: {  	s2 =	sld [smem:$0x3FC7]  }
0x91: {  	s18 =	sld [smem:$0x3FC6]  }
0x92: {  	s4 =	sld [smem:$0x3FBD]  }
0x93: {  	s5 =	sld [smem:$0x3FD0];
	(tm) =	ssettm $0x1  }
0x94: {  	s6 =	sld [smem:$0x3FFB];
	_ =	sdelay $0x3  }
0x95: {  	_ =	strace s6  }
0x96: {  	s6 =	sld [smem:$0x3FFC];
	_ =	sdelay $0x3  }
0x97: {  	_ =	strace s6  }
0x98: {  	s6 =	sld [smem:$0x3FFD];
	_ =	sdelay $0x3  }
0x99: {  	_ =	strace s6  }
0x9a: {  	_ =	strace $0x8FFFFFFF  }
0x9b: {  	s19 =	sld [smem:$0x3FDB];
	_ =	sdelay $0x1  }
0x9c: {  	s7 =	simm.s32 $_scs_section_size  }
0x9d: {  	s8 =	simm.s32 $_size__tile_overlayer_lowered;
	s9 =	simm.s32 $_tile_overlayer_lowered  }
0x9e: {  	s22 =	simm.s32 $0x1BFF;
	s21 =	sshll.u32 s9, $0x1;
	s6 =	sadd.s32 s7, s19  }
0x9f: {  	s10 =	simm.s32 $0x0;
	s20 =	sshll.u32 s8, $0x1;
	s8 =	sadd.s32 s21, s6  }
0xa0: {  	[timem:s10], [sflag:s22] =	dma.local [hbm:s8], s20  }
0xa1: {  	_ =	swait.ge [sflag:s22], s20  }
0xa2: {  	s7 =	ssub.s32 $0x0, s20;
	[sflag:s22] =	ssyncset.done $0x0  }
0xa3: {  	[sflag:s22] =	ssyncadd.s32 s7;
	_ =	sdelay $0x1  }
0xa4: {  	s23 =	simm.s32 $0x1B8B  }
0xa5: {  	_ =	swait.ge [sflag:s23], $0x1  }
0xa6: {  	[sflag:s23] =	ssyncset.done $0x0  }
0xa7: {  	s25 =	simm.s32 $0x1B8E;
	s24 =	sld [smem:$0x3FFE];
	[sflag:s23] =	ssyncadd.s32 $0xFFFFFFFF  }
0xa8: {  	s26 =	simm.s32 $execute0_lowered;
	[smem:$0x3FD2] =	sst s25  }
0xa9: {  	s8 =	sshll.u32 s26, $0x1;
	_ =	strace $0x8000004F;
	[dreg:$0x1] =	wrdreg $0xFFFFFFFF  }
0xaa: {  	s28 =	simm.s32 $_size_execute0_lowered;
	s6 =	sadd.s32 s6, s8;
	[dreg:$0x0] =	wrdreg $0x0  }
0xab: {  	s8 =	sshll.u32 s28, $0x1;
	[dreg:$0x2] =	wrdreg s6  }
0xac: {  	[dreg:$0x3] =	wrdreg s8  }
0xad: {  	[dreg:$0x4] =	wrdreg $0xC0  }
0xae: {  	_ =	task [dreg:s10], $0x5FFFF  }
0xaf: {  	[dreg:$0x1] =	wrdreg $0xFFFFFFFF  }
0xb0: {  	[dreg:$0x0] =	wrdreg $0x60  }
0xb1: {  	[dreg:$0x2] =	wrdreg s5  }
0xb2: {  	[dreg:$0x3] =	wrdreg s4  }
0xb3: {  	[dreg:$0x4] =	wrdreg s2  }
0xb4: {  	[dreg:$0x5] =	wrdreg s18  }
0xb5: {  	[dreg:$0x6] =	wrdreg s24  }
0xb6: {  	[dreg:$0x7] =	wrdreg $0x9  }
0xb7: {  	_ =	task.clear_ibuf [dreg:s10], $0x8FFFF;
	_ =	strace $0x9000004F  }
0xb8: {  	s29 =	simm.s32 $0x9;
	_ =	strace $0x80000051  }
0xb9: {  	_ =	swait.ge [sflag:s29], $0x1  }
0xba: {  	[sflag:s29] =	ssyncadd.s32 $0xFFFFFFFF  }
0xbb: {  	_ =	strace $0x90000051  }
0xbc: {  	_ =	sfence  }
0xbd: {  	s30 =	sld [smem:$0x0];
	_ =	sdelay $0x2  }
0xbe: {  	s31 =	sshll.u32 s1, $0xD;
	s1 =	sshrl.u32 s1, $0x2  }
0xbf: {  	s3 =	sand.u32 $0x4000, s31;
	s1 =	sadd.s32 s1, s30  }
0xc0: {  	s0 =	sor.u32 s3, s0;
	s1 =	sshll.u32 s1, $0x11  }
0xc1: {  	s0 =	sor.u32 s1, s0  }
0xc2: {  	s0 =	sadd.s32 $0x8F2B, s0  }
0xc3: {  	[sflag:s0] =	ssyncadd.remote.s32 $0x1  }
0xc4: {  	_ =	sfence.sel $0xFFFF  }
0xc5: {  	[dreg:$0x0] =	wrdreg $0xFFFFFFFF;
	(pc) =	sbr.abs _section_cstart, $3  }
0xc6: {  	[dreg:$0x1] =	wrdreg $0xFFFFFFFF  }
0xc7: {  	_ =	task.clear_ibuf [dreg:s10], $0x2FFFF;
	_ =	strace $0x9FFFFFFF  }
0xc8: {  	(tm) =	ssettm $0x7FFFFFFF  }
0xc9: {  	_ =	shalt  }
tec
execute0_lowered:
.L_overlay_start_1:
0x0: {  	(tag) =	ssettag $0x1  }
0x1: {  	s1 =	rddreg [dreg:$0x0]  }
0x2: {  	s2 =	rddreg [dreg:$0x1]  }
0x3: {  	s5 =	rddreg [dreg:$0x2];
	s3 =	srdreg.scid  }
0x4: {  	s7 =	rddreg [dreg:$0x3];
	s0 =	stileid.u32;
	s12 =	sand.u32 $0x1, s3  }
0x5: {  	s13 =	rddreg [dreg:$0x4];
	s6 =	sshll.u32 s0, $0x6;
	s8 =	sshll.u32 s12, $0x5  }
0x6: {  	s4 =	simm.s32 $0x0;
	s3 =	rddreg [dreg:$0x5];
	s14 =	sor.u32 s8, s6  }
0x7: {  	[smem:$0x7FF] =	sst s4;
	s8 =	sshrl.u32 s14, $0x3  }
0x8: {  	_ =	strace $0x80000050;
	s6 =	sadd.s32 s5, s8;
	s5 =	simm.s32 $0x2  }
0x9: {  	[tilespmem:s4], [sflag:$0x2] =	stream.linear.gather [hbm4b:s6+s4], $0x20, $0x38;
	[tilespmem:$0x2040] =	vst v63  }
0xa: {  	_ =	swait.ge [sflag:s5], $0x20  }
0xb: {  	[sflag:s5] =	ssyncset.done $0x0  }
0xc: {  	s7 =	sadd.s32 s7, s8;
	s8 =	simm.s32 $0x20;
	[sflag:s5] =	ssyncadd.s32 $0xFFFFFFE0  }
0xd: {  	[tilespmem:s8], [sflag:$0x2] =	stream.linear.gather [hbm4b:s7+s4], $0x20, $0x38;
	[tilespmem:$0x2040] =	vst v63  }
0xe: {  	_ =	swait.ge [sflag:s5], $0x20  }
0xf: {  	[sflag:s5] =	ssyncset.done $0x0  }
0x10: {  	s9 =	simm.s32 $0x40;
	s10 =	simm.s32 $0x1;
	[sflag:s5] =	ssyncadd.s32 $0xFFFFFFE0  }
0x11: {  	[tilespmem:s9], [sflag:$0x1] =	stream.indirect.gather [hbm4b:s1+s8], $0x80, s4, s8, $0xb8;
	[tilespmem:$0x2040] =	vst v63  }
0x12: {  	_ =	swait.ge [sflag:s10], $0x1000  }
0x13: {  	[sflag:s10] =	ssyncset.done $0x0  }
0x14: {  	s11 =	simm.s32 $0x1040;
	s31 =	ssub.s32 $0x2, s12;
	[sflag:s10] =	ssyncadd.s32 $0xFFFFF000  }
0x15: {  	[tilespmem:s11], [sflag:$0x1] =	stream.indirect.gather [hbm4b:s2+s8], $0x80, s8, s8, $0xb8;
	[tilespmem:$0x2040] =	vst v63  }
0x16: {  	s15 =	sshrl.u32 s31, $0x1;
	s14 =	sshll.u32 s14, $0x4;
	_ =	swait.ge [sflag:s10], $0x1000  }
0x17: {  	s13 =	sadd.s32 s14, s13;
	s14 =	ssub.s32 s31, s15;
	[sflag:s10] =	ssyncset.done $0x0  }
0x18: {  	s12 =	sadd.s32 $0x3800, s13;
	s14 =	smax.u32 s14, $0x1;
	[sflag:s10] =	ssyncadd.s32 $0xFFFFF000  }
0x19: {  	[hbm4b:s12+s4] =	stream.linear.scatter [tilespmem:s9], [sflag:$0x2], $0x1000, $0x38;
	[tilespmem:$0x2040] =	vst v63  }
0x1a: {  	p0 =	sne.s32 s14, $0x1;
	_ =	swait.ge [sflag:s5], $0x1000  }
.Ltmp0:
0x1b: {  	[sflag:s5] =	ssyncset.done $0x0;
	(pc) =	sbr.rel @!p0 .LBB2_2-.Ltmp0, $4  }
0x1c: {  	s13 =	sadd.s32 $0x7800, s13;
	[sflag:s5] =	ssyncadd.s32 $0xFFFFF000  }
0x1d: {  	[hbm4b:s13+s4] =	stream.linear.scatter [tilespmem:s11], [sflag:$0x2], $0x1000, $0x38;
	[tilespmem:$0x2040] =	vst v63  }
0x1e: {  	_ =	swait.ge [sflag:s5], $0x1000  }
0x1f: {  	s14 =	sadd.s32 $0xFFFFFFFF, s14;
	[sflag:s5] =	ssyncset.done $0x0  }
.LBB2_1:
0x20: {  	p0 =	sne.s32 s14, $0x1;
	s14 =	sadd.s32 $0xFFFFFFFF, s14;
	[sflag:s5] =	ssyncadd.s32 $0xFFFFF000  }
0x21: {  	[tilespmem:s4], [sflag:$0x2] =	stream.linear.gather [hbm4b:s6+s4], $0x20, $0x38;
	[tilespmem:$0x2040] =	vst v63  }
0x22: {  	_ =	swait.ge [sflag:s5], $0x20  }
0x23: {  	[sflag:s5] =	ssyncset.done $0x0  }
0x24: {  	[sflag:s5] =	ssyncadd.s32 $0xFFFFFFE0  }
0x25: {  	[tilespmem:s8], [sflag:$0x2] =	stream.linear.gather [hbm4b:s7+s4], $0x20, $0x38;
	[tilespmem:$0x2040] =	vst v63  }
0x26: {  	_ =	swait.ge [sflag:s5], $0x20  }
0x27: {  	[sflag:s5] =	ssyncset.done $0x0  }
0x28: {  	[sflag:s5] =	ssyncadd.s32 $0xFFFFFFE0  }
0x29: {  	[tilespmem:s9], [sflag:$0x1] =	stream.indirect.gather [hbm4b:s1+s8], $0x80, s4, s8, $0xb8;
	[tilespmem:$0x2040] =	vst v63  }
0x2a: {  	_ =	swait.ge [sflag:s10], $0x1000  }
0x2b: {  	[sflag:s10] =	ssyncset.done $0x0  }
0x2c: {  	[sflag:s10] =	ssyncadd.s32 $0xFFFFF000  }
0x2d: {  	[tilespmem:s11], [sflag:$0x1] =	stream.indirect.gather [hbm4b:s2+s8], $0x80, s8, s8, $0xb8;
	[tilespmem:$0x2040] =	vst v63  }
0x2e: {  	_ =	swait.ge [sflag:s10], $0x1000  }
0x2f: {  	[sflag:s10] =	ssyncset.done $0x0  }
0x30: {  	[sflag:s10] =	ssyncadd.s32 $0xFFFFF000  }
0x31: {  	[hbm4b:s12+s4] =	stream.linear.scatter [tilespmem:s9], [sflag:$0x2], $0x1000, $0x38;
	[tilespmem:$0x2040] =	vst v63  }
0x32: {  	_ =	swait.ge [sflag:s5], $0x1000  }
.Ltmp1:
0x33: {  	[sflag:s5] =	ssyncset.done $0x0;
	(pc) =	sbr.rel @p0 .LBB2_1-.Ltmp1, $4  }
0x34: {  	[sflag:s5] =	ssyncadd.s32 $0xFFFFF000  }
0x35: {  	[hbm4b:s13+s4] =	stream.linear.scatter [tilespmem:s11], [sflag:$0x2], $0x1000, $0x38;
	[tilespmem:$0x2040] =	vst v63  }
0x36: {  	_ =	swait.ge [sflag:s5], $0x1000  }
0x37: {  	[sflag:s5] =	ssyncset.done $0x0  }
.LBB2_2:
0x38: {  	[sflag:s5] =	ssyncadd.s32 $0xFFFFF000  }
0x39: {  	_ =	sfence.sel $0x180000  }
0x3a: {  	[bflag:$0x0] =	sbarrier.arrive $0xFFFF  }
0x3b: {  	p0 =	sne.s32 s0, $0x0;
	_ =	strace $0x90000050  }
0x3c: {  	s0 =	sadd.s32 @!p0 $0x100000, s3;
	[bflag:$0x2] =	sbarrier.arrive $0xFFFF  }
0x3d: {  	[sflag:s0] =	ssyncadd.tile.s32 @!p0 $0x1;
	_ =	shalt  }
.Lfunc_end2:
_tile_overlayer_lowered:
.L_overlay_start_2:
0x3e: {  	(tag) =	ssettag $0x2  }
0x3f: {  	s0 =	rddreg [dreg:$0x0];
	s2 =	stileid.u32  }
0x40: {  	s1 =	rddreg [dreg:$0x1];
	p0 =	sne.s32 s2, $0x0  }
0x41: {  	s3 =	rddreg [dreg:$0x2];
	[bflag:$0x3] =	sbarrier.arrive $0xFFFF;
	s2 =	simm.s32 @!p0 $0x1C02  }
0x42: {  	[timem:s3], [sflag:s2] =	dma.local @!p0 [hbm:s0], s1  }
0x43: {  	s0 =	simm.s32 @!p0 $0x2  }
0x44: {  	_ =	swait.ge @!p0 [sflag:s0], s1  }
0x45: {  	s1 =	ssub.s32 @!p0 $0x0, s1;
	[sflag:s0] =	ssyncset.done @!p0 $0x0  }
0x46: {  	[sflag:s0] =	ssyncadd.s32 @!p0 s1  }
0x47: {  	[bflag:$0x3] =	sbarrier.arrive $0xFFFF  }
0x48: {  	_ =	shalt  }

</sc_bundles>
